<compile_context>
chip_gen: v7x
topology: tpu7x:2x2x1
jax: 0.10.2.dev20260603
libtpu: 0.0.44.dev20260713+nightly
codegen_flags: <defaults>
</compile_context>

<pallas_src>
import functools

import jax
import jax.numpy as jnp
from jax import lax
from jax.experimental import pallas as pl
from jax.experimental.pallas import tpu as pltpu
from jax.experimental.pallas import tpu_sc as plsc

_B, _L, _H, _QK, _VD = 64, 256, 4, 16, 16
_N = _B * _L
_E = 524288
_DIN, _DH = 33, 128
_OD = _H * _VD + _H * 7

_NC, _NS = 2, 16
_CH = 128
_ROWS = _E // _CH
_NLOC = _N // _NS

_f32 = jnp.float32


@functools.lru_cache(maxsize=None)
def _sc_mesh():
    return plsc.VectorSubcoreMesh(core_axis_name="c", subcore_axis_name="s",
                                  num_cores=_NC, num_subcores=_NS)



def _deg_body(dst_r, out, idx_v, zbuf, obuf, acc):
    c = lax.axis_index("c")
    s = lax.axis_index("s")
    w = c * _NS + s
    rpw = _ROWS // (_NC * _NS)
    pltpu.sync_copy(dst_r.at[pl.ds(w * rpw, rpw)], idx_v)

    def fill(i, _):
        zbuf[i] = jnp.zeros((16,), _f32)
        obuf[i] = jnp.full((16,), 1.0, _f32)
        return 0

    lax.fori_loop(0, _CH, fill, 0)
    for kk in range(_NLOC // _CH):
        pltpu.sync_copy(zbuf, acc.at[pl.ds(s * _NLOC + kk * _CH, _CH)])
    plsc.subcore_barrier()

    def step(j, _):
        pltpu.sync_copy(obuf, acc.at[idx_v.at[j]], add=True)
        return 0

    lax.fori_loop(0, rpw, step, 0)
    plsc.subcore_barrier()
    pltpu.sync_copy(acc.at[pl.ds(s * _NLOC, _NLOC)],
                    out.at[pl.ds(c * _N + s * _NLOC, _NLOC)])


@functools.lru_cache(maxsize=None)
def _deg_kernel():
    return pl.kernel(
        _deg_body,
        out_type=jax.ShapeDtypeStruct((_NC * _N, 16), _f32),
        mesh=_sc_mesh(),
        scratch_types=[
            pltpu.VMEM((_ROWS // (_NC * _NS), _CH), jnp.int32),
            pltpu.VMEM((_CH, 16), _f32),
            pltpu.VMEM((_CH, 16), _f32),
            pltpu.VMEM_SHARED((_N, 16), _f32),
        ],
        compiler_params=pltpu.CompilerParams(use_tc_tiling_on_sc=False),
    )


def _deg_call(dst_r):
    return _deg_kernel()(dst_r)


def _scat_body(y4, src_q, dst_r, out, isrc, idst,
               b0, b1, b2_, b3, b4, b5, b6, b7, acc,
               g0, g1, g2, g3, g4, g5, g6, g7,
               s0, s1, s2, s3, s4, s5, s6, s7):
    bufs = (b0, b1, b2_, b3, b4, b5, b6, b7)
    gsem = (g0, g1, g2, g3, g4, g5, g6, g7)
    ssem = (s0, s1, s2, s3, s4, s5, s6, s7)
    c = lax.axis_index("c")
    s = lax.axis_index("s")
    rps = _ROWS // _NS
    pltpu.sync_copy(dst_r.at[pl.ds(s * rps, rps)], idst)
    for j in range(2):
        q = 2 * c + j
        pltpu.sync_copy(src_q.at[q, pl.ds(s * rps, rps)], isrc)
        pltpu.sync_copy(y4.at[pl.ds(q * _N + s * _NLOC, _NLOC)],
                        acc.at[pl.ds(s * _NLOC, _NLOC)])
        plsc.subcore_barrier()

        for b in range(4):
            pltpu.async_copy(y4.at[isrc.at[b]], bufs[b], gsem[b])

        def step(t, _):
            for b in range(8):
                i = 8 * t + b
                b2 = (b + 4) % 8
                pltpu.make_async_copy(y4.at[isrc.at[i]], bufs[b],
                                      gsem[b]).wait()
                pltpu.async_copy(bufs[b], acc.at[idst.at[i]], ssem[b],
                                 add=True)
                if b < 4:
                    @pl.when(t > 0)
                    def _():
                        pltpu.make_async_copy(
                            bufs[b2], acc.at[idst.at[0]], ssem[b2]).wait()
                else:
                    pltpu.make_async_copy(
                        bufs[b2], acc.at[idst.at[0]], ssem[b2]).wait()
                i2 = jnp.minimum(i + 4, rps - 1)
                pltpu.async_copy(y4.at[isrc.at[i2]], bufs[b2], gsem[b2])
            return 0

        lax.fori_loop(0, rps // 8, step, 0)
        for b in range(4):
            pltpu.make_async_copy(y4.at[isrc.at[0]], bufs[b], gsem[b]).wait()
        for b in range(4, 8):
            pltpu.make_async_copy(bufs[b], acc.at[idst.at[0]],
                                  ssem[b]).wait()
        plsc.subcore_barrier()
        pltpu.sync_copy(acc.at[pl.ds(s * _NLOC, _NLOC)],
                        out.at[pl.ds(q * _N + s * _NLOC, _NLOC)])


@functools.lru_cache(maxsize=None)
def _scat_kernel():
    return pl.kernel(
        _scat_body,
        out_type=jax.ShapeDtypeStruct((4 * _N, 32), _f32),
        mesh=_sc_mesh(),
        scratch_types=[
            pltpu.VMEM((_ROWS // _NS, _CH), jnp.int32),
            pltpu.VMEM((_ROWS // _NS, _CH), jnp.int32),
        ] + [pltpu.VMEM((_CH, 32), _f32)] * 8
        + [pltpu.VMEM_SHARED((_N, 32), _f32)]
        + [pltpu.SemaphoreType.DMA] * 16,
        compiler_params=pltpu.CompilerParams(use_tc_tiling_on_sc=False),
    )


def _scat_call(y4, src_q, dst_r):
    return _scat_kernel()(y4, src_q, dst_r)



def _ln(x, g, b):
    m = jnp.mean(x, axis=-1, keepdims=True)
    v = jnp.mean((x - m) * (x - m), axis=-1, keepdims=True)
    return (x - m) / jnp.sqrt(v + 1e-5) * g + b


def _prep_body(px_r, pn_r, pca_r, pc_r, pcb_r, src_r, dp_r, wg1_r,
               y_r, geom_r, srcq_r, dinv_r):
    deg = dp_r[0, :, 0:1] + dp_r[1, :, 0:1] + 1.0
    dinv = lax.rsqrt(deg)
    dinv_r[...] = dinv
    h = jnp.dot(px_r[...], wg1_r[...], preferred_element_type=_f32)
    y = h * dinv
    for q in range(4):
        y_r[q] = y[:, 32 * q:32 * q + 32]
    src = src_r[...]
    for q in range(4):
        srcq_r[q] = src + q * _N
    pn, pca, pc, pcb = pn_r[...], pca_r[...], pc_r[...], pcb_r[...]
    e0 = pn - pca
    e1 = pc - pca
    e0 = e0 / jnp.sqrt(jnp.sum(e0 * e0, axis=1, keepdims=True) + 1e-10)
    dot = jnp.sum(e0 * e1, axis=1, keepdims=True)
    e1 = e1 - e0 * dot
    e1 = e1 / jnp.sqrt(jnp.sum(e1 * e1, axis=1, keepdims=True) + 1e-10)
    a0, a1, a2 = e0[:, 0:1], e0[:, 1:2], e0[:, 2:3]
    b0, b1, b2 = e1[:, 0:1], e1[:, 1:2], e1[:, 2:3]
    e2 = jnp.concatenate(
        [a1 * b2 - a2 * b1, a2 * b0 - a0 * b2, a0 * b1 - a1 * b0], axis=1)
    zero = jnp.zeros((pn.shape[0], 1), _f32)
    geom = jnp.concatenate([pcb, pca, e0, e1, e2, zero], axis=1)
    geom_r[...] = jnp.transpose(geom)


def _prep_call(p_x, pos_n, pos_ca, pos_c, pos_cb, src_r, deg_parts, wg1):
    nb = 16
    blk = _N // nb
    erows = _ROWS // nb
    return pl.pallas_call(
        _prep_body,
        grid=(nb,),
        in_specs=[
            pl.BlockSpec((blk, _DIN), lambda i: (i, 0)),
            pl.BlockSpec((blk, 3), lambda i: (i, 0)),
            pl.BlockSpec((blk, 3), lambda i: (i, 0)),
            pl.BlockSpec((blk, 3), lambda i: (i, 0)),
            pl.BlockSpec((blk, 3), lambda i: (i, 0)),
            pl.BlockSpec((erows, _CH), lambda i: (i, 0)),
            pl.BlockSpec((2, blk, 16), lambda i: (0, i, 0)),
            pl.BlockSpec((_DIN, _DH), lambda i: (0, 0)),
        ],
        out_specs=[
            pl.BlockSpec((4, blk, 32), lambda i: (0, i, 0)),
            pl.BlockSpec((16, blk), lambda i: (0, i)),
            pl.BlockSpec((4, erows, _CH), lambda i: (0, i, 0)),
            pl.BlockSpec((blk, 1), lambda i: (i, 0)),
        ],
        out_shape=[
            jax.ShapeDtypeStruct((4, _N, 32), _f32),
            jax.ShapeDtypeStruct((16, _N), _f32),
            jax.ShapeDtypeStruct((4, _ROWS, _CH), jnp.int32),
            jax.ShapeDtypeStruct((_N, 1), _f32),
        ],
    )(p_x, pos_n, pos_ca, pos_c, pos_cb, src_r, deg_parts, wg1)


_G = 2


def _block_body(last, acc_r, dinv_r, geom_r, bg_r, lng_r, lnb_r,
                wq_r, wk_r, wv_r, aux_r, wo_r, bo_r, ag_r, ab_r, wg2_r,
                out_r):
    acc = jnp.concatenate([acc_r[q] for q in range(4)], axis=1)
    dinv = dinv_r[...]
    r = jnp.maximum(dinv * acc + bg_r[...], 0.0)
    ones = jnp.ones((_DH, 1), _f32)
    s1 = lax.dot_general(ones, r, (((0,), (1,)), ((), ())),
                         preferred_element_type=_f32)
    s2 = lax.dot_general(ones, r * r, (((0,), (1,)), ((), ())),
                         preferred_element_type=_f32)
    m_t = s1 * (1.0 / _DH)
    a_t = lax.rsqrt(s2 * (1.0 / _DH) - m_t * m_t + 1e-5)
    c_t = -m_t * a_t
    aux = aux_r[...]
    q_t = lax.dot_general(wq_r[...], r, (((0,), (1,)), ((), ())),
                          preferred_element_type=_f32)
    k_t = lax.dot_general(wk_r[...], r, (((0,), (1,)), ((), ())),
                          preferred_element_type=_f32)
    v_t = lax.dot_general(wv_r[...], r, (((0,), (1,)), ((), ())),
                          preferred_element_type=_f32)
    q_t = q_t * a_t + aux[:, 0:1] * c_t + aux[:, 1:2]
    k_t = k_t * a_t + aux[:, 2:3] * c_t + aux[:, 3:4]
    v_t = v_t * a_t + aux[:, 4:5] * c_t + aux[:, 5:6]
    x = _ln(r, lng_r[...], lnb_r[...])
    geom_t = geom_r[...]
    fn_gs, sp_gs = [], []
    for g in range(_G):
        cols = slice(g * _L, (g + 1) * _L)
        gt = geom_t[:, cols]
        fns, fps, dss, fds = [], [], [], []
        for h in range(_H):
            qh_t = q_t[h * _QK:(h + 1) * _QK, cols]
            kh_t = k_t[h * _QK:(h + 1) * _QK, cols]
            vh_t = v_t[h * _VD:(h + 1) * _VD, cols]
            logits_t = lax.dot_general(kh_t, qh_t, (((0,), (0,)), ((), ())),
                                       preferred_element_type=_f32)
            m = jnp.max(logits_t, axis=0, keepdims=True)
            e = jnp.exp(logits_t - m)
            vcat_t = jnp.concatenate([vh_t, gt], axis=0)
            u_t = lax.dot_general(vcat_t, e, (((1,), (0,)), ((), ())),
                                  preferred_element_type=_f32)
            u_t = u_t * (1.0 / jnp.sum(e, axis=0, keepdims=True))
            fns.append(u_t[:_VD])
            apb_t = u_t[_VD:_VD + 3] - gt[3:6]
            dist_t = jnp.sqrt(jnp.sum(apb_t * apb_t, axis=0, keepdims=True))
            fp_t = jnp.concatenate(
                [jnp.sum(gt[6 + 3 * i:9 + 3 * i] * apb_t, axis=0,
                         keepdims=True) for i in range(3)], axis=0)
            fd_t = fp_t / (jnp.sqrt(jnp.sum(fp_t * fp_t, axis=0,
                                            keepdims=True)) + 1e-10)
            fps.append(fp_t)
            dss.append(dist_t)
            fds.append(fd_t)
        fn_gs.append(jnp.concatenate(fns, axis=0))
        sp_gs.append(jnp.concatenate(fps + dss + fds, axis=0))
    fn_t = jnp.concatenate(fn_gs, axis=1)
    sp_t = jnp.concatenate(sp_gs, axis=1)
    fa = (lax.dot_general(fn_t, wo_r[:_H * _VD], (((0,), (0,)), ((), ())),
                          preferred_element_type=_f32)
          + lax.dot_general(sp_t, wo_r[_H * _VD:_OD], (((0,), (0,)), ((), ())),
                            preferred_element_type=_f32)
          + bo_r[...])
    px2 = x + _ln(x + fa, ag_r[...], ab_r[...])
    if last:
        mg = [jnp.mean(px2[g * _L:(g + 1) * _L], axis=0, keepdims=True)
              for g in range(_G)]
        out_r[...] = jnp.concatenate(mg, axis=0)[:, None, :]
    else:
        y2 = jnp.dot(px2, wg2_r[...], preferred_element_type=_f32) * dinv
        for q2 in range(4):
            out_r[q2] = y2[:, 32 * q2:32 * q2 + 32]


def _block_call(last, acc, dinv, geom, bg, lng, lnb, wq, wk, wv, aux, wo_pad,
                bo, ag, ab, wg2):
    if last:
        out_spec = pl.BlockSpec((_G, 1, _DH), lambda b: (b, 0, 0))
        out_shape = jax.ShapeDtypeStruct((_B, 1, _DH), _f32)
    else:
        out_spec = pl.BlockSpec((4, _G * _L, 32), lambda b: (0, b, 0))
        out_shape = jax.ShapeDtypeStruct((4, _N, 32), _f32)
    return pl.pallas_call(
        functools.partial(_block_body, last),
        grid=(_B // _G,),
        in_specs=[
            pl.BlockSpec((4, _G * _L, 32), lambda b: (0, b, 0)),
            pl.BlockSpec((_G * _L, 1), lambda b: (b, 0)),
            pl.BlockSpec((16, _G * _L), lambda b: (0, b)),
            pl.BlockSpec((1, _DH), lambda b: (0, 0)),
            pl.BlockSpec((1, _DH), lambda b: (0, 0)),
            pl.BlockSpec((1, _DH), lambda b: (0, 0)),
            pl.BlockSpec((_DH, _H * _QK), lambda b: (0, 0)),
            pl.BlockSpec((_DH, _H * _QK), lambda b: (0, 0)),
            pl.BlockSpec((_DH, _H * _VD), lambda b: (0, 0)),
            pl.BlockSpec((_H * _QK, 8), lambda b: (0, 0)),
            pl.BlockSpec((_DH, _DH), lambda b: (0, 0)),
            pl.BlockSpec((1, _DH), lambda b: (0, 0)),
            pl.BlockSpec((1, _DH), lambda b: (0, 0)),
            pl.BlockSpec((1, _DH), lambda b: (0, 0)),
            pl.BlockSpec((_DH, _DH), lambda b: (0, 0)),
        ],
        out_specs=out_spec,
        out_shape=out_shape,
    )(acc, dinv, geom, bg, lng, lnb, wq, wk, wv, aux, wo_pad, bo, ag, ab, wg2)


def _head_body(gf_r, wf1_r, bf1_r, wf2_r, bf2_r, out_r):
    h = jnp.maximum(
        jnp.dot(gf_r[...], wf1_r[...], preferred_element_type=_f32)
        + bf1_r[...], 0.0)
    out_r[...] = (jnp.dot(h, wf2_r[...], preferred_element_type=_f32)
                  + bf2_r[...])


def _head_call(gf, wf1, bf1, wf2, bf2):
    return pl.pallas_call(
        _head_body,
        out_shape=jax.ShapeDtypeStruct((_B, _DH), _f32),
    )(gf, wf1, bf1, wf2, bf2)



def kernel(p_x, p_edge_index, pos_N, pos_CA, pos_C, pos_CB,
           Wg1, bg1, Wg2, bg2, ln1g, ln1b, ln2g, ln2b,
           Wq1, Wk1, Wv1, Wo1, bo1, ag1, ab1,
           Wq2, Wk2, Wv2, Wo2, bo2, ag2, ab2,
           Wf1, bf1, Wf2, bf2):
    src_r = p_edge_index[0].reshape(_ROWS, _CH)
    dst_r = p_edge_index[1].reshape(_ROWS, _CH)

    deg_parts = _deg_call(dst_r).reshape(2, _N, 16)
    y1, geom, src_q, dinv = _prep_call(p_x, pos_N, pos_CA, pos_C, pos_CB,
                                       src_r, deg_parts, Wg1)

    wo1p = jnp.concatenate([Wo1, jnp.zeros((128 - _OD, _DH), _f32)], axis=0)
    wo2p = jnp.concatenate([Wo2, jnp.zeros((128 - _OD, _DH), _f32)], axis=0)
    row = lambda t: t.reshape(1, -1)

    def fold(g, b, wq, wk, wv):
        wqp = g[:, None] * wq
        wkp = g[:, None] * wk
        wvp = g[:, None] * wv
        aux = jnp.stack([g @ wq, b @ wq, g @ wk, b @ wk, g @ wv, b @ wv],
                        axis=1)
        aux = jnp.concatenate([aux, jnp.zeros((_H * _QK, 2), _f32)], axis=1)
        return wqp, wkp, wvp, aux

    wq1p, wk1p, wv1p, aux1 = fold(ln1g, ln1b, Wq1, Wk1, Wv1)
    wq2p, wk2p, wv2p, aux2 = fold(ln2g, ln2b, Wq2, Wk2, Wv2)
    acc1 = _scat_call(y1.reshape(4 * _N, 32), src_q, dst_r)
    y2 = _block_call(False, acc1.reshape(4, _N, 32), dinv, geom,
                     row(bg1), row(ln1g), row(ln1b),
                     wq1p, wk1p, wv1p, aux1, wo1p,
                     row(bo1), row(ag1), row(ab1), Wg2)
    acc2 = _scat_call(y2.reshape(4 * _N, 32), src_q, dst_r)
    gf = _block_call(True, acc2.reshape(4, _N, 32), dinv, geom,
                     row(bg2), row(ln2g), row(ln2b),
                     wq2p, wk2p, wv2p, aux2, wo2p,
                     row(bo2), row(ag2), row(ab2), Wg2)
    return _head_call(gf.reshape(_B, _DH), Wf1, row(bf1), Wf2, row(bf2))

# --- scband reference (transcript-rebuilt; emitter-appended) ---
"""Pipeline reference for scband-target-encoder-9826885173488 (READ-ONLY COPY).

The authoritative reference and input builder live on the scoring server;
editing this copy changes nothing except your own understanding.
"""

import jax, jax.numpy as jnp
import numpy as np

B, L, H, QK, VD = 64, 256, 4, 16, 16
N = B * L
E = 524288
DIN, DH = 33, 128
OD = H * VD + H * 7


def layer_norm(x, g, b, eps=1e-5):
    m = jnp.mean(x, axis=-1, keepdims=True)
    v = jnp.var(x, axis=-1, keepdims=True)
    return (x - m) / jnp.sqrt(v + eps) * g + b


def from_3_points(p_x_axis, origin, p_xy_plane, eps=1e-10):
    e0 = p_x_axis - origin
    e1 = p_xy_plane - origin
    denom = jnp.sqrt(jnp.sum(e0 * e0, axis=-1, keepdims=True) + eps)
    e0 = e0 / denom
    dot = jnp.sum(e0 * e1, axis=-1, keepdims=True)
    e1 = e1 - e0 * dot
    denom = jnp.sqrt(jnp.sum(e1 * e1, axis=-1, keepdims=True) + eps)
    e1 = e1 / denom
    e2 = jnp.cross(e0, e1)
    return jnp.stack([e0, e1, e2], axis=-1)


def gcn(x, src, dst, W, b):
    x = x @ W
    loop = jnp.arange(N)
    s = jnp.concatenate([src, loop])
    d = jnp.concatenate([dst, loop])
    deg = jax.ops.segment_sum(jnp.ones(s.shape[0], dtype=x.dtype), d, num_segments=N)
    dinv = 1.0 / jnp.sqrt(deg)
    norm = dinv[s] * dinv[d]
    return jax.ops.segment_sum(x[s] * norm[:, None], d, num_segments=N) + b


def ddg_attn(x, pos_CA, pos_CB, frame, Wq, Wk, Wv, Wo, bo, g, bln):
    q = (x @ Wq).reshape(B, L, H, QK)
    k = (x @ Wk).reshape(B, L, H, QK)
    logits = jnp.einsum('blhd,bkhd->blkh', q, k)
    alpha = jax.nn.softmax(logits, axis=2)
    v = (x @ Wv).reshape(B, L, H, VD)
    feat_node = jnp.einsum('blkh,bkhd->blhd', alpha, v).reshape(B, L, H * VD)
    rel_pos = pos_CB[:, None, :, :] - pos_CA[:, :, None, :]
    apb = jnp.einsum('blkh,blkd->blhd', alpha, rel_pos)
    feat_distance = jnp.linalg.norm(apb, axis=-1)
    feat_points = jnp.einsum('blij,blhj->blhi', frame, apb)
    feat_direction = feat_points / (jnp.linalg.norm(feat_points, axis=-1, keepdims=True) + 1e-10)
    feat_spatial = jnp.concatenate([feat_points.reshape(B, L, -1), feat_distance, feat_direction.reshape(B, L, -1)], axis=-1)
    feat_all = jnp.concatenate([feat_node, feat_spatial], axis=-1) @ Wo + bo
    return layer_norm(x + feat_all, g, bln)


def setup_inputs(seed: int = 0):
    key = jax.random.key(seed)
    ks = [jax.random.fold_in(key, i) for i in range(40)]

    def w(k, shape):
        return jax.random.normal(k, shape, dtype=jnp.float32) * 0.05

    inp = {}
    inp['p_x'] = jax.random.normal(ks[0], (N, DIN), dtype=jnp.float32)
    inp['p_edge_index'] = jax.random.randint(ks[1], (2, E), 0, N, dtype=jnp.int32)
    inp['pos_N'] = jax.random.normal(ks[2], (N, 3), dtype=jnp.float32)
    inp['pos_CA'] = jax.random.normal(ks[3], (N, 3), dtype=jnp.float32)
    inp['pos_C'] = jax.random.normal(ks[4], (N, 3), dtype=jnp.float32)
    inp['pos_CB'] = jax.random.normal(ks[5], (N, 3), dtype=jnp.float32)
    inp['Wg1'] = w(ks[6], (DIN, DH)); inp['bg1'] = jnp.zeros((DH,), jnp.float32)
    inp['Wg2'] = w(ks[7], (DH, DH)); inp['bg2'] = jnp.zeros((DH,), jnp.float32)
    inp['ln1g'] = jnp.ones((DH,), jnp.float32); inp['ln1b'] = jnp.zeros((DH,), jnp.float32)
    inp['ln2g'] = jnp.ones((DH,), jnp.float32); inp['ln2b'] = jnp.zeros((DH,), jnp.float32)
    for i, base in ((1, 8), (2, 16)):
        inp['Wq%d' % i] = w(ks[base], (DH, H * QK))
        inp['Wk%d' % i] = w(ks[base + 1], (DH, H * QK))
        inp['Wv%d' % i] = w(ks[base + 2], (DH, H * VD))
        inp['Wo%d' % i] = w(ks[base + 3], (OD, DH))
        inp['bo%d' % i] = jnp.zeros((DH,), jnp.float32)
        inp['ag%d' % i] = jnp.ones((DH,), jnp.float32)
        inp['ab%d' % i] = jnp.zeros((DH,), jnp.float32)
    inp['Wf1'] = w(ks[30], (DH, 1024)); inp['bf1'] = jnp.zeros((1024,), jnp.float32)
    inp['Wf2'] = w(ks[31], (1024, DH)); inp['bf2'] = jnp.zeros((DH,), jnp.float32)
    return inp


def reference(p_x, p_edge_index, pos_N, pos_CA, pos_C, pos_CB, Wg1, bg1, Wg2, bg2, ln1g, ln1b, ln2g, ln2b, Wq1, Wk1, Wv1, Wo1, bo1, ag1, ab1, Wq2, Wk2, Wv2, Wo2, bo2, ag2, ab2, Wf1, bf1, Wf2, bf2):
    src, dst = p_edge_index[0], p_edge_index[1]
    frame = jnp.swapaxes(from_3_points(pos_N, pos_CA, pos_C), -1, -2)
    pos_CA_p = pos_CA.reshape(B, L, 3)
    pos_CB_p = pos_CB.reshape(B, L, 3)
    frame_p = frame.reshape(B, L, 3, 3)
    px = layer_norm(jax.nn.relu(gcn(p_x, src, dst, Wg1, bg1)), ln1g, ln1b)
    rh = ddg_attn(px.reshape(B, L, DH), pos_CA_p, pos_CB_p, frame_p, Wq1, Wk1, Wv1, Wo1, bo1, ag1, ab1).reshape(N, DH)
    px = px + rh
    px = layer_norm(jax.nn.relu(gcn(px, src, dst, Wg2, bg2)), ln2g, ln2b)
    rh = ddg_attn(px.reshape(B, L, DH), pos_CA_p, pos_CB_p, frame_p, Wq2, Wk2, Wv2, Wo2, bo2, ag2, ab2).reshape(N, DH)
    px = px + rh
    gf = px.reshape(B, L, DH).mean(axis=1)
    gf = jax.nn.relu(gf @ Wf1 + bf1)
    gf = gf @ Wf2 + bf2
    return gf

if __name__ == "__main__":
    import jax
    _d = setup_inputs()
    print(jax.jit(kernel)(*tuple(_d.values())))

</pallas_src>

<mosaic_0001>
#map = affine_map<(d0, d1) -> (0, 0)>
#map1 = affine_map<(d0, d1) -> (0, 0, 0)>
module attributes {stable_mosaic.version = 14 : i64} {
  func.func @_scat_body(%arg0: i32, %arg1: i32, %arg2: memref<65536x32xf32, #tpu.memory_space<hbm>>, %arg3: memref<4x4096x128xi32, #tpu.memory_space<hbm>>, %arg4: memref<4096x128xi32, #tpu.memory_space<hbm>>, %arg5: memref<65536x32xf32, #tpu.memory_space<hbm>>, %arg6: memref<256x128xi32, #tpu.memory_space<vmem>>, %arg7: memref<256x128xi32, #tpu.memory_space<vmem>>, %arg8: memref<128x32xf32, #tpu.memory_space<vmem>>, %arg9: memref<128x32xf32, #tpu.memory_space<vmem>>, %arg10: memref<128x32xf32, #tpu.memory_space<vmem>>, %arg11: memref<128x32xf32, #tpu.memory_space<vmem>>, %arg12: memref<128x32xf32, #tpu.memory_space<vmem>>, %arg13: memref<128x32xf32, #tpu.memory_space<vmem>>, %arg14: memref<128x32xf32, #tpu.memory_space<vmem>>, %arg15: memref<128x32xf32, #tpu.memory_space<vmem>>, %arg16: memref<16384x32xf32, #tpu.memory_space<vmem_shared>>, %arg17: memref<!tpu.dma_semaphore, #tpu.memory_space<semaphore_mem>>, %arg18: memref<!tpu.dma_semaphore, #tpu.memory_space<semaphore_mem>>, %arg19: memref<!tpu.dma_semaphore, #tpu.memory_space<semaphore_mem>>, %arg20: memref<!tpu.dma_semaphore, #tpu.memory_space<semaphore_mem>>, %arg21: memref<!tpu.dma_semaphore, #tpu.memory_space<semaphore_mem>>, %arg22: memref<!tpu.dma_semaphore, #tpu.memory_space<semaphore_mem>>, %arg23: memref<!tpu.dma_semaphore, #tpu.memory_space<semaphore_mem>>, %arg24: memref<!tpu.dma_semaphore, #tpu.memory_space<semaphore_mem>>, %arg25: memref<!tpu.dma_semaphore, #tpu.memory_space<semaphore_mem>>, %arg26: memref<!tpu.dma_semaphore, #tpu.memory_space<semaphore_mem>>, %arg27: memref<!tpu.dma_semaphore, #tpu.memory_space<semaphore_mem>>, %arg28: memref<!tpu.dma_semaphore, #tpu.memory_space<semaphore_mem>>, %arg29: memref<!tpu.dma_semaphore, #tpu.memory_space<semaphore_mem>>, %arg30: memref<!tpu.dma_semaphore, #tpu.memory_space<semaphore_mem>>, %arg31: memref<!tpu.dma_semaphore, #tpu.memory_space<semaphore_mem>>, %arg32: memref<!tpu.dma_semaphore, #tpu.memory_space<semaphore_mem>>) attributes {dimension_semantics = [#tpu.dimension_semantics<core_parallel>, #tpu.dimension_semantics<subcore_parallel>], iteration_bounds = array<i64: 2, 16>, scalar_prefetch = 0 : i64, scratch_operands = 27 : i64, tpu.core_type = #tpu.core_type<sc_vector_subcore>, window_params = [{transform_indices = #map}, {transform_indices = #map1}, {transform_indices = #map}, {transform_indices = #map}]} {
    %mul3A = arith.constant 256 : i32
    %mul3A_0 = arith.muli %arg1, %mul3A : i32
    "tpu.region"() ({
      %run_scoped3A = tpu.sem_alloc : memref<!tpu.dma_semaphore, #tpu.memory_space<semaphore_mem>>
      %dma_start3A_222 = arith.constant 0 : i32
      %dma_start3A_223 = tpu.memref_slice %arg4[%mul3A_0, %dma_start3A_222] : memref<4096x128xi32, #tpu.memory_space<hbm>> -> memref<256x128xi32, #tpu.memory_space<hbm>>
      %dma_start3A_224 = arith.constant 0 : i32
      %dma_start3A_225 = tpu.memref_slice %arg4[%mul3A_0, %dma_start3A_224] : memref<4096x128xi32, #tpu.memory_space<hbm>> -> memref<256x128xi32, #tpu.memory_space<hbm>>
      tpu.enqueue_dma source(%dma_start3A_225 : memref<256x128xi32, #tpu.memory_space<hbm>>) target(%arg7 : memref<256x128xi32, #tpu.memory_space<vmem>>) target_semaphore(%run_scoped3A : memref<!tpu.dma_semaphore, #tpu.memory_space<semaphore_mem>>)
      %dma_wait3A_226 = arith.constant 0 : i32
      %dma_wait3A_227 = tpu.memref_slice %arg4[%mul3A_0, %dma_wait3A_226] : memref<4096x128xi32, #tpu.memory_space<hbm>> -> memref<256x128xi32, #tpu.memory_space<hbm>>
      %dma_wait3A_228 = arith.constant 0 : i32
      %dma_wait3A_229 = tpu.memref_slice %arg4[%mul3A_0, %dma_wait3A_228] : memref<4096x128xi32, #tpu.memory_space<hbm>> -> memref<256x128xi32, #tpu.memory_space<hbm>>
      tpu.wait_dma2 semaphore(%run_scoped3A : memref<!tpu.dma_semaphore, #tpu.memory_space<semaphore_mem>>) src(%dma_wait3A_229 : memref<256x128xi32, #tpu.memory_space<hbm>>) dst(%arg7 : memref<256x128xi32, #tpu.memory_space<vmem>>)
      tpu.yield
    }) : () -> ()
    %mul3A_1 = arith.constant 2 : i32
    %mul3A_2 = arith.muli %mul3A_1, %arg0 : i32
    %add3A = arith.constant 0 : i32
    %add3A_3 = arith.addi %mul3A_2, %add3A : i32
    %mul3A_4 = arith.constant 256 : i32
    %mul3A_5 = arith.muli %arg1, %mul3A_4 : i32
    "tpu.region"() ({
      %run_scoped3A = tpu.sem_alloc : memref<!tpu.dma_semaphore, #tpu.memory_space<semaphore_mem>>
      %dma_start3A_222 = arith.constant 0 : i32
      %dma_start3A_223 = tpu.memref_slice %arg3[%add3A_3, %mul3A_5, %dma_start3A_222] : memref<4x4096x128xi32, #tpu.memory_space<hbm>> -> memref<1x256x128xi32, #tpu.memory_space<hbm>>
      %dma_start3A_224 = tpu.memref_squeeze %dma_start3A_223 : memref<1x256x128xi32, #tpu.memory_space<hbm>> -> memref<256x128xi32, #tpu.memory_space<hbm>>
      %dma_start3A_225 = arith.constant 0 : i32
      %dma_start3A_226 = tpu.memref_slice %arg3[%add3A_3, %mul3A_5, %dma_start3A_225] : memref<4x4096x128xi32, #tpu.memory_space<hbm>> -> memref<1x256x128xi32, #tpu.memory_space<hbm>>
      %dma_start3A_227 = tpu.memref_squeeze %dma_start3A_226 : memref<1x256x128xi32, #tpu.memory_space<hbm>> -> memref<256x128xi32, #tpu.memory_space<hbm>>
      tpu.enqueue_dma source(%dma_start3A_227 : memref<256x128xi32, #tpu.memory_space<hbm>>) target(%arg6 : memref<256x128xi32, #tpu.memory_space<vmem>>) target_semaphore(%run_scoped3A : memref<!tpu.dma_semaphore, #tpu.memory_space<semaphore_mem>>)
      %dma_wait3A_228 = arith.constant 0 : i32
      %dma_wait3A_229 = tpu.memref_slice %arg3[%add3A_3, %mul3A_5, %dma_wait3A_228] : memref<4x4096x128xi32, #tpu.memory_space<hbm>> -> memref<1x256x128xi32, #tpu.memory_space<hbm>>
      %dma_wait3A_230 = tpu.memref_squeeze %dma_wait3A_229 : memref<1x256x128xi32, #tpu.memory_space<hbm>> -> memref<256x128xi32, #tpu.memory_space<hbm>>
      %dma_wait3A_231 = arith.constant 0 : i32
      %dma_wait3A_232 = tpu.memref_slice %arg3[%add3A_3, %mul3A_5, %dma_wait3A_231] : memref<4x4096x128xi32, #tpu.memory_space<hbm>> -> memref<1x256x128xi32, #tpu.memory_space<hbm>>
      %dma_wait3A_233 = tpu.memref_squeeze %dma_wait3A_232 : memref<1x256x128xi32, #tpu.memory_space<hbm>> -> memref<256x128xi32, #tpu.memory_space<hbm>>
      tpu.wait_dma2 semaphore(%run_scoped3A : memref<!tpu.dma_semaphore, #tpu.memory_space<semaphore_mem>>) src(%dma_wait3A_233 : memref<256x128xi32, #tpu.memory_space<hbm>>) dst(%arg6 : memref<256x128xi32, #tpu.memory_space<vmem>>)
      tpu.yield
    }) : () -> ()
    %mul3A_6 = arith.constant 16384 : i32
    %mul3A_7 = arith.muli %add3A_3, %mul3A_6 : i32
    %mul3A_8 = arith.constant 1024 : i32
    %mul3A_9 = arith.muli %arg1, %mul3A_8 : i32
    %add3A_10 = arith.addi %mul3A_7, %mul3A_9 : i32
    %mul3A_11 = arith.constant 1024 : i32
    %mul3A_12 = arith.muli %arg1, %mul3A_11 : i32
    "tpu.region"() ({
      %run_scoped3A = tpu.sem_alloc : memref<!tpu.dma_semaphore, #tpu.memory_space<semaphore_mem>>
      %dma_start3A_222 = arith.constant 0 : i32
      %dma_start3A_223 = tpu.memref_slice %arg16[%mul3A_12, %dma_start3A_222] : memref<16384x32xf32, #tpu.memory_space<vmem_shared>> -> memref<1024x32xf32, #tpu.memory_space<vmem_shared>>
      %dma_start3A_224 = arith.constant 0 : i32
      %dma_start3A_225 = tpu.memref_slice %arg2[%add3A_10, %dma_start3A_224] : memref<65536x32xf32, #tpu.memory_space<hbm>> -> memref<1024x32xf32, #tpu.memory_space<hbm>>
      tpu.enqueue_dma source(%dma_start3A_225 : memref<1024x32xf32, #tpu.memory_space<hbm>>) target(%dma_start3A_223 : memref<1024x32xf32, #tpu.memory_space<vmem_shared>>) target_semaphore(%run_scoped3A : memref<!tpu.dma_semaphore, #tpu.memory_space<semaphore_mem>>)
      %dma_wait3A_226 = arith.constant 0 : i32
      %dma_wait3A_227 = tpu.memref_slice %arg16[%mul3A_12, %dma_wait3A_226] : memref<16384x32xf32, #tpu.memory_space<vmem_shared>> -> memref<1024x32xf32, #tpu.memory_space<vmem_shared>>
      %dma_wait3A_228 = arith.constant 0 : i32
      %dma_wait3A_229 = tpu.memref_slice %arg2[%add3A_10, %dma_wait3A_228] : memref<65536x32xf32, #tpu.memory_space<hbm>> -> memref<1024x32xf32, #tpu.memory_space<hbm>>
      tpu.wait_dma2 semaphore(%run_scoped3A : memref<!tpu.dma_semaphore, #tpu.memory_space<semaphore_mem>>) src(%dma_wait3A_229 : memref<1024x32xf32, #tpu.memory_space<hbm>>) dst(%dma_wait3A_227 : memref<1024x32xf32, #tpu.memory_space<vmem_shared>>)
      tpu.yield
    }) : () -> ()
    %barrier3A = arith.constant 0 : index
    tpu.barrier barrier_id(%barrier3A)
    %dma_start3A = arith.constant 0 : i32
    %dma_start3A_13 = arith.constant 0 : i32
    %dma_start3A_14 = tpu.memref_slice %arg6[%dma_start3A, %dma_start3A_13] : memref<256x128xi32, #tpu.memory_space<vmem>> -> memref<1x128xi32, #tpu.memory_space<vmem>>
    %dma_start3A_15 = tpu.memref_squeeze %dma_start3A_14 : memref<1x128xi32, #tpu.memory_space<vmem>> -> memref<128xi32, #tpu.memory_space<vmem>>
    %dma_start3A_16 = arith.constant 0 : i32
    %dma_start3A_17 = arith.constant 0 : i32
    %dma_start3A_18 = tpu.memref_slice %arg2[%dma_start3A_16, %dma_start3A_17] : memref<65536x32xf32, #tpu.memory_space<hbm>> -> memref<65536x32xf32, #tpu.memory_space<hbm>>
    tpu.enqueue_indirect_dma source(%dma_start3A_18 : memref<65536x32xf32, #tpu.memory_space<hbm>>) target(%arg8 : memref<128x32xf32, #tpu.memory_space<vmem>>) offsets(%dma_start3A_15 : memref<128xi32, #tpu.memory_space<vmem>>) semaphore(%arg17 : memref<!tpu.dma_semaphore, #tpu.memory_space<semaphore_mem>>)
    %dma_start3A_19 = arith.constant 1 : i32
    %dma_start3A_20 = arith.constant 0 : i32
    %dma_start3A_21 = tpu.memref_slice %arg6[%dma_start3A_19, %dma_start3A_20] : memref<256x128xi32, #tpu.memory_space<vmem>> -> memref<1x128xi32, #tpu.memory_space<vmem>>
    %dma_start3A_22 = tpu.memref_squeeze %dma_start3A_21 : memref<1x128xi32, #tpu.memory_space<vmem>> -> memref<128xi32, #tpu.memory_space<vmem>>
    %dma_start3A_23 = arith.constant 0 : i32
    %dma_start3A_24 = arith.constant 0 : i32
    %dma_start3A_25 = tpu.memref_slice %arg2[%dma_start3A_23, %dma_start3A_24] : memref<65536x32xf32, #tpu.memory_space<hbm>> -> memref<65536x32xf32, #tpu.memory_space<hbm>>
    tpu.enqueue_indirect_dma source(%dma_start3A_25 : memref<65536x32xf32, #tpu.memory_space<hbm>>) target(%arg9 : memref<128x32xf32, #tpu.memory_space<vmem>>) offsets(%dma_start3A_22 : memref<128xi32, #tpu.memory_space<vmem>>) semaphore(%arg18 : memref<!tpu.dma_semaphore, #tpu.memory_space<semaphore_mem>>)
    %dma_start3A_26 = arith.constant 2 : i32
    %dma_start3A_27 = arith.constant 0 : i32
    %dma_start3A_28 = tpu.memref_slice %arg6[%dma_start3A_26, %dma_start3A_27] : memref<256x128xi32, #tpu.memory_space<vmem>> -> memref<1x128xi32, #tpu.memory_space<vmem>>
    %dma_start3A_29 = tpu.memref_squeeze %dma_start3A_28 : memref<1x128xi32, #tpu.memory_space<vmem>> -> memref<128xi32, #tpu.memory_space<vmem>>
    %dma_start3A_30 = arith.constant 0 : i32
    %dma_start3A_31 = arith.constant 0 : i32
    %dma_start3A_32 = tpu.memref_slice %arg2[%dma_start3A_30, %dma_start3A_31] : memref<65536x32xf32, #tpu.memory_space<hbm>> -> memref<65536x32xf32, #tpu.memory_space<hbm>>
    tpu.enqueue_indirect_dma source(%dma_start3A_32 : memref<65536x32xf32, #tpu.memory_space<hbm>>) target(%arg10 : memref<128x32xf32, #tpu.memory_space<vmem>>) offsets(%dma_start3A_29 : memref<128xi32, #tpu.memory_space<vmem>>) semaphore(%arg19 : memref<!tpu.dma_semaphore, #tpu.memory_space<semaphore_mem>>)
    %dma_start3A_33 = arith.constant 3 : i32
    %dma_start3A_34 = arith.constant 0 : i32
    %dma_start3A_35 = tpu.memref_slice %arg6[%dma_start3A_33, %dma_start3A_34] : memref<256x128xi32, #tpu.memory_space<vmem>> -> memref<1x128xi32, #tpu.memory_space<vmem>>
    %dma_start3A_36 = tpu.memref_squeeze %dma_start3A_35 : memref<1x128xi32, #tpu.memory_space<vmem>> -> memref<128xi32, #tpu.memory_space<vmem>>
    %dma_start3A_37 = arith.constant 0 : i32
    %dma_start3A_38 = arith.constant 0 : i32
    %dma_start3A_39 = tpu.memref_slice %arg2[%dma_start3A_37, %dma_start3A_38] : memref<65536x32xf32, #tpu.memory_space<hbm>> -> memref<65536x32xf32, #tpu.memory_space<hbm>>
    tpu.enqueue_indirect_dma source(%dma_start3A_39 : memref<65536x32xf32, #tpu.memory_space<hbm>>) target(%arg11 : memref<128x32xf32, #tpu.memory_space<vmem>>) offsets(%dma_start3A_36 : memref<128xi32, #tpu.memory_space<vmem>>) semaphore(%arg20 : memref<!tpu.dma_semaphore, #tpu.memory_space<semaphore_mem>>)
    %scan3A = arith.constant 0 : i32
    %scan3A_40 = arith.constant 0 : i32
    %scan3A_41 = arith.constant 32 : i32
    %scan3A_42 = arith.addi %scan3A_40, %scan3A_41 : i32
    %scan3A_43 = arith.constant 1 : i32
    %scan3A_44 = scf.for %scan3A_222 = %scan3A_40 to %scan3A_42 step %scan3A_43 iter_args(%scan3A_223 = %scan3A) -> (i32)  : i32 {
      %mul3A_224 = arith.constant 8 : i32
      %mul3A_225 = arith.muli %mul3A_224, %scan3A_222 : i32
      %add3A_226 = arith.constant 0 : i32
      %add3A_227 = arith.addi %mul3A_225, %add3A_226 : i32
      %dma_wait3A_228 = arith.constant 0 : i32
      %dma_wait3A_229 = tpu.memref_slice %arg6[%add3A_227, %dma_wait3A_228] : memref<256x128xi32, #tpu.memory_space<vmem>> -> memref<1x128xi32, #tpu.memory_space<vmem>>
      %dma_wait3A_230 = tpu.memref_squeeze %dma_wait3A_229 : memref<1x128xi32, #tpu.memory_space<vmem>> -> memref<128xi32, #tpu.memory_space<vmem>>
      %dma_wait3A_231 = arith.constant 0 : i32
      %dma_wait3A_232 = arith.constant 0 : i32
      %dma_wait3A_233 = tpu.memref_slice %arg2[%dma_wait3A_231, %dma_wait3A_232] : memref<65536x32xf32, #tpu.memory_space<hbm>> -> memref<65536x32xf32, #tpu.memory_space<hbm>>
      tpu.wait_indirect_dma semaphore(%arg17 : memref<!tpu.dma_semaphore, #tpu.memory_space<semaphore_mem>>) src(%dma_wait3A_233 : memref<65536x32xf32, #tpu.memory_space<hbm>>) dst(%arg8 : memref<128x32xf32, #tpu.memory_space<vmem>>)
      %dma_start3A_234 = arith.constant 0 : i32
      %dma_start3A_235 = tpu.memref_slice %arg7[%add3A_227, %dma_start3A_234] : memref<256x128xi32, #tpu.memory_space<vmem>> -> memref<1x128xi32, #tpu.memory_space<vmem>>
      %dma_start3A_236 = tpu.memref_squeeze %dma_start3A_235 : memref<1x128xi32, #tpu.memory_space<vmem>> -> memref<128xi32, #tpu.memory_space<vmem>>
      %dma_start3A_237 = arith.constant 0 : i32
      %dma_start3A_238 = arith.constant 0 : i32
      %dma_start3A_239 = tpu.memref_slice %arg16[%dma_start3A_237, %dma_start3A_238] : memref<16384x32xf32, #tpu.memory_space<vmem_shared>> -> memref<16384x32xf32, #tpu.memory_space<vmem_shared>>
      tpu.enqueue_indirect_dma source(%arg8 : memref<128x32xf32, #tpu.memory_space<vmem>>) target(%dma_start3A_239 : memref<16384x32xf32, #tpu.memory_space<vmem_shared>>) offsets(%dma_start3A_236 : memref<128xi32, #tpu.memory_space<vmem>>) semaphore(%arg25 : memref<!tpu.dma_semaphore, #tpu.memory_space<semaphore_mem>>) {add = true}
      %gt3A = arith.constant 0 : i32
      %gt3A_240 = arith.cmpi sgt, %scan3A_222, %gt3A : i32
      %convert_element_type3A = arith.extui %gt3A_240 : i1 to i32
      %cond3A = arith.constant 0 : i32
      %cond3A_241 = arith.cmpi ne, %convert_element_type3A, %cond3A : i32
      scf.if %cond3A_241 {
        %dma_wait3A_477 = arith.constant 0 : i32
        %dma_wait3A_478 = arith.constant 0 : i32
        %dma_wait3A_479 = tpu.memref_slice %arg7[%dma_wait3A_477, %dma_wait3A_478] : memref<256x128xi32, #tpu.memory_space<vmem>> -> memref<1x128xi32, #tpu.memory_space<vmem>>
        %dma_wait3A_480 = tpu.memref_squeeze %dma_wait3A_479 : memref<1x128xi32, #tpu.memory_space<vmem>> -> memref<128xi32, #tpu.memory_space<vmem>>
        %dma_wait3A_481 = arith.constant 0 : i32
        %dma_wait3A_482 = arith.constant 0 : i32
        %dma_wait3A_483 = tpu.memref_slice %arg16[%dma_wait3A_481, %dma_wait3A_482] : memref<16384x32xf32, #tpu.memory_space<vmem_shared>> -> memref<16384x32xf32, #tpu.memory_space<vmem_shared>>
        tpu.wait_indirect_dma semaphore(%arg29 : memref<!tpu.dma_semaphore, #tpu.memory_space<semaphore_mem>>) src(%arg12 : memref<128x32xf32, #tpu.memory_space<vmem>>) dst(%dma_wait3A_483 : memref<16384x32xf32, #tpu.memory_space<vmem_shared>>)
      } else {
      }
      %add3A_242 = arith.constant 4 : i32
      %add3A_243 = arith.addi %add3A_227, %add3A_242 : i32
      %min3A = arith.constant 255 : i32
      %min3A_244 = arith.minsi %add3A_243, %min3A : i32
      %dma_start3A_245 = arith.constant 0 : i32
      %dma_start3A_246 = tpu.memref_slice %arg6[%min3A_244, %dma_start3A_245] : memref<256x128xi32, #tpu.memory_space<vmem>> -> memref<1x128xi32, #tpu.memory_space<vmem>>
      %dma_start3A_247 = tpu.memref_squeeze %dma_start3A_246 : memref<1x128xi32, #tpu.memory_space<vmem>> -> memref<128xi32, #tpu.memory_space<vmem>>
      %dma_start3A_248 = arith.constant 0 : i32
      %dma_start3A_249 = arith.constant 0 : i32
      %dma_start3A_250 = tpu.memref_slice %arg2[%dma_start3A_248, %dma_start3A_249] : memref<65536x32xf32, #tpu.memory_space<hbm>> -> memref<65536x32xf32, #tpu.memory_space<hbm>>
      tpu.enqueue_indirect_dma source(%dma_start3A_250 : memref<65536x32xf32, #tpu.memory_space<hbm>>) target(%arg12 : memref<128x32xf32, #tpu.memory_space<vmem>>) offsets(%dma_start3A_247 : memref<128xi32, #tpu.memory_space<vmem>>) semaphore(%arg21 : memref<!tpu.dma_semaphore, #tpu.memory_space<semaphore_mem>>)
      %mul3A_251 = arith.constant 8 : i32
      %mul3A_252 = arith.muli %mul3A_251, %scan3A_222 : i32
      %add3A_253 = arith.constant 1 : i32
      %add3A_254 = arith.addi %mul3A_252, %add3A_253 : i32
      %dma_wait3A_255 = arith.constant 0 : i32
      %dma_wait3A_256 = tpu.memref_slice %arg6[%add3A_254, %dma_wait3A_255] : memref<256x128xi32, #tpu.memory_space<vmem>> -> memref<1x128xi32, #tpu.memory_space<vmem>>
      %dma_wait3A_257 = tpu.memref_squeeze %dma_wait3A_256 : memref<1x128xi32, #tpu.memory_space<vmem>> -> memref<128xi32, #tpu.memory_space<vmem>>
      %dma_wait3A_258 = arith.constant 0 : i32
      %dma_wait3A_259 = arith.constant 0 : i32
      %dma_wait3A_260 = tpu.memref_slice %arg2[%dma_wait3A_258, %dma_wait3A_259] : memref<65536x32xf32, #tpu.memory_space<hbm>> -> memref<65536x32xf32, #tpu.memory_space<hbm>>
      tpu.wait_indirect_dma semaphore(%arg18 : memref<!tpu.dma_semaphore, #tpu.memory_space<semaphore_mem>>) src(%dma_wait3A_260 : memref<65536x32xf32, #tpu.memory_space<hbm>>) dst(%arg9 : memref<128x32xf32, #tpu.memory_space<vmem>>)
      %dma_start3A_261 = arith.constant 0 : i32
      %dma_start3A_262 = tpu.memref_slice %arg7[%add3A_254, %dma_start3A_261] : memref<256x128xi32, #tpu.memory_space<vmem>> -> memref<1x128xi32, #tpu.memory_space<vmem>>
      %dma_start3A_263 = tpu.memref_squeeze %dma_start3A_262 : memref<1x128xi32, #tpu.memory_space<vmem>> -> memref<128xi32, #tpu.memory_space<vmem>>
      %dma_start3A_264 = arith.constant 0 : i32
      %dma_start3A_265 = arith.constant 0 : i32
      %dma_start3A_266 = tpu.memref_slice %arg16[%dma_start3A_264, %dma_start3A_265] : memref<16384x32xf32, #tpu.memory_space<vmem_shared>> -> memref<16384x32xf32, #tpu.memory_space<vmem_shared>>
      tpu.enqueue_indirect_dma source(%arg9 : memref<128x32xf32, #tpu.memory_space<vmem>>) target(%dma_start3A_266 : memref<16384x32xf32, #tpu.memory_space<vmem_shared>>) offsets(%dma_start3A_263 : memref<128xi32, #tpu.memory_space<vmem>>) semaphore(%arg26 : memref<!tpu.dma_semaphore, #tpu.memory_space<semaphore_mem>>) {add = true}
      %gt3A_267 = arith.constant 0 : i32
      %gt3A_268 = arith.cmpi sgt, %scan3A_222, %gt3A_267 : i32
      %convert_element_type3A_269 = arith.extui %gt3A_268 : i1 to i32
      %cond3A_270 = arith.constant 0 : i32
      %cond3A_271 = arith.cmpi ne, %convert_element_type3A_269, %cond3A_270 : i32
      scf.if %cond3A_271 {
        %dma_wait3A_477 = arith.constant 0 : i32
        %dma_wait3A_478 = arith.constant 0 : i32
        %dma_wait3A_479 = tpu.memref_slice %arg7[%dma_wait3A_477, %dma_wait3A_478] : memref<256x128xi32, #tpu.memory_space<vmem>> -> memref<1x128xi32, #tpu.memory_space<vmem>>
        %dma_wait3A_480 = tpu.memref_squeeze %dma_wait3A_479 : memref<1x128xi32, #tpu.memory_space<vmem>> -> memref<128xi32, #tpu.memory_space<vmem>>
        %dma_wait3A_481 = arith.constant 0 : i32
        %dma_wait3A_482 = arith.constant 0 : i32
        %dma_wait3A_483 = tpu.memref_slice %arg16[%dma_wait3A_481, %dma_wait3A_482] : memref<16384x32xf32, #tpu.memory_space<vmem_shared>> -> memref<16384x32xf32, #tpu.memory_space<vmem_shared>>
        tpu.wait_indirect_dma semaphore(%arg30 : memref<!tpu.dma_semaphore, #tpu.memory_space<semaphore_mem>>) src(%arg13 : memref<128x32xf32, #tpu.memory_space<vmem>>) dst(%dma_wait3A_483 : memref<16384x32xf32, #tpu.memory_space<vmem_shared>>)
      } else {
      }
      %add3A_272 = arith.constant 4 : i32
      %add3A_273 = arith.addi %add3A_254, %add3A_272 : i32
      %min3A_274 = arith.constant 255 : i32
      %min3A_275 = arith.minsi %add3A_273, %min3A_274 : i32
      %dma_start3A_276 = arith.constant 0 : i32
      %dma_start3A_277 = tpu.memref_slice %arg6[%min3A_275, %dma_start3A_276] : memref<256x128xi32, #tpu.memory_space<vmem>> -> memref<1x128xi32, #tpu.memory_space<vmem>>
      %dma_start3A_278 = tpu.memref_squeeze %dma_start3A_277 : memref<1x128xi32, #tpu.memory_space<vmem>> -> memref<128xi32, #tpu.memory_space<vmem>>
      %dma_start3A_279 = arith.constant 0 : i32
      %dma_start3A_280 = arith.constant 0 : i32
      %dma_start3A_281 = tpu.memref_slice %arg2[%dma_start3A_279, %dma_start3A_280] : memref<65536x32xf32, #tpu.memory_space<hbm>> -> memref<65536x32xf32, #tpu.memory_space<hbm>>
      tpu.enqueue_indirect_dma source(%dma_start3A_281 : memref<65536x32xf32, #tpu.memory_space<hbm>>) target(%arg13 : memref<128x32xf32, #tpu.memory_space<vmem>>) offsets(%dma_start3A_278 : memref<128xi32, #tpu.memory_space<vmem>>) semaphore(%arg22 : memref<!tpu.dma_semaphore, #tpu.memory_space<semaphore_mem>>)
      %mul3A_282 = arith.constant 8 : i32
      %mul3A_283 = arith.muli %mul3A_282, %scan3A_222 : i32
      %add3A_284 = arith.constant 2 : i32
      %add3A_285 = arith.addi %mul3A_283, %add3A_284 : i32
      %dma_wait3A_286 = arith.constant 0 : i32
      %dma_wait3A_287 = tpu.memref_slice %arg6[%add3A_285, %dma_wait3A_286] : memref<256x128xi32, #tpu.memory_space<vmem>> -> memref<1x128xi32, #tpu.memory_space<vmem>>
      %dma_wait3A_288 = tpu.memref_squeeze %dma_wait3A_287 : memref<1x128xi32, #tpu.memory_space<vmem>> -> memref<128xi32, #tpu.memory_space<vmem>>
      %dma_wait3A_289 = arith.constant 0 : i32
      %dma_wait3A_290 = arith.constant 0 : i32
      %dma_wait3A_291 = tpu.memref_slice %arg2[%dma_wait3A_289, %dma_wait3A_290] : memref<65536x32xf32, #tpu.memory_space<hbm>> -> memref<65536x32xf32, #tpu.memory_space<hbm>>
      tpu.wait_indirect_dma semaphore(%arg19 : memref<!tpu.dma_semaphore, #tpu.memory_space<semaphore_mem>>) src(%dma_wait3A_291 : memref<65536x32xf32, #tpu.memory_space<hbm>>) dst(%arg10 : memref<128x32xf32, #tpu.memory_space<vmem>>)
      %dma_start3A_292 = arith.constant 0 : i32
      %dma_start3A_293 = tpu.memref_slice %arg7[%add3A_285, %dma_start3A_292] : memref<256x128xi32, #tpu.memory_space<vmem>> -> memref<1x128xi32, #tpu.memory_space<vmem>>
      %dma_start3A_294 = tpu.memref_squeeze %dma_start3A_293 : memref<1x128xi32, #tpu.memory_space<vmem>> -> memref<128xi32, #tpu.memory_space<vmem>>
      %dma_start3A_295 = arith.constant 0 : i32
      %dma_start3A_296 = arith.constant 0 : i32
      %dma_start3A_297 = tpu.memref_slice %arg16[%dma_start3A_295, %dma_start3A_296] : memref<16384x32xf32, #tpu.memory_space<vmem_shared>> -> memref<16384x32xf32, #tpu.memory_space<vmem_shared>>
      tpu.enqueue_indirect_dma source(%arg10 : memref<128x32xf32, #tpu.memory_space<vmem>>) target(%dma_start3A_297 : memref<16384x32xf32, #tpu.memory_space<vmem_shared>>) offsets(%dma_start3A_294 : memref<128xi32, #tpu.memory_space<vmem>>) semaphore(%arg27 : memref<!tpu.dma_semaphore, #tpu.memory_space<semaphore_mem>>) {add = true}
      %gt3A_298 = arith.constant 0 : i32
      %gt3A_299 = arith.cmpi sgt, %scan3A_222, %gt3A_298 : i32
      %convert_element_type3A_300 = arith.extui %gt3A_299 : i1 to i32
      %cond3A_301 = arith.constant 0 : i32
      %cond3A_302 = arith.cmpi ne, %convert_element_type3A_300, %cond3A_301 : i32
      scf.if %cond3A_302 {
        %dma_wait3A_477 = arith.constant 0 : i32
        %dma_wait3A_478 = arith.constant 0 : i32
        %dma_wait3A_479 = tpu.memref_slice %arg7[%dma_wait3A_477, %dma_wait3A_478] : memref<256x128xi32, #tpu.memory_space<vmem>> -> memref<1x128xi32, #tpu.memory_space<vmem>>
        %dma_wait3A_480 = tpu.memref_squeeze %dma_wait3A_479 : memref<1x128xi32, #tpu.memory_space<vmem>> -> memref<128xi32, #tpu.memory_space<vmem>>
        %dma_wait3A_481 = arith.constant 0 : i32
        %dma_wait3A_482 = arith.constant 0 : i32
        %dma_wait3A_483 = tpu.memref_slice %arg16[%dma_wait3A_481, %dma_wait3A_482] : memref<16384x32xf32, #tpu.memory_space<vmem_shared>> -> memref<16384x32xf32, #tpu.memory_space<vmem_shared>>
        tpu.wait_indirect_dma semaphore(%arg31 : memref<!tpu.dma_semaphore, #tpu.memory_space<semaphore_mem>>) src(%arg14 : memref<128x32xf32, #tpu.memory_space<vmem>>) dst(%dma_wait3A_483 : memref<16384x32xf32, #tpu.memory_space<vmem_shared>>)
      } else {
      }
      %add3A_303 = arith.constant 4 : i32
      %add3A_304 = arith.addi %add3A_285, %add3A_303 : i32
      %min3A_305 = arith.constant 255 : i32
      %min3A_306 = arith.minsi %add3A_304, %min3A_305 : i32
      %dma_start3A_307 = arith.constant 0 : i32
      %dma_start3A_308 = tpu.memref_slice %arg6[%min3A_306, %dma_start3A_307] : memref<256x128xi32, #tpu.memory_space<vmem>> -> memref<1x128xi32, #tpu.memory_space<vmem>>
      %dma_start3A_309 = tpu.memref_squeeze %dma_start3A_308 : memref<1x128xi32, #tpu.memory_space<vmem>> -> memref<128xi32, #tpu.memory_space<vmem>>
      %dma_start3A_310 = arith.constant 0 : i32
      %dma_start3A_311 = arith.constant 0 : i32
      %dma_start3A_312 = tpu.memref_slice %arg2[%dma_start3A_310, %dma_start3A_311] : memref<65536x32xf32, #tpu.memory_space<hbm>> -> memref<65536x32xf32, #tpu.memory_space<hbm>>
      tpu.enqueue_indirect_dma source(%dma_start3A_312 : memref<65536x32xf32, #tpu.memory_space<hbm>>) target(%arg14 : memref<128x32xf32, #tpu.memory_space<vmem>>) offsets(%dma_start3A_309 : memref<128xi32, #tpu.memory_space<vmem>>) semaphore(%arg23 : memref<!tpu.dma_semaphore, #tpu.memory_space<semaphore_mem>>)
      %mul3A_313 = arith.constant 8 : i32
      %mul3A_314 = arith.muli %mul3A_313, %scan3A_222 : i32
      %add3A_315 = arith.constant 3 : i32
      %add3A_316 = arith.addi %mul3A_314, %add3A_315 : i32
      %dma_wait3A_317 = arith.constant 0 : i32
      %dma_wait3A_318 = tpu.memref_slice %arg6[%add3A_316, %dma_wait3A_317] : memref<256x128xi32, #tpu.memory_space<vmem>> -> memref<1x128xi32, #tpu.memory_space<vmem>>
      %dma_wait3A_319 = tpu.memref_squeeze %dma_wait3A_318 : memref<1x128xi32, #tpu.memory_space<vmem>> -> memref<128xi32, #tpu.memory_space<vmem>>
      %dma_wait3A_320 = arith.constant 0 : i32
      %dma_wait3A_321 = arith.constant 0 : i32
      %dma_wait3A_322 = tpu.memref_slice %arg2[%dma_wait3A_320, %dma_wait3A_321] : memref<65536x32xf32, #tpu.memory_space<hbm>> -> memref<65536x32xf32, #tpu.memory_space<hbm>>
      tpu.wait_indirect_dma semaphore(%arg20 : memref<!tpu.dma_semaphore, #tpu.memory_space<semaphore_mem>>) src(%dma_wait3A_322 : memref<65536x32xf32, #tpu.memory_space<hbm>>) dst(%arg11 : memref<128x32xf32, #tpu.memory_space<vmem>>)
      %dma_start3A_323 = arith.constant 0 : i32
      %dma_start3A_324 = tpu.memref_slice %arg7[%add3A_316, %dma_start3A_323] : memref<256x128xi32, #tpu.memory_space<vmem>> -> memref<1x128xi32, #tpu.memory_space<vmem>>
      %dma_start3A_325 = tpu.memref_squeeze %dma_start3A_324 : memref<1x128xi32, #tpu.memory_space<vmem>> -> memref<128xi32, #tpu.memory_space<vmem>>
      %dma_start3A_326 = arith.constant 0 : i32
      %dma_start3A_327 = arith.constant 0 : i32
      %dma_start3A_328 = tpu.memref_slice %arg16[%dma_start3A_326, %dma_start3A_327] : memref<16384x32xf32, #tpu.memory_space<vmem_shared>> -> memref<16384x32xf32, #tpu.memory_space<vmem_shared>>
      tpu.enqueue_indirect_dma source(%arg11 : memref<128x32xf32, #tpu.memory_space<vmem>>) target(%dma_start3A_328 : memref<16384x32xf32, #tpu.memory_space<vmem_shared>>) offsets(%dma_start3A_325 : memref<128xi32, #tpu.memory_space<vmem>>) semaphore(%arg28 : memref<!tpu.dma_semaphore, #tpu.memory_space<semaphore_mem>>) {add = true}
      %gt3A_329 = arith.constant 0 : i32
      %gt3A_330 = arith.cmpi sgt, %scan3A_222, %gt3A_329 : i32
      %convert_element_type3A_331 = arith.extui %gt3A_330 : i1 to i32
      %cond3A_332 = arith.constant 0 : i32
      %cond3A_333 = arith.cmpi ne, %convert_element_type3A_331, %cond3A_332 : i32
      scf.if %cond3A_333 {
        %dma_wait3A_477 = arith.constant 0 : i32
        %dma_wait3A_478 = arith.constant 0 : i32
        %dma_wait3A_479 = tpu.memref_slice %arg7[%dma_wait3A_477, %dma_wait3A_478] : memref<256x128xi32, #tpu.memory_space<vmem>> -> memref<1x128xi32, #tpu.memory_space<vmem>>
        %dma_wait3A_480 = tpu.memref_squeeze %dma_wait3A_479 : memref<1x128xi32, #tpu.memory_space<vmem>> -> memref<128xi32, #tpu.memory_space<vmem>>
        %dma_wait3A_481 = arith.constant 0 : i32
        %dma_wait3A_482 = arith.constant 0 : i32
        %dma_wait3A_483 = tpu.memref_slice %arg16[%dma_wait3A_481, %dma_wait3A_482] : memref<16384x32xf32, #tpu.memory_space<vmem_shared>> -> memref<16384x32xf32, #tpu.memory_space<vmem_shared>>
        tpu.wait_indirect_dma semaphore(%arg32 : memref<!tpu.dma_semaphore, #tpu.memory_space<semaphore_mem>>) src(%arg15 : memref<128x32xf32, #tpu.memory_space<vmem>>) dst(%dma_wait3A_483 : memref<16384x32xf32, #tpu.memory_space<vmem_shared>>)
      } else {
      }
      %add3A_334 = arith.constant 4 : i32
      %add3A_335 = arith.addi %add3A_316, %add3A_334 : i32
      %min3A_336 = arith.constant 255 : i32
      %min3A_337 = arith.minsi %add3A_335, %min3A_336 : i32
      %dma_start3A_338 = arith.constant 0 : i32
      %dma_start3A_339 = tpu.memref_slice %arg6[%min3A_337, %dma_start3A_338] : memref<256x128xi32, #tpu.memory_space<vmem>> -> memref<1x128xi32, #tpu.memory_space<vmem>>
      %dma_start3A_340 = tpu.memref_squeeze %dma_start3A_339 : memref<1x128xi32, #tpu.memory_space<vmem>> -> memref<128xi32, #tpu.memory_space<vmem>>
      %dma_start3A_341 = arith.constant 0 : i32
      %dma_start3A_342 = arith.constant 0 : i32
      %dma_start3A_343 = tpu.memref_slice %arg2[%dma_start3A_341, %dma_start3A_342] : memref<65536x32xf32, #tpu.memory_space<hbm>> -> memref<65536x32xf32, #tpu.memory_space<hbm>>
      tpu.enqueue_indirect_dma source(%dma_start3A_343 : memref<65536x32xf32, #tpu.memory_space<hbm>>) target(%arg15 : memref<128x32xf32, #tpu.memory_space<vmem>>) offsets(%dma_start3A_340 : memref<128xi32, #tpu.memory_space<vmem>>) semaphore(%arg24 : memref<!tpu.dma_semaphore, #tpu.memory_space<semaphore_mem>>)
      %mul3A_344 = arith.constant 8 : i32
      %mul3A_345 = arith.muli %mul3A_344, %scan3A_222 : i32
      %add3A_346 = arith.constant 4 : i32
      %add3A_347 = arith.addi %mul3A_345, %add3A_346 : i32
      %dma_wait3A_348 = arith.constant 0 : i32
      %dma_wait3A_349 = tpu.memref_slice %arg6[%add3A_347, %dma_wait3A_348] : memref<256x128xi32, #tpu.memory_space<vmem>> -> memref<1x128xi32, #tpu.memory_space<vmem>>
      %dma_wait3A_350 = tpu.memref_squeeze %dma_wait3A_349 : memref<1x128xi32, #tpu.memory_space<vmem>> -> memref<128xi32, #tpu.memory_space<vmem>>
      %dma_wait3A_351 = arith.constant 0 : i32
      %dma_wait3A_352 = arith.constant 0 : i32
      %dma_wait3A_353 = tpu.memref_slice %arg2[%dma_wait3A_351, %dma_wait3A_352] : memref<65536x32xf32, #tpu.memory_space<hbm>> -> memref<65536x32xf32, #tpu.memory_space<hbm>>
      tpu.wait_indirect_dma semaphore(%arg21 : memref<!tpu.dma_semaphore, #tpu.memory_space<semaphore_mem>>) src(%dma_wait3A_353 : memref<65536x32xf32, #tpu.memory_space<hbm>>) dst(%arg12 : memref<128x32xf32, #tpu.memory_space<vmem>>)
      %dma_start3A_354 = arith.constant 0 : i32
      %dma_start3A_355 = tpu.memref_slice %arg7[%add3A_347, %dma_start3A_354] : memref<256x128xi32, #tpu.memory_space<vmem>> -> memref<1x128xi32, #tpu.memory_space<vmem>>
      %dma_start3A_356 = tpu.memref_squeeze %dma_start3A_355 : memref<1x128xi32, #tpu.memory_space<vmem>> -> memref<128xi32, #tpu.memory_space<vmem>>
      %dma_start3A_357 = arith.constant 0 : i32
      %dma_start3A_358 = arith.constant 0 : i32
      %dma_start3A_359 = tpu.memref_slice %arg16[%dma_start3A_357, %dma_start3A_358] : memref<16384x32xf32, #tpu.memory_space<vmem_shared>> -> memref<16384x32xf32, #tpu.memory_space<vmem_shared>>
      tpu.enqueue_indirect_dma source(%arg12 : memref<128x32xf32, #tpu.memory_space<vmem>>) target(%dma_start3A_359 : memref<16384x32xf32, #tpu.memory_space<vmem_shared>>) offsets(%dma_start3A_356 : memref<128xi32, #tpu.memory_space<vmem>>) semaphore(%arg29 : memref<!tpu.dma_semaphore, #tpu.memory_space<semaphore_mem>>) {add = true}
      %dma_wait3A_360 = arith.constant 0 : i32
      %dma_wait3A_361 = arith.constant 0 : i32
      %dma_wait3A_362 = tpu.memref_slice %arg7[%dma_wait3A_360, %dma_wait3A_361] : memref<256x128xi32, #tpu.memory_space<vmem>> -> memref<1x128xi32, #tpu.memory_space<vmem>>
      %dma_wait3A_363 = tpu.memref_squeeze %dma_wait3A_362 : memref<1x128xi32, #tpu.memory_space<vmem>> -> memref<128xi32, #tpu.memory_space<vmem>>
      %dma_wait3A_364 = arith.constant 0 : i32
      %dma_wait3A_365 = arith.constant 0 : i32
      %dma_wait3A_366 = tpu.memref_slice %arg16[%dma_wait3A_364, %dma_wait3A_365] : memref<16384x32xf32, #tpu.memory_space<vmem_shared>> -> memref<16384x32xf32, #tpu.memory_space<vmem_shared>>
      tpu.wait_indirect_dma semaphore(%arg25 : memref<!tpu.dma_semaphore, #tpu.memory_space<semaphore_mem>>) src(%arg8 : memref<128x32xf32, #tpu.memory_space<vmem>>) dst(%dma_wait3A_366 : memref<16384x32xf32, #tpu.memory_space<vmem_shared>>)
      %add3A_367 = arith.constant 4 : i32
      %add3A_368 = arith.addi %add3A_347, %add3A_367 : i32
      %min3A_369 = arith.constant 255 : i32
      %min3A_370 = arith.minsi %add3A_368, %min3A_369 : i32
      %dma_start3A_371 = arith.constant 0 : i32
      %dma_start3A_372 = tpu.memref_slice %arg6[%min3A_370, %dma_start3A_371] : memref<256x128xi32, #tpu.memory_space<vmem>> -> memref<1x128xi32, #tpu.memory_space<vmem>>
      %dma_start3A_373 = tpu.memref_squeeze %dma_start3A_372 : memref<1x128xi32, #tpu.memory_space<vmem>> -> memref<128xi32, #tpu.memory_space<vmem>>
      %dma_start3A_374 = arith.constant 0 : i32
      %dma_start3A_375 = arith.constant 0 : i32
      %dma_start3A_376 = tpu.memref_slice %arg2[%dma_start3A_374, %dma_start3A_375] : memref<65536x32xf32, #tpu.memory_space<hbm>> -> memref<65536x32xf32, #tpu.memory_space<hbm>>
      tpu.enqueue_indirect_dma source(%dma_start3A_376 : memref<65536x32xf32, #tpu.memory_space<hbm>>) target(%arg8 : memref<128x32xf32, #tpu.memory_space<vmem>>) offsets(%dma_start3A_373 : memref<128xi32, #tpu.memory_space<vmem>>) semaphore(%arg17 : memref<!tpu.dma_semaphore, #tpu.memory_space<semaphore_mem>>)
      %mul3A_377 = arith.constant 8 : i32
      %mul3A_378 = arith.muli %mul3A_377, %scan3A_222 : i32
      %add3A_379 = arith.constant 5 : i32
      %add3A_380 = arith.addi %mul3A_378, %add3A_379 : i32
      %dma_wait3A_381 = arith.constant 0 : i32
      %dma_wait3A_382 = tpu.memref_slice %arg6[%add3A_380, %dma_wait3A_381] : memref<256x128xi32, #tpu.memory_space<vmem>> -> memref<1x128xi32, #tpu.memory_space<vmem>>
      %dma_wait3A_383 = tpu.memref_squeeze %dma_wait3A_382 : memref<1x128xi32, #tpu.memory_space<vmem>> -> memref<128xi32, #tpu.memory_space<vmem>>
      %dma_wait3A_384 = arith.constant 0 : i32
      %dma_wait3A_385 = arith.constant 0 : i32
      %dma_wait3A_386 = tpu.memref_slice %arg2[%dma_wait3A_384, %dma_wait3A_385] : memref<65536x32xf32, #tpu.memory_space<hbm>> -> memref<65536x32xf32, #tpu.memory_space<hbm>>
      tpu.wait_indirect_dma semaphore(%arg22 : memref<!tpu.dma_semaphore, #tpu.memory_space<semaphore_mem>>) src(%dma_wait3A_386 : memref<65536x32xf32, #tpu.memory_space<hbm>>) dst(%arg13 : memref<128x32xf32, #tpu.memory_space<vmem>>)
      %dma_start3A_387 = arith.constant 0 : i32
      %dma_start3A_388 = tpu.memref_slice %arg7[%add3A_380, %dma_start3A_387] : memref<256x128xi32, #tpu.memory_space<vmem>> -> memref<1x128xi32, #tpu.memory_space<vmem>>
      %dma_start3A_389 = tpu.memref_squeeze %dma_start3A_388 : memref<1x128xi32, #tpu.memory_space<vmem>> -> memref<128xi32, #tpu.memory_space<vmem>>
      %dma_start3A_390 = arith.constant 0 : i32
      %dma_start3A_391 = arith.constant 0 : i32
      %dma_start3A_392 = tpu.memref_slice %arg16[%dma_start3A_390, %dma_start3A_391] : memref<16384x32xf32, #tpu.memory_space<vmem_shared>> -> memref<16384x32xf32, #tpu.memory_space<vmem_shared>>
      tpu.enqueue_indirect_dma source(%arg13 : memref<128x32xf32, #tpu.memory_space<vmem>>) target(%dma_start3A_392 : memref<16384x32xf32, #tpu.memory_space<vmem_shared>>) offsets(%dma_start3A_389 : memref<128xi32, #tpu.memory_space<vmem>>) semaphore(%arg30 : memref<!tpu.dma_semaphore, #tpu.memory_space<semaphore_mem>>) {add = true}
      %dma_wait3A_393 = arith.constant 0 : i32
      %dma_wait3A_394 = arith.constant 0 : i32
      %dma_wait3A_395 = tpu.memref_slice %arg7[%dma_wait3A_393, %dma_wait3A_394] : memref<256x128xi32, #tpu.memory_space<vmem>> -> memref<1x128xi32, #tpu.memory_space<vmem>>
      %dma_wait3A_396 = tpu.memref_squeeze %dma_wait3A_395 : memref<1x128xi32, #tpu.memory_space<vmem>> -> memref<128xi32, #tpu.memory_space<vmem>>
      %dma_wait3A_397 = arith.constant 0 : i32
      %dma_wait3A_398 = arith.constant 0 : i32
      %dma_wait3A_399 = tpu.memref_slice %arg16[%dma_wait3A_397, %dma_wait3A_398] : memref<16384x32xf32, #tpu.memory_space<vmem_shared>> -> memref<16384x32xf32, #tpu.memory_space<vmem_shared>>
      tpu.wait_indirect_dma semaphore(%arg26 : memref<!tpu.dma_semaphore, #tpu.memory_space<semaphore_mem>>) src(%arg9 : memref<128x32xf32, #tpu.memory_space<vmem>>) dst(%dma_wait3A_399 : memref<16384x32xf32, #tpu.memory_space<vmem_shared>>)
      %add3A_400 = arith.constant 4 : i32
      %add3A_401 = arith.addi %add3A_380, %add3A_400 : i32
      %min3A_402 = arith.constant 255 : i32
      %min3A_403 = arith.minsi %add3A_401, %min3A_402 : i32
      %dma_start3A_404 = arith.constant 0 : i32
      %dma_start3A_405 = tpu.memref_slice %arg6[%min3A_403, %dma_start3A_404] : memref<256x128xi32, #tpu.memory_space<vmem>> -> memref<1x128xi32, #tpu.memory_space<vmem>>
      %dma_start3A_406 = tpu.memref_squeeze %dma_start3A_405 : memref<1x128xi32, #tpu.memory_space<vmem>> -> memref<128xi32, #tpu.memory_space<vmem>>
      %dma_start3A_407 = arith.constant 0 : i32
      %dma_start3A_408 = arith.constant 0 : i32
      %dma_start3A_409 = tpu.memref_slice %arg2[%dma_start3A_407, %dma_start3A_408] : memref<65536x32xf32, #tpu.memory_space<hbm>> -> memref<65536x32xf32, #tpu.memory_space<hbm>>
      tpu.enqueue_indirect_dma source(%dma_start3A_409 : memref<65536x32xf32, #tpu.memory_space<hbm>>) target(%arg9 : memref<128x32xf32, #tpu.memory_space<vmem>>) offsets(%dma_start3A_406 : memref<128xi32, #tpu.memory_space<vmem>>) semaphore(%arg18 : memref<!tpu.dma_semaphore, #tpu.memory_space<semaphore_mem>>)
      %mul3A_410 = arith.constant 8 : i32
      %mul3A_411 = arith.muli %mul3A_410, %scan3A_222 : i32
      %add3A_412 = arith.constant 6 : i32
      %add3A_413 = arith.addi %mul3A_411, %add3A_412 : i32
      %dma_wait3A_414 = arith.constant 0 : i32
      %dma_wait3A_415 = tpu.memref_slice %arg6[%add3A_413, %dma_wait3A_414] : memref<256x128xi32, #tpu.memory_space<vmem>> -> memref<1x128xi32, #tpu.memory_space<vmem>>
      %dma_wait3A_416 = tpu.memref_squeeze %dma_wait3A_415 : memref<1x128xi32, #tpu.memory_space<vmem>> -> memref<128xi32, #tpu.memory_space<vmem>>
      %dma_wait3A_417 = arith.constant 0 : i32
      %dma_wait3A_418 = arith.constant 0 : i32
      %dma_wait3A_419 = tpu.memref_slice %arg2[%dma_wait3A_417, %dma_wait3A_418] : memref<65536x32xf32, #tpu.memory_space<hbm>> -> memref<65536x32xf32, #tpu.memory_space<hbm>>
      tpu.wait_indirect_dma semaphore(%arg23 : memref<!tpu.dma_semaphore, #tpu.memory_space<semaphore_mem>>) src(%dma_wait3A_419 : memref<65536x32xf32, #tpu.memory_space<hbm>>) dst(%arg14 : memref<128x32xf32, #tpu.memory_space<vmem>>)
      %dma_start3A_420 = arith.constant 0 : i32
      %dma_start3A_421 = tpu.memref_slice %arg7[%add3A_413, %dma_start3A_420] : memref<256x128xi32, #tpu.memory_space<vmem>> -> memref<1x128xi32, #tpu.memory_space<vmem>>
      %dma_start3A_422 = tpu.memref_squeeze %dma_start3A_421 : memref<1x128xi32, #tpu.memory_space<vmem>> -> memref<128xi32, #tpu.memory_space<vmem>>
      %dma_start3A_423 = arith.constant 0 : i32
      %dma_start3A_424 = arith.constant 0 : i32
      %dma_start3A_425 = tpu.memref_slice %arg16[%dma_start3A_423, %dma_start3A_424] : memref<16384x32xf32, #tpu.memory_space<vmem_shared>> -> memref<16384x32xf32, #tpu.memory_space<vmem_shared>>
      tpu.enqueue_indirect_dma source(%arg14 : memref<128x32xf32, #tpu.memory_space<vmem>>) target(%dma_start3A_425 : memref<16384x32xf32, #tpu.memory_space<vmem_shared>>) offsets(%dma_start3A_422 : memref<128xi32, #tpu.memory_space<vmem>>) semaphore(%arg31 : memref<!tpu.dma_semaphore, #tpu.memory_space<semaphore_mem>>) {add = true}
      %dma_wait3A_426 = arith.constant 0 : i32
      %dma_wait3A_427 = arith.constant 0 : i32
      %dma_wait3A_428 = tpu.memref_slice %arg7[%dma_wait3A_426, %dma_wait3A_427] : memref<256x128xi32, #tpu.memory_space<vmem>> -> memref<1x128xi32, #tpu.memory_space<vmem>>
      %dma_wait3A_429 = tpu.memref_squeeze %dma_wait3A_428 : memref<1x128xi32, #tpu.memory_space<vmem>> -> memref<128xi32, #tpu.memory_space<vmem>>
      %dma_wait3A_430 = arith.constant 0 : i32
      %dma_wait3A_431 = arith.constant 0 : i32
      %dma_wait3A_432 = tpu.memref_slice %arg16[%dma_wait3A_430, %dma_wait3A_431] : memref<16384x32xf32, #tpu.memory_space<vmem_shared>> -> memref<16384x32xf32, #tpu.memory_space<vmem_shared>>
      tpu.wait_indirect_dma semaphore(%arg27 : memref<!tpu.dma_semaphore, #tpu.memory_space<semaphore_mem>>) src(%arg10 : memref<128x32xf32, #tpu.memory_space<vmem>>) dst(%dma_wait3A_432 : memref<16384x32xf32, #tpu.memory_space<vmem_shared>>)
      %add3A_433 = arith.constant 4 : i32
      %add3A_434 = arith.addi %add3A_413, %add3A_433 : i32
      %min3A_435 = arith.constant 255 : i32
      %min3A_436 = arith.minsi %add3A_434, %min3A_435 : i32
      %dma_start3A_437 = arith.constant 0 : i32
      %dma_start3A_438 = tpu.memref_slice %arg6[%min3A_436, %dma_start3A_437] : memref<256x128xi32, #tpu.memory_space<vmem>> -> memref<1x128xi32, #tpu.memory_space<vmem>>
      %dma_start3A_439 = tpu.memref_squeeze %dma_start3A_438 : memref<1x128xi32, #tpu.memory_space<vmem>> -> memref<128xi32, #tpu.memory_space<vmem>>
      %dma_start3A_440 = arith.constant 0 : i32
      %dma_start3A_441 = arith.constant 0 : i32
      %dma_start3A_442 = tpu.memref_slice %arg2[%dma_start3A_440, %dma_start3A_441] : memref<65536x32xf32, #tpu.memory_space<hbm>> -> memref<65536x32xf32, #tpu.memory_space<hbm>>
      tpu.enqueue_indirect_dma source(%dma_start3A_442 : memref<65536x32xf32, #tpu.memory_space<hbm>>) target(%arg10 : memref<128x32xf32, #tpu.memory_space<vmem>>) offsets(%dma_start3A_439 : memref<128xi32, #tpu.memory_space<vmem>>) semaphore(%arg19 : memref<!tpu.dma_semaphore, #tpu.memory_space<semaphore_mem>>)
      %mul3A_443 = arith.constant 8 : i32
      %mul3A_444 = arith.muli %mul3A_443, %scan3A_222 : i32
      %add3A_445 = arith.constant 7 : i32
      %add3A_446 = arith.addi %mul3A_444, %add3A_445 : i32
      %dma_wait3A_447 = arith.constant 0 : i32
      %dma_wait3A_448 = tpu.memref_slice %arg6[%add3A_446, %dma_wait3A_447] : memref<256x128xi32, #tpu.memory_space<vmem>> -> memref<1x128xi32, #tpu.memory_space<vmem>>
      %dma_wait3A_449 = tpu.memref_squeeze %dma_wait3A_448 : memref<1x128xi32, #tpu.memory_space<vmem>> -> memref<128xi32, #tpu.memory_space<vmem>>
      %dma_wait3A_450 = arith.constant 0 : i32
      %dma_wait3A_451 = arith.constant 0 : i32
      %dma_wait3A_452 = tpu.memref_slice %arg2[%dma_wait3A_450, %dma_wait3A_451] : memref<65536x32xf32, #tpu.memory_space<hbm>> -> memref<65536x32xf32, #tpu.memory_space<hbm>>
      tpu.wait_indirect_dma semaphore(%arg24 : memref<!tpu.dma_semaphore, #tpu.memory_space<semaphore_mem>>) src(%dma_wait3A_452 : memref<65536x32xf32, #tpu.memory_space<hbm>>) dst(%arg15 : memref<128x32xf32, #tpu.memory_space<vmem>>)
      %dma_start3A_453 = arith.constant 0 : i32
      %dma_start3A_454 = tpu.memref_slice %arg7[%add3A_446, %dma_start3A_453] : memref<256x128xi32, #tpu.memory_space<vmem>> -> memref<1x128xi32, #tpu.memory_space<vmem>>
      %dma_start3A_455 = tpu.memref_squeeze %dma_start3A_454 : memref<1x128xi32, #tpu.memory_space<vmem>> -> memref<128xi32, #tpu.memory_space<vmem>>
      %dma_start3A_456 = arith.constant 0 : i32
      %dma_start3A_457 = arith.constant 0 : i32
      %dma_start3A_458 = tpu.memref_slice %arg16[%dma_start3A_456, %dma_start3A_457] : memref<16384x32xf32, #tpu.memory_space<vmem_shared>> -> memref<16384x32xf32, #tpu.memory_space<vmem_shared>>
      tpu.enqueue_indirect_dma source(%arg15 : memref<128x32xf32, #tpu.memory_space<vmem>>) target(%dma_start3A_458 : memref<16384x32xf32, #tpu.memory_space<vmem_shared>>) offsets(%dma_start3A_455 : memref<128xi32, #tpu.memory_space<vmem>>) semaphore(%arg32 : memref<!tpu.dma_semaphore, #tpu.memory_space<semaphore_mem>>) {add = true}
      %dma_wait3A_459 = arith.constant 0 : i32
      %dma_wait3A_460 = arith.constant 0 : i32
      %dma_wait3A_461 = tpu.memref_slice %arg7[%dma_wait3A_459, %dma_wait3A_460] : memref<256x128xi32, #tpu.memory_space<vmem>> -> memref<1x128xi32, #tpu.memory_space<vmem>>
      %dma_wait3A_462 = tpu.memref_squeeze %dma_wait3A_461 : memref<1x128xi32, #tpu.memory_space<vmem>> -> memref<128xi32, #tpu.memory_space<vmem>>
      %dma_wait3A_463 = arith.constant 0 : i32
      %dma_wait3A_464 = arith.constant 0 : i32
      %dma_wait3A_465 = tpu.memref_slice %arg16[%dma_wait3A_463, %dma_wait3A_464] : memref<16384x32xf32, #tpu.memory_space<vmem_shared>> -> memref<16384x32xf32, #tpu.memory_space<vmem_shared>>
      tpu.wait_indirect_dma semaphore(%arg28 : memref<!tpu.dma_semaphore, #tpu.memory_space<semaphore_mem>>) src(%arg11 : memref<128x32xf32, #tpu.memory_space<vmem>>) dst(%dma_wait3A_465 : memref<16384x32xf32, #tpu.memory_space<vmem_shared>>)
      %add3A_466 = arith.constant 4 : i32
      %add3A_467 = arith.addi %add3A_446, %add3A_466 : i32
      %min3A_468 = arith.constant 255 : i32
      %min3A_469 = arith.minsi %add3A_467, %min3A_468 : i32
      %dma_start3A_470 = arith.constant 0 : i32
      %dma_start3A_471 = tpu.memref_slice %arg6[%min3A_469, %dma_start3A_470] : memref<256x128xi32, #tpu.memory_space<vmem>> -> memref<1x128xi32, #tpu.memory_space<vmem>>
      %dma_start3A_472 = tpu.memref_squeeze %dma_start3A_471 : memref<1x128xi32, #tpu.memory_space<vmem>> -> memref<128xi32, #tpu.memory_space<vmem>>
      %dma_start3A_473 = arith.constant 0 : i32
      %dma_start3A_474 = arith.constant 0 : i32
      %dma_start3A_475 = tpu.memref_slice %arg2[%dma_start3A_473, %dma_start3A_474] : memref<65536x32xf32, #tpu.memory_space<hbm>> -> memref<65536x32xf32, #tpu.memory_space<hbm>>
      tpu.enqueue_indirect_dma source(%dma_start3A_475 : memref<65536x32xf32, #tpu.memory_space<hbm>>) target(%arg11 : memref<128x32xf32, #tpu.memory_space<vmem>>) offsets(%dma_start3A_472 : memref<128xi32, #tpu.memory_space<vmem>>) semaphore(%arg20 : memref<!tpu.dma_semaphore, #tpu.memory_space<semaphore_mem>>)
      %scan3A_476 = arith.constant 0 : i32
      scf.yield %scan3A_476 : i32
    }
    %scan3A_45 = arith.constant 32 : i32
    %dma_wait3A = arith.constant 0 : i32
    %dma_wait3A_46 = arith.constant 0 : i32
    %dma_wait3A_47 = tpu.memref_slice %arg6[%dma_wait3A, %dma_wait3A_46] : memref<256x128xi32, #tpu.memory_space<vmem>> -> memref<1x128xi32, #tpu.memory_space<vmem>>
    %dma_wait3A_48 = tpu.memref_squeeze %dma_wait3A_47 : memref<1x128xi32, #tpu.memory_space<vmem>> -> memref<128xi32, #tpu.memory_space<vmem>>
    %dma_wait3A_49 = arith.constant 0 : i32
    %dma_wait3A_50 = arith.constant 0 : i32
    %dma_wait3A_51 = tpu.memref_slice %arg2[%dma_wait3A_49, %dma_wait3A_50] : memref<65536x32xf32, #tpu.memory_space<hbm>> -> memref<65536x32xf32, #tpu.memory_space<hbm>>
    tpu.wait_indirect_dma semaphore(%arg17 : memref<!tpu.dma_semaphore, #tpu.memory_space<semaphore_mem>>) src(%dma_wait3A_51 : memref<65536x32xf32, #tpu.memory_space<hbm>>) dst(%arg8 : memref<128x32xf32, #tpu.memory_space<vmem>>)
    %dma_wait3A_52 = arith.constant 0 : i32
    %dma_wait3A_53 = arith.constant 0 : i32
    %dma_wait3A_54 = tpu.memref_slice %arg6[%dma_wait3A_52, %dma_wait3A_53] : memref<256x128xi32, #tpu.memory_space<vmem>> -> memref<1x128xi32, #tpu.memory_space<vmem>>
    %dma_wait3A_55 = tpu.memref_squeeze %dma_wait3A_54 : memref<1x128xi32, #tpu.memory_space<vmem>> -> memref<128xi32, #tpu.memory_space<vmem>>
    %dma_wait3A_56 = arith.constant 0 : i32
    %dma_wait3A_57 = arith.constant 0 : i32
    %dma_wait3A_58 = tpu.memref_slice %arg2[%dma_wait3A_56, %dma_wait3A_57] : memref<65536x32xf32, #tpu.memory_space<hbm>> -> memref<65536x32xf32, #tpu.memory_space<hbm>>
    tpu.wait_indirect_dma semaphore(%arg18 : memref<!tpu.dma_semaphore, #tpu.memory_space<semaphore_mem>>) src(%dma_wait3A_58 : memref<65536x32xf32, #tpu.memory_space<hbm>>) dst(%arg9 : memref<128x32xf32, #tpu.memory_space<vmem>>)
    %dma_wait3A_59 = arith.constant 0 : i32
    %dma_wait3A_60 = arith.constant 0 : i32
    %dma_wait3A_61 = tpu.memref_slice %arg6[%dma_wait3A_59, %dma_wait3A_60] : memref<256x128xi32, #tpu.memory_space<vmem>> -> memref<1x128xi32, #tpu.memory_space<vmem>>
    %dma_wait3A_62 = tpu.memref_squeeze %dma_wait3A_61 : memref<1x128xi32, #tpu.memory_space<vmem>> -> memref<128xi32, #tpu.memory_space<vmem>>
    %dma_wait3A_63 = arith.constant 0 : i32
    %dma_wait3A_64 = arith.constant 0 : i32
    %dma_wait3A_65 = tpu.memref_slice %arg2[%dma_wait3A_63, %dma_wait3A_64] : memref<65536x32xf32, #tpu.memory_space<hbm>> -> memref<65536x32xf32, #tpu.memory_space<hbm>>
    tpu.wait_indirect_dma semaphore(%arg19 : memref<!tpu.dma_semaphore, #tpu.memory_space<semaphore_mem>>) src(%dma_wait3A_65 : memref<65536x32xf32, #tpu.memory_space<hbm>>) dst(%arg10 : memref<128x32xf32, #tpu.memory_space<vmem>>)
    %dma_wait3A_66 = arith.constant 0 : i32
    %dma_wait3A_67 = arith.constant 0 : i32
    %dma_wait3A_68 = tpu.memref_slice %arg6[%dma_wait3A_66, %dma_wait3A_67] : memref<256x128xi32, #tpu.memory_space<vmem>> -> memref<1x128xi32, #tpu.memory_space<vmem>>
    %dma_wait3A_69 = tpu.memref_squeeze %dma_wait3A_68 : memref<1x128xi32, #tpu.memory_space<vmem>> -> memref<128xi32, #tpu.memory_space<vmem>>
    %dma_wait3A_70 = arith.constant 0 : i32
    %dma_wait3A_71 = arith.constant 0 : i32
    %dma_wait3A_72 = tpu.memref_slice %arg2[%dma_wait3A_70, %dma_wait3A_71] : memref<65536x32xf32, #tpu.memory_space<hbm>> -> memref<65536x32xf32, #tpu.memory_space<hbm>>
    tpu.wait_indirect_dma semaphore(%arg20 : memref<!tpu.dma_semaphore, #tpu.memory_space<semaphore_mem>>) src(%dma_wait3A_72 : memref<65536x32xf32, #tpu.memory_space<hbm>>) dst(%arg11 : memref<128x32xf32, #tpu.memory_space<vmem>>)
    %dma_wait3A_73 = arith.constant 0 : i32
    %dma_wait3A_74 = arith.constant 0 : i32
    %dma_wait3A_75 = tpu.memref_slice %arg7[%dma_wait3A_73, %dma_wait3A_74] : memref<256x128xi32, #tpu.memory_space<vmem>> -> memref<1x128xi32, #tpu.memory_space<vmem>>
    %dma_wait3A_76 = tpu.memref_squeeze %dma_wait3A_75 : memref<1x128xi32, #tpu.memory_space<vmem>> -> memref<128xi32, #tpu.memory_space<vmem>>
    %dma_wait3A_77 = arith.constant 0 : i32
    %dma_wait3A_78 = arith.constant 0 : i32
    %dma_wait3A_79 = tpu.memref_slice %arg16[%dma_wait3A_77, %dma_wait3A_78] : memref<16384x32xf32, #tpu.memory_space<vmem_shared>> -> memref<16384x32xf32, #tpu.memory_space<vmem_shared>>
    tpu.wait_indirect_dma semaphore(%arg29 : memref<!tpu.dma_semaphore, #tpu.memory_space<semaphore_mem>>) src(%arg12 : memref<128x32xf32, #tpu.memory_space<vmem>>) dst(%dma_wait3A_79 : memref<16384x32xf32, #tpu.memory_space<vmem_shared>>)
    %dma_wait3A_80 = arith.constant 0 : i32
    %dma_wait3A_81 = arith.constant 0 : i32
    %dma_wait3A_82 = tpu.memref_slice %arg7[%dma_wait3A_80, %dma_wait3A_81] : memref<256x128xi32, #tpu.memory_space<vmem>> -> memref<1x128xi32, #tpu.memory_space<vmem>>
    %dma_wait3A_83 = tpu.memref_squeeze %dma_wait3A_82 : memref<1x128xi32, #tpu.memory_space<vmem>> -> memref<128xi32, #tpu.memory_space<vmem>>
    %dma_wait3A_84 = arith.constant 0 : i32
    %dma_wait3A_85 = arith.constant 0 : i32
    %dma_wait3A_86 = tpu.memref_slice %arg16[%dma_wait3A_84, %dma_wait3A_85] : memref<16384x32xf32, #tpu.memory_space<vmem_shared>> -> memref<16384x32xf32, #tpu.memory_space<vmem_shared>>
    tpu.wait_indirect_dma semaphore(%arg30 : memref<!tpu.dma_semaphore, #tpu.memory_space<semaphore_mem>>) src(%arg13 : memref<128x32xf32, #tpu.memory_space<vmem>>) dst(%dma_wait3A_86 : memref<16384x32xf32, #tpu.memory_space<vmem_shared>>)
    %dma_wait3A_87 = arith.constant 0 : i32
    %dma_wait3A_88 = arith.constant 0 : i32
    %dma_wait3A_89 = tpu.memref_slice %arg7[%dma_wait3A_87, %dma_wait3A_88] : memref<256x128xi32, #tpu.memory_space<vmem>> -> memref<1x128xi32, #tpu.memory_space<vmem>>
    %dma_wait3A_90 = tpu.memref_squeeze %dma_wait3A_89 : memref<1x128xi32, #tpu.memory_space<vmem>> -> memref<128xi32, #tpu.memory_space<vmem>>
    %dma_wait3A_91 = arith.constant 0 : i32
    %dma_wait3A_92 = arith.constant 0 : i32
    %dma_wait3A_93 = tpu.memref_slice %arg16[%dma_wait3A_91, %dma_wait3A_92] : memref<16384x32xf32, #tpu.memory_space<vmem_shared>> -> memref<16384x32xf32, #tpu.memory_space<vmem_shared>>
    tpu.wait_indirect_dma semaphore(%arg31 : memref<!tpu.dma_semaphore, #tpu.memory_space<semaphore_mem>>) src(%arg14 : memref<128x32xf32, #tpu.memory_space<vmem>>) dst(%dma_wait3A_93 : memref<16384x32xf32, #tpu.memory_space<vmem_shared>>)
    %dma_wait3A_94 = arith.constant 0 : i32
    %dma_wait3A_95 = arith.constant 0 : i32
    %dma_wait3A_96 = tpu.memref_slice %arg7[%dma_wait3A_94, %dma_wait3A_95] : memref<256x128xi32, #tpu.memory_space<vmem>> -> memref<1x128xi32, #tpu.memory_space<vmem>>
    %dma_wait3A_97 = tpu.memref_squeeze %dma_wait3A_96 : memref<1x128xi32, #tpu.memory_space<vmem>> -> memref<128xi32, #tpu.memory_space<vmem>>
    %dma_wait3A_98 = arith.constant 0 : i32
    %dma_wait3A_99 = arith.constant 0 : i32
    %dma_wait3A_100 = tpu.memref_slice %arg16[%dma_wait3A_98, %dma_wait3A_99] : memref<16384x32xf32, #tpu.memory_space<vmem_shared>> -> memref<16384x32xf32, #tpu.memory_space<vmem_shared>>
    tpu.wait_indirect_dma semaphore(%arg32 : memref<!tpu.dma_semaphore, #tpu.memory_space<semaphore_mem>>) src(%arg15 : memref<128x32xf32, #tpu.memory_space<vmem>>) dst(%dma_wait3A_100 : memref<16384x32xf32, #tpu.memory_space<vmem_shared>>)
    %barrier3A_101 = arith.constant 0 : index
    tpu.barrier barrier_id(%barrier3A_101)
    %mul3A_102 = arith.constant 1024 : i32
    %mul3A_103 = arith.muli %arg1, %mul3A_102 : i32
    %mul3A_104 = arith.constant 16384 : i32
    %mul3A_105 = arith.muli %add3A_3, %mul3A_104 : i32
    %mul3A_106 = arith.constant 1024 : i32
    %mul3A_107 = arith.muli %arg1, %mul3A_106 : i32
    %add3A_108 = arith.addi %mul3A_105, %mul3A_107 : i32
    "tpu.region"() ({
      %run_scoped3A = tpu.sem_alloc : memref<!tpu.dma_semaphore, #tpu.memory_space<semaphore_mem>>
      %dma_start3A_222 = arith.constant 0 : i32
      %dma_start3A_223 = tpu.memref_slice %arg5[%add3A_108, %dma_start3A_222] : memref<65536x32xf32, #tpu.memory_space<hbm>> -> memref<1024x32xf32, #tpu.memory_space<hbm>>
      %dma_start3A_224 = arith.constant 0 : i32
      %dma_start3A_225 = tpu.memref_slice %arg16[%mul3A_103, %dma_start3A_224] : memref<16384x32xf32, #tpu.memory_space<vmem_shared>> -> memref<1024x32xf32, #tpu.memory_space<vmem_shared>>
      tpu.enqueue_dma source(%dma_start3A_225 : memref<1024x32xf32, #tpu.memory_space<vmem_shared>>) target(%dma_start3A_223 : memref<1024x32xf32, #tpu.memory_space<hbm>>) target_semaphore(%run_scoped3A : memref<!tpu.dma_semaphore, #tpu.memory_space<semaphore_mem>>)
      %dma_wait3A_226 = arith.constant 0 : i32
      %dma_wait3A_227 = tpu.memref_slice %arg5[%add3A_108, %dma_wait3A_226] : memref<65536x32xf32, #tpu.memory_space<hbm>> -> memref<1024x32xf32, #tpu.memory_space<hbm>>
      %dma_wait3A_228 = arith.constant 0 : i32
      %dma_wait3A_229 = tpu.memref_slice %arg16[%mul3A_103, %dma_wait3A_228] : memref<16384x32xf32, #tpu.memory_space<vmem_shared>> -> memref<1024x32xf32, #tpu.memory_space<vmem_shared>>
      tpu.wait_dma2 semaphore(%run_scoped3A : memref<!tpu.dma_semaphore, #tpu.memory_space<semaphore_mem>>) src(%dma_wait3A_229 : memref<1024x32xf32, #tpu.memory_space<vmem_shared>>) dst(%dma_wait3A_227 : memref<1024x32xf32, #tpu.memory_space<hbm>>)
      tpu.yield
    }) : () -> ()
    %mul3A_109 = arith.constant 2 : i32
    %mul3A_110 = arith.muli %mul3A_109, %arg0 : i32
    %add3A_111 = arith.constant 1 : i32
    %add3A_112 = arith.addi %mul3A_110, %add3A_111 : i32
    %mul3A_113 = arith.constant 256 : i32
    %mul3A_114 = arith.muli %arg1, %mul3A_113 : i32
    "tpu.region"() ({
      %run_scoped3A = tpu.sem_alloc : memref<!tpu.dma_semaphore, #tpu.memory_space<semaphore_mem>>
      %dma_start3A_222 = arith.constant 0 : i32
      %dma_start3A_223 = tpu.memref_slice %arg3[%add3A_112, %mul3A_114, %dma_start3A_222] : memref<4x4096x128xi32, #tpu.memory_space<hbm>> -> memref<1x256x128xi32, #tpu.memory_space<hbm>>
      %dma_start3A_224 = tpu.memref_squeeze %dma_start3A_223 : memref<1x256x128xi32, #tpu.memory_space<hbm>> -> memref<256x128xi32, #tpu.memory_space<hbm>>
      %dma_start3A_225 = arith.constant 0 : i32
      %dma_start3A_226 = tpu.memref_slice %arg3[%add3A_112, %mul3A_114, %dma_start3A_225] : memref<4x4096x128xi32, #tpu.memory_space<hbm>> -> memref<1x256x128xi32, #tpu.memory_space<hbm>>
      %dma_start3A_227 = tpu.memref_squeeze %dma_start3A_226 : memref<1x256x128xi32, #tpu.memory_space<hbm>> -> memref<256x128xi32, #tpu.memory_space<hbm>>
      tpu.enqueue_dma source(%dma_start3A_227 : memref<256x128xi32, #tpu.memory_space<hbm>>) target(%arg6 : memref<256x128xi32, #tpu.memory_space<vmem>>) target_semaphore(%run_scoped3A : memref<!tpu.dma_semaphore, #tpu.memory_space<semaphore_mem>>)
      %dma_wait3A_228 = arith.constant 0 : i32
      %dma_wait3A_229 = tpu.memref_slice %arg3[%add3A_112, %mul3A_114, %dma_wait3A_228] : memref<4x4096x128xi32, #tpu.memory_space<hbm>> -> memref<1x256x128xi32, #tpu.memory_space<hbm>>
      %dma_wait3A_230 = tpu.memref_squeeze %dma_wait3A_229 : memref<1x256x128xi32, #tpu.memory_space<hbm>> -> memref<256x128xi32, #tpu.memory_space<hbm>>
      %dma_wait3A_231 = arith.constant 0 : i32
      %dma_wait3A_232 = tpu.memref_slice %arg3[%add3A_112, %mul3A_114, %dma_wait3A_231] : memref<4x4096x128xi32, #tpu.memory_space<hbm>> -> memref<1x256x128xi32, #tpu.memory_space<hbm>>
      %dma_wait3A_233 = tpu.memref_squeeze %dma_wait3A_232 : memref<1x256x128xi32, #tpu.memory_space<hbm>> -> memref<256x128xi32, #tpu.memory_space<hbm>>
      tpu.wait_dma2 semaphore(%run_scoped3A : memref<!tpu.dma_semaphore, #tpu.memory_space<semaphore_mem>>) src(%dma_wait3A_233 : memref<256x128xi32, #tpu.memory_space<hbm>>) dst(%arg6 : memref<256x128xi32, #tpu.memory_space<vmem>>)
      tpu.yield
    }) : () -> ()
    %mul3A_115 = arith.constant 16384 : i32
    %mul3A_116 = arith.muli %add3A_112, %mul3A_115 : i32
    %mul3A_117 = arith.constant 1024 : i32
    %mul3A_118 = arith.muli %arg1, %mul3A_117 : i32
    %add3A_119 = arith.addi %mul3A_116, %mul3A_118 : i32
    %mul3A_120 = arith.constant 1024 : i32
    %mul3A_121 = arith.muli %arg1, %mul3A_120 : i32
    "tpu.region"() ({
      %run_scoped3A = tpu.sem_alloc : memref<!tpu.dma_semaphore, #tpu.memory_space<semaphore_mem>>
      %dma_start3A_222 = arith.constant 0 : i32
      %dma_start3A_223 = tpu.memref_slice %arg16[%mul3A_121, %dma_start3A_222] : memref<16384x32xf32, #tpu.memory_space<vmem_shared>> -> memref<1024x32xf32, #tpu.memory_space<vmem_shared>>
      %dma_start3A_224 = arith.constant 0 : i32
      %dma_start3A_225 = tpu.memref_slice %arg2[%add3A_119, %dma_start3A_224] : memref<65536x32xf32, #tpu.memory_space<hbm>> -> memref<1024x32xf32, #tpu.memory_space<hbm>>
      tpu.enqueue_dma source(%dma_start3A_225 : memref<1024x32xf32, #tpu.memory_space<hbm>>) target(%dma_start3A_223 : memref<1024x32xf32, #tpu.memory_space<vmem_shared>>) target_semaphore(%run_scoped3A : memref<!tpu.dma_semaphore, #tpu.memory_space<semaphore_mem>>)
      %dma_wait3A_226 = arith.constant 0 : i32
      %dma_wait3A_227 = tpu.memref_slice %arg16[%mul3A_121, %dma_wait3A_226] : memref<16384x32xf32, #tpu.memory_space<vmem_shared>> -> memref<1024x32xf32, #tpu.memory_space<vmem_shared>>
      %dma_wait3A_228 = arith.constant 0 : i32
      %dma_wait3A_229 = tpu.memref_slice %arg2[%add3A_119, %dma_wait3A_228] : memref<65536x32xf32, #tpu.memory_space<hbm>> -> memref<1024x32xf32, #tpu.memory_space<hbm>>
      tpu.wait_dma2 semaphore(%run_scoped3A : memref<!tpu.dma_semaphore, #tpu.memory_space<semaphore_mem>>) src(%dma_wait3A_229 : memref<1024x32xf32, #tpu.memory_space<hbm>>) dst(%dma_wait3A_227 : memref<1024x32xf32, #tpu.memory_space<vmem_shared>>)
      tpu.yield
    }) : () -> ()
    %barrier3A_122 = arith.constant 0 : index
    tpu.barrier barrier_id(%barrier3A_122)
    %dma_start3A_123 = arith.constant 0 : i32
    %dma_start3A_124 = arith.constant 0 : i32
    %dma_start3A_125 = tpu.memref_slice %arg6[%dma_start3A_123, %dma_start3A_124] : memref<256x128xi32, #tpu.memory_space<vmem>> -> memref<1x128xi32, #tpu.memory_space<vmem>>
    %dma_start3A_126 = tpu.memref_squeeze %dma_start3A_125 : memref<1x128xi32, #tpu.memory_space<vmem>> -> memref<128xi32, #tpu.memory_space<vmem>>
    %dma_start3A_127 = arith.constant 0 : i32
    %dma_start3A_128 = arith.constant 0 : i32
    %dma_start3A_129 = tpu.memref_slice %arg2[%dma_start3A_127, %dma_start3A_128] : memref<65536x32xf32, #tpu.memory_space<hbm>> -> memref<65536x32xf32, #tpu.memory_space<hbm>>
    tpu.enqueue_indirect_dma source(%dma_start3A_129 : memref<65536x32xf32, #tpu.memory_space<hbm>>) target(%arg8 : memref<128x32xf32, #tpu.memory_space<vmem>>) offsets(%dma_start3A_126 : memref<128xi32, #tpu.memory_space<vmem>>) semaphore(%arg17 : memref<!tpu.dma_semaphore, #tpu.memory_space<semaphore_mem>>)
    %dma_start3A_130 = arith.constant 1 : i32
    %dma_start3A_131 = arith.constant 0 : i32
    %dma_start3A_132 = tpu.memref_slice %arg6[%dma_start3A_130, %dma_start3A_131] : memref<256x128xi32, #tpu.memory_space<vmem>> -> memref<1x128xi32, #tpu.memory_space<vmem>>
    %dma_start3A_133 = tpu.memref_squeeze %dma_start3A_132 : memref<1x128xi32, #tpu.memory_space<vmem>> -> memref<128xi32, #tpu.memory_space<vmem>>
    %dma_start3A_134 = arith.constant 0 : i32
    %dma_start3A_135 = arith.constant 0 : i32
    %dma_start3A_136 = tpu.memref_slice %arg2[%dma_start3A_134, %dma_start3A_135] : memref<65536x32xf32, #tpu.memory_space<hbm>> -> memref<65536x32xf32, #tpu.memory_space<hbm>>
    tpu.enqueue_indirect_dma source(%dma_start3A_136 : memref<65536x32xf32, #tpu.memory_space<hbm>>) target(%arg9 : memref<128x32xf32, #tpu.memory_space<vmem>>) offsets(%dma_start3A_133 : memref<128xi32, #tpu.memory_space<vmem>>) semaphore(%arg18 : memref<!tpu.dma_semaphore, #tpu.memory_space<semaphore_mem>>)
    %dma_start3A_137 = arith.constant 2 : i32
    %dma_start3A_138 = arith.constant 0 : i32
    %dma_start3A_139 = tpu.memref_slice %arg6[%dma_start3A_137, %dma_start3A_138] : memref<256x128xi32, #tpu.memory_space<vmem>> -> memref<1x128xi32, #tpu.memory_space<vmem>>
    %dma_start3A_140 = tpu.memref_squeeze %dma_start3A_139 : memref<1x128xi32, #tpu.memory_space<vmem>> -> memref<128xi32, #tpu.memory_space<vmem>>
    %dma_start3A_141 = arith.constant 0 : i32
    %dma_start3A_142 = arith.constant 0 : i32
    %dma_start3A_143 = tpu.memref_slice %arg2[%dma_start3A_141, %dma_start3A_142] : memref<65536x32xf32, #tpu.memory_space<hbm>> -> memref<65536x32xf32, #tpu.memory_space<hbm>>
    tpu.enqueue_indirect_dma source(%dma_start3A_143 : memref<65536x32xf32, #tpu.memory_space<hbm>>) target(%arg10 : memref<128x32xf32, #tpu.memory_space<vmem>>) offsets(%dma_start3A_140 : memref<128xi32, #tpu.memory_space<vmem>>) semaphore(%arg19 : memref<!tpu.dma_semaphore, #tpu.memory_space<semaphore_mem>>)
    %dma_start3A_144 = arith.constant 3 : i32
    %dma_start3A_145 = arith.constant 0 : i32
    %dma_start3A_146 = tpu.memref_slice %arg6[%dma_start3A_144, %dma_start3A_145] : memref<256x128xi32, #tpu.memory_space<vmem>> -> memref<1x128xi32, #tpu.memory_space<vmem>>
    %dma_start3A_147 = tpu.memref_squeeze %dma_start3A_146 : memref<1x128xi32, #tpu.memory_space<vmem>> -> memref<128xi32, #tpu.memory_space<vmem>>
    %dma_start3A_148 = arith.constant 0 : i32
    %dma_start3A_149 = arith.constant 0 : i32
    %dma_start3A_150 = tpu.memref_slice %arg2[%dma_start3A_148, %dma_start3A_149] : memref<65536x32xf32, #tpu.memory_space<hbm>> -> memref<65536x32xf32, #tpu.memory_space<hbm>>
    tpu.enqueue_indirect_dma source(%dma_start3A_150 : memref<65536x32xf32, #tpu.memory_space<hbm>>) target(%arg11 : memref<128x32xf32, #tpu.memory_space<vmem>>) offsets(%dma_start3A_147 : memref<128xi32, #tpu.memory_space<vmem>>) semaphore(%arg20 : memref<!tpu.dma_semaphore, #tpu.memory_space<semaphore_mem>>)
    %scan3A_151 = arith.constant 0 : i32
    %scan3A_152 = arith.constant 0 : i32
    %scan3A_153 = arith.constant 32 : i32
    %scan3A_154 = arith.addi %scan3A_152, %scan3A_153 : i32
    %scan3A_155 = arith.constant 1 : i32
    %scan3A_156 = scf.for %scan3A_222 = %scan3A_152 to %scan3A_154 step %scan3A_155 iter_args(%scan3A_223 = %scan3A_151) -> (i32)  : i32 {
      %mul3A_224 = arith.constant 8 : i32
      %mul3A_225 = arith.muli %mul3A_224, %scan3A_222 : i32
      %add3A_226 = arith.constant 0 : i32
      %add3A_227 = arith.addi %mul3A_225, %add3A_226 : i32
      %dma_wait3A_228 = arith.constant 0 : i32
      %dma_wait3A_229 = tpu.memref_slice %arg6[%add3A_227, %dma_wait3A_228] : memref<256x128xi32, #tpu.memory_space<vmem>> -> memref<1x128xi32, #tpu.memory_space<vmem>>
      %dma_wait3A_230 = tpu.memref_squeeze %dma_wait3A_229 : memref<1x128xi32, #tpu.memory_space<vmem>> -> memref<128xi32, #tpu.memory_space<vmem>>
      %dma_wait3A_231 = arith.constant 0 : i32
      %dma_wait3A_232 = arith.constant 0 : i32
      %dma_wait3A_233 = tpu.memref_slice %arg2[%dma_wait3A_231, %dma_wait3A_232] : memref<65536x32xf32, #tpu.memory_space<hbm>> -> memref<65536x32xf32, #tpu.memory_space<hbm>>
      tpu.wait_indirect_dma semaphore(%arg17 : memref<!tpu.dma_semaphore, #tpu.memory_space<semaphore_mem>>) src(%dma_wait3A_233 : memref<65536x32xf32, #tpu.memory_space<hbm>>) dst(%arg8 : memref<128x32xf32, #tpu.memory_space<vmem>>)
      %dma_start3A_234 = arith.constant 0 : i32
      %dma_start3A_235 = tpu.memref_slice %arg7[%add3A_227, %dma_start3A_234] : memref<256x128xi32, #tpu.memory_space<vmem>> -> memref<1x128xi32, #tpu.memory_space<vmem>>
      %dma_start3A_236 = tpu.memref_squeeze %dma_start3A_235 : memref<1x128xi32, #tpu.memory_space<vmem>> -> memref<128xi32, #tpu.memory_space<vmem>>
      %dma_start3A_237 = arith.constant 0 : i32
      %dma_start3A_238 = arith.constant 0 : i32
      %dma_start3A_239 = tpu.memref_slice %arg16[%dma_start3A_237, %dma_start3A_238] : memref<16384x32xf32, #tpu.memory_space<vmem_shared>> -> memref<16384x32xf32, #tpu.memory_space<vmem_shared>>
      tpu.enqueue_indirect_dma source(%arg8 : memref<128x32xf32, #tpu.memory_space<vmem>>) target(%dma_start3A_239 : memref<16384x32xf32, #tpu.memory_space<vmem_shared>>) offsets(%dma_start3A_236 : memref<128xi32, #tpu.memory_space<vmem>>) semaphore(%arg25 : memref<!tpu.dma_semaphore, #tpu.memory_space<semaphore_mem>>) {add = true}
      %gt3A = arith.constant 0 : i32
      %gt3A_240 = arith.cmpi sgt, %scan3A_222, %gt3A : i32
      %convert_element_type3A = arith.extui %gt3A_240 : i1 to i32
      %cond3A = arith.constant 0 : i32
      %cond3A_241 = arith.cmpi ne, %convert_element_type3A, %cond3A : i32
      scf.if %cond3A_241 {
        %dma_wait3A_477 = arith.constant 0 : i32
        %dma_wait3A_478 = arith.constant 0 : i32
        %dma_wait3A_479 = tpu.memref_slice %arg7[%dma_wait3A_477, %dma_wait3A_478] : memref<256x128xi32, #tpu.memory_space<vmem>> -> memref<1x128xi32, #tpu.memory_space<vmem>>
        %dma_wait3A_480 = tpu.memref_squeeze %dma_wait3A_479 : memref<1x128xi32, #tpu.memory_space<vmem>> -> memref<128xi32, #tpu.memory_space<vmem>>
        %dma_wait3A_481 = arith.constant 0 : i32
        %dma_wait3A_482 = arith.constant 0 : i32
        %dma_wait3A_483 = tpu.memref_slice %arg16[%dma_wait3A_481, %dma_wait3A_482] : memref<16384x32xf32, #tpu.memory_space<vmem_shared>> -> memref<16384x32xf32, #tpu.memory_space<vmem_shared>>
        tpu.wait_indirect_dma semaphore(%arg29 : memref<!tpu.dma_semaphore, #tpu.memory_space<semaphore_mem>>) src(%arg12 : memref<128x32xf32, #tpu.memory_space<vmem>>) dst(%dma_wait3A_483 : memref<16384x32xf32, #tpu.memory_space<vmem_shared>>)
      } else {
      }
      %add3A_242 = arith.constant 4 : i32
      %add3A_243 = arith.addi %add3A_227, %add3A_242 : i32
      %min3A = arith.constant 255 : i32
      %min3A_244 = arith.minsi %add3A_243, %min3A : i32
      %dma_start3A_245 = arith.constant 0 : i32
      %dma_start3A_246 = tpu.memref_slice %arg6[%min3A_244, %dma_start3A_245] : memref<256x128xi32, #tpu.memory_space<vmem>> -> memref<1x128xi32, #tpu.memory_space<vmem>>
      %dma_start3A_247 = tpu.memref_squeeze %dma_start3A_246 : memref<1x128xi32, #tpu.memory_space<vmem>> -> memref<128xi32, #tpu.memory_space<vmem>>
      %dma_start3A_248 = arith.constant 0 : i32
      %dma_start3A_249 = arith.constant 0 : i32
      %dma_start3A_250 = tpu.memref_slice %arg2[%dma_start3A_248, %dma_start3A_249] : memref<65536x32xf32, #tpu.memory_space<hbm>> -> memref<65536x32xf32, #tpu.memory_space<hbm>>
      tpu.enqueue_indirect_dma source(%dma_start3A_250 : memref<65536x32xf32, #tpu.memory_space<hbm>>) target(%arg12 : memref<128x32xf32, #tpu.memory_space<vmem>>) offsets(%dma_start3A_247 : memref<128xi32, #tpu.memory_space<vmem>>) semaphore(%arg21 : memref<!tpu.dma_semaphore, #tpu.memory_space<semaphore_mem>>)
      %mul3A_251 = arith.constant 8 : i32
      %mul3A_252 = arith.muli %mul3A_251, %scan3A_222 : i32
      %add3A_253 = arith.constant 1 : i32
      %add3A_254 = arith.addi %mul3A_252, %add3A_253 : i32
      %dma_wait3A_255 = arith.constant 0 : i32
      %dma_wait3A_256 = tpu.memref_slice %arg6[%add3A_254, %dma_wait3A_255] : memref<256x128xi32, #tpu.memory_space<vmem>> -> memref<1x128xi32, #tpu.memory_space<vmem>>
      %dma_wait3A_257 = tpu.memref_squeeze %dma_wait3A_256 : memref<1x128xi32, #tpu.memory_space<vmem>> -> memref<128xi32, #tpu.memory_space<vmem>>
      %dma_wait3A_258 = arith.constant 0 : i32
      %dma_wait3A_259 = arith.constant 0 : i32
      %dma_wait3A_260 = tpu.memref_slice %arg2[%dma_wait3A_258, %dma_wait3A_259] : memref<65536x32xf32, #tpu.memory_space<hbm>> -> memref<65536x32xf32, #tpu.memory_space<hbm>>
      tpu.wait_indirect_dma semaphore(%arg18 : memref<!tpu.dma_semaphore, #tpu.memory_space<semaphore_mem>>) src(%dma_wait3A_260 : memref<65536x32xf32, #tpu.memory_space<hbm>>) dst(%arg9 : memref<128x32xf32, #tpu.memory_space<vmem>>)
      %dma_start3A_261 = arith.constant 0 : i32
      %dma_start3A_262 = tpu.memref_slice %arg7[%add3A_254, %dma_start3A_261] : memref<256x128xi32, #tpu.memory_space<vmem>> -> memref<1x128xi32, #tpu.memory_space<vmem>>
      %dma_start3A_263 = tpu.memref_squeeze %dma_start3A_262 : memref<1x128xi32, #tpu.memory_space<vmem>> -> memref<128xi32, #tpu.memory_space<vmem>>
      %dma_start3A_264 = arith.constant 0 : i32
      %dma_start3A_265 = arith.constant 0 : i32
      %dma_start3A_266 = tpu.memref_slice %arg16[%dma_start3A_264, %dma_start3A_265] : memref<16384x32xf32, #tpu.memory_space<vmem_shared>> -> memref<16384x32xf32, #tpu.memory_space<vmem_shared>>
      tpu.enqueue_indirect_dma source(%arg9 : memref<128x32xf32, #tpu.memory_space<vmem>>) target(%dma_start3A_266 : memref<16384x32xf32, #tpu.memory_space<vmem_shared>>) offsets(%dma_start3A_263 : memref<128xi32, #tpu.memory_space<vmem>>) semaphore(%arg26 : memref<!tpu.dma_semaphore, #tpu.memory_space<semaphore_mem>>) {add = true}
      %gt3A_267 = arith.constant 0 : i32
      %gt3A_268 = arith.cmpi sgt, %scan3A_222, %gt3A_267 : i32
      %convert_element_type3A_269 = arith.extui %gt3A_268 : i1 to i32
      %cond3A_270 = arith.constant 0 : i32
      %cond3A_271 = arith.cmpi ne, %convert_element_type3A_269, %cond3A_270 : i32
      scf.if %cond3A_271 {
        %dma_wait3A_477 = arith.constant 0 : i32
        %dma_wait3A_478 = arith.constant 0 : i32
        %dma_wait3A_479 = tpu.memref_slice %arg7[%dma_wait3A_477, %dma_wait3A_478] : memref<256x128xi32, #tpu.memory_space<vmem>> -> memref<1x128xi32, #tpu.memory_space<vmem>>
        %dma_wait3A_480 = tpu.memref_squeeze %dma_wait3A_479 : memref<1x128xi32, #tpu.memory_space<vmem>> -> memref<128xi32, #tpu.memory_space<vmem>>
        %dma_wait3A_481 = arith.constant 0 : i32
        %dma_wait3A_482 = arith.constant 0 : i32
        %dma_wait3A_483 = tpu.memref_slice %arg16[%dma_wait3A_481, %dma_wait3A_482] : memref<16384x32xf32, #tpu.memory_space<vmem_shared>> -> memref<16384x32xf32, #tpu.memory_space<vmem_shared>>
        tpu.wait_indirect_dma semaphore(%arg30 : memref<!tpu.dma_semaphore, #tpu.memory_space<semaphore_mem>>) src(%arg13 : memref<128x32xf32, #tpu.memory_space<vmem>>) dst(%dma_wait3A_483 : memref<16384x32xf32, #tpu.memory_space<vmem_shared>>)
      } else {
      }
      %add3A_272 = arith.constant 4 : i32
      %add3A_273 = arith.addi %add3A_254, %add3A_272 : i32
      %min3A_274 = arith.constant 255 : i32
      %min3A_275 = arith.minsi %add3A_273, %min3A_274 : i32
      %dma_start3A_276 = arith.constant 0 : i32
      %dma_start3A_277 = tpu.memref_slice %arg6[%min3A_275, %dma_start3A_276] : memref<256x128xi32, #tpu.memory_space<vmem>> -> memref<1x128xi32, #tpu.memory_space<vmem>>
      %dma_start3A_278 = tpu.memref_squeeze %dma_start3A_277 : memref<1x128xi32, #tpu.memory_space<vmem>> -> memref<128xi32, #tpu.memory_space<vmem>>
      %dma_start3A_279 = arith.constant 0 : i32
      %dma_start3A_280 = arith.constant 0 : i32
      %dma_start3A_281 = tpu.memref_slice %arg2[%dma_start3A_279, %dma_start3A_280] : memref<65536x32xf32, #tpu.memory_space<hbm>> -> memref<65536x32xf32, #tpu.memory_space<hbm>>
      tpu.enqueue_indirect_dma source(%dma_start3A_281 : memref<65536x32xf32, #tpu.memory_space<hbm>>) target(%arg13 : memref<128x32xf32, #tpu.memory_space<vmem>>) offsets(%dma_start3A_278 : memref<128xi32, #tpu.memory_space<vmem>>) semaphore(%arg22 : memref<!tpu.dma_semaphore, #tpu.memory_space<semaphore_mem>>)
      %mul3A_282 = arith.constant 8 : i32
      %mul3A_283 = arith.muli %mul3A_282, %scan3A_222 : i32
      %add3A_284 = arith.constant 2 : i32
      %add3A_285 = arith.addi %mul3A_283, %add3A_284 : i32
      %dma_wait3A_286 = arith.constant 0 : i32
      %dma_wait3A_287 = tpu.memref_slice %arg6[%add3A_285, %dma_wait3A_286] : memref<256x128xi32, #tpu.memory_space<vmem>> -> memref<1x128xi32, #tpu.memory_space<vmem>>
      %dma_wait3A_288 = tpu.memref_squeeze %dma_wait3A_287 : memref<1x128xi32, #tpu.memory_space<vmem>> -> memref<128xi32, #tpu.memory_space<vmem>>
      %dma_wait3A_289 = arith.constant 0 : i32
      %dma_wait3A_290 = arith.constant 0 : i32
      %dma_wait3A_291 = tpu.memref_slice %arg2[%dma_wait3A_289, %dma_wait3A_290] : memref<65536x32xf32, #tpu.memory_space<hbm>> -> memref<65536x32xf32, #tpu.memory_space<hbm>>
      tpu.wait_indirect_dma semaphore(%arg19 : memref<!tpu.dma_semaphore, #tpu.memory_space<semaphore_mem>>) src(%dma_wait3A_291 : memref<65536x32xf32, #tpu.memory_space<hbm>>) dst(%arg10 : memref<128x32xf32, #tpu.memory_space<vmem>>)
      %dma_start3A_292 = arith.constant 0 : i32
      %dma_start3A_293 = tpu.memref_slice %arg7[%add3A_285, %dma_start3A_292] : memref<256x128xi32, #tpu.memory_space<vmem>> -> memref<1x128xi32, #tpu.memory_space<vmem>>
      %dma_start3A_294 = tpu.memref_squeeze %dma_start3A_293 : memref<1x128xi32, #tpu.memory_space<vmem>> -> memref<128xi32, #tpu.memory_space<vmem>>
      %dma_start3A_295 = arith.constant 0 : i32
      %dma_start3A_296 = arith.constant 0 : i32
      %dma_start3A_297 = tpu.memref_slice %arg16[%dma_start3A_295, %dma_start3A_296] : memref<16384x32xf32, #tpu.memory_space<vmem_shared>> -> memref<16384x32xf32, #tpu.memory_space<vmem_shared>>
      tpu.enqueue_indirect_dma source(%arg10 : memref<128x32xf32, #tpu.memory_space<vmem>>) target(%dma_start3A_297 : memref<16384x32xf32, #tpu.memory_space<vmem_shared>>) offsets(%dma_start3A_294 : memref<128xi32, #tpu.memory_space<vmem>>) semaphore(%arg27 : memref<!tpu.dma_semaphore, #tpu.memory_space<semaphore_mem>>) {add = true}
      %gt3A_298 = arith.constant 0 : i32
      %gt3A_299 = arith.cmpi sgt, %scan3A_222, %gt3A_298 : i32
      %convert_element_type3A_300 = arith.extui %gt3A_299 : i1 to i32
      %cond3A_301 = arith.constant 0 : i32
      %cond3A_302 = arith.cmpi ne, %convert_element_type3A_300, %cond3A_301 : i32
      scf.if %cond3A_302 {
        %dma_wait3A_477 = arith.constant 0 : i32
        %dma_wait3A_478 = arith.constant 0 : i32
        %dma_wait3A_479 = tpu.memref_slice %arg7[%dma_wait3A_477, %dma_wait3A_478] : memref<256x128xi32, #tpu.memory_space<vmem>> -> memref<1x128xi32, #tpu.memory_space<vmem>>
        %dma_wait3A_480 = tpu.memref_squeeze %dma_wait3A_479 : memref<1x128xi32, #tpu.memory_space<vmem>> -> memref<128xi32, #tpu.memory_space<vmem>>
        %dma_wait3A_481 = arith.constant 0 : i32
        %dma_wait3A_482 = arith.constant 0 : i32
        %dma_wait3A_483 = tpu.memref_slice %arg16[%dma_wait3A_481, %dma_wait3A_482] : memref<16384x32xf32, #tpu.memory_space<vmem_shared>> -> memref<16384x32xf32, #tpu.memory_space<vmem_shared>>
        tpu.wait_indirect_dma semaphore(%arg31 : memref<!tpu.dma_semaphore, #tpu.memory_space<semaphore_mem>>) src(%arg14 : memref<128x32xf32, #tpu.memory_space<vmem>>) dst(%dma_wait3A_483 : memref<16384x32xf32, #tpu.memory_space<vmem_shared>>)
      } else {
      }
      %add3A_303 = arith.constant 4 : i32
      %add3A_304 = arith.addi %add3A_285, %add3A_303 : i32
      %min3A_305 = arith.constant 255 : i32
      %min3A_306 = arith.minsi %add3A_304, %min3A_305 : i32
      %dma_start3A_307 = arith.constant 0 : i32
      %dma_start3A_308 = tpu.memref_slice %arg6[%min3A_306, %dma_start3A_307] : memref<256x128xi32, #tpu.memory_space<vmem>> -> memref<1x128xi32, #tpu.memory_space<vmem>>
      %dma_start3A_309 = tpu.memref_squeeze %dma_start3A_308 : memref<1x128xi32, #tpu.memory_space<vmem>> -> memref<128xi32, #tpu.memory_space<vmem>>
      %dma_start3A_310 = arith.constant 0 : i32
      %dma_start3A_311 = arith.constant 0 : i32
      %dma_start3A_312 = tpu.memref_slice %arg2[%dma_start3A_310, %dma_start3A_311] : memref<65536x32xf32, #tpu.memory_space<hbm>> -> memref<65536x32xf32, #tpu.memory_space<hbm>>
      tpu.enqueue_indirect_dma source(%dma_start3A_312 : memref<65536x32xf32, #tpu.memory_space<hbm>>) target(%arg14 : memref<128x32xf32, #tpu.memory_space<vmem>>) offsets(%dma_start3A_309 : memref<128xi32, #tpu.memory_space<vmem>>) semaphore(%arg23 : memref<!tpu.dma_semaphore, #tpu.memory_space<semaphore_mem>>)
      %mul3A_313 = arith.constant 8 : i32
      %mul3A_314 = arith.muli %mul3A_313, %scan3A_222 : i32
      %add3A_315 = arith.constant 3 : i32
      %add3A_316 = arith.addi %mul3A_314, %add3A_315 : i32
      %dma_wait3A_317 = arith.constant 0 : i32
      %dma_wait3A_318 = tpu.memref_slice %arg6[%add3A_316, %dma_wait3A_317] : memref<256x128xi32, #tpu.memory_space<vmem>> -> memref<1x128xi32, #tpu.memory_space<vmem>>
      %dma_wait3A_319 = tpu.memref_squeeze %dma_wait3A_318 : memref<1x128xi32, #tpu.memory_space<vmem>> -> memref<128xi32, #tpu.memory_space<vmem>>
      %dma_wait3A_320 = arith.constant 0 : i32
      %dma_wait3A_321 = arith.constant 0 : i32
      %dma_wait3A_322 = tpu.memref_slice %arg2[%dma_wait3A_320, %dma_wait3A_321] : memref<65536x32xf32, #tpu.memory_space<hbm>> -> memref<65536x32xf32, #tpu.memory_space<hbm>>
      tpu.wait_indirect_dma semaphore(%arg20 : memref<!tpu.dma_semaphore, #tpu.memory_space<semaphore_mem>>) src(%dma_wait3A_322 : memref<65536x32xf32, #tpu.memory_space<hbm>>) dst(%arg11 : memref<128x32xf32, #tpu.memory_space<vmem>>)
      %dma_start3A_323 = arith.constant 0 : i32
      %dma_start3A_324 = tpu.memref_slice %arg7[%add3A_316, %dma_start3A_323] : memref<256x128xi32, #tpu.memory_space<vmem>> -> memref<1x128xi32, #tpu.memory_space<vmem>>
      %dma_start3A_325 = tpu.memref_squeeze %dma_start3A_324 : memref<1x128xi32, #tpu.memory_space<vmem>> -> memref<128xi32, #tpu.memory_space<vmem>>
      %dma_start3A_326 = arith.constant 0 : i32
      %dma_start3A_327 = arith.constant 0 : i32
      %dma_start3A_328 = tpu.memref_slice %arg16[%dma_start3A_326, %dma_start3A_327] : memref<16384x32xf32, #tpu.memory_space<vmem_shared>> -> memref<16384x32xf32, #tpu.memory_space<vmem_shared>>
      tpu.enqueue_indirect_dma source(%arg11 : memref<128x32xf32, #tpu.memory_space<vmem>>) target(%dma_start3A_328 : memref<16384x32xf32, #tpu.memory_space<vmem_shared>>) offsets(%dma_start3A_325 : memref<128xi32, #tpu.memory_space<vmem>>) semaphore(%arg28 : memref<!tpu.dma_semaphore, #tpu.memory_space<semaphore_mem>>) {add = true}
      %gt3A_329 = arith.constant 0 : i32
      %gt3A_330 = arith.cmpi sgt, %scan3A_222, %gt3A_329 : i32
      %convert_element_type3A_331 = arith.extui %gt3A_330 : i1 to i32
      %cond3A_332 = arith.constant 0 : i32
      %cond3A_333 = arith.cmpi ne, %convert_element_type3A_331, %cond3A_332 : i32
      scf.if %cond3A_333 {
        %dma_wait3A_477 = arith.constant 0 : i32
        %dma_wait3A_478 = arith.constant 0 : i32
        %dma_wait3A_479 = tpu.memref_slice %arg7[%dma_wait3A_477, %dma_wait3A_478] : memref<256x128xi32, #tpu.memory_space<vmem>> -> memref<1x128xi32, #tpu.memory_space<vmem>>
        %dma_wait3A_480 = tpu.memref_squeeze %dma_wait3A_479 : memref<1x128xi32, #tpu.memory_space<vmem>> -> memref<128xi32, #tpu.memory_space<vmem>>
        %dma_wait3A_481 = arith.constant 0 : i32
        %dma_wait3A_482 = arith.constant 0 : i32
        %dma_wait3A_483 = tpu.memref_slice %arg16[%dma_wait3A_481, %dma_wait3A_482] : memref<16384x32xf32, #tpu.memory_space<vmem_shared>> -> memref<16384x32xf32, #tpu.memory_space<vmem_shared>>
        tpu.wait_indirect_dma semaphore(%arg32 : memref<!tpu.dma_semaphore, #tpu.memory_space<semaphore_mem>>) src(%arg15 : memref<128x32xf32, #tpu.memory_space<vmem>>) dst(%dma_wait3A_483 : memref<16384x32xf32, #tpu.memory_space<vmem_shared>>)
      } else {
      }
      %add3A_334 = arith.constant 4 : i32
      %add3A_335 = arith.addi %add3A_316, %add3A_334 : i32
      %min3A_336 = arith.constant 255 : i32
      %min3A_337 = arith.minsi %add3A_335, %min3A_336 : i32
      %dma_start3A_338 = arith.constant 0 : i32
      %dma_start3A_339 = tpu.memref_slice %arg6[%min3A_337, %dma_start3A_338] : memref<256x128xi32, #tpu.memory_space<vmem>> -> memref<1x128xi32, #tpu.memory_space<vmem>>
      %dma_start3A_340 = tpu.memref_squeeze %dma_start3A_339 : memref<1x128xi32, #tpu.memory_space<vmem>> -> memref<128xi32, #tpu.memory_space<vmem>>
      %dma_start3A_341 = arith.constant 0 : i32
      %dma_start3A_342 = arith.constant 0 : i32
      %dma_start3A_343 = tpu.memref_slice %arg2[%dma_start3A_341, %dma_start3A_342] : memref<65536x32xf32, #tpu.memory_space<hbm>> -> memref<65536x32xf32, #tpu.memory_space<hbm>>
      tpu.enqueue_indirect_dma source(%dma_start3A_343 : memref<65536x32xf32, #tpu.memory_space<hbm>>) target(%arg15 : memref<128x32xf32, #tpu.memory_space<vmem>>) offsets(%dma_start3A_340 : memref<128xi32, #tpu.memory_space<vmem>>) semaphore(%arg24 : memref<!tpu.dma_semaphore, #tpu.memory_space<semaphore_mem>>)
      %mul3A_344 = arith.constant 8 : i32
      %mul3A_345 = arith.muli %mul3A_344, %scan3A_222 : i32
      %add3A_346 = arith.constant 4 : i32
      %add3A_347 = arith.addi %mul3A_345, %add3A_346 : i32
      %dma_wait3A_348 = arith.constant 0 : i32
      %dma_wait3A_349 = tpu.memref_slice %arg6[%add3A_347, %dma_wait3A_348] : memref<256x128xi32, #tpu.memory_space<vmem>> -> memref<1x128xi32, #tpu.memory_space<vmem>>
      %dma_wait3A_350 = tpu.memref_squeeze %dma_wait3A_349 : memref<1x128xi32, #tpu.memory_space<vmem>> -> memref<128xi32, #tpu.memory_space<vmem>>
      %dma_wait3A_351 = arith.constant 0 : i32
      %dma_wait3A_352 = arith.constant 0 : i32
      %dma_wait3A_353 = tpu.memref_slice %arg2[%dma_wait3A_351, %dma_wait3A_352] : memref<65536x32xf32, #tpu.memory_space<hbm>> -> memref<65536x32xf32, #tpu.memory_space<hbm>>
      tpu.wait_indirect_dma semaphore(%arg21 : memref<!tpu.dma_semaphore, #tpu.memory_space<semaphore_mem>>) src(%dma_wait3A_353 : memref<65536x32xf32, #tpu.memory_space<hbm>>) dst(%arg12 : memref<128x32xf32, #tpu.memory_space<vmem>>)
      %dma_start3A_354 = arith.constant 0 : i32
      %dma_start3A_355 = tpu.memref_slice %arg7[%add3A_347, %dma_start3A_354] : memref<256x128xi32, #tpu.memory_space<vmem>> -> memref<1x128xi32, #tpu.memory_space<vmem>>
      %dma_start3A_356 = tpu.memref_squeeze %dma_start3A_355 : memref<1x128xi32, #tpu.memory_space<vmem>> -> memref<128xi32, #tpu.memory_space<vmem>>
      %dma_start3A_357 = arith.constant 0 : i32
      %dma_start3A_358 = arith.constant 0 : i32
      %dma_start3A_359 = tpu.memref_slice %arg16[%dma_start3A_357, %dma_start3A_358] : memref<16384x32xf32, #tpu.memory_space<vmem_shared>> -> memref<16384x32xf32, #tpu.memory_space<vmem_shared>>
      tpu.enqueue_indirect_dma source(%arg12 : memref<128x32xf32, #tpu.memory_space<vmem>>) target(%dma_start3A_359 : memref<16384x32xf32, #tpu.memory_space<vmem_shared>>) offsets(%dma_start3A_356 : memref<128xi32, #tpu.memory_space<vmem>>) semaphore(%arg29 : memref<!tpu.dma_semaphore, #tpu.memory_space<semaphore_mem>>) {add = true}
      %dma_wait3A_360 = arith.constant 0 : i32
      %dma_wait3A_361 = arith.constant 0 : i32
      %dma_wait3A_362 = tpu.memref_slice %arg7[%dma_wait3A_360, %dma_wait3A_361] : memref<256x128xi32, #tpu.memory_space<vmem>> -> memref<1x128xi32, #tpu.memory_space<vmem>>
      %dma_wait3A_363 = tpu.memref_squeeze %dma_wait3A_362 : memref<1x128xi32, #tpu.memory_space<vmem>> -> memref<128xi32, #tpu.memory_space<vmem>>
      %dma_wait3A_364 = arith.constant 0 : i32
      %dma_wait3A_365 = arith.constant 0 : i32
      %dma_wait3A_366 = tpu.memref_slice %arg16[%dma_wait3A_364, %dma_wait3A_365] : memref<16384x32xf32, #tpu.memory_space<vmem_shared>> -> memref<16384x32xf32, #tpu.memory_space<vmem_shared>>
      tpu.wait_indirect_dma semaphore(%arg25 : memref<!tpu.dma_semaphore, #tpu.memory_space<semaphore_mem>>) src(%arg8 : memref<128x32xf32, #tpu.memory_space<vmem>>) dst(%dma_wait3A_366 : memref<16384x32xf32, #tpu.memory_space<vmem_shared>>)
      %add3A_367 = arith.constant 4 : i32
      %add3A_368 = arith.addi %add3A_347, %add3A_367 : i32
      %min3A_369 = arith.constant 255 : i32
      %min3A_370 = arith.minsi %add3A_368, %min3A_369 : i32
      %dma_start3A_371 = arith.constant 0 : i32
      %dma_start3A_372 = tpu.memref_slice %arg6[%min3A_370, %dma_start3A_371] : memref<256x128xi32, #tpu.memory_space<vmem>> -> memref<1x128xi32, #tpu.memory_space<vmem>>
      %dma_start3A_373 = tpu.memref_squeeze %dma_start3A_372 : memref<1x128xi32, #tpu.memory_space<vmem>> -> memref<128xi32, #tpu.memory_space<vmem>>
      %dma_start3A_374 = arith.constant 0 : i32
      %dma_start3A_375 = arith.constant 0 : i32
      %dma_start3A_376 = tpu.memref_slice %arg2[%dma_start3A_374, %dma_start3A_375] : memref<65536x32xf32, #tpu.memory_space<hbm>> -> memref<65536x32xf32, #tpu.memory_space<hbm>>
      tpu.enqueue_indirect_dma source(%dma_start3A_376 : memref<65536x32xf32, #tpu.memory_space<hbm>>) target(%arg8 : memref<128x32xf32, #tpu.memory_space<vmem>>) offsets(%dma_start3A_373 : memref<128xi32, #tpu.memory_space<vmem>>) semaphore(%arg17 : memref<!tpu.dma_semaphore, #tpu.memory_space<semaphore_mem>>)
      %mul3A_377 = arith.constant 8 : i32
      %mul3A_378 = arith.muli %mul3A_377, %scan3A_222 : i32
      %add3A_379 = arith.constant 5 : i32
      %add3A_380 = arith.addi %mul3A_378, %add3A_379 : i32
      %dma_wait3A_381 = arith.constant 0 : i32
      %dma_wait3A_382 = tpu.memref_slice %arg6[%add3A_380, %dma_wait3A_381] : memref<256x128xi32, #tpu.memory_space<vmem>> -> memref<1x128xi32, #tpu.memory_space<vmem>>
      %dma_wait3A_383 = tpu.memref_squeeze %dma_wait3A_382 : memref<1x128xi32, #tpu.memory_space<vmem>> -> memref<128xi32, #tpu.memory_space<vmem>>
      %dma_wait3A_384 = arith.constant 0 : i32
      %dma_wait3A_385 = arith.constant 0 : i32
      %dma_wait3A_386 = tpu.memref_slice %arg2[%dma_wait3A_384, %dma_wait3A_385] : memref<65536x32xf32, #tpu.memory_space<hbm>> -> memref<65536x32xf32, #tpu.memory_space<hbm>>
      tpu.wait_indirect_dma semaphore(%arg22 : memref<!tpu.dma_semaphore, #tpu.memory_space<semaphore_mem>>) src(%dma_wait3A_386 : memref<65536x32xf32, #tpu.memory_space<hbm>>) dst(%arg13 : memref<128x32xf32, #tpu.memory_space<vmem>>)
      %dma_start3A_387 = arith.constant 0 : i32
      %dma_start3A_388 = tpu.memref_slice %arg7[%add3A_380, %dma_start3A_387] : memref<256x128xi32, #tpu.memory_space<vmem>> -> memref<1x128xi32, #tpu.memory_space<vmem>>
      %dma_start3A_389 = tpu.memref_squeeze %dma_start3A_388 : memref<1x128xi32, #tpu.memory_space<vmem>> -> memref<128xi32, #tpu.memory_space<vmem>>
      %dma_start3A_390 = arith.constant 0 : i32
      %dma_start3A_391 = arith.constant 0 : i32
      %dma_start3A_392 = tpu.memref_slice %arg16[%dma_start3A_390, %dma_start3A_391] : memref<16384x32xf32, #tpu.memory_space<vmem_shared>> -> memref<16384x32xf32, #tpu.memory_space<vmem_shared>>
      tpu.enqueue_indirect_dma source(%arg13 : memref<128x32xf32, #tpu.memory_space<vmem>>) target(%dma_start3A_392 : memref<16384x32xf32, #tpu.memory_space<vmem_shared>>) offsets(%dma_start3A_389 : memref<128xi32, #tpu.memory_space<vmem>>) semaphore(%arg30 : memref<!tpu.dma_semaphore, #tpu.memory_space<semaphore_mem>>) {add = true}
      %dma_wait3A_393 = arith.constant 0 : i32
      %dma_wait3A_394 = arith.constant 0 : i32
      %dma_wait3A_395 = tpu.memref_slice %arg7[%dma_wait3A_393, %dma_wait3A_394] : memref<256x128xi32, #tpu.memory_space<vmem>> -> memref<1x128xi32, #tpu.memory_space<vmem>>
      %dma_wait3A_396 = tpu.memref_squeeze %dma_wait3A_395 : memref<1x128xi32, #tpu.memory_space<vmem>> -> memref<128xi32, #tpu.memory_space<vmem>>
      %dma_wait3A_397 = arith.constant 0 : i32
      %dma_wait3A_398 = arith.constant 0 : i32
      %dma_wait3A_399 = tpu.memref_slice %arg16[%dma_wait3A_397, %dma_wait3A_398] : memref<16384x32xf32, #tpu.memory_space<vmem_shared>> -> memref<16384x32xf32, #tpu.memory_space<vmem_shared>>
      tpu.wait_indirect_dma semaphore(%arg26 : memref<!tpu.dma_semaphore, #tpu.memory_space<semaphore_mem>>) src(%arg9 : memref<128x32xf32, #tpu.memory_space<vmem>>) dst(%dma_wait3A_399 : memref<16384x32xf32, #tpu.memory_space<vmem_shared>>)
      %add3A_400 = arith.constant 4 : i32
      %add3A_401 = arith.addi %add3A_380, %add3A_400 : i32
      %min3A_402 = arith.constant 255 : i32
      %min3A_403 = arith.minsi %add3A_401, %min3A_402 : i32
      %dma_start3A_404 = arith.constant 0 : i32
      %dma_start3A_405 = tpu.memref_slice %arg6[%min3A_403, %dma_start3A_404] : memref<256x128xi32, #tpu.memory_space<vmem>> -> memref<1x128xi32, #tpu.memory_space<vmem>>
      %dma_start3A_406 = tpu.memref_squeeze %dma_start3A_405 : memref<1x128xi32, #tpu.memory_space<vmem>> -> memref<128xi32, #tpu.memory_space<vmem>>
      %dma_start3A_407 = arith.constant 0 : i32
      %dma_start3A_408 = arith.constant 0 : i32
      %dma_start3A_409 = tpu.memref_slice %arg2[%dma_start3A_407, %dma_start3A_408] : memref<65536x32xf32, #tpu.memory_space<hbm>> -> memref<65536x32xf32, #tpu.memory_space<hbm>>
      tpu.enqueue_indirect_dma source(%dma_start3A_409 : memref<65536x32xf32, #tpu.memory_space<hbm>>) target(%arg9 : memref<128x32xf32, #tpu.memory_space<vmem>>) offsets(%dma_start3A_406 : memref<128xi32, #tpu.memory_space<vmem>>) semaphore(%arg18 : memref<!tpu.dma_semaphore, #tpu.memory_space<semaphore_mem>>)
      %mul3A_410 = arith.constant 8 : i32
      %mul3A_411 = arith.muli %mul3A_410, %scan3A_222 : i32
      %add3A_412 = arith.constant 6 : i32
      %add3A_413 = arith.addi %mul3A_411, %add3A_412 : i32
      %dma_wait3A_414 = arith.constant 0 : i32
      %dma_wait3A_415 = tpu.memref_slice %arg6[%add3A_413, %dma_wait3A_414] : memref<256x128xi32, #tpu.memory_space<vmem>> -> memref<1x128xi32, #tpu.memory_space<vmem>>
      %dma_wait3A_416 = tpu.memref_squeeze %dma_wait3A_415 : memref<1x128xi32, #tpu.memory_space<vmem>> -> memref<128xi32, #tpu.memory_space<vmem>>
      %dma_wait3A_417 = arith.constant 0 : i32
      %dma_wait3A_418 = arith.constant 0 : i32
      %dma_wait3A_419 = tpu.memref_slice %arg2[%dma_wait3A_417, %dma_wait3A_418] : memref<65536x32xf32, #tpu.memory_space<hbm>> -> memref<65536x32xf32, #tpu.memory_space<hbm>>
      tpu.wait_indirect_dma semaphore(%arg23 : memref<!tpu.dma_semaphore, #tpu.memory_space<semaphore_mem>>) src(%dma_wait3A_419 : memref<65536x32xf32, #tpu.memory_space<hbm>>) dst(%arg14 : memref<128x32xf32, #tpu.memory_space<vmem>>)
      %dma_start3A_420 = arith.constant 0 : i32
      %dma_start3A_421 = tpu.memref_slice %arg7[%add3A_413, %dma_start3A_420] : memref<256x128xi32, #tpu.memory_space<vmem>> -> memref<1x128xi32, #tpu.memory_space<vmem>>
      %dma_start3A_422 = tpu.memref_squeeze %dma_start3A_421 : memref<1x128xi32, #tpu.memory_space<vmem>> -> memref<128xi32, #tpu.memory_space<vmem>>
      %dma_start3A_423 = arith.constant 0 : i32
      %dma_start3A_424 = arith.constant 0 : i32
      %dma_start3A_425 = tpu.memref_slice %arg16[%dma_start3A_423, %dma_start3A_424] : memref<16384x32xf32, #tpu.memory_space<vmem_shared>> -> memref<16384x32xf32, #tpu.memory_space<vmem_shared>>
      tpu.enqueue_indirect_dma source(%arg14 : memref<128x32xf32, #tpu.memory_space<vmem>>) target(%dma_start3A_425 : memref<16384x32xf32, #tpu.memory_space<vmem_shared>>) offsets(%dma_start3A_422 : memref<128xi32, #tpu.memory_space<vmem>>) semaphore(%arg31 : memref<!tpu.dma_semaphore, #tpu.memory_space<semaphore_mem>>) {add = true}
      %dma_wait3A_426 = arith.constant 0 : i32
      %dma_wait3A_427 = arith.constant 0 : i32
      %dma_wait3A_428 = tpu.memref_slice %arg7[%dma_wait3A_426, %dma_wait3A_427] : memref<256x128xi32, #tpu.memory_space<vmem>> -> memref<1x128xi32, #tpu.memory_space<vmem>>
      %dma_wait3A_429 = tpu.memref_squeeze %dma_wait3A_428 : memref<1x128xi32, #tpu.memory_space<vmem>> -> memref<128xi32, #tpu.memory_space<vmem>>
      %dma_wait3A_430 = arith.constant 0 : i32
      %dma_wait3A_431 = arith.constant 0 : i32
      %dma_wait3A_432 = tpu.memref_slice %arg16[%dma_wait3A_430, %dma_wait3A_431] : memref<16384x32xf32, #tpu.memory_space<vmem_shared>> -> memref<16384x32xf32, #tpu.memory_space<vmem_shared>>
      tpu.wait_indirect_dma semaphore(%arg27 : memref<!tpu.dma_semaphore, #tpu.memory_space<semaphore_mem>>) src(%arg10 : memref<128x32xf32, #tpu.memory_space<vmem>>) dst(%dma_wait3A_432 : memref<16384x32xf32, #tpu.memory_space<vmem_shared>>)
      %add3A_433 = arith.constant 4 : i32
      %add3A_434 = arith.addi %add3A_413, %add3A_433 : i32
      %min3A_435 = arith.constant 255 : i32
      %min3A_436 = arith.minsi %add3A_434, %min3A_435 : i32
      %dma_start3A_437 = arith.constant 0 : i32
      %dma_start3A_438 = tpu.memref_slice %arg6[%min3A_436, %dma_start3A_437] : memref<256x128xi32, #tpu.memory_space<vmem>> -> memref<1x128xi32, #tpu.memory_space<vmem>>
      %dma_start3A_439 = tpu.memref_squeeze %dma_start3A_438 : memref<1x128xi32, #tpu.memory_space<vmem>> -> memref<128xi32, #tpu.memory_space<vmem>>
      %dma_start3A_440 = arith.constant 0 : i32
      %dma_start3A_441 = arith.constant 0 : i32
      %dma_start3A_442 = tpu.memref_slice %arg2[%dma_start3A_440, %dma_start3A_441] : memref<65536x32xf32, #tpu.memory_space<hbm>> -> memref<65536x32xf32, #tpu.memory_space<hbm>>
      tpu.enqueue_indirect_dma source(%dma_start3A_442 : memref<65536x32xf32, #tpu.memory_space<hbm>>) target(%arg10 : memref<128x32xf32, #tpu.memory_space<vmem>>) offsets(%dma_start3A_439 : memref<128xi32, #tpu.memory_space<vmem>>) semaphore(%arg19 : memref<!tpu.dma_semaphore, #tpu.memory_space<semaphore_mem>>)
      %mul3A_443 = arith.constant 8 : i32
      %mul3A_444 = arith.muli %mul3A_443, %scan3A_222 : i32
      %add3A_445 = arith.constant 7 : i32
      %add3A_446 = arith.addi %mul3A_444, %add3A_445 : i32
      %dma_wait3A_447 = arith.constant 0 : i32
      %dma_wait3A_448 = tpu.memref_slice %arg6[%add3A_446, %dma_wait3A_447] : memref<256x128xi32, #tpu.memory_space<vmem>> -> memref<1x128xi32, #tpu.memory_space<vmem>>
      %dma_wait3A_449 = tpu.memref_squeeze %dma_wait3A_448 : memref<1x128xi32, #tpu.memory_space<vmem>> -> memref<128xi32, #tpu.memory_space<vmem>>
      %dma_wait3A_450 = arith.constant 0 : i32
      %dma_wait3A_451 = arith.constant 0 : i32
      %dma_wait3A_452 = tpu.memref_slice %arg2[%dma_wait3A_450, %dma_wait3A_451] : memref<65536x32xf32, #tpu.memory_space<hbm>> -> memref<65536x32xf32, #tpu.memory_space<hbm>>
      tpu.wait_indirect_dma semaphore(%arg24 : memref<!tpu.dma_semaphore, #tpu.memory_space<semaphore_mem>>) src(%dma_wait3A_452 : memref<65536x32xf32, #tpu.memory_space<hbm>>) dst(%arg15 : memref<128x32xf32, #tpu.memory_space<vmem>>)
      %dma_start3A_453 = arith.constant 0 : i32
      %dma_start3A_454 = tpu.memref_slice %arg7[%add3A_446, %dma_start3A_453] : memref<256x128xi32, #tpu.memory_space<vmem>> -> memref<1x128xi32, #tpu.memory_space<vmem>>
      %dma_start3A_455 = tpu.memref_squeeze %dma_start3A_454 : memref<1x128xi32, #tpu.memory_space<vmem>> -> memref<128xi32, #tpu.memory_space<vmem>>
      %dma_start3A_456 = arith.constant 0 : i32
      %dma_start3A_457 = arith.constant 0 : i32
      %dma_start3A_458 = tpu.memref_slice %arg16[%dma_start3A_456, %dma_start3A_457] : memref<16384x32xf32, #tpu.memory_space<vmem_shared>> -> memref<16384x32xf32, #tpu.memory_space<vmem_shared>>
      tpu.enqueue_indirect_dma source(%arg15 : memref<128x32xf32, #tpu.memory_space<vmem>>) target(%dma_start3A_458 : memref<16384x32xf32, #tpu.memory_space<vmem_shared>>) offsets(%dma_start3A_455 : memref<128xi32, #tpu.memory_space<vmem>>) semaphore(%arg32 : memref<!tpu.dma_semaphore, #tpu.memory_space<semaphore_mem>>) {add = true}
      %dma_wait3A_459 = arith.constant 0 : i32
      %dma_wait3A_460 = arith.constant 0 : i32
      %dma_wait3A_461 = tpu.memref_slice %arg7[%dma_wait3A_459, %dma_wait3A_460] : memref<256x128xi32, #tpu.memory_space<vmem>> -> memref<1x128xi32, #tpu.memory_space<vmem>>
      %dma_wait3A_462 = tpu.memref_squeeze %dma_wait3A_461 : memref<1x128xi32, #tpu.memory_space<vmem>> -> memref<128xi32, #tpu.memory_space<vmem>>
      %dma_wait3A_463 = arith.constant 0 : i32
      %dma_wait3A_464 = arith.constant 0 : i32
      %dma_wait3A_465 = tpu.memref_slice %arg16[%dma_wait3A_463, %dma_wait3A_464] : memref<16384x32xf32, #tpu.memory_space<vmem_shared>> -> memref<16384x32xf32, #tpu.memory_space<vmem_shared>>
      tpu.wait_indirect_dma semaphore(%arg28 : memref<!tpu.dma_semaphore, #tpu.memory_space<semaphore_mem>>) src(%arg11 : memref<128x32xf32, #tpu.memory_space<vmem>>) dst(%dma_wait3A_465 : memref<16384x32xf32, #tpu.memory_space<vmem_shared>>)
      %add3A_466 = arith.constant 4 : i32
      %add3A_467 = arith.addi %add3A_446, %add3A_466 : i32
      %min3A_468 = arith.constant 255 : i32
      %min3A_469 = arith.minsi %add3A_467, %min3A_468 : i32
      %dma_start3A_470 = arith.constant 0 : i32
      %dma_start3A_471 = tpu.memref_slice %arg6[%min3A_469, %dma_start3A_470] : memref<256x128xi32, #tpu.memory_space<vmem>> -> memref<1x128xi32, #tpu.memory_space<vmem>>
      %dma_start3A_472 = tpu.memref_squeeze %dma_start3A_471 : memref<1x128xi32, #tpu.memory_space<vmem>> -> memref<128xi32, #tpu.memory_space<vmem>>
      %dma_start3A_473 = arith.constant 0 : i32
      %dma_start3A_474 = arith.constant 0 : i32
      %dma_start3A_475 = tpu.memref_slice %arg2[%dma_start3A_473, %dma_start3A_474] : memref<65536x32xf32, #tpu.memory_space<hbm>> -> memref<65536x32xf32, #tpu.memory_space<hbm>>
      tpu.enqueue_indirect_dma source(%dma_start3A_475 : memref<65536x32xf32, #tpu.memory_space<hbm>>) target(%arg11 : memref<128x32xf32, #tpu.memory_space<vmem>>) offsets(%dma_start3A_472 : memref<128xi32, #tpu.memory_space<vmem>>) semaphore(%arg20 : memref<!tpu.dma_semaphore, #tpu.memory_space<semaphore_mem>>)
      %scan3A_476 = arith.constant 0 : i32
      scf.yield %scan3A_476 : i32
    }
    %scan3A_157 = arith.constant 32 : i32
    %dma_wait3A_158 = arith.constant 0 : i32
    %dma_wait3A_159 = arith.constant 0 : i32
    %dma_wait3A_160 = tpu.memref_slice %arg6[%dma_wait3A_158, %dma_wait3A_159] : memref<256x128xi32, #tpu.memory_space<vmem>> -> memref<1x128xi32, #tpu.memory_space<vmem>>
    %dma_wait3A_161 = tpu.memref_squeeze %dma_wait3A_160 : memref<1x128xi32, #tpu.memory_space<vmem>> -> memref<128xi32, #tpu.memory_space<vmem>>
    %dma_wait3A_162 = arith.constant 0 : i32
    %dma_wait3A_163 = arith.constant 0 : i32
    %dma_wait3A_164 = tpu.memref_slice %arg2[%dma_wait3A_162, %dma_wait3A_163] : memref<65536x32xf32, #tpu.memory_space<hbm>> -> memref<65536x32xf32, #tpu.memory_space<hbm>>
    tpu.wait_indirect_dma semaphore(%arg17 : memref<!tpu.dma_semaphore, #tpu.memory_space<semaphore_mem>>) src(%dma_wait3A_164 : memref<65536x32xf32, #tpu.memory_space<hbm>>) dst(%arg8 : memref<128x32xf32, #tpu.memory_space<vmem>>)
    %dma_wait3A_165 = arith.constant 0 : i32
    %dma_wait3A_166 = arith.constant 0 : i32
    %dma_wait3A_167 = tpu.memref_slice %arg6[%dma_wait3A_165, %dma_wait3A_166] : memref<256x128xi32, #tpu.memory_space<vmem>> -> memref<1x128xi32, #tpu.memory_space<vmem>>
    %dma_wait3A_168 = tpu.memref_squeeze %dma_wait3A_167 : memref<1x128xi32, #tpu.memory_space<vmem>> -> memref<128xi32, #tpu.memory_space<vmem>>
    %dma_wait3A_169 = arith.constant 0 : i32
    %dma_wait3A_170 = arith.constant 0 : i32
    %dma_wait3A_171 = tpu.memref_slice %arg2[%dma_wait3A_169, %dma_wait3A_170] : memref<65536x32xf32, #tpu.memory_space<hbm>> -> memref<65536x32xf32, #tpu.memory_space<hbm>>
    tpu.wait_indirect_dma semaphore(%arg18 : memref<!tpu.dma_semaphore, #tpu.memory_space<semaphore_mem>>) src(%dma_wait3A_171 : memref<65536x32xf32, #tpu.memory_space<hbm>>) dst(%arg9 : memref<128x32xf32, #tpu.memory_space<vmem>>)
    %dma_wait3A_172 = arith.constant 0 : i32
    %dma_wait3A_173 = arith.constant 0 : i32
    %dma_wait3A_174 = tpu.memref_slice %arg6[%dma_wait3A_172, %dma_wait3A_173] : memref<256x128xi32, #tpu.memory_space<vmem>> -> memref<1x128xi32, #tpu.memory_space<vmem>>
    %dma_wait3A_175 = tpu.memref_squeeze %dma_wait3A_174 : memref<1x128xi32, #tpu.memory_space<vmem>> -> memref<128xi32, #tpu.memory_space<vmem>>
    %dma_wait3A_176 = arith.constant 0 : i32
    %dma_wait3A_177 = arith.constant 0 : i32
    %dma_wait3A_178 = tpu.memref_slice %arg2[%dma_wait3A_176, %dma_wait3A_177] : memref<65536x32xf32, #tpu.memory_space<hbm>> -> memref<65536x32xf32, #tpu.memory_space<hbm>>
    tpu.wait_indirect_dma semaphore(%arg19 : memref<!tpu.dma_semaphore, #tpu.memory_space<semaphore_mem>>) src(%dma_wait3A_178 : memref<65536x32xf32, #tpu.memory_space<hbm>>) dst(%arg10 : memref<128x32xf32, #tpu.memory_space<vmem>>)
    %dma_wait3A_179 = arith.constant 0 : i32
    %dma_wait3A_180 = arith.constant 0 : i32
    %dma_wait3A_181 = tpu.memref_slice %arg6[%dma_wait3A_179, %dma_wait3A_180] : memref<256x128xi32, #tpu.memory_space<vmem>> -> memref<1x128xi32, #tpu.memory_space<vmem>>
    %dma_wait3A_182 = tpu.memref_squeeze %dma_wait3A_181 : memref<1x128xi32, #tpu.memory_space<vmem>> -> memref<128xi32, #tpu.memory_space<vmem>>
    %dma_wait3A_183 = arith.constant 0 : i32
    %dma_wait3A_184 = arith.constant 0 : i32
    %dma_wait3A_185 = tpu.memref_slice %arg2[%dma_wait3A_183, %dma_wait3A_184] : memref<65536x32xf32, #tpu.memory_space<hbm>> -> memref<65536x32xf32, #tpu.memory_space<hbm>>
    tpu.wait_indirect_dma semaphore(%arg20 : memref<!tpu.dma_semaphore, #tpu.memory_space<semaphore_mem>>) src(%dma_wait3A_185 : memref<65536x32xf32, #tpu.memory_space<hbm>>) dst(%arg11 : memref<128x32xf32, #tpu.memory_space<vmem>>)
    %dma_wait3A_186 = arith.constant 0 : i32
    %dma_wait3A_187 = arith.constant 0 : i32
    %dma_wait3A_188 = tpu.memref_slice %arg7[%dma_wait3A_186, %dma_wait3A_187] : memref<256x128xi32, #tpu.memory_space<vmem>> -> memref<1x128xi32, #tpu.memory_space<vmem>>
    %dma_wait3A_189 = tpu.memref_squeeze %dma_wait3A_188 : memref<1x128xi32, #tpu.memory_space<vmem>> -> memref<128xi32, #tpu.memory_space<vmem>>
    %dma_wait3A_190 = arith.constant 0 : i32
    %dma_wait3A_191 = arith.constant 0 : i32
    %dma_wait3A_192 = tpu.memref_slice %arg16[%dma_wait3A_190, %dma_wait3A_191] : memref<16384x32xf32, #tpu.memory_space<vmem_shared>> -> memref<16384x32xf32, #tpu.memory_space<vmem_shared>>
    tpu.wait_indirect_dma semaphore(%arg29 : memref<!tpu.dma_semaphore, #tpu.memory_space<semaphore_mem>>) src(%arg12 : memref<128x32xf32, #tpu.memory_space<vmem>>) dst(%dma_wait3A_192 : memref<16384x32xf32, #tpu.memory_space<vmem_shared>>)
    %dma_wait3A_193 = arith.constant 0 : i32
    %dma_wait3A_194 = arith.constant 0 : i32
    %dma_wait3A_195 = tpu.memref_slice %arg7[%dma_wait3A_193, %dma_wait3A_194] : memref<256x128xi32, #tpu.memory_space<vmem>> -> memref<1x128xi32, #tpu.memory_space<vmem>>
    %dma_wait3A_196 = tpu.memref_squeeze %dma_wait3A_195 : memref<1x128xi32, #tpu.memory_space<vmem>> -> memref<128xi32, #tpu.memory_space<vmem>>
    %dma_wait3A_197 = arith.constant 0 : i32
    %dma_wait3A_198 = arith.constant 0 : i32
    %dma_wait3A_199 = tpu.memref_slice %arg16[%dma_wait3A_197, %dma_wait3A_198] : memref<16384x32xf32, #tpu.memory_space<vmem_shared>> -> memref<16384x32xf32, #tpu.memory_space<vmem_shared>>
    tpu.wait_indirect_dma semaphore(%arg30 : memref<!tpu.dma_semaphore, #tpu.memory_space<semaphore_mem>>) src(%arg13 : memref<128x32xf32, #tpu.memory_space<vmem>>) dst(%dma_wait3A_199 : memref<16384x32xf32, #tpu.memory_space<vmem_shared>>)
    %dma_wait3A_200 = arith.constant 0 : i32
    %dma_wait3A_201 = arith.constant 0 : i32
    %dma_wait3A_202 = tpu.memref_slice %arg7[%dma_wait3A_200, %dma_wait3A_201] : memref<256x128xi32, #tpu.memory_space<vmem>> -> memref<1x128xi32, #tpu.memory_space<vmem>>
    %dma_wait3A_203 = tpu.memref_squeeze %dma_wait3A_202 : memref<1x128xi32, #tpu.memory_space<vmem>> -> memref<128xi32, #tpu.memory_space<vmem>>
    %dma_wait3A_204 = arith.constant 0 : i32
    %dma_wait3A_205 = arith.constant 0 : i32
    %dma_wait3A_206 = tpu.memref_slice %arg16[%dma_wait3A_204, %dma_wait3A_205] : memref<16384x32xf32, #tpu.memory_space<vmem_shared>> -> memref<16384x32xf32, #tpu.memory_space<vmem_shared>>
    tpu.wait_indirect_dma semaphore(%arg31 : memref<!tpu.dma_semaphore, #tpu.memory_space<semaphore_mem>>) src(%arg14 : memref<128x32xf32, #tpu.memory_space<vmem>>) dst(%dma_wait3A_206 : memref<16384x32xf32, #tpu.memory_space<vmem_shared>>)
    %dma_wait3A_207 = arith.constant 0 : i32
    %dma_wait3A_208 = arith.constant 0 : i32
    %dma_wait3A_209 = tpu.memref_slice %arg7[%dma_wait3A_207, %dma_wait3A_208] : memref<256x128xi32, #tpu.memory_space<vmem>> -> memref<1x128xi32, #tpu.memory_space<vmem>>
    %dma_wait3A_210 = tpu.memref_squeeze %dma_wait3A_209 : memref<1x128xi32, #tpu.memory_space<vmem>> -> memref<128xi32, #tpu.memory_space<vmem>>
    %dma_wait3A_211 = arith.constant 0 : i32
    %dma_wait3A_212 = arith.constant 0 : i32
    %dma_wait3A_213 = tpu.memref_slice %arg16[%dma_wait3A_211, %dma_wait3A_212] : memref<16384x32xf32, #tpu.memory_space<vmem_shared>> -> memref<16384x32xf32, #tpu.memory_space<vmem_shared>>
    tpu.wait_indirect_dma semaphore(%arg32 : memref<!tpu.dma_semaphore, #tpu.memory_space<semaphore_mem>>) src(%arg15 : memref<128x32xf32, #tpu.memory_space<vmem>>) dst(%dma_wait3A_213 : memref<16384x32xf32, #tpu.memory_space<vmem_shared>>)
    %barrier3A_214 = arith.constant 0 : index
    tpu.barrier barrier_id(%barrier3A_214)
    %mul3A_215 = arith.constant 1024 : i32
    %mul3A_216 = arith.muli %arg1, %mul3A_215 : i32
    %mul3A_217 = arith.constant 16384 : i32
    %mul3A_218 = arith.muli %add3A_112, %mul3A_217 : i32
    %mul3A_219 = arith.constant 1024 : i32
    %mul3A_220 = arith.muli %arg1, %mul3A_219 : i32
    %add3A_221 = arith.addi %mul3A_218, %mul3A_220 : i32
    "tpu.region"() ({
      %run_scoped3A = tpu.sem_alloc : memref<!tpu.dma_semaphore, #tpu.memory_space<semaphore_mem>>
      %dma_start3A_222 = arith.constant 0 : i32
      %dma_start3A_223 = tpu.memref_slice %arg5[%add3A_221, %dma_start3A_222] : memref<65536x32xf32, #tpu.memory_space<hbm>> -> memref<1024x32xf32, #tpu.memory_space<hbm>>
      %dma_start3A_224 = arith.constant 0 : i32
      %dma_start3A_225 = tpu.memref_slice %arg16[%mul3A_216, %dma_start3A_224] : memref<16384x32xf32, #tpu.memory_space<vmem_shared>> -> memref<1024x32xf32, #tpu.memory_space<vmem_shared>>
      tpu.enqueue_dma source(%dma_start3A_225 : memref<1024x32xf32, #tpu.memory_space<vmem_shared>>) target(%dma_start3A_223 : memref<1024x32xf32, #tpu.memory_space<hbm>>) target_semaphore(%run_scoped3A : memref<!tpu.dma_semaphore, #tpu.memory_space<semaphore_mem>>)
      %dma_wait3A_226 = arith.constant 0 : i32
      %dma_wait3A_227 = tpu.memref_slice %arg5[%add3A_221, %dma_wait3A_226] : memref<65536x32xf32, #tpu.memory_space<hbm>> -> memref<1024x32xf32, #tpu.memory_space<hbm>>
      %dma_wait3A_228 = arith.constant 0 : i32
      %dma_wait3A_229 = tpu.memref_slice %arg16[%mul3A_216, %dma_wait3A_228] : memref<16384x32xf32, #tpu.memory_space<vmem_shared>> -> memref<1024x32xf32, #tpu.memory_space<vmem_shared>>
      tpu.wait_dma2 semaphore(%run_scoped3A : memref<!tpu.dma_semaphore, #tpu.memory_space<semaphore_mem>>) src(%dma_wait3A_229 : memref<1024x32xf32, #tpu.memory_space<vmem_shared>>) dst(%dma_wait3A_227 : memref<1024x32xf32, #tpu.memory_space<hbm>>)
      tpu.yield
    }) : () -> ()
    return
  }
}

#map = affine_map<(d0, d1) -> (0, 0)>
#map1 = affine_map<(d0, d1) -> (0, 0, 0)>
module attributes {stable_mosaic.version = 14 : i64} {
  func.func @_scat_body(%arg0: i32, %arg1: i32, %arg2: memref<65536x32xf32, #tpu.memory_space<hbm>>, %arg3: memref<4x4096x128xi32, #tpu.memory_space<hbm>>, %arg4: memref<4096x128xi32, #tpu.memory_space<hbm>>, %arg5: memref<65536x32xf32, #tpu.memory_space<hbm>>, %arg6: memref<256x128xi32, #tpu.memory_space<vmem>>, %arg7: memref<256x128xi32, #tpu.memory_space<vmem>>, %arg8: memref<128x32xf32, #tpu.memory_space<vmem>>, %arg9: memref<128x32xf32, #tpu.memory_space<vmem>>, %arg10: memref<128x32xf32, #tpu.memory_space<vmem>>, %arg11: memref<128x32xf32, #tpu.memory_space<vmem>>, %arg12: memref<128x32xf32, #tpu.memory_space<vmem>>, %arg13: memref<128x32xf32, #tpu.memory_space<vmem>>, %arg14: memref<128x32xf32, #tpu.memory_space<vmem>>, %arg15: memref<128x32xf32, #tpu.memory_space<vmem>>, %arg16: memref<16384x32xf32, #tpu.memory_space<vmem_shared>>, %arg17: memref<!tpu.dma_semaphore, #tpu.memory_space<semaphore_mem>>, %arg18: memref<!tpu.dma_semaphore, #tpu.memory_space<semaphore_mem>>, %arg19: memref<!tpu.dma_semaphore, #tpu.memory_space<semaphore_mem>>, %arg20: memref<!tpu.dma_semaphore, #tpu.memory_space<semaphore_mem>>, %arg21: memref<!tpu.dma_semaphore, #tpu.memory_space<semaphore_mem>>, %arg22: memref<!tpu.dma_semaphore, #tpu.memory_space<semaphore_mem>>, %arg23: memref<!tpu.dma_semaphore, #tpu.memory_space<semaphore_mem>>, %arg24: memref<!tpu.dma_semaphore, #tpu.memory_space<semaphore_mem>>, %arg25: memref<!tpu.dma_semaphore, #tpu.memory_space<semaphore_mem>>, %arg26: memref<!tpu.dma_semaphore, #tpu.memory_space<semaphore_mem>>, %arg27: memref<!tpu.dma_semaphore, #tpu.memory_space<semaphore_mem>>, %arg28: memref<!tpu.dma_semaphore, #tpu.memory_space<semaphore_mem>>, %arg29: memref<!tpu.dma_semaphore, #tpu.memory_space<semaphore_mem>>, %arg30: memref<!tpu.dma_semaphore, #tpu.memory_space<semaphore_mem>>, %arg31: memref<!tpu.dma_semaphore, #tpu.memory_space<semaphore_mem>>, %arg32: memref<!tpu.dma_semaphore, #tpu.memory_space<semaphore_mem>>) attributes {dimension_semantics = [#tpu.dimension_semantics<core_parallel>, #tpu.dimension_semantics<subcore_parallel>], iteration_bounds = array<i64: 2, 16>, scalar_prefetch = 0 : i64, scratch_operands = 27 : i64, tpu.core_type = #tpu.core_type<sc_vector_subcore>, window_params = [{transform_indices = #map}, {transform_indices = #map1}, {transform_indices = #map}, {transform_indices = #map}]} {
    %mul3A = arith.constant 256 : i32
    %mul3A_0 = arith.muli %arg1, %mul3A : i32
    "tpu.region"() ({
      %run_scoped3A = tpu.sem_alloc : memref<!tpu.dma_semaphore, #tpu.memory_space<semaphore_mem>>
      %dma_start3A_222 = arith.constant 0 : i32
      %dma_start3A_223 = tpu.memref_slice %arg4[%mul3A_0, %dma_start3A_222] : memref<4096x128xi32, #tpu.memory_space<hbm>> -> memref<256x128xi32, #tpu.memory_space<hbm>>
      %dma_start3A_224 = arith.constant 0 : i32
      %dma_start3A_225 = tpu.memref_slice %arg4[%mul3A_0, %dma_start3A_224] : memref<4096x128xi32, #tpu.memory_space<hbm>> -> memref<256x128xi32, #tpu.memory_space<hbm>>
      tpu.enqueue_dma source(%dma_start3A_225 : memref<256x128xi32, #tpu.memory_space<hbm>>) target(%arg7 : memref<256x128xi32, #tpu.memory_space<vmem>>) target_semaphore(%run_scoped3A : memref<!tpu.dma_semaphore, #tpu.memory_space<semaphore_mem>>)
      %dma_wait3A_226 = arith.constant 0 : i32
      %dma_wait3A_227 = tpu.memref_slice %arg4[%mul3A_0, %dma_wait3A_226] : memref<4096x128xi32, #tpu.memory_space<hbm>> -> memref<256x128xi32, #tpu.memory_space<hbm>>
      %dma_wait3A_228 = arith.constant 0 : i32
      %dma_wait3A_229 = tpu.memref_slice %arg4[%mul3A_0, %dma_wait3A_228] : memref<4096x128xi32, #tpu.memory_space<hbm>> -> memref<256x128xi32, #tpu.memory_space<hbm>>
      tpu.wait_dma2 semaphore(%run_scoped3A : memref<!tpu.dma_semaphore, #tpu.memory_space<semaphore_mem>>) src(%dma_wait3A_229 : memref<256x128xi32, #tpu.memory_space<hbm>>) dst(%arg7 : memref<256x128xi32, #tpu.memory_space<vmem>>)
      tpu.yield
    }) : () -> ()
    %mul3A_1 = arith.constant 2 : i32
    %mul3A_2 = arith.muli %mul3A_1, %arg0 : i32
    %add3A = arith.constant 0 : i32
    %add3A_3 = arith.addi %mul3A_2, %add3A : i32
    %mul3A_4 = arith.constant 256 : i32
    %mul3A_5 = arith.muli %arg1, %mul3A_4 : i32
    "tpu.region"() ({
      %run_scoped3A = tpu.sem_alloc : memref<!tpu.dma_semaphore, #tpu.memory_space<semaphore_mem>>
      %dma_start3A_222 = arith.constant 0 : i32
      %dma_start3A_223 = tpu.memref_slice %arg3[%add3A_3, %mul3A_5, %dma_start3A_222] : memref<4x4096x128xi32, #tpu.memory_space<hbm>> -> memref<1x256x128xi32, #tpu.memory_space<hbm>>
      %dma_start3A_224 = tpu.memref_squeeze %dma_start3A_223 : memref<1x256x128xi32, #tpu.memory_space<hbm>> -> memref<256x128xi32, #tpu.memory_space<hbm>>
      %dma_start3A_225 = arith.constant 0 : i32
      %dma_start3A_226 = tpu.memref_slice %arg3[%add3A_3, %mul3A_5, %dma_start3A_225] : memref<4x4096x128xi32, #tpu.memory_space<hbm>> -> memref<1x256x128xi32, #tpu.memory_space<hbm>>
      %dma_start3A_227 = tpu.memref_squeeze %dma_start3A_226 : memref<1x256x128xi32, #tpu.memory_space<hbm>> -> memref<256x128xi32, #tpu.memory_space<hbm>>
      tpu.enqueue_dma source(%dma_start3A_227 : memref<256x128xi32, #tpu.memory_space<hbm>>) target(%arg6 : memref<256x128xi32, #tpu.memory_space<vmem>>) target_semaphore(%run_scoped3A : memref<!tpu.dma_semaphore, #tpu.memory_space<semaphore_mem>>)
      %dma_wait3A_228 = arith.constant 0 : i32
      %dma_wait3A_229 = tpu.memref_slice %arg3[%add3A_3, %mul3A_5, %dma_wait3A_228] : memref<4x4096x128xi32, #tpu.memory_space<hbm>> -> memref<1x256x128xi32, #tpu.memory_space<hbm>>
      %dma_wait3A_230 = tpu.memref_squeeze %dma_wait3A_229 : memref<1x256x128xi32, #tpu.memory_space<hbm>> -> memref<256x128xi32, #tpu.memory_space<hbm>>
      %dma_wait3A_231 = arith.constant 0 : i32
      %dma_wait3A_232 = tpu.memref_slice %arg3[%add3A_3, %mul3A_5, %dma_wait3A_231] : memref<4x4096x128xi32, #tpu.memory_space<hbm>> -> memref<1x256x128xi32, #tpu.memory_space<hbm>>
      %dma_wait3A_233 = tpu.memref_squeeze %dma_wait3A_232 : memref<1x256x128xi32, #tpu.memory_space<hbm>> -> memref<256x128xi32, #tpu.memory_space<hbm>>
      tpu.wait_dma2 semaphore(%run_scoped3A : memref<!tpu.dma_semaphore, #tpu.memory_space<semaphore_mem>>) src(%dma_wait3A_233 : memref<256x128xi32, #tpu.memory_space<hbm>>) dst(%arg6 : memref<256x128xi32, #tpu.memory_space<vmem>>)
      tpu.yield
    }) : () -> ()
    %mul3A_6 = arith.constant 16384 : i32
    %mul3A_7 = arith.muli %add3A_3, %mul3A_6 : i32
    %mul3A_8 = arith.constant 1024 : i32
    %mul3A_9 = arith.muli %arg1, %mul3A_8 : i32
    %add3A_10 = arith.addi %mul3A_7, %mul3A_9 : i32
    %mul3A_11 = arith.constant 1024 : i32
    %mul3A_12 = arith.muli %arg1, %mul3A_11 : i32
    "tpu.region"() ({
      %run_scoped3A = tpu.sem_alloc : memref<!tpu.dma_semaphore, #tpu.memory_space<semaphore_mem>>
      %dma_start3A_222 = arith.constant 0 : i32
      %dma_start3A_223 = tpu.memref_slice %arg16[%mul3A_12, %dma_start3A_222] : memref<16384x32xf32, #tpu.memory_space<vmem_shared>> -> memref<1024x32xf32, #tpu.memory_space<vmem_shared>>
      %dma_start3A_224 = arith.constant 0 : i32
      %dma_start3A_225 = tpu.memref_slice %arg2[%add3A_10, %dma_start3A_224] : memref<65536x32xf32, #tpu.memory_space<hbm>> -> memref<1024x32xf32, #tpu.memory_space<hbm>>
      tpu.enqueue_dma source(%dma_start3A_225 : memref<1024x32xf32, #tpu.memory_space<hbm>>) target(%dma_start3A_223 : memref<1024x32xf32, #tpu.memory_space<vmem_shared>>) target_semaphore(%run_scoped3A : memref<!tpu.dma_semaphore, #tpu.memory_space<semaphore_mem>>)
      %dma_wait3A_226 = arith.constant 0 : i32
      %dma_wait3A_227 = tpu.memref_slice %arg16[%mul3A_12, %dma_wait3A_226] : memref<16384x32xf32, #tpu.memory_space<vmem_shared>> -> memref<1024x32xf32, #tpu.memory_space<vmem_shared>>
      %dma_wait3A_228 = arith.constant 0 : i32
      %dma_wait3A_229 = tpu.memref_slice %arg2[%add3A_10, %dma_wait3A_228] : memref<65536x32xf32, #tpu.memory_space<hbm>> -> memref<1024x32xf32, #tpu.memory_space<hbm>>
      tpu.wait_dma2 semaphore(%run_scoped3A : memref<!tpu.dma_semaphore, #tpu.memory_space<semaphore_mem>>) src(%dma_wait3A_229 : memref<1024x32xf32, #tpu.memory_space<hbm>>) dst(%dma_wait3A_227 : memref<1024x32xf32, #tpu.memory_space<vmem_shared>>)
      tpu.yield
    }) : () -> ()
    %barrier3A = arith.constant 0 : index
    tpu.barrier barrier_id(%barrier3A)
    %dma_start3A = arith.constant 0 : i32
    %dma_start3A_13 = arith.constant 0 : i32
    %dma_start3A_14 = tpu.memref_slice %arg6[%dma_start3A, %dma_start3A_13] : memref<256x128xi32, #tpu.memory_space<vmem>> -> memref<1x128xi32, #tpu.memory_space<vmem>>
    %dma_start3A_15 = tpu.memref_squeeze %dma_start3A_14 : memref<1x128xi32, #tpu.memory_space<vmem>> -> memref<128xi32, #tpu.memory_space<vmem>>
    %dma_start3A_16 = arith.constant 0 : i32
    %dma_start3A_17 = arith.constant 0 : i32
    %dma_start3A_18 = tpu.memref_slice %arg2[%dma_start3A_16, %dma_start3A_17] : memref<65536x32xf32, #tpu.memory_space<hbm>> -> memref<65536x32xf32, #tpu.memory_space<hbm>>
    tpu.enqueue_indirect_dma source(%dma_start3A_18 : memref<65536x32xf32, #tpu.memory_space<hbm>>) target(%arg8 : memref<128x32xf32, #tpu.memory_space<vmem>>) offsets(%dma_start3A_15 : memref<128xi32, #tpu.memory_space<vmem>>) semaphore(%arg17 : memref<!tpu.dma_semaphore, #tpu.memory_space<semaphore_mem>>)
    %dma_start3A_19 = arith.constant 1 : i32
    %dma_start3A_20 = arith.constant 0 : i32
    %dma_start3A_21 = tpu.memref_slice %arg6[%dma_start3A_19, %dma_start3A_20] : memref<256x128xi32, #tpu.memory_space<vmem>> -> memref<1x128xi32, #tpu.memory_space<vmem>>
    %dma_start3A_22 = tpu.memref_squeeze %dma_start3A_21 : memref<1x128xi32, #tpu.memory_space<vmem>> -> memref<128xi32, #tpu.memory_space<vmem>>
    %dma_start3A_23 = arith.constant 0 : i32
    %dma_start3A_24 = arith.constant 0 : i32
    %dma_start3A_25 = tpu.memref_slice %arg2[%dma_start3A_23, %dma_start3A_24] : memref<65536x32xf32, #tpu.memory_space<hbm>> -> memref<65536x32xf32, #tpu.memory_space<hbm>>
    tpu.enqueue_indirect_dma source(%dma_start3A_25 : memref<65536x32xf32, #tpu.memory_space<hbm>>) target(%arg9 : memref<128x32xf32, #tpu.memory_space<vmem>>) offsets(%dma_start3A_22 : memref<128xi32, #tpu.memory_space<vmem>>) semaphore(%arg18 : memref<!tpu.dma_semaphore, #tpu.memory_space<semaphore_mem>>)
    %dma_start3A_26 = arith.constant 2 : i32
    %dma_start3A_27 = arith.constant 0 : i32
    %dma_start3A_28 = tpu.memref_slice %arg6[%dma_start3A_26, %dma_start3A_27] : memref<256x128xi32, #tpu.memory_space<vmem>> -> memref<1x128xi32, #tpu.memory_space<vmem>>
    %dma_start3A_29 = tpu.memref_squeeze %dma_start3A_28 : memref<1x128xi32, #tpu.memory_space<vmem>> -> memref<128xi32, #tpu.memory_space<vmem>>
    %dma_start3A_30 = arith.constant 0 : i32
    %dma_start3A_31 = arith.constant 0 : i32
    %dma_start3A_32 = tpu.memref_slice %arg2[%dma_start3A_30, %dma_start3A_31] : memref<65536x32xf32, #tpu.memory_space<hbm>> -> memref<65536x32xf32, #tpu.memory_space<hbm>>
    tpu.enqueue_indirect_dma source(%dma_start3A_32 : memref<65536x32xf32, #tpu.memory_space<hbm>>) target(%arg10 : memref<128x32xf32, #tpu.memory_space<vmem>>) offsets(%dma_start3A_29 : memref<128xi32, #tpu.memory_space<vmem>>) semaphore(%arg19 : memref<!tpu.dma_semaphore, #tpu.memory_space<semaphore_mem>>)
    %dma_start3A_33 = arith.constant 3 : i32
    %dma_start3A_34 = arith.constant 0 : i32
    %dma_start3A_35 = tpu.memref_slice %arg6[%dma_start3A_33, %dma_start3A_34] : memref<256x128xi32, #tpu.memory_space<vmem>> -> memref<1x128xi32, #tpu.memory_space<vmem>>
    %dma_start3A_36 = tpu.memref_squeeze %dma_start3A_35 : memref<1x128xi32, #tpu.memory_space<vmem>> -> memref<128xi32, #tpu.memory_space<vmem>>
    %dma_start3A_37 = arith.constant 0 : i32
    %dma_start3A_38 = arith.constant 0 : i32
    %dma_start3A_39 = tpu.memref_slice %arg2[%dma_start3A_37, %dma_start3A_38] : memref<65536x32xf32, #tpu.memory_space<hbm>> -> memref<65536x32xf32, #tpu.memory_space<hbm>>
    tpu.enqueue_indirect_dma source(%dma_start3A_39 : memref<65536x32xf32, #tpu.memory_space<hbm>>) target(%arg11 : memref<128x32xf32, #tpu.memory_space<vmem>>) offsets(%dma_start3A_36 : memref<128xi32, #tpu.memory_space<vmem>>) semaphore(%arg20 : memref<!tpu.dma_semaphore, #tpu.memory_space<semaphore_mem>>)
    %scan3A = arith.constant 0 : i32
    %scan3A_40 = arith.constant 0 : i32
    %scan3A_41 = arith.constant 32 : i32
    %scan3A_42 = arith.addi %scan3A_40, %scan3A_41 : i32
    %scan3A_43 = arith.constant 1 : i32
    %scan3A_44 = scf.for %scan3A_222 = %scan3A_40 to %scan3A_42 step %scan3A_43 iter_args(%scan3A_223 = %scan3A) -> (i32)  : i32 {
      %mul3A_224 = arith.constant 8 : i32
      %mul3A_225 = arith.muli %mul3A_224, %scan3A_222 : i32
      %add3A_226 = arith.constant 0 : i32
      %add3A_227 = arith.addi %mul3A_225, %add3A_226 : i32
      %dma_wait3A_228 = arith.constant 0 : i32
      %dma_wait3A_229 = tpu.memref_slice %arg6[%add3A_227, %dma_wait3A_228] : memref<256x128xi32, #tpu.memory_space<vmem>> -> memref<1x128xi32, #tpu.memory_space<vmem>>
      %dma_wait3A_230 = tpu.memref_squeeze %dma_wait3A_229 : memref<1x128xi32, #tpu.memory_space<vmem>> -> memref<128xi32, #tpu.memory_space<vmem>>
      %dma_wait3A_231 = arith.constant 0 : i32
      %dma_wait3A_232 = arith.constant 0 : i32
      %dma_wait3A_233 = tpu.memref_slice %arg2[%dma_wait3A_231, %dma_wait3A_232] : memref<65536x32xf32, #tpu.memory_space<hbm>> -> memref<65536x32xf32, #tpu.memory_space<hbm>>
      tpu.wait_indirect_dma semaphore(%arg17 : memref<!tpu.dma_semaphore, #tpu.memory_space<semaphore_mem>>) src(%dma_wait3A_233 : memref<65536x32xf32, #tpu.memory_space<hbm>>) dst(%arg8 : memref<128x32xf32, #tpu.memory_space<vmem>>)
      %dma_start3A_234 = arith.constant 0 : i32
      %dma_start3A_235 = tpu.memref_slice %arg7[%add3A_227, %dma_start3A_234] : memref<256x128xi32, #tpu.memory_space<vmem>> -> memref<1x128xi32, #tpu.memory_space<vmem>>
      %dma_start3A_236 = tpu.memref_squeeze %dma_start3A_235 : memref<1x128xi32, #tpu.memory_space<vmem>> -> memref<128xi32, #tpu.memory_space<vmem>>
      %dma_start3A_237 = arith.constant 0 : i32
      %dma_start3A_238 = arith.constant 0 : i32
      %dma_start3A_239 = tpu.memref_slice %arg16[%dma_start3A_237, %dma_start3A_238] : memref<16384x32xf32, #tpu.memory_space<vmem_shared>> -> memref<16384x32xf32, #tpu.memory_space<vmem_shared>>
      tpu.enqueue_indirect_dma source(%arg8 : memref<128x32xf32, #tpu.memory_space<vmem>>) target(%dma_start3A_239 : memref<16384x32xf32, #tpu.memory_space<vmem_shared>>) offsets(%dma_start3A_236 : memref<128xi32, #tpu.memory_space<vmem>>) semaphore(%arg25 : memref<!tpu.dma_semaphore, #tpu.memory_space<semaphore_mem>>) {add = true}
      %gt3A = arith.constant 0 : i32
      %gt3A_240 = arith.cmpi sgt, %scan3A_222, %gt3A : i32
      %convert_element_type3A = arith.extui %gt3A_240 : i1 to i32
      %cond3A = arith.constant 0 : i32
      %cond3A_241 = arith.cmpi ne, %convert_element_type3A, %cond3A : i32
      scf.if %cond3A_241 {
        %dma_wait3A_477 = arith.constant 0 : i32
        %dma_wait3A_478 = arith.constant 0 : i32
        %dma_wait3A_479 = tpu.memref_slice %arg7[%dma_wait3A_477, %dma_wait3A_478] : memref<256x128xi32, #tpu.memory_space<vmem>> -> memref<1x128xi32, #tpu.memory_space<vmem>>
        %dma_wait3A_480 = tpu.memref_squeeze %dma_wait3A_479 : memref<1x128xi32, #tpu.memory_space<vmem>> -> memref<128xi32, #tpu.memory_space<vmem>>
        %dma_wait3A_481 = arith.constant 0 : i32
        %dma_wait3A_482 = arith.constant 0 : i32
        %dma_wait3A_483 = tpu.memref_slice %arg16[%dma_wait3A_481, %dma_wait3A_482] : memref<16384x32xf32, #tpu.memory_space<vmem_shared>> -> memref<16384x32xf32, #tpu.memory_space<vmem_shared>>
        tpu.wait_indirect_dma semaphore(%arg29 : memref<!tpu.dma_semaphore, #tpu.memory_space<semaphore_mem>>) src(%arg12 : memref<128x32xf32, #tpu.memory_space<vmem>>) dst(%dma_wait3A_483 : memref<16384x32xf32, #tpu.memory_space<vmem_shared>>)
      } else {
      }
      %add3A_242 = arith.constant 4 : i32
      %add3A_243 = arith.addi %add3A_227, %add3A_242 : i32
      %min3A = arith.constant 255 : i32
      %min3A_244 = arith.minsi %add3A_243, %min3A : i32
      %dma_start3A_245 = arith.constant 0 : i32
      %dma_start3A_246 = tpu.memref_slice %arg6[%min3A_244, %dma_start3A_245] : memref<256x128xi32, #tpu.memory_space<vmem>> -> memref<1x128xi32, #tpu.memory_space<vmem>>
      %dma_start3A_247 = tpu.memref_squeeze %dma_start3A_246 : memref<1x128xi32, #tpu.memory_space<vmem>> -> memref<128xi32, #tpu.memory_space<vmem>>
      %dma_start3A_248 = arith.constant 0 : i32
      %dma_start3A_249 = arith.constant 0 : i32
      %dma_start3A_250 = tpu.memref_slice %arg2[%dma_start3A_248, %dma_start3A_249] : memref<65536x32xf32, #tpu.memory_space<hbm>> -> memref<65536x32xf32, #tpu.memory_space<hbm>>
      tpu.enqueue_indirect_dma source(%dma_start3A_250 : memref<65536x32xf32, #tpu.memory_space<hbm>>) target(%arg12 : memref<128x32xf32, #tpu.memory_space<vmem>>) offsets(%dma_start3A_247 : memref<128xi32, #tpu.memory_space<vmem>>) semaphore(%arg21 : memref<!tpu.dma_semaphore, #tpu.memory_space<semaphore_mem>>)
      %mul3A_251 = arith.constant 8 : i32
      %mul3A_252 = arith.muli %mul3A_251, %scan3A_222 : i32
      %add3A_253 = arith.constant 1 : i32
      %add3A_254 = arith.addi %mul3A_252, %add3A_253 : i32
      %dma_wait3A_255 = arith.constant 0 : i32
      %dma_wait3A_256 = tpu.memref_slice %arg6[%add3A_254, %dma_wait3A_255] : memref<256x128xi32, #tpu.memory_space<vmem>> -> memref<1x128xi32, #tpu.memory_space<vmem>>
      %dma_wait3A_257 = tpu.memref_squeeze %dma_wait3A_256 : memref<1x128xi32, #tpu.memory_space<vmem>> -> memref<128xi32, #tpu.memory_space<vmem>>
      %dma_wait3A_258 = arith.constant 0 : i32
      %dma_wait3A_259 = arith.constant 0 : i32
      %dma_wait3A_260 = tpu.memref_slice %arg2[%dma_wait3A_258, %dma_wait3A_259] : memref<65536x32xf32, #tpu.memory_space<hbm>> -> memref<65536x32xf32, #tpu.memory_space<hbm>>
      tpu.wait_indirect_dma semaphore(%arg18 : memref<!tpu.dma_semaphore, #tpu.memory_space<semaphore_mem>>) src(%dma_wait3A_260 : memref<65536x32xf32, #tpu.memory_space<hbm>>) dst(%arg9 : memref<128x32xf32, #tpu.memory_space<vmem>>)
      %dma_start3A_261 = arith.constant 0 : i32
      %dma_start3A_262 = tpu.memref_slice %arg7[%add3A_254, %dma_start3A_261] : memref<256x128xi32, #tpu.memory_space<vmem>> -> memref<1x128xi32, #tpu.memory_space<vmem>>
      %dma_start3A_263 = tpu.memref_squeeze %dma_start3A_262 : memref<1x128xi32, #tpu.memory_space<vmem>> -> memref<128xi32, #tpu.memory_space<vmem>>
      %dma_start3A_264 = arith.constant 0 : i32
      %dma_start3A_265 = arith.constant 0 : i32
      %dma_start3A_266 = tpu.memref_slice %arg16[%dma_start3A_264, %dma_start3A_265] : memref<16384x32xf32, #tpu.memory_space<vmem_shared>> -> memref<16384x32xf32, #tpu.memory_space<vmem_shared>>
      tpu.enqueue_indirect_dma source(%arg9 : memref<128x32xf32, #tpu.memory_space<vmem>>) target(%dma_start3A_266 : memref<16384x32xf32, #tpu.memory_space<vmem_shared>>) offsets(%dma_start3A_263 : memref<128xi32, #tpu.memory_space<vmem>>) semaphore(%arg26 : memref<!tpu.dma_semaphore, #tpu.memory_space<semaphore_mem>>) {add = true}
      %gt3A_267 = arith.constant 0 : i32
      %gt3A_268 = arith.cmpi sgt, %scan3A_222, %gt3A_267 : i32
      %convert_element_type3A_269 = arith.extui %gt3A_268 : i1 to i32
      %cond3A_270 = arith.constant 0 : i32
      %cond3A_271 = arith.cmpi ne, %convert_element_type3A_269, %cond3A_270 : i32
      scf.if %cond3A_271 {
        %dma_wait3A_477 = arith.constant 0 : i32
        %dma_wait3A_478 = arith.constant 0 : i32
        %dma_wait3A_479 = tpu.memref_slice %arg7[%dma_wait3A_477, %dma_wait3A_478] : memref<256x128xi32, #tpu.memory_space<vmem>> -> memref<1x128xi32, #tpu.memory_space<vmem>>
        %dma_wait3A_480 = tpu.memref_squeeze %dma_wait3A_479 : memref<1x128xi32, #tpu.memory_space<vmem>> -> memref<128xi32, #tpu.memory_space<vmem>>
        %dma_wait3A_481 = arith.constant 0 : i32
        %dma_wait3A_482 = arith.constant 0 : i32
        %dma_wait3A_483 = tpu.memref_slice %arg16[%dma_wait3A_481, %dma_wait3A_482] : memref<16384x32xf32, #tpu.memory_space<vmem_shared>> -> memref<16384x32xf32, #tpu.memory_space<vmem_shared>>
        tpu.wait_indirect_dma semaphore(%arg30 : memref<!tpu.dma_semaphore, #tpu.memory_space<semaphore_mem>>) src(%arg13 : memref<128x32xf32, #tpu.memory_space<vmem>>) dst(%dma_wait3A_483 : memref<16384x32xf32, #tpu.memory_space<vmem_shared>>)
      } else {
      }
      %add3A_272 = arith.constant 4 : i32
      %add3A_273 = arith.addi %add3A_254, %add3A_272 : i32
      %min3A_274 = arith.constant 255 : i32
      %min3A_275 = arith.minsi %add3A_273, %min3A_274 : i32
      %dma_start3A_276 = arith.constant 0 : i32
      %dma_start3A_277 = tpu.memref_slice %arg6[%min3A_275, %dma_start3A_276] : memref<256x128xi32, #tpu.memory_space<vmem>> -> memref<1x128xi32, #tpu.memory_space<vmem>>
      %dma_start3A_278 = tpu.memref_squeeze %dma_start3A_277 : memref<1x128xi32, #tpu.memory_space<vmem>> -> memref<128xi32, #tpu.memory_space<vmem>>
      %dma_start3A_279 = arith.constant 0 : i32
      %dma_start3A_280 = arith.constant 0 : i32
      %dma_start3A_281 = tpu.memref_slice %arg2[%dma_start3A_279, %dma_start3A_280] : memref<65536x32xf32, #tpu.memory_space<hbm>> -> memref<65536x32xf32, #tpu.memory_space<hbm>>
      tpu.enqueue_indirect_dma source(%dma_start3A_281 : memref<65536x32xf32, #tpu.memory_space<hbm>>) target(%arg13 : memref<128x32xf32, #tpu.memory_space<vmem>>) offsets(%dma_start3A_278 : memref<128xi32, #tpu.memory_space<vmem>>) semaphore(%arg22 : memref<!tpu.dma_semaphore, #tpu.memory_space<semaphore_mem>>)
      %mul3A_282 = arith.constant 8 : i32
      %mul3A_283 = arith.muli %mul3A_282, %scan3A_222 : i32
      %add3A_284 = arith.constant 2 : i32
      %add3A_285 = arith.addi %mul3A_283, %add3A_284 : i32
      %dma_wait3A_286 = arith.constant 0 : i32
      %dma_wait3A_287 = tpu.memref_slice %arg6[%add3A_285, %dma_wait3A_286] : memref<256x128xi32, #tpu.memory_space<vmem>> -> memref<1x128xi32, #tpu.memory_space<vmem>>
      %dma_wait3A_288 = tpu.memref_squeeze %dma_wait3A_287 : memref<1x128xi32, #tpu.memory_space<vmem>> -> memref<128xi32, #tpu.memory_space<vmem>>
      %dma_wait3A_289 = arith.constant 0 : i32
      %dma_wait3A_290 = arith.constant 0 : i32
      %dma_wait3A_291 = tpu.memref_slice %arg2[%dma_wait3A_289, %dma_wait3A_290] : memref<65536x32xf32, #tpu.memory_space<hbm>> -> memref<65536x32xf32, #tpu.memory_space<hbm>>
      tpu.wait_indirect_dma semaphore(%arg19 : memref<!tpu.dma_semaphore, #tpu.memory_space<semaphore_mem>>) src(%dma_wait3A_291 : memref<65536x32xf32, #tpu.memory_space<hbm>>) dst(%arg10 : memref<128x32xf32, #tpu.memory_space<vmem>>)
      %dma_start3A_292 = arith.constant 0 : i32
      %dma_start3A_293 = tpu.memref_slice %arg7[%add3A_285, %dma_start3A_292] : memref<256x128xi32, #tpu.memory_space<vmem>> -> memref<1x128xi32, #tpu.memory_space<vmem>>
      %dma_start3A_294 = tpu.memref_squeeze %dma_start3A_293 : memref<1x128xi32, #tpu.memory_space<vmem>> -> memref<128xi32, #tpu.memory_space<vmem>>
      %dma_start3A_295 = arith.constant 0 : i32
      %dma_start3A_296 = arith.constant 0 : i32
      %dma_start3A_297 = tpu.memref_slice %arg16[%dma_start3A_295, %dma_start3A_296] : memref<16384x32xf32, #tpu.memory_space<vmem_shared>> -> memref<16384x32xf32, #tpu.memory_space<vmem_shared>>
      tpu.enqueue_indirect_dma source(%arg10 : memref<128x32xf32, #tpu.memory_space<vmem>>) target(%dma_start3A_297 : memref<16384x32xf32, #tpu.memory_space<vmem_shared>>) offsets(%dma_start3A_294 : memref<128xi32, #tpu.memory_space<vmem>>) semaphore(%arg27 : memref<!tpu.dma_semaphore, #tpu.memory_space<semaphore_mem>>) {add = true}
      %gt3A_298 = arith.constant 0 : i32
      %gt3A_299 = arith.cmpi sgt, %scan3A_222, %gt3A_298 : i32
      %convert_element_type3A_300 = arith.extui %gt3A_299 : i1 to i32
      %cond3A_301 = arith.constant 0 : i32
      %cond3A_302 = arith.cmpi ne, %convert_element_type3A_300, %cond3A_301 : i32
      scf.if %cond3A_302 {
        %dma_wait3A_477 = arith.constant 0 : i32
        %dma_wait3A_478 = arith.constant 0 : i32
        %dma_wait3A_479 = tpu.memref_slice %arg7[%dma_wait3A_477, %dma_wait3A_478] : memref<256x128xi32, #tpu.memory_space<vmem>> -> memref<1x128xi32, #tpu.memory_space<vmem>>
        %dma_wait3A_480 = tpu.memref_squeeze %dma_wait3A_479 : memref<1x128xi32, #tpu.memory_space<vmem>> -> memref<128xi32, #tpu.memory_space<vmem>>
        %dma_wait3A_481 = arith.constant 0 : i32
        %dma_wait3A_482 = arith.constant 0 : i32
        %dma_wait3A_483 = tpu.memref_slice %arg16[%dma_wait3A_481, %dma_wait3A_482] : memref<16384x32xf32, #tpu.memory_space<vmem_shared>> -> memref<16384x32xf32, #tpu.memory_space<vmem_shared>>
        tpu.wait_indirect_dma semaphore(%arg31 : memref<!tpu.dma_semaphore, #tpu.memory_space<semaphore_mem>>) src(%arg14 : memref<128x32xf32, #tpu.memory_space<vmem>>) dst(%dma_wait3A_483 : memref<16384x32xf32, #tpu.memory_space<vmem_shared>>)
      } else {
      }
      %add3A_303 = arith.constant 4 : i32
      %add3A_304 = arith.addi %add3A_285, %add3A_303 : i32
      %min3A_305 = arith.constant 255 : i32
      %min3A_306 = arith.minsi %add3A_304, %min3A_305 : i32
      %dma_start3A_307 = arith.constant 0 : i32
      %dma_start3A_308 = tpu.memref_slice %arg6[%min3A_306, %dma_start3A_307] : memref<256x128xi32, #tpu.memory_space<vmem>> -> memref<1x128xi32, #tpu.memory_space<vmem>>
      %dma_start3A_309 = tpu.memref_squeeze %dma_start3A_308 : memref<1x128xi32, #tpu.memory_space<vmem>> -> memref<128xi32, #tpu.memory_space<vmem>>
      %dma_start3A_310 = arith.constant 0 : i32
      %dma_start3A_311 = arith.constant 0 : i32
      %dma_start3A_312 = tpu.memref_slice %arg2[%dma_start3A_310, %dma_start3A_311] : memref<65536x32xf32, #tpu.memory_space<hbm>> -> memref<65536x32xf32, #tpu.memory_space<hbm>>
      tpu.enqueue_indirect_dma source(%dma_start3A_312 : memref<65536x32xf32, #tpu.memory_space<hbm>>) target(%arg14 : memref<128x32xf32, #tpu.memory_space<vmem>>) offsets(%dma_start3A_309 : memref<128xi32, #tpu.memory_space<vmem>>) semaphore(%arg23 : memref<!tpu.dma_semaphore, #tpu.memory_space<semaphore_mem>>)
      %mul3A_313 = arith.constant 8 : i32
      %mul3A_314 = arith.muli %mul3A_313, %scan3A_222 : i32
      %add3A_315 = arith.constant 3 : i32
      %add3A_316 = arith.addi %mul3A_314, %add3A_315 : i32
      %dma_wait3A_317 = arith.constant 0 : i32
      %dma_wait3A_318 = tpu.memref_slice %arg6[%add3A_316, %dma_wait3A_317] : memref<256x128xi32, #tpu.memory_space<vmem>> -> memref<1x128xi32, #tpu.memory_space<vmem>>
      %dma_wait3A_319 = tpu.memref_squeeze %dma_wait3A_318 : memref<1x128xi32, #tpu.memory_space<vmem>> -> memref<128xi32, #tpu.memory_space<vmem>>
      %dma_wait3A_320 = arith.constant 0 : i32
      %dma_wait3A_321 = arith.constant 0 : i32
      %dma_wait3A_322 = tpu.memref_slice %arg2[%dma_wait3A_320, %dma_wait3A_321] : memref<65536x32xf32, #tpu.memory_space<hbm>> -> memref<65536x32xf32, #tpu.memory_space<hbm>>
      tpu.wait_indirect_dma semaphore(%arg20 : memref<!tpu.dma_semaphore, #tpu.memory_space<semaphore_mem>>) src(%dma_wait3A_322 : memref<65536x32xf32, #tpu.memory_space<hbm>>) dst(%arg11 : memref<128x32xf32, #tpu.memory_space<vmem>>)
      %dma_start3A_323 = arith.constant 0 : i32
      %dma_start3A_324 = tpu.memref_slice %arg7[%add3A_316, %dma_start3A_323] : memref<256x128xi32, #tpu.memory_space<vmem>> -> memref<1x128xi32, #tpu.memory_space<vmem>>
      %dma_start3A_325 = tpu.memref_squeeze %dma_start3A_324 : memref<1x128xi32, #tpu.memory_space<vmem>> -> memref<128xi32, #tpu.memory_space<vmem>>
      %dma_start3A_326 = arith.constant 0 : i32
      %dma_start3A_327 = arith.constant 0 : i32
      %dma_start3A_328 = tpu.memref_slice %arg16[%dma_start3A_326, %dma_start3A_327] : memref<16384x32xf32, #tpu.memory_space<vmem_shared>> -> memref<16384x32xf32, #tpu.memory_space<vmem_shared>>
      tpu.enqueue_indirect_dma source(%arg11 : memref<128x32xf32, #tpu.memory_space<vmem>>) target(%dma_start3A_328 : memref<16384x32xf32, #tpu.memory_space<vmem_shared>>) offsets(%dma_start3A_325 : memref<128xi32, #tpu.memory_space<vmem>>) semaphore(%arg28 : memref<!tpu.dma_semaphore, #tpu.memory_space<semaphore_mem>>) {add = true}
      %gt3A_329 = arith.constant 0 : i32
      %gt3A_330 = arith.cmpi sgt, %scan3A_222, %gt3A_329 : i32
      %convert_element_type3A_331 = arith.extui %gt3A_330 : i1 to i32
      %cond3A_332 = arith.constant 0 : i32
      %cond3A_333 = arith.cmpi ne, %convert_element_type3A_331, %cond3A_332 : i32
      scf.if %cond3A_333 {
        %dma_wait3A_477 = arith.constant 0 : i32
        %dma_wait3A_478 = arith.constant 0 : i32
        %dma_wait3A_479 = tpu.memref_slice %arg7[%dma_wait3A_477, %dma_wait3A_478] : memref<256x128xi32, #tpu.memory_space<vmem>> -> memref<1x128xi32, #tpu.memory_space<vmem>>
        %dma_wait3A_480 = tpu.memref_squeeze %dma_wait3A_479 : memref<1x128xi32, #tpu.memory_space<vmem>> -> memref<128xi32, #tpu.memory_space<vmem>>
        %dma_wait3A_481 = arith.constant 0 : i32
        %dma_wait3A_482 = arith.constant 0 : i32
        %dma_wait3A_483 = tpu.memref_slice %arg16[%dma_wait3A_481, %dma_wait3A_482] : memref<16384x32xf32, #tpu.memory_space<vmem_shared>> -> memref<16384x32xf32, #tpu.memory_space<vmem_shared>>
        tpu.wait_indirect_dma semaphore(%arg32 : memref<!tpu.dma_semaphore, #tpu.memory_space<semaphore_mem>>) src(%arg15 : memref<128x32xf32, #tpu.memory_space<vmem>>) dst(%dma_wait3A_483 : memref<16384x32xf32, #tpu.memory_space<vmem_shared>>)
      } else {
      }
      %add3A_334 = arith.constant 4 : i32
      %add3A_335 = arith.addi %add3A_316, %add3A_334 : i32
      %min3A_336 = arith.constant 255 : i32
      %min3A_337 = arith.minsi %add3A_335, %min3A_336 : i32
      %dma_start3A_338 = arith.constant 0 : i32
      %dma_start3A_339 = tpu.memref_slice %arg6[%min3A_337, %dma_start3A_338] : memref<256x128xi32, #tpu.memory_space<vmem>> -> memref<1x128xi32, #tpu.memory_space<vmem>>
      %dma_start3A_340 = tpu.memref_squeeze %dma_start3A_339 : memref<1x128xi32, #tpu.memory_space<vmem>> -> memref<128xi32, #tpu.memory_space<vmem>>
      %dma_start3A_341 = arith.constant 0 : i32
      %dma_start3A_342 = arith.constant 0 : i32
      %dma_start3A_343 = tpu.memref_slice %arg2[%dma_start3A_341, %dma_start3A_342] : memref<65536x32xf32, #tpu.memory_space<hbm>> -> memref<65536x32xf32, #tpu.memory_space<hbm>>
      tpu.enqueue_indirect_dma source(%dma_start3A_343 : memref<65536x32xf32, #tpu.memory_space<hbm>>) target(%arg15 : memref<128x32xf32, #tpu.memory_space<vmem>>) offsets(%dma_start3A_340 : memref<128xi32, #tpu.memory_space<vmem>>) semaphore(%arg24 : memref<!tpu.dma_semaphore, #tpu.memory_space<semaphore_mem>>)
      %mul3A_344 = arith.constant 8 : i32
      %mul3A_345 = arith.muli %mul3A_344, %scan3A_222 : i32
      %add3A_346 = arith.constant 4 : i32
      %add3A_347 = arith.addi %mul3A_345, %add3A_346 : i32
      %dma_wait3A_348 = arith.constant 0 : i32
      %dma_wait3A_349 = tpu.memref_slice %arg6[%add3A_347, %dma_wait3A_348] : memref<256x128xi32, #tpu.memory_space<vmem>> -> memref<1x128xi32, #tpu.memory_space<vmem>>
      %dma_wait3A_350 = tpu.memref_squeeze %dma_wait3A_349 : memref<1x128xi32, #tpu.memory_space<vmem>> -> memref<128xi32, #tpu.memory_space<vmem>>
      %dma_wait3A_351 = arith.constant 0 : i32
      %dma_wait3A_352 = arith.constant 0 : i32
      %dma_wait3A_353 = tpu.memref_slice %arg2[%dma_wait3A_351, %dma_wait3A_352] : memref<65536x32xf32, #tpu.memory_space<hbm>> -> memref<65536x32xf32, #tpu.memory_space<hbm>>
      tpu.wait_indirect_dma semaphore(%arg21 : memref<!tpu.dma_semaphore, #tpu.memory_space<semaphore_mem>>) src(%dma_wait3A_353 : memref<65536x32xf32, #tpu.memory_space<hbm>>) dst(%arg12 : memref<128x32xf32, #tpu.memory_space<vmem>>)
      %dma_start3A_354 = arith.constant 0 : i32
      %dma_start3A_355 = tpu.memref_slice %arg7[%add3A_347, %dma_start3A_354] : memref<256x128xi32, #tpu.memory_space<vmem>> -> memref<1x128xi32, #tpu.memory_space<vmem>>
      %dma_start3A_356 = tpu.memref_squeeze %dma_start3A_355 : memref<1x128xi32, #tpu.memory_space<vmem>> -> memref<128xi32, #tpu.memory_space<vmem>>
      %dma_start3A_357 = arith.constant 0 : i32
      %dma_start3A_358 = arith.constant 0 : i32
      %dma_start3A_359 = tpu.memref_slice %arg16[%dma_start3A_357, %dma_start3A_358] : memref<16384x32xf32, #tpu.memory_space<vmem_shared>> -> memref<16384x32xf32, #tpu.memory_space<vmem_shared>>
      tpu.enqueue_indirect_dma source(%arg12 : memref<128x32xf32, #tpu.memory_space<vmem>>) target(%dma_start3A_359 : memref<16384x32xf32, #tpu.memory_space<vmem_shared>>) offsets(%dma_start3A_356 : memref<128xi32, #tpu.memory_space<vmem>>) semaphore(%arg29 : memref<!tpu.dma_semaphore, #tpu.memory_space<semaphore_mem>>) {add = true}
      %dma_wait3A_360 = arith.constant 0 : i32
      %dma_wait3A_361 = arith.constant 0 : i32
      %dma_wait3A_362 = tpu.memref_slice %arg7[%dma_wait3A_360, %dma_wait3A_361] : memref<256x128xi32, #tpu.memory_space<vmem>> -> memref<1x128xi32, #tpu.memory_space<vmem>>
      %dma_wait3A_363 = tpu.memref_squeeze %dma_wait3A_362 : memref<1x128xi32, #tpu.memory_space<vmem>> -> memref<128xi32, #tpu.memory_space<vmem>>
      %dma_wait3A_364 = arith.constant 0 : i32
      %dma_wait3A_365 = arith.constant 0 : i32
      %dma_wait3A_366 = tpu.memref_slice %arg16[%dma_wait3A_364, %dma_wait3A_365] : memref<16384x32xf32, #tpu.memory_space<vmem_shared>> -> memref<16384x32xf32, #tpu.memory_space<vmem_shared>>
      tpu.wait_indirect_dma semaphore(%arg25 : memref<!tpu.dma_semaphore, #tpu.memory_space<semaphore_mem>>) src(%arg8 : memref<128x32xf32, #tpu.memory_space<vmem>>) dst(%dma_wait3A_366 : memref<16384x32xf32, #tpu.memory_space<vmem_shared>>)
      %add3A_367 = arith.constant 4 : i32
      %add3A_368 = arith.addi %add3A_347, %add3A_367 : i32
      %min3A_369 = arith.constant 255 : i32
      %min3A_370 = arith.minsi %add3A_368, %min3A_369 : i32
      %dma_start3A_371 = arith.constant 0 : i32
      %dma_start3A_372 = tpu.memref_slice %arg6[%min3A_370, %dma_start3A_371] : memref<256x128xi32, #tpu.memory_space<vmem>> -> memref<1x128xi32, #tpu.memory_space<vmem>>
      %dma_start3A_373 = tpu.memref_squeeze %dma_start3A_372 : memref<1x128xi32, #tpu.memory_space<vmem>> -> memref<128xi32, #tpu.memory_space<vmem>>
      %dma_start3A_374 = arith.constant 0 : i32
      %dma_start3A_375 = arith.constant 0 : i32
      %dma_start3A_376 = tpu.memref_slice %arg2[%dma_start3A_374, %dma_start3A_375] : memref<65536x32xf32, #tpu.memory_space<hbm>> -> memref<65536x32xf32, #tpu.memory_space<hbm>>
      tpu.enqueue_indirect_dma source(%dma_start3A_376 : memref<65536x32xf32, #tpu.memory_space<hbm>>) target(%arg8 : memref<128x32xf32, #tpu.memory_space<vmem>>) offsets(%dma_start3A_373 : memref<128xi32, #tpu.memory_space<vmem>>) semaphore(%arg17 : memref<!tpu.dma_semaphore, #tpu.memory_space<semaphore_mem>>)
      %mul3A_377 = arith.constant 8 : i32
      %mul3A_378 = arith.muli %mul3A_377, %scan3A_222 : i32
      %add3A_379 = arith.constant 5 : i32
      %add3A_380 = arith.addi %mul3A_378, %add3A_379 : i32
      %dma_wait3A_381 = arith.constant 0 : i32
      %dma_wait3A_382 = tpu.memref_slice %arg6[%add3A_380, %dma_wait3A_381] : memref<256x128xi32, #tpu.memory_space<vmem>> -> memref<1x128xi32, #tpu.memory_space<vmem>>
      %dma_wait3A_383 = tpu.memref_squeeze %dma_wait3A_382 : memref<1x128xi32, #tpu.memory_space<vmem>> -> memref<128xi32, #tpu.memory_space<vmem>>
      %dma_wait3A_384 = arith.constant 0 : i32
      %dma_wait3A_385 = arith.constant 0 : i32
      %dma_wait3A_386 = tpu.memref_slice %arg2[%dma_wait3A_384, %dma_wait3A_385] : memref<65536x32xf32, #tpu.memory_space<hbm>> -> memref<65536x32xf32, #tpu.memory_space<hbm>>
      tpu.wait_indirect_dma semaphore(%arg22 : memref<!tpu.dma_semaphore, #tpu.memory_space<semaphore_mem>>) src(%dma_wait3A_386 : memref<65536x32xf32, #tpu.memory_space<hbm>>) dst(%arg13 : memref<128x32xf32, #tpu.memory_space<vmem>>)
      %dma_start3A_387 = arith.constant 0 : i32
      %dma_start3A_388 = tpu.memref_slice %arg7[%add3A_380, %dma_start3A_387] : memref<256x128xi32, #tpu.memory_space<vmem>> -> memref<1x128xi32, #tpu.memory_space<vmem>>
      %dma_start3A_389 = tpu.memref_squeeze %dma_start3A_388 : memref<1x128xi32, #tpu.memory_space<vmem>> -> memref<128xi32, #tpu.memory_space<vmem>>
      %dma_start3A_390 = arith.constant 0 : i32
      %dma_start3A_391 = arith.constant 0 : i32
      %dma_start3A_392 = tpu.memref_slice %arg16[%dma_start3A_390, %dma_start3A_391] : memref<16384x32xf32, #tpu.memory_space<vmem_shared>> -> memref<16384x32xf32, #tpu.memory_space<vmem_shared>>
      tpu.enqueue_indirect_dma source(%arg13 : memref<128x32xf32, #tpu.memory_space<vmem>>) target(%dma_start3A_392 : memref<16384x32xf32, #tpu.memory_space<vmem_shared>>) offsets(%dma_start3A_389 : memref<128xi32, #tpu.memory_space<vmem>>) semaphore(%arg30 : memref<!tpu.dma_semaphore, #tpu.memory_space<semaphore_mem>>) {add = true}
      %dma_wait3A_393 = arith.constant 0 : i32
      %dma_wait3A_394 = arith.constant 0 : i32
      %dma_wait3A_395 = tpu.memref_slice %arg7[%dma_wait3A_393, %dma_wait3A_394] : memref<256x128xi32, #tpu.memory_space<vmem>> -> memref<1x128xi32, #tpu.memory_space<vmem>>
      %dma_wait3A_396 = tpu.memref_squeeze %dma_wait3A_395 : memref<1x128xi32, #tpu.memory_space<vmem>> -> memref<128xi32, #tpu.memory_space<vmem>>
      %dma_wait3A_397 = arith.constant 0 : i32
      %dma_wait3A_398 = arith.constant 0 : i32
      %dma_wait3A_399 = tpu.memref_slice %arg16[%dma_wait3A_397, %dma_wait3A_398] : memref<16384x32xf32, #tpu.memory_space<vmem_shared>> -> memref<16384x32xf32, #tpu.memory_space<vmem_shared>>
      tpu.wait_indirect_dma semaphore(%arg26 : memref<!tpu.dma_semaphore, #tpu.memory_space<semaphore_mem>>) src(%arg9 : memref<128x32xf32, #tpu.memory_space<vmem>>) dst(%dma_wait3A_399 : memref<16384x32xf32, #tpu.memory_space<vmem_shared>>)
      %add3A_400 = arith.constant 4 : i32
      %add3A_401 = arith.addi %add3A_380, %add3A_400 : i32
      %min3A_402 = arith.constant 255 : i32
      %min3A_403 = arith.minsi %add3A_401, %min3A_402 : i32
      %dma_start3A_404 = arith.constant 0 : i32
      %dma_start3A_405 = tpu.memref_slice %arg6[%min3A_403, %dma_start3A_404] : memref<256x128xi32, #tpu.memory_space<vmem>> -> memref<1x128xi32, #tpu.memory_space<vmem>>
      %dma_start3A_406 = tpu.memref_squeeze %dma_start3A_405 : memref<1x128xi32, #tpu.memory_space<vmem>> -> memref<128xi32, #tpu.memory_space<vmem>>
      %dma_start3A_407 = arith.constant 0 : i32
      %dma_start3A_408 = arith.constant 0 : i32
      %dma_start3A_409 = tpu.memref_slice %arg2[%dma_start3A_407, %dma_start3A_408] : memref<65536x32xf32, #tpu.memory_space<hbm>> -> memref<65536x32xf32, #tpu.memory_space<hbm>>
      tpu.enqueue_indirect_dma source(%dma_start3A_409 : memref<65536x32xf32, #tpu.memory_space<hbm>>) target(%arg9 : memref<128x32xf32, #tpu.memory_space<vmem>>) offsets(%dma_start3A_406 : memref<128xi32, #tpu.memory_space<vmem>>) semaphore(%arg18 : memref<!tpu.dma_semaphore, #tpu.memory_space<semaphore_mem>>)
      %mul3A_410 = arith.constant 8 : i32
      %mul3A_411 = arith.muli %mul3A_410, %scan3A_222 : i32
      %add3A_412 = arith.constant 6 : i32
      %add3A_413 = arith.addi %mul3A_411, %add3A_412 : i32
      %dma_wait3A_414 = arith.constant 0 : i32
      %dma_wait3A_415 = tpu.memref_slice %arg6[%add3A_413, %dma_wait3A_414] : memref<256x128xi32, #tpu.memory_space<vmem>> -> memref<1x128xi32, #tpu.memory_space<vmem>>
      %dma_wait3A_416 = tpu.memref_squeeze %dma_wait3A_415 : memref<1x128xi32, #tpu.memory_space<vmem>> -> memref<128xi32, #tpu.memory_space<vmem>>
      %dma_wait3A_417 = arith.constant 0 : i32
      %dma_wait3A_418 = arith.constant 0 : i32
      %dma_wait3A_419 = tpu.memref_slice %arg2[%dma_wait3A_417, %dma_wait3A_418] : memref<65536x32xf32, #tpu.memory_space<hbm>> -> memref<65536x32xf32, #tpu.memory_space<hbm>>
      tpu.wait_indirect_dma semaphore(%arg23 : memref<!tpu.dma_semaphore, #tpu.memory_space<semaphore_mem>>) src(%dma_wait3A_419 : memref<65536x32xf32, #tpu.memory_space<hbm>>) dst(%arg14 : memref<128x32xf32, #tpu.memory_space<vmem>>)
      %dma_start3A_420 = arith.constant 0 : i32
      %dma_start3A_421 = tpu.memref_slice %arg7[%add3A_413, %dma_start3A_420] : memref<256x128xi32, #tpu.memory_space<vmem>> -> memref<1x128xi32, #tpu.memory_space<vmem>>
      %dma_start3A_422 = tpu.memref_squeeze %dma_start3A_421 : memref<1x128xi32, #tpu.memory_space<vmem>> -> memref<128xi32, #tpu.memory_space<vmem>>
      %dma_start3A_423 = arith.constant 0 : i32
      %dma_start3A_424 = arith.constant 0 : i32
      %dma_start3A_425 = tpu.memref_slice %arg16[%dma_start3A_423, %dma_start3A_424] : memref<16384x32xf32, #tpu.memory_space<vmem_shared>> -> memref<16384x32xf32, #tpu.memory_space<vmem_shared>>
      tpu.enqueue_indirect_dma source(%arg14 : memref<128x32xf32, #tpu.memory_space<vmem>>) target(%dma_start3A_425 : memref<16384x32xf32, #tpu.memory_space<vmem_shared>>) offsets(%dma_start3A_422 : memref<128xi32, #tpu.memory_space<vmem>>) semaphore(%arg31 : memref<!tpu.dma_semaphore, #tpu.memory_space<semaphore_mem>>) {add = true}
      %dma_wait3A_426 = arith.constant 0 : i32
      %dma_wait3A_427 = arith.constant 0 : i32
      %dma_wait3A_428 = tpu.memref_slice %arg7[%dma_wait3A_426, %dma_wait3A_427] : memref<256x128xi32, #tpu.memory_space<vmem>> -> memref<1x128xi32, #tpu.memory_space<vmem>>
      %dma_wait3A_429 = tpu.memref_squeeze %dma_wait3A_428 : memref<1x128xi32, #tpu.memory_space<vmem>> -> memref<128xi32, #tpu.memory_space<vmem>>
      %dma_wait3A_430 = arith.constant 0 : i32
      %dma_wait3A_431 = arith.constant 0 : i32
      %dma_wait3A_432 = tpu.memref_slice %arg16[%dma_wait3A_430, %dma_wait3A_431] : memref<16384x32xf32, #tpu.memory_space<vmem_shared>> -> memref<16384x32xf32, #tpu.memory_space<vmem_shared>>
      tpu.wait_indirect_dma semaphore(%arg27 : memref<!tpu.dma_semaphore, #tpu.memory_space<semaphore_mem>>) src(%arg10 : memref<128x32xf32, #tpu.memory_space<vmem>>) dst(%dma_wait3A_432 : memref<16384x32xf32, #tpu.memory_space<vmem_shared>>)
      %add3A_433 = arith.constant 4 : i32
      %add3A_434 = arith.addi %add3A_413, %add3A_433 : i32
      %min3A_435 = arith.constant 255 : i32
      %min3A_436 = arith.minsi %add3A_434, %min3A_435 : i32
      %dma_start3A_437 = arith.constant 0 : i32
      %dma_start3A_438 = tpu.memref_slice %arg6[%min3A_436, %dma_start3A_437] : memref<256x128xi32, #tpu.memory_space<vmem>> -> memref<1x128xi32, #tpu.memory_space<vmem>>
      %dma_start3A_439 = tpu.memref_squeeze %dma_start3A_438 : memref<1x128xi32, #tpu.memory_space<vmem>> -> memref<128xi32, #tpu.memory_space<vmem>>
      %dma_start3A_440 = arith.constant 0 : i32
      %dma_start3A_441 = arith.constant 0 : i32
      %dma_start3A_442 = tpu.memref_slice %arg2[%dma_start3A_440, %dma_start3A_441] : memref<65536x32xf32, #tpu.memory_space<hbm>> -> memref<65536x32xf32, #tpu.memory_space<hbm>>
      tpu.enqueue_indirect_dma source(%dma_start3A_442 : memref<65536x32xf32, #tpu.memory_space<hbm>>) target(%arg10 : memref<128x32xf32, #tpu.memory_space<vmem>>) offsets(%dma_start3A_439 : memref<128xi32, #tpu.memory_space<vmem>>) semaphore(%arg19 : memref<!tpu.dma_semaphore, #tpu.memory_space<semaphore_mem>>)
      %mul3A_443 = arith.constant 8 : i32
      %mul3A_444 = arith.muli %mul3A_443, %scan3A_222 : i32
      %add3A_445 = arith.constant 7 : i32
      %add3A_446 = arith.addi %mul3A_444, %add3A_445 : i32
      %dma_wait3A_447 = arith.constant 0 : i32
      %dma_wait3A_448 = tpu.memref_slice %arg6[%add3A_446, %dma_wait3A_447] : memref<256x128xi32, #tpu.memory_space<vmem>> -> memref<1x128xi32, #tpu.memory_space<vmem>>
      %dma_wait3A_449 = tpu.memref_squeeze %dma_wait3A_448 : memref<1x128xi32, #tpu.memory_space<vmem>> -> memref<128xi32, #tpu.memory_space<vmem>>
      %dma_wait3A_450 = arith.constant 0 : i32
      %dma_wait3A_451 = arith.constant 0 : i32
      %dma_wait3A_452 = tpu.memref_slice %arg2[%dma_wait3A_450, %dma_wait3A_451] : memref<65536x32xf32, #tpu.memory_space<hbm>> -> memref<65536x32xf32, #tpu.memory_space<hbm>>
      tpu.wait_indirect_dma semaphore(%arg24 : memref<!tpu.dma_semaphore, #tpu.memory_space<semaphore_mem>>) src(%dma_wait3A_452 : memref<65536x32xf32, #tpu.memory_space<hbm>>) dst(%arg15 : memref<128x32xf32, #tpu.memory_space<vmem>>)
      %dma_start3A_453 = arith.constant 0 : i32
      %dma_start3A_454 = tpu.memref_slice %arg7[%add3A_446, %dma_start3A_453] : memref<256x128xi32, #tpu.memory_space<vmem>> -> memref<1x128xi32, #tpu.memory_space<vmem>>
      %dma_start3A_455 = tpu.memref_squeeze %dma_start3A_454 : memref<1x128xi32, #tpu.memory_space<vmem>> -> memref<128xi32, #tpu.memory_space<vmem>>
      %dma_start3A_456 = arith.constant 0 : i32
      %dma_start3A_457 = arith.constant 0 : i32
      %dma_start3A_458 = tpu.memref_slice %arg16[%dma_start3A_456, %dma_start3A_457] : memref<16384x32xf32, #tpu.memory_space<vmem_shared>> -> memref<16384x32xf32, #tpu.memory_space<vmem_shared>>
      tpu.enqueue_indirect_dma source(%arg15 : memref<128x32xf32, #tpu.memory_space<vmem>>) target(%dma_start3A_458 : memref<16384x32xf32, #tpu.memory_space<vmem_shared>>) offsets(%dma_start3A_455 : memref<128xi32, #tpu.memory_space<vmem>>) semaphore(%arg32 : memref<!tpu.dma_semaphore, #tpu.memory_space<semaphore_mem>>) {add = true}
      %dma_wait3A_459 = arith.constant 0 : i32
      %dma_wait3A_460 = arith.constant 0 : i32
      %dma_wait3A_461 = tpu.memref_slice %arg7[%dma_wait3A_459, %dma_wait3A_460] : memref<256x128xi32, #tpu.memory_space<vmem>> -> memref<1x128xi32, #tpu.memory_space<vmem>>
      %dma_wait3A_462 = tpu.memref_squeeze %dma_wait3A_461 : memref<1x128xi32, #tpu.memory_space<vmem>> -> memref<128xi32, #tpu.memory_space<vmem>>
      %dma_wait3A_463 = arith.constant 0 : i32
      %dma_wait3A_464 = arith.constant 0 : i32
      %dma_wait3A_465 = tpu.memref_slice %arg16[%dma_wait3A_463, %dma_wait3A_464] : memref<16384x32xf32, #tpu.memory_space<vmem_shared>> -> memref<16384x32xf32, #tpu.memory_space<vmem_shared>>
      tpu.wait_indirect_dma semaphore(%arg28 : memref<!tpu.dma_semaphore, #tpu.memory_space<semaphore_mem>>) src(%arg11 : memref<128x32xf32, #tpu.memory_space<vmem>>) dst(%dma_wait3A_465 : memref<16384x32xf32, #tpu.memory_space<vmem_shared>>)
      %add3A_466 = arith.constant 4 : i32
      %add3A_467 = arith.addi %add3A_446, %add3A_466 : i32
      %min3A_468 = arith.constant 255 : i32
      %min3A_469 = arith.minsi %add3A_467, %min3A_468 : i32
      %dma_start3A_470 = arith.constant 0 : i32
      %dma_start3A_471 = tpu.memref_slice %arg6[%min3A_469, %dma_start3A_470] : memref<256x128xi32, #tpu.memory_space<vmem>> -> memref<1x128xi32, #tpu.memory_space<vmem>>
      %dma_start3A_472 = tpu.memref_squeeze %dma_start3A_471 : memref<1x128xi32, #tpu.memory_space<vmem>> -> memref<128xi32, #tpu.memory_space<vmem>>
      %dma_start3A_473 = arith.constant 0 : i32
      %dma_start3A_474 = arith.constant 0 : i32
      %dma_start3A_475 = tpu.memref_slice %arg2[%dma_start3A_473, %dma_start3A_474] : memref<65536x32xf32, #tpu.memory_space<hbm>> -> memref<65536x32xf32, #tpu.memory_space<hbm>>
      tpu.enqueue_indirect_dma source(%dma_start3A_475 : memref<65536x32xf32, #tpu.memory_space<hbm>>) target(%arg11 : memref<128x32xf32, #tpu.memory_space<vmem>>) offsets(%dma_start3A_472 : memref<128xi32, #tpu.memory_space<vmem>>) semaphore(%arg20 : memref<!tpu.dma_semaphore, #tpu.memory_space<semaphore_mem>>)
      %scan3A_476 = arith.constant 0 : i32
      scf.yield %scan3A_476 : i32
    }
    %scan3A_45 = arith.constant 32 : i32
    %dma_wait3A = arith.constant 0 : i32
    %dma_wait3A_46 = arith.constant 0 : i32
    %dma_wait3A_47 = tpu.memref_slice %arg6[%dma_wait3A, %dma_wait3A_46] : memref<256x128xi32, #tpu.memory_space<vmem>> -> memref<1x128xi32, #tpu.memory_space<vmem>>
    %dma_wait3A_48 = tpu.memref_squeeze %dma_wait3A_47 : memref<1x128xi32, #tpu.memory_space<vmem>> -> memref<128xi32, #tpu.memory_space<vmem>>
    %dma_wait3A_49 = arith.constant 0 : i32
    %dma_wait3A_50 = arith.constant 0 : i32
    %dma_wait3A_51 = tpu.memref_slice %arg2[%dma_wait3A_49, %dma_wait3A_50] : memref<65536x32xf32, #tpu.memory_space<hbm>> -> memref<65536x32xf32, #tpu.memory_space<hbm>>
    tpu.wait_indirect_dma semaphore(%arg17 : memref<!tpu.dma_semaphore, #tpu.memory_space<semaphore_mem>>) src(%dma_wait3A_51 : memref<65536x32xf32, #tpu.memory_space<hbm>>) dst(%arg8 : memref<128x32xf32, #tpu.memory_space<vmem>>)
    %dma_wait3A_52 = arith.constant 0 : i32
    %dma_wait3A_53 = arith.constant 0 : i32
    %dma_wait3A_54 = tpu.memref_slice %arg6[%dma_wait3A_52, %dma_wait3A_53] : memref<256x128xi32, #tpu.memory_space<vmem>> -> memref<1x128xi32, #tpu.memory_space<vmem>>
    %dma_wait3A_55 = tpu.memref_squeeze %dma_wait3A_54 : memref<1x128xi32, #tpu.memory_space<vmem>> -> memref<128xi32, #tpu.memory_space<vmem>>
    %dma_wait3A_56 = arith.constant 0 : i32
    %dma_wait3A_57 = arith.constant 0 : i32
    %dma_wait3A_58 = tpu.memref_slice %arg2[%dma_wait3A_56, %dma_wait3A_57] : memref<65536x32xf32, #tpu.memory_space<hbm>> -> memref<65536x32xf32, #tpu.memory_space<hbm>>
    tpu.wait_indirect_dma semaphore(%arg18 : memref<!tpu.dma_semaphore, #tpu.memory_space<semaphore_mem>>) src(%dma_wait3A_58 : memref<65536x32xf32, #tpu.memory_space<hbm>>) dst(%arg9 : memref<128x32xf32, #tpu.memory_space<vmem>>)
    %dma_wait3A_59 = arith.constant 0 : i32
    %dma_wait3A_60 = arith.constant 0 : i32
    %dma_wait3A_61 = tpu.memref_slice %arg6[%dma_wait3A_59, %dma_wait3A_60] : memref<256x128xi32, #tpu.memory_space<vmem>> -> memref<1x128xi32, #tpu.memory_space<vmem>>
    %dma_wait3A_62 = tpu.memref_squeeze %dma_wait3A_61 : memref<1x128xi32, #tpu.memory_space<vmem>> -> memref<128xi32, #tpu.memory_space<vmem>>
    %dma_wait3A_63 = arith.constant 0 : i32
    %dma_wait3A_64 = arith.constant 0 : i32
    %dma_wait3A_65 = tpu.memref_slice %arg2[%dma_wait3A_63, %dma_wait3A_64] : memref<65536x32xf32, #tpu.memory_space<hbm>> -> memref<65536x32xf32, #tpu.memory_space<hbm>>
    tpu.wait_indirect_dma semaphore(%arg19 : memref<!tpu.dma_semaphore, #tpu.memory_space<semaphore_mem>>) src(%dma_wait3A_65 : memref<65536x32xf32, #tpu.memory_space<hbm>>) dst(%arg10 : memref<128x32xf32, #tpu.memory_space<vmem>>)
    %dma_wait3A_66 = arith.constant 0 : i32
    %dma_wait3A_67 = arith.constant 0 : i32
    %dma_wait3A_68 = tpu.memref_slice %arg6[%dma_wait3A_66, %dma_wait3A_67] : memref<256x128xi32, #tpu.memory_space<vmem>> -> memref<1x128xi32, #tpu.memory_space<vmem>>
    %dma_wait3A_69 = tpu.memref_squeeze %dma_wait3A_68 : memref<1x128xi32, #tpu.memory_space<vmem>> -> memref<128xi32, #tpu.memory_space<vmem>>
    %dma_wait3A_70 = arith.constant 0 : i32
    %dma_wait3A_71 = arith.constant 0 : i32
    %dma_wait3A_72 = tpu.memref_slice %arg2[%dma_wait3A_70, %dma_wait3A_71] : memref<65536x32xf32, #tpu.memory_space<hbm>> -> memref<65536x32xf32, #tpu.memory_space<hbm>>
    tpu.wait_indirect_dma semaphore(%arg20 : memref<!tpu.dma_semaphore, #tpu.memory_space<semaphore_mem>>) src(%dma_wait3A_72 : memref<65536x32xf32, #tpu.memory_space<hbm>>) dst(%arg11 : memref<128x32xf32, #tpu.memory_space<vmem>>)
    %dma_wait3A_73 = arith.constant 0 : i32
    %dma_wait3A_74 = arith.constant 0 : i32
    %dma_wait3A_75 = tpu.memref_slice %arg7[%dma_wait3A_73, %dma_wait3A_74] : memref<256x128xi32, #tpu.memory_space<vmem>> -> memref<1x128xi32, #tpu.memory_space<vmem>>
    %dma_wait3A_76 = tpu.memref_squeeze %dma_wait3A_75 : memref<1x128xi32, #tpu.memory_space<vmem>> -> memref<128xi32, #tpu.memory_space<vmem>>
    %dma_wait3A_77 = arith.constant 0 : i32
    %dma_wait3A_78 = arith.constant 0 : i32
    %dma_wait3A_79 = tpu.memref_slice %arg16[%dma_wait3A_77, %dma_wait3A_78] : memref<16384x32xf32, #tpu.memory_space<vmem_shared>> -> memref<16384x32xf32, #tpu.memory_space<vmem_shared>>
    tpu.wait_indirect_dma semaphore(%arg29 : memref<!tpu.dma_semaphore, #tpu.memory_space<semaphore_mem>>) src(%arg12 : memref<128x32xf32, #tpu.memory_space<vmem>>) dst(%dma_wait3A_79 : memref<16384x32xf32, #tpu.memory_space<vmem_shared>>)
    %dma_wait3A_80 = arith.constant 0 : i32
    %dma_wait3A_81 = arith.constant 0 : i32
    %dma_wait3A_82 = tpu.memref_slice %arg7[%dma_wait3A_80, %dma_wait3A_81] : memref<256x128xi32, #tpu.memory_space<vmem>> -> memref<1x128xi32, #tpu.memory_space<vmem>>
    %dma_wait3A_83 = tpu.memref_squeeze %dma_wait3A_82 : memref<1x128xi32, #tpu.memory_space<vmem>> -> memref<128xi32, #tpu.memory_space<vmem>>
    %dma_wait3A_84 = arith.constant 0 : i32
    %dma_wait3A_85 = arith.constant 0 : i32
    %dma_wait3A_86 = tpu.memref_slice %arg16[%dma_wait3A_84, %dma_wait3A_85] : memref<16384x32xf32, #tpu.memory_space<vmem_shared>> -> memref<16384x32xf32, #tpu.memory_space<vmem_shared>>
    tpu.wait_indirect_dma semaphore(%arg30 : memref<!tpu.dma_semaphore, #tpu.memory_space<semaphore_mem>>) src(%arg13 : memref<128x32xf32, #tpu.memory_space<vmem>>) dst(%dma_wait3A_86 : memref<16384x32xf32, #tpu.memory_space<vmem_shared>>)
    %dma_wait3A_87 = arith.constant 0 : i32
    %dma_wait3A_88 = arith.constant 0 : i32
    %dma_wait3A_89 = tpu.memref_slice %arg7[%dma_wait3A_87, %dma_wait3A_88] : memref<256x128xi32, #tpu.memory_space<vmem>> -> memref<1x128xi32, #tpu.memory_space<vmem>>
    %dma_wait3A_90 = tpu.memref_squeeze %dma_wait3A_89 : memref<1x128xi32, #tpu.memory_space<vmem>> -> memref<128xi32, #tpu.memory_space<vmem>>
    %dma_wait3A_91 = arith.constant 0 : i32
    %dma_wait3A_92 = arith.constant 0 : i32
    %dma_wait3A_93 = tpu.memref_slice %arg16[%dma_wait3A_91, %dma_wait3A_92] : memref<16384x32xf32, #tpu.memory_space<vmem_shared>> -> memref<16384x32xf32, #tpu.memory_space<vmem_shared>>
    tpu.wait_indirect_dma semaphore(%arg31 : memref<!tpu.dma_semaphore, #tpu.memory_space<semaphore_mem>>) src(%arg14 : memref<128x32xf32, #tpu.memory_space<vmem>>) dst(%dma_wait3A_93 : memref<16384x32xf32, #tpu.memory_space<vmem_shared>>)
    %dma_wait3A_94 = arith.constant 0 : i32
    %dma_wait3A_95 = arith.constant 0 : i32
    %dma_wait3A_96 = tpu.memref_slice %arg7[%dma_wait3A_94, %dma_wait3A_95] : memref<256x128xi32, #tpu.memory_space<vmem>> -> memref<1x128xi32, #tpu.memory_space<vmem>>
    %dma_wait3A_97 = tpu.memref_squeeze %dma_wait3A_96 : memref<1x128xi32, #tpu.memory_space<vmem>> -> memref<128xi32, #tpu.memory_space<vmem>>
    %dma_wait3A_98 = arith.constant 0 : i32
    %dma_wait3A_99 = arith.constant 0 : i32
    %dma_wait3A_100 = tpu.memref_slice %arg16[%dma_wait3A_98, %dma_wait3A_99] : memref<16384x32xf32, #tpu.memory_space<vmem_shared>> -> memref<16384x32xf32, #tpu.memory_space<vmem_shared>>
    tpu.wait_indirect_dma semaphore(%arg32 : memref<!tpu.dma_semaphore, #tpu.memory_space<semaphore_mem>>) src(%arg15 : memref<128x32xf32, #tpu.memory_space<vmem>>) dst(%dma_wait3A_100 : memref<16384x32xf32, #tpu.memory_space<vmem_shared>>)
    %barrier3A_101 = arith.constant 0 : index
    tpu.barrier barrier_id(%barrier3A_101)
    %mul3A_102 = arith.constant 1024 : i32
    %mul3A_103 = arith.muli %arg1, %mul3A_102 : i32
    %mul3A_104 = arith.constant 16384 : i32
    %mul3A_105 = arith.muli %add3A_3, %mul3A_104 : i32
    %mul3A_106 = arith.constant 1024 : i32
    %mul3A_107 = arith.muli %arg1, %mul3A_106 : i32
    %add3A_108 = arith.addi %mul3A_105, %mul3A_107 : i32
    "tpu.region"() ({
      %run_scoped3A = tpu.sem_alloc : memref<!tpu.dma_semaphore, #tpu.memory_space<semaphore_mem>>
      %dma_start3A_222 = arith.constant 0 : i32
      %dma_start3A_223 = tpu.memref_slice %arg5[%add3A_108, %dma_start3A_222] : memref<65536x32xf32, #tpu.memory_space<hbm>> -> memref<1024x32xf32, #tpu.memory_space<hbm>>
      %dma_start3A_224 = arith.constant 0 : i32
      %dma_start3A_225 = tpu.memref_slice %arg16[%mul3A_103, %dma_start3A_224] : memref<16384x32xf32, #tpu.memory_space<vmem_shared>> -> memref<1024x32xf32, #tpu.memory_space<vmem_shared>>
      tpu.enqueue_dma source(%dma_start3A_225 : memref<1024x32xf32, #tpu.memory_space<vmem_shared>>) target(%dma_start3A_223 : memref<1024x32xf32, #tpu.memory_space<hbm>>) target_semaphore(%run_scoped3A : memref<!tpu.dma_semaphore, #tpu.memory_space<semaphore_mem>>)
      %dma_wait3A_226 = arith.constant 0 : i32
      %dma_wait3A_227 = tpu.memref_slice %arg5[%add3A_108, %dma_wait3A_226] : memref<65536x32xf32, #tpu.memory_space<hbm>> -> memref<1024x32xf32, #tpu.memory_space<hbm>>
      %dma_wait3A_228 = arith.constant 0 : i32
      %dma_wait3A_229 = tpu.memref_slice %arg16[%mul3A_103, %dma_wait3A_228] : memref<16384x32xf32, #tpu.memory_space<vmem_shared>> -> memref<1024x32xf32, #tpu.memory_space<vmem_shared>>
      tpu.wait_dma2 semaphore(%run_scoped3A : memref<!tpu.dma_semaphore, #tpu.memory_space<semaphore_mem>>) src(%dma_wait3A_229 : memref<1024x32xf32, #tpu.memory_space<vmem_shared>>) dst(%dma_wait3A_227 : memref<1024x32xf32, #tpu.memory_space<hbm>>)
      tpu.yield
    }) : () -> ()
    %mul3A_109 = arith.constant 2 : i32
    %mul3A_110 = arith.muli %mul3A_109, %arg0 : i32
    %add3A_111 = arith.constant 1 : i32
    %add3A_112 = arith.addi %mul3A_110, %add3A_111 : i32
    %mul3A_113 = arith.constant 256 : i32
    %mul3A_114 = arith.muli %arg1, %mul3A_113 : i32
    "tpu.region"() ({
      %run_scoped3A = tpu.sem_alloc : memref<!tpu.dma_semaphore, #tpu.memory_space<semaphore_mem>>
      %dma_start3A_222 = arith.constant 0 : i32
      %dma_start3A_223 = tpu.memref_slice %arg3[%add3A_112, %mul3A_114, %dma_start3A_222] : memref<4x4096x128xi32, #tpu.memory_space<hbm>> -> memref<1x256x128xi32, #tpu.memory_space<hbm>>
      %dma_start3A_224 = tpu.memref_squeeze %dma_start3A_223 : memref<1x256x128xi32, #tpu.memory_space<hbm>> -> memref<256x128xi32, #tpu.memory_space<hbm>>
      %dma_start3A_225 = arith.constant 0 : i32
      %dma_start3A_226 = tpu.memref_slice %arg3[%add3A_112, %mul3A_114, %dma_start3A_225] : memref<4x4096x128xi32, #tpu.memory_space<hbm>> -> memref<1x256x128xi32, #tpu.memory_space<hbm>>
      %dma_start3A_227 = tpu.memref_squeeze %dma_start3A_226 : memref<1x256x128xi32, #tpu.memory_space<hbm>> -> memref<256x128xi32, #tpu.memory_space<hbm>>
      tpu.enqueue_dma source(%dma_start3A_227 : memref<256x128xi32, #tpu.memory_space<hbm>>) target(%arg6 : memref<256x128xi32, #tpu.memory_space<vmem>>) target_semaphore(%run_scoped3A : memref<!tpu.dma_semaphore, #tpu.memory_space<semaphore_mem>>)
      %dma_wait3A_228 = arith.constant 0 : i32
      %dma_wait3A_229 = tpu.memref_slice %arg3[%add3A_112, %mul3A_114, %dma_wait3A_228] : memref<4x4096x128xi32, #tpu.memory_space<hbm>> -> memref<1x256x128xi32, #tpu.memory_space<hbm>>
      %dma_wait3A_230 = tpu.memref_squeeze %dma_wait3A_229 : memref<1x256x128xi32, #tpu.memory_space<hbm>> -> memref<256x128xi32, #tpu.memory_space<hbm>>
      %dma_wait3A_231 = arith.constant 0 : i32
      %dma_wait3A_232 = tpu.memref_slice %arg3[%add3A_112, %mul3A_114, %dma_wait3A_231] : memref<4x4096x128xi32, #tpu.memory_space<hbm>> -> memref<1x256x128xi32, #tpu.memory_space<hbm>>
      %dma_wait3A_233 = tpu.memref_squeeze %dma_wait3A_232 : memref<1x256x128xi32, #tpu.memory_space<hbm>> -> memref<256x128xi32, #tpu.memory_space<hbm>>
      tpu.wait_dma2 semaphore(%run_scoped3A : memref<!tpu.dma_semaphore, #tpu.memory_space<semaphore_mem>>) src(%dma_wait3A_233 : memref<256x128xi32, #tpu.memory_space<hbm>>) dst(%arg6 : memref<256x128xi32, #tpu.memory_space<vmem>>)
      tpu.yield
    }) : () -> ()
    %mul3A_115 = arith.constant 16384 : i32
    %mul3A_116 = arith.muli %add3A_112, %mul3A_115 : i32
    %mul3A_117 = arith.constant 1024 : i32
    %mul3A_118 = arith.muli %arg1, %mul3A_117 : i32
    %add3A_119 = arith.addi %mul3A_116, %mul3A_118 : i32
    %mul3A_120 = arith.constant 1024 : i32
    %mul3A_121 = arith.muli %arg1, %mul3A_120 : i32
    "tpu.region"() ({
      %run_scoped3A = tpu.sem_alloc : memref<!tpu.dma_semaphore, #tpu.memory_space<semaphore_mem>>
      %dma_start3A_222 = arith.constant 0 : i32
      %dma_start3A_223 = tpu.memref_slice %arg16[%mul3A_121, %dma_start3A_222] : memref<16384x32xf32, #tpu.memory_space<vmem_shared>> -> memref<1024x32xf32, #tpu.memory_space<vmem_shared>>
      %dma_start3A_224 = arith.constant 0 : i32
      %dma_start3A_225 = tpu.memref_slice %arg2[%add3A_119, %dma_start3A_224] : memref<65536x32xf32, #tpu.memory_space<hbm>> -> memref<1024x32xf32, #tpu.memory_space<hbm>>
      tpu.enqueue_dma source(%dma_start3A_225 : memref<1024x32xf32, #tpu.memory_space<hbm>>) target(%dma_start3A_223 : memref<1024x32xf32, #tpu.memory_space<vmem_shared>>) target_semaphore(%run_scoped3A : memref<!tpu.dma_semaphore, #tpu.memory_space<semaphore_mem>>)
      %dma_wait3A_226 = arith.constant 0 : i32
      %dma_wait3A_227 = tpu.memref_slice %arg16[%mul3A_121, %dma_wait3A_226] : memref<16384x32xf32, #tpu.memory_space<vmem_shared>> -> memref<1024x32xf32, #tpu.memory_space<vmem_shared>>
      %dma_wait3A_228 = arith.constant 0 : i32
      %dma_wait3A_229 = tpu.memref_slice %arg2[%add3A_119, %dma_wait3A_228] : memref<65536x32xf32, #tpu.memory_space<hbm>> -> memref<1024x32xf32, #tpu.memory_space<hbm>>
      tpu.wait_dma2 semaphore(%run_scoped3A : memref<!tpu.dma_semaphore, #tpu.memory_space<semaphore_mem>>) src(%dma_wait3A_229 : memref<1024x32xf32, #tpu.memory_space<hbm>>) dst(%dma_wait3A_227 : memref<1024x32xf32, #tpu.memory_space<vmem_shared>>)
      tpu.yield
    }) : () -> ()
    %barrier3A_122 = arith.constant 0 : index
    tpu.barrier barrier_id(%barrier3A_122)
    %dma_start3A_123 = arith.constant 0 : i32
    %dma_start3A_124 = arith.constant 0 : i32
    %dma_start3A_125 = tpu.memref_slice %arg6[%dma_start3A_123, %dma_start3A_124] : memref<256x128xi32, #tpu.memory_space<vmem>> -> memref<1x128xi32, #tpu.memory_space<vmem>>
    %dma_start3A_126 = tpu.memref_squeeze %dma_start3A_125 : memref<1x128xi32, #tpu.memory_space<vmem>> -> memref<128xi32, #tpu.memory_space<vmem>>
    %dma_start3A_127 = arith.constant 0 : i32
    %dma_start3A_128 = arith.constant 0 : i32
    %dma_start3A_129 = tpu.memref_slice %arg2[%dma_start3A_127, %dma_start3A_128] : memref<65536x32xf32, #tpu.memory_space<hbm>> -> memref<65536x32xf32, #tpu.memory_space<hbm>>
    tpu.enqueue_indirect_dma source(%dma_start3A_129 : memref<65536x32xf32, #tpu.memory_space<hbm>>) target(%arg8 : memref<128x32xf32, #tpu.memory_space<vmem>>) offsets(%dma_start3A_126 : memref<128xi32, #tpu.memory_space<vmem>>) semaphore(%arg17 : memref<!tpu.dma_semaphore, #tpu.memory_space<semaphore_mem>>)
    %dma_start3A_130 = arith.constant 1 : i32
    %dma_start3A_131 = arith.constant 0 : i32
    %dma_start3A_132 = tpu.memref_slice %arg6[%dma_start3A_130, %dma_start3A_131] : memref<256x128xi32, #tpu.memory_space<vmem>> -> memref<1x128xi32, #tpu.memory_space<vmem>>
    %dma_start3A_133 = tpu.memref_squeeze %dma_start3A_132 : memref<1x128xi32, #tpu.memory_space<vmem>> -> memref<128xi32, #tpu.memory_space<vmem>>
    %dma_start3A_134 = arith.constant 0 : i32
    %dma_start3A_135 = arith.constant 0 : i32
    %dma_start3A_136 = tpu.memref_slice %arg2[%dma_start3A_134, %dma_start3A_135] : memref<65536x32xf32, #tpu.memory_space<hbm>> -> memref<65536x32xf32, #tpu.memory_space<hbm>>
    tpu.enqueue_indirect_dma source(%dma_start3A_136 : memref<65536x32xf32, #tpu.memory_space<hbm>>) target(%arg9 : memref<128x32xf32, #tpu.memory_space<vmem>>) offsets(%dma_start3A_133 : memref<128xi32, #tpu.memory_space<vmem>>) semaphore(%arg18 : memref<!tpu.dma_semaphore, #tpu.memory_space<semaphore_mem>>)
    %dma_start3A_137 = arith.constant 2 : i32
    %dma_start3A_138 = arith.constant 0 : i32
    %dma_start3A_139 = tpu.memref_slice %arg6[%dma_start3A_137, %dma_start3A_138] : memref<256x128xi32, #tpu.memory_space<vmem>> -> memref<1x128xi32, #tpu.memory_space<vmem>>
    %dma_start3A_140 = tpu.memref_squeeze %dma_start3A_139 : memref<1x128xi32, #tpu.memory_space<vmem>> -> memref<128xi32, #tpu.memory_space<vmem>>
    %dma_start3A_141 = arith.constant 0 : i32
    %dma_start3A_142 = arith.constant 0 : i32
    %dma_start3A_143 = tpu.memref_slice %arg2[%dma_start3A_141, %dma_start3A_142] : memref<65536x32xf32, #tpu.memory_space<hbm>> -> memref<65536x32xf32, #tpu.memory_space<hbm>>
    tpu.enqueue_indirect_dma source(%dma_start3A_143 : memref<65536x32xf32, #tpu.memory_space<hbm>>) target(%arg10 : memref<128x32xf32, #tpu.memory_space<vmem>>) offsets(%dma_start3A_140 : memref<128xi32, #tpu.memory_space<vmem>>) semaphore(%arg19 : memref<!tpu.dma_semaphore, #tpu.memory_space<semaphore_mem>>)
    %dma_start3A_144 = arith.constant 3 : i32
    %dma_start3A_145 = arith.constant 0 : i32
    %dma_start3A_146 = tpu.memref_slice %arg6[%dma_start3A_144, %dma_start3A_145] : memref<256x128xi32, #tpu.memory_space<vmem>> -> memref<1x128xi32, #tpu.memory_space<vmem>>
    %dma_start3A_147 = tpu.memref_squeeze %dma_start3A_146 : memref<1x128xi32, #tpu.memory_space<vmem>> -> memref<128xi32, #tpu.memory_space<vmem>>
    %dma_start3A_148 = arith.constant 0 : i32
    %dma_start3A_149 = arith.constant 0 : i32
    %dma_start3A_150 = tpu.memref_slice %arg2[%dma_start3A_148, %dma_start3A_149] : memref<65536x32xf32, #tpu.memory_space<hbm>> -> memref<65536x32xf32, #tpu.memory_space<hbm>>
    tpu.enqueue_indirect_dma source(%dma_start3A_150 : memref<65536x32xf32, #tpu.memory_space<hbm>>) target(%arg11 : memref<128x32xf32, #tpu.memory_space<vmem>>) offsets(%dma_start3A_147 : memref<128xi32, #tpu.memory_space<vmem>>) semaphore(%arg20 : memref<!tpu.dma_semaphore, #tpu.memory_space<semaphore_mem>>)
    %scan3A_151 = arith.constant 0 : i32
    %scan3A_152 = arith.constant 0 : i32
    %scan3A_153 = arith.constant 32 : i32
    %scan3A_154 = arith.addi %scan3A_152, %scan3A_153 : i32
    %scan3A_155 = arith.constant 1 : i32
    %scan3A_156 = scf.for %scan3A_222 = %scan3A_152 to %scan3A_154 step %scan3A_155 iter_args(%scan3A_223 = %scan3A_151) -> (i32)  : i32 {
      %mul3A_224 = arith.constant 8 : i32
      %mul3A_225 = arith.muli %mul3A_224, %scan3A_222 : i32
      %add3A_226 = arith.constant 0 : i32
      %add3A_227 = arith.addi %mul3A_225, %add3A_226 : i32
      %dma_wait3A_228 = arith.constant 0 : i32
      %dma_wait3A_229 = tpu.memref_slice %arg6[%add3A_227, %dma_wait3A_228] : memref<256x128xi32, #tpu.memory_space<vmem>> -> memref<1x128xi32, #tpu.memory_space<vmem>>
      %dma_wait3A_230 = tpu.memref_squeeze %dma_wait3A_229 : memref<1x128xi32, #tpu.memory_space<vmem>> -> memref<128xi32, #tpu.memory_space<vmem>>
      %dma_wait3A_231 = arith.constant 0 : i32
      %dma_wait3A_232 = arith.constant 0 : i32
      %dma_wait3A_233 = tpu.memref_slice %arg2[%dma_wait3A_231, %dma_wait3A_232] : memref<65536x32xf32, #tpu.memory_space<hbm>> -> memref<65536x32xf32, #tpu.memory_space<hbm>>
      tpu.wait_indirect_dma semaphore(%arg17 : memref<!tpu.dma_semaphore, #tpu.memory_space<semaphore_mem>>) src(%dma_wait3A_233 : memref<65536x32xf32, #tpu.memory_space<hbm>>) dst(%arg8 : memref<128x32xf32, #tpu.memory_space<vmem>>)
      %dma_start3A_234 = arith.constant 0 : i32
      %dma_start3A_235 = tpu.memref_slice %arg7[%add3A_227, %dma_start3A_234] : memref<256x128xi32, #tpu.memory_space<vmem>> -> memref<1x128xi32, #tpu.memory_space<vmem>>
      %dma_start3A_236 = tpu.memref_squeeze %dma_start3A_235 : memref<1x128xi32, #tpu.memory_space<vmem>> -> memref<128xi32, #tpu.memory_space<vmem>>
      %dma_start3A_237 = arith.constant 0 : i32
      %dma_start3A_238 = arith.constant 0 : i32
      %dma_start3A_239 = tpu.memref_slice %arg16[%dma_start3A_237, %dma_start3A_238] : memref<16384x32xf32, #tpu.memory_space<vmem_shared>> -> memref<16384x32xf32, #tpu.memory_space<vmem_shared>>
      tpu.enqueue_indirect_dma source(%arg8 : memref<128x32xf32, #tpu.memory_space<vmem>>) target(%dma_start3A_239 : memref<16384x32xf32, #tpu.memory_space<vmem_shared>>) offsets(%dma_start3A_236 : memref<128xi32, #tpu.memory_space<vmem>>) semaphore(%arg25 : memref<!tpu.dma_semaphore, #tpu.memory_space<semaphore_mem>>) {add = true}
      %gt3A = arith.constant 0 : i32
      %gt3A_240 = arith.cmpi sgt, %scan3A_222, %gt3A : i32
      %convert_element_type3A = arith.extui %gt3A_240 : i1 to i32
      %cond3A = arith.constant 0 : i32
      %cond3A_241 = arith.cmpi ne, %convert_element_type3A, %cond3A : i32
      scf.if %cond3A_241 {
        %dma_wait3A_477 = arith.constant 0 : i32
        %dma_wait3A_478 = arith.constant 0 : i32
        %dma_wait3A_479 = tpu.memref_slice %arg7[%dma_wait3A_477, %dma_wait3A_478] : memref<256x128xi32, #tpu.memory_space<vmem>> -> memref<1x128xi32, #tpu.memory_space<vmem>>
        %dma_wait3A_480 = tpu.memref_squeeze %dma_wait3A_479 : memref<1x128xi32, #tpu.memory_space<vmem>> -> memref<128xi32, #tpu.memory_space<vmem>>
        %dma_wait3A_481 = arith.constant 0 : i32
        %dma_wait3A_482 = arith.constant 0 : i32
        %dma_wait3A_483 = tpu.memref_slice %arg16[%dma_wait3A_481, %dma_wait3A_482] : memref<16384x32xf32, #tpu.memory_space<vmem_shared>> -> memref<16384x32xf32, #tpu.memory_space<vmem_shared>>
        tpu.wait_indirect_dma semaphore(%arg29 : memref<!tpu.dma_semaphore, #tpu.memory_space<semaphore_mem>>) src(%arg12 : memref<128x32xf32, #tpu.memory_space<vmem>>) dst(%dma_wait3A_483 : memref<16384x32xf32, #tpu.memory_space<vmem_shared>>)
      } else {
      }
      %add3A_242 = arith.constant 4 : i32
      %add3A_243 = arith.addi %add3A_227, %add3A_242 : i32
      %min3A = arith.constant 255 : i32
      %min3A_244 = arith.minsi %add3A_243, %min3A : i32
      %dma_start3A_245 = arith.constant 0 : i32
      %dma_start3A_246 = tpu.memref_slice %arg6[%min3A_244, %dma_start3A_245] : memref<256x128xi32, #tpu.memory_space<vmem>> -> memref<1x128xi32, #tpu.memory_space<vmem>>
      %dma_start3A_247 = tpu.memref_squeeze %dma_start3A_246 : memref<1x128xi32, #tpu.memory_space<vmem>> -> memref<128xi32, #tpu.memory_space<vmem>>
      %dma_start3A_248 = arith.constant 0 : i32
      %dma_start3A_249 = arith.constant 0 : i32
      %dma_start3A_250 = tpu.memref_slice %arg2[%dma_start3A_248, %dma_start3A_249] : memref<65536x32xf32, #tpu.memory_space<hbm>> -> memref<65536x32xf32, #tpu.memory_space<hbm>>
      tpu.enqueue_indirect_dma source(%dma_start3A_250 : memref<65536x32xf32, #tpu.memory_space<hbm>>) target(%arg12 : memref<128x32xf32, #tpu.memory_space<vmem>>) offsets(%dma_start3A_247 : memref<128xi32, #tpu.memory_space<vmem>>) semaphore(%arg21 : memref<!tpu.dma_semaphore, #tpu.memory_space<semaphore_mem>>)
      %mul3A_251 = arith.constant 8 : i32
      %mul3A_252 = arith.muli %mul3A_251, %scan3A_222 : i32
      %add3A_253 = arith.constant 1 : i32
      %add3A_254 = arith.addi %mul3A_252, %add3A_253 : i32
      %dma_wait3A_255 = arith.constant 0 : i32
      %dma_wait3A_256 = tpu.memref_slice %arg6[%add3A_254, %dma_wait3A_255] : memref<256x128xi32, #tpu.memory_space<vmem>> -> memref<1x128xi32, #tpu.memory_space<vmem>>
      %dma_wait3A_257 = tpu.memref_squeeze %dma_wait3A_256 : memref<1x128xi32, #tpu.memory_space<vmem>> -> memref<128xi32, #tpu.memory_space<vmem>>
      %dma_wait3A_258 = arith.constant 0 : i32
      %dma_wait3A_259 = arith.constant 0 : i32
      %dma_wait3A_260 = tpu.memref_slice %arg2[%dma_wait3A_258, %dma_wait3A_259] : memref<65536x32xf32, #tpu.memory_space<hbm>> -> memref<65536x32xf32, #tpu.memory_space<hbm>>
      tpu.wait_indirect_dma semaphore(%arg18 : memref<!tpu.dma_semaphore, #tpu.memory_space<semaphore_mem>>) src(%dma_wait3A_260 : memref<65536x32xf32, #tpu.memory_space<hbm>>) dst(%arg9 : memref<128x32xf32, #tpu.memory_space<vmem>>)
      %dma_start3A_261 = arith.constant 0 : i32
      %dma_start3A_262 = tpu.memref_slice %arg7[%add3A_254, %dma_start3A_261] : memref<256x128xi32, #tpu.memory_space<vmem>> -> memref<1x128xi32, #tpu.memory_space<vmem>>
      %dma_start3A_263 = tpu.memref_squeeze %dma_start3A_262 : memref<1x128xi32, #tpu.memory_space<vmem>> -> memref<128xi32, #tpu.memory_space<vmem>>
      %dma_start3A_264 = arith.constant 0 : i32
      %dma_start3A_265 = arith.constant 0 : i32
      %dma_start3A_266 = tpu.memref_slice %arg16[%dma_start3A_264, %dma_start3A_265] : memref<16384x32xf32, #tpu.memory_space<vmem_shared>> -> memref<16384x32xf32, #tpu.memory_space<vmem_shared>>
      tpu.enqueue_indirect_dma source(%arg9 : memref<128x32xf32, #tpu.memory_space<vmem>>) target(%dma_start3A_266 : memref<16384x32xf32, #tpu.memory_space<vmem_shared>>) offsets(%dma_start3A_263 : memref<128xi32, #tpu.memory_space<vmem>>) semaphore(%arg26 : memref<!tpu.dma_semaphore, #tpu.memory_space<semaphore_mem>>) {add = true}
      %gt3A_267 = arith.constant 0 : i32
      %gt3A_268 = arith.cmpi sgt, %scan3A_222, %gt3A_267 : i32
      %convert_element_type3A_269 = arith.extui %gt3A_268 : i1 to i32
      %cond3A_270 = arith.constant 0 : i32
      %cond3A_271 = arith.cmpi ne, %convert_element_type3A_269, %cond3A_270 : i32
      scf.if %cond3A_271 {
        %dma_wait3A_477 = arith.constant 0 : i32
        %dma_wait3A_478 = arith.constant 0 : i32
        %dma_wait3A_479 = tpu.memref_slice %arg7[%dma_wait3A_477, %dma_wait3A_478] : memref<256x128xi32, #tpu.memory_space<vmem>> -> memref<1x128xi32, #tpu.memory_space<vmem>>
        %dma_wait3A_480 = tpu.memref_squeeze %dma_wait3A_479 : memref<1x128xi32, #tpu.memory_space<vmem>> -> memref<128xi32, #tpu.memory_space<vmem>>
        %dma_wait3A_481 = arith.constant 0 : i32
        %dma_wait3A_482 = arith.constant 0 : i32
        %dma_wait3A_483 = tpu.memref_slice %arg16[%dma_wait3A_481, %dma_wait3A_482] : memref<16384x32xf32, #tpu.memory_space<vmem_shared>> -> memref<16384x32xf32, #tpu.memory_space<vmem_shared>>
        tpu.wait_indirect_dma semaphore(%arg30 : memref<!tpu.dma_semaphore, #tpu.memory_space<semaphore_mem>>) src(%arg13 : memref<128x32xf32, #tpu.memory_space<vmem>>) dst(%dma_wait3A_483 : memref<16384x32xf32, #tpu.memory_space<vmem_shared>>)
      } else {
      }
      %add3A_272 = arith.constant 4 : i32
      %add3A_273 = arith.addi %add3A_254, %add3A_272 : i32
      %min3A_274 = arith.constant 255 : i32
      %min3A_275 = arith.minsi %add3A_273, %min3A_274 : i32
      %dma_start3A_276 = arith.constant 0 : i32
      %dma_start3A_277 = tpu.memref_slice %arg6[%min3A_275, %dma_start3A_276] : memref<256x128xi32, #tpu.memory_space<vmem>> -> memref<1x128xi32, #tpu.memory_space<vmem>>
      %dma_start3A_278 = tpu.memref_squeeze %dma_start3A_277 : memref<1x128xi32, #tpu.memory_space<vmem>> -> memref<128xi32, #tpu.memory_space<vmem>>
      %dma_start3A_279 = arith.constant 0 : i32
      %dma_start3A_280 = arith.constant 0 : i32
      %dma_start3A_281 = tpu.memref_slice %arg2[%dma_start3A_279, %dma_start3A_280] : memref<65536x32xf32, #tpu.memory_space<hbm>> -> memref<65536x32xf32, #tpu.memory_space<hbm>>
      tpu.enqueue_indirect_dma source(%dma_start3A_281 : memref<65536x32xf32, #tpu.memory_space<hbm>>) target(%arg13 : memref<128x32xf32, #tpu.memory_space<vmem>>) offsets(%dma_start3A_278 : memref<128xi32, #tpu.memory_space<vmem>>) semaphore(%arg22 : memref<!tpu.dma_semaphore, #tpu.memory_space<semaphore_mem>>)
      %mul3A_282 = arith.constant 8 : i32
      %mul3A_283 = arith.muli %mul3A_282, %scan3A_222 : i32
      %add3A_284 = arith.constant 2 : i32
      %add3A_285 = arith.addi %mul3A_283, %add3A_284 : i32
      %dma_wait3A_286 = arith.constant 0 : i32
      %dma_wait3A_287 = tpu.memref_slice %arg6[%add3A_285, %dma_wait3A_286] : memref<256x128xi32, #tpu.memory_space<vmem>> -> memref<1x128xi32, #tpu.memory_space<vmem>>
      %dma_wait3A_288 = tpu.memref_squeeze %dma_wait3A_287 : memref<1x128xi32, #tpu.memory_space<vmem>> -> memref<128xi32, #tpu.memory_space<vmem>>
      %dma_wait3A_289 = arith.constant 0 : i32
      %dma_wait3A_290 = arith.constant 0 : i32
      %dma_wait3A_291 = tpu.memref_slice %arg2[%dma_wait3A_289, %dma_wait3A_290] : memref<65536x32xf32, #tpu.memory_space<hbm>> -> memref<65536x32xf32, #tpu.memory_space<hbm>>
      tpu.wait_indirect_dma semaphore(%arg19 : memref<!tpu.dma_semaphore, #tpu.memory_space<semaphore_mem>>) src(%dma_wait3A_291 : memref<65536x32xf32, #tpu.memory_space<hbm>>) dst(%arg10 : memref<128x32xf32, #tpu.memory_space<vmem>>)
      %dma_start3A_292 = arith.constant 0 : i32
      %dma_start3A_293 = tpu.memref_slice %arg7[%add3A_285, %dma_start3A_292] : memref<256x128xi32, #tpu.memory_space<vmem>> -> memref<1x128xi32, #tpu.memory_space<vmem>>
      %dma_start3A_294 = tpu.memref_squeeze %dma_start3A_293 : memref<1x128xi32, #tpu.memory_space<vmem>> -> memref<128xi32, #tpu.memory_space<vmem>>
      %dma_start3A_295 = arith.constant 0 : i32
      %dma_start3A_296 = arith.constant 0 : i32
      %dma_start3A_297 = tpu.memref_slice %arg16[%dma_start3A_295, %dma_start3A_296] : memref<16384x32xf32, #tpu.memory_space<vmem_shared>> -> memref<16384x32xf32, #tpu.memory_space<vmem_shared>>
      tpu.enqueue_indirect_dma source(%arg10 : memref<128x32xf32, #tpu.memory_space<vmem>>) target(%dma_start3A_297 : memref<16384x32xf32, #tpu.memory_space<vmem_shared>>) offsets(%dma_start3A_294 : memref<128xi32, #tpu.memory_space<vmem>>) semaphore(%arg27 : memref<!tpu.dma_semaphore, #tpu.memory_space<semaphore_mem>>) {add = true}
      %gt3A_298 = arith.constant 0 : i32
      %gt3A_299 = arith.cmpi sgt, %scan3A_222, %gt3A_298 : i32
      %convert_element_type3A_300 = arith.extui %gt3A_299 : i1 to i32
      %cond3A_301 = arith.constant 0 : i32
      %cond3A_302 = arith.cmpi ne, %convert_element_type3A_300, %cond3A_301 : i32
      scf.if %cond3A_302 {
        %dma_wait3A_477 = arith.constant 0 : i32
        %dma_wait3A_478 = arith.constant 0 : i32
        %dma_wait3A_479 = tpu.memref_slice %arg7[%dma_wait3A_477, %dma_wait3A_478] : memref<256x128xi32, #tpu.memory_space<vmem>> -> memref<1x128xi32, #tpu.memory_space<vmem>>
        %dma_wait3A_480 = tpu.memref_squeeze %dma_wait3A_479 : memref<1x128xi32, #tpu.memory_space<vmem>> -> memref<128xi32, #tpu.memory_space<vmem>>
        %dma_wait3A_481 = arith.constant 0 : i32
        %dma_wait3A_482 = arith.constant 0 : i32
        %dma_wait3A_483 = tpu.memref_slice %arg16[%dma_wait3A_481, %dma_wait3A_482] : memref<16384x32xf32, #tpu.memory_space<vmem_shared>> -> memref<16384x32xf32, #tpu.memory_space<vmem_shared>>
        tpu.wait_indirect_dma semaphore(%arg31 : memref<!tpu.dma_semaphore, #tpu.memory_space<semaphore_mem>>) src(%arg14 : memref<128x32xf32, #tpu.memory_space<vmem>>) dst(%dma_wait3A_483 : memref<16384x32xf32, #tpu.memory_space<vmem_shared>>)
      } else {
      }
      %add3A_303 = arith.constant 4 : i32
      %add3A_304 = arith.addi %add3A_285, %add3A_303 : i32
      %min3A_305 = arith.constant 255 : i32
      %min3A_306 = arith.minsi %add3A_304, %min3A_305 : i32
      %dma_start3A_307 = arith.constant 0 : i32
      %dma_start3A_308 = tpu.memref_slice %arg6[%min3A_306, %dma_start3A_307] : memref<256x128xi32, #tpu.memory_space<vmem>> -> memref<1x128xi32, #tpu.memory_space<vmem>>
      %dma_start3A_309 = tpu.memref_squeeze %dma_start3A_308 : memref<1x128xi32, #tpu.memory_space<vmem>> -> memref<128xi32, #tpu.memory_space<vmem>>
      %dma_start3A_310 = arith.constant 0 : i32
      %dma_start3A_311 = arith.constant 0 : i32
      %dma_start3A_312 = tpu.memref_slice %arg2[%dma_start3A_310, %dma_start3A_311] : memref<65536x32xf32, #tpu.memory_space<hbm>> -> memref<65536x32xf32, #tpu.memory_space<hbm>>
      tpu.enqueue_indirect_dma source(%dma_start3A_312 : memref<65536x32xf32, #tpu.memory_space<hbm>>) target(%arg14 : memref<128x32xf32, #tpu.memory_space<vmem>>) offsets(%dma_start3A_309 : memref<128xi32, #tpu.memory_space<vmem>>) semaphore(%arg23 : memref<!tpu.dma_semaphore, #tpu.memory_space<semaphore_mem>>)
      %mul3A_313 = arith.constant 8 : i32
      %mul3A_314 = arith.muli %mul3A_313, %scan3A_222 : i32
      %add3A_315 = arith.constant 3 : i32
      %add3A_316 = arith.addi %mul3A_314, %add3A_315 : i32
      %dma_wait3A_317 = arith.constant 0 : i32
      %dma_wait3A_318 = tpu.memref_slice %arg6[%add3A_316, %dma_wait3A_317] : memref<256x128xi32, #tpu.memory_space<vmem>> -> memref<1x128xi32, #tpu.memory_space<vmem>>
      %dma_wait3A_319 = tpu.memref_squeeze %dma_wait3A_318 : memref<1x128xi32, #tpu.memory_space<vmem>> -> memref<128xi32, #tpu.memory_space<vmem>>
      %dma_wait3A_320 = arith.constant 0 : i32
      %dma_wait3A_321 = arith.constant 0 : i32
      %dma_wait3A_322 = tpu.memref_slice %arg2[%dma_wait3A_320, %dma_wait3A_321] : memref<65536x32xf32, #tpu.memory_space<hbm>> -> memref<65536x32xf32, #tpu.memory_space<hbm>>
      tpu.wait_indirect_dma semaphore(%arg20 : memref<!tpu.dma_semaphore, #tpu.memory_space<semaphore_mem>>) src(%dma_wait3A_322 : memref<65536x32xf32, #tpu.memory_space<hbm>>) dst(%arg11 : memref<128x32xf32, #tpu.memory_space<vmem>>)
      %dma_start3A_323 = arith.constant 0 : i32
      %dma_start3A_324 = tpu.memref_slice %arg7[%add3A_316, %dma_start3A_323] : memref<256x128xi32, #tpu.memory_space<vmem>> -> memref<1x128xi32, #tpu.memory_space<vmem>>
      %dma_start3A_325 = tpu.memref_squeeze %dma_start3A_324 : memref<1x128xi32, #tpu.memory_space<vmem>> -> memref<128xi32, #tpu.memory_space<vmem>>
      %dma_start3A_326 = arith.constant 0 : i32
      %dma_start3A_327 = arith.constant 0 : i32
      %dma_start3A_328 = tpu.memref_slice %arg16[%dma_start3A_326, %dma_start3A_327] : memref<16384x32xf32, #tpu.memory_space<vmem_shared>> -> memref<16384x32xf32, #tpu.memory_space<vmem_shared>>
      tpu.enqueue_indirect_dma source(%arg11 : memref<128x32xf32, #tpu.memory_space<vmem>>) target(%dma_start3A_328 : memref<16384x32xf32, #tpu.memory_space<vmem_shared>>) offsets(%dma_start3A_325 : memref<128xi32, #tpu.memory_space<vmem>>) semaphore(%arg28 : memref<!tpu.dma_semaphore, #tpu.memory_space<semaphore_mem>>) {add = true}
      %gt3A_329 = arith.constant 0 : i32
      %gt3A_330 = arith.cmpi sgt, %scan3A_222, %gt3A_329 : i32
      %convert_element_type3A_331 = arith.extui %gt3A_330 : i1 to i32
      %cond3A_332 = arith.constant 0 : i32
      %cond3A_333 = arith.cmpi ne, %convert_element_type3A_331, %cond3A_332 : i32
      scf.if %cond3A_333 {
        %dma_wait3A_477 = arith.constant 0 : i32
        %dma_wait3A_478 = arith.constant 0 : i32
        %dma_wait3A_479 = tpu.memref_slice %arg7[%dma_wait3A_477, %dma_wait3A_478] : memref<256x128xi32, #tpu.memory_space<vmem>> -> memref<1x128xi32, #tpu.memory_space<vmem>>
        %dma_wait3A_480 = tpu.memref_squeeze %dma_wait3A_479 : memref<1x128xi32, #tpu.memory_space<vmem>> -> memref<128xi32, #tpu.memory_space<vmem>>
        %dma_wait3A_481 = arith.constant 0 : i32
        %dma_wait3A_482 = arith.constant 0 : i32
        %dma_wait3A_483 = tpu.memref_slice %arg16[%dma_wait3A_481, %dma_wait3A_482] : memref<16384x32xf32, #tpu.memory_space<vmem_shared>> -> memref<16384x32xf32, #tpu.memory_space<vmem_shared>>
        tpu.wait_indirect_dma semaphore(%arg32 : memref<!tpu.dma_semaphore, #tpu.memory_space<semaphore_mem>>) src(%arg15 : memref<128x32xf32, #tpu.memory_space<vmem>>) dst(%dma_wait3A_483 : memref<16384x32xf32, #tpu.memory_space<vmem_shared>>)
      } else {
      }
      %add3A_334 = arith.constant 4 : i32
      %add3A_335 = arith.addi %add3A_316, %add3A_334 : i32
      %min3A_336 = arith.constant 255 : i32
      %min3A_337 = arith.minsi %add3A_335, %min3A_336 : i32
      %dma_start3A_338 = arith.constant 0 : i32
      %dma_start3A_339 = tpu.memref_slice %arg6[%min3A_337, %dma_start3A_338] : memref<256x128xi32, #tpu.memory_space<vmem>> -> memref<1x128xi32, #tpu.memory_space<vmem>>
      %dma_start3A_340 = tpu.memref_squeeze %dma_start3A_339 : memref<1x128xi32, #tpu.memory_space<vmem>> -> memref<128xi32, #tpu.memory_space<vmem>>
      %dma_start3A_341 = arith.constant 0 : i32
      %dma_start3A_342 = arith.constant 0 : i32
      %dma_start3A_343 = tpu.memref_slice %arg2[%dma_start3A_341, %dma_start3A_342] : memref<65536x32xf32, #tpu.memory_space<hbm>> -> memref<65536x32xf32, #tpu.memory_space<hbm>>
      tpu.enqueue_indirect_dma source(%dma_start3A_343 : memref<65536x32xf32, #tpu.memory_space<hbm>>) target(%arg15 : memref<128x32xf32, #tpu.memory_space<vmem>>) offsets(%dma_start3A_340 : memref<128xi32, #tpu.memory_space<vmem>>) semaphore(%arg24 : memref<!tpu.dma_semaphore, #tpu.memory_space<semaphore_mem>>)
      %mul3A_344 = arith.constant 8 : i32
      %mul3A_345 = arith.muli %mul3A_344, %scan3A_222 : i32
      %add3A_346 = arith.constant 4 : i32
      %add3A_347 = arith.addi %mul3A_345, %add3A_346 : i32
      %dma_wait3A_348 = arith.constant 0 : i32
      %dma_wait3A_349 = tpu.memref_slice %arg6[%add3A_347, %dma_wait3A_348] : memref<256x128xi32, #tpu.memory_space<vmem>> -> memref<1x128xi32, #tpu.memory_space<vmem>>
      %dma_wait3A_350 = tpu.memref_squeeze %dma_wait3A_349 : memref<1x128xi32, #tpu.memory_space<vmem>> -> memref<128xi32, #tpu.memory_space<vmem>>
      %dma_wait3A_351 = arith.constant 0 : i32
      %dma_wait3A_352 = arith.constant 0 : i32
      %dma_wait3A_353 = tpu.memref_slice %arg2[%dma_wait3A_351, %dma_wait3A_352] : memref<65536x32xf32, #tpu.memory_space<hbm>> -> memref<65536x32xf32, #tpu.memory_space<hbm>>
      tpu.wait_indirect_dma semaphore(%arg21 : memref<!tpu.dma_semaphore, #tpu.memory_space<semaphore_mem>>) src(%dma_wait3A_353 : memref<65536x32xf32, #tpu.memory_space<hbm>>) dst(%arg12 : memref<128x32xf32, #tpu.memory_space<vmem>>)
      %dma_start3A_354 = arith.constant 0 : i32
      %dma_start3A_355 = tpu.memref_slice %arg7[%add3A_347, %dma_start3A_354] : memref<256x128xi32, #tpu.memory_space<vmem>> -> memref<1x128xi32, #tpu.memory_space<vmem>>
      %dma_start3A_356 = tpu.memref_squeeze %dma_start3A_355 : memref<1x128xi32, #tpu.memory_space<vmem>> -> memref<128xi32, #tpu.memory_space<vmem>>
      %dma_start3A_357 = arith.constant 0 : i32
      %dma_start3A_358 = arith.constant 0 : i32
      %dma_start3A_359 = tpu.memref_slice %arg16[%dma_start3A_357, %dma_start3A_358] : memref<16384x32xf32, #tpu.memory_space<vmem_shared>> -> memref<16384x32xf32, #tpu.memory_space<vmem_shared>>
      tpu.enqueue_indirect_dma source(%arg12 : memref<128x32xf32, #tpu.memory_space<vmem>>) target(%dma_start3A_359 : memref<16384x32xf32, #tpu.memory_space<vmem_shared>>) offsets(%dma_start3A_356 : memref<128xi32, #tpu.memory_space<vmem>>) semaphore(%arg29 : memref<!tpu.dma_semaphore, #tpu.memory_space<semaphore_mem>>) {add = true}
      %dma_wait3A_360 = arith.constant 0 : i32
      %dma_wait3A_361 = arith.constant 0 : i32
      %dma_wait3A_362 = tpu.memref_slice %arg7[%dma_wait3A_360, %dma_wait3A_361] : memref<256x128xi32, #tpu.memory_space<vmem>> -> memref<1x128xi32, #tpu.memory_space<vmem>>
      %dma_wait3A_363 = tpu.memref_squeeze %dma_wait3A_362 : memref<1x128xi32, #tpu.memory_space<vmem>> -> memref<128xi32, #tpu.memory_space<vmem>>
      %dma_wait3A_364 = arith.constant 0 : i32
      %dma_wait3A_365 = arith.constant 0 : i32
      %dma_wait3A_366 = tpu.memref_slice %arg16[%dma_wait3A_364, %dma_wait3A_365] : memref<16384x32xf32, #tpu.memory_space<vmem_shared>> -> memref<16384x32xf32, #tpu.memory_space<vmem_shared>>
      tpu.wait_indirect_dma semaphore(%arg25 : memref<!tpu.dma_semaphore, #tpu.memory_space<semaphore_mem>>) src(%arg8 : memref<128x32xf32, #tpu.memory_space<vmem>>) dst(%dma_wait3A_366 : memref<16384x32xf32, #tpu.memory_space<vmem_shared>>)
      %add3A_367 = arith.constant 4 : i32
      %add3A_368 = arith.addi %add3A_347, %add3A_367 : i32
      %min3A_369 = arith.constant 255 : i32
      %min3A_370 = arith.minsi %add3A_368, %min3A_369 : i32
      %dma_start3A_371 = arith.constant 0 : i32
      %dma_start3A_372 = tpu.memref_slice %arg6[%min3A_370, %dma_start3A_371] : memref<256x128xi32, #tpu.memory_space<vmem>> -> memref<1x128xi32, #tpu.memory_space<vmem>>
      %dma_start3A_373 = tpu.memref_squeeze %dma_start3A_372 : memref<1x128xi32, #tpu.memory_space<vmem>> -> memref<128xi32, #tpu.memory_space<vmem>>
      %dma_start3A_374 = arith.constant 0 : i32
      %dma_start3A_375 = arith.constant 0 : i32
      %dma_start3A_376 = tpu.memref_slice %arg2[%dma_start3A_374, %dma_start3A_375] : memref<65536x32xf32, #tpu.memory_space<hbm>> -> memref<65536x32xf32, #tpu.memory_space<hbm>>
      tpu.enqueue_indirect_dma source(%dma_start3A_376 : memref<65536x32xf32, #tpu.memory_space<hbm>>) target(%arg8 : memref<128x32xf32, #tpu.memory_space<vmem>>) offsets(%dma_start3A_373 : memref<128xi32, #tpu.memory_space<vmem>>) semaphore(%arg17 : memref<!tpu.dma_semaphore, #tpu.memory_space<semaphore_mem>>)
      %mul3A_377 = arith.constant 8 : i32
      %mul3A_378 = arith.muli %mul3A_377, %scan3A_222 : i32
      %add3A_379 = arith.constant 5 : i32
      %add3A_380 = arith.addi %mul3A_378, %add3A_379 : i32
      %dma_wait3A_381 = arith.constant 0 : i32
      %dma_wait3A_382 = tpu.memref_slice %arg6[%add3A_380, %dma_wait3A_381] : memref<256x128xi32, #tpu.memory_space<vmem>> -> memref<1x128xi32, #tpu.memory_space<vmem>>
      %dma_wait3A_383 = tpu.memref_squeeze %dma_wait3A_382 : memref<1x128xi32, #tpu.memory_space<vmem>> -> memref<128xi32, #tpu.memory_space<vmem>>
      %dma_wait3A_384 = arith.constant 0 : i32
      %dma_wait3A_385 = arith.constant 0 : i32
      %dma_wait3A_386 = tpu.memref_slice %arg2[%dma_wait3A_384, %dma_wait3A_385] : memref<65536x32xf32, #tpu.memory_space<hbm>> -> memref<65536x32xf32, #tpu.memory_space<hbm>>
      tpu.wait_indirect_dma semaphore(%arg22 : memref<!tpu.dma_semaphore, #tpu.memory_space<semaphore_mem>>) src(%dma_wait3A_386 : memref<65536x32xf32, #tpu.memory_space<hbm>>) dst(%arg13 : memref<128x32xf32, #tpu.memory_space<vmem>>)
      %dma_start3A_387 = arith.constant 0 : i32
      %dma_start3A_388 = tpu.memref_slice %arg7[%add3A_380, %dma_start3A_387] : memref<256x128xi32, #tpu.memory_space<vmem>> -> memref<1x128xi32, #tpu.memory_space<vmem>>
      %dma_start3A_389 = tpu.memref_squeeze %dma_start3A_388 : memref<1x128xi32, #tpu.memory_space<vmem>> -> memref<128xi32, #tpu.memory_space<vmem>>
      %dma_start3A_390 = arith.constant 0 : i32
      %dma_start3A_391 = arith.constant 0 : i32
      %dma_start3A_392 = tpu.memref_slice %arg16[%dma_start3A_390, %dma_start3A_391] : memref<16384x32xf32, #tpu.memory_space<vmem_shared>> -> memref<16384x32xf32, #tpu.memory_space<vmem_shared>>
      tpu.enqueue_indirect_dma source(%arg13 : memref<128x32xf32, #tpu.memory_space<vmem>>) target(%dma_start3A_392 : memref<16384x32xf32, #tpu.memory_space<vmem_shared>>) offsets(%dma_start3A_389 : memref<128xi32, #tpu.memory_space<vmem>>) semaphore(%arg30 : memref<!tpu.dma_semaphore, #tpu.memory_space<semaphore_mem>>) {add = true}
      %dma_wait3A_393 = arith.constant 0 : i32
      %dma_wait3A_394 = arith.constant 0 : i32
      %dma_wait3A_395 = tpu.memref_slice %arg7[%dma_wait3A_393, %dma_wait3A_394] : memref<256x128xi32, #tpu.memory_space<vmem>> -> memref<1x128xi32, #tpu.memory_space<vmem>>
      %dma_wait3A_396 = tpu.memref_squeeze %dma_wait3A_395 : memref<1x128xi32, #tpu.memory_space<vmem>> -> memref<128xi32, #tpu.memory_space<vmem>>
      %dma_wait3A_397 = arith.constant 0 : i32
      %dma_wait3A_398 = arith.constant 0 : i32
      %dma_wait3A_399 = tpu.memref_slice %arg16[%dma_wait3A_397, %dma_wait3A_398] : memref<16384x32xf32, #tpu.memory_space<vmem_shared>> -> memref<16384x32xf32, #tpu.memory_space<vmem_shared>>
      tpu.wait_indirect_dma semaphore(%arg26 : memref<!tpu.dma_semaphore, #tpu.memory_space<semaphore_mem>>) src(%arg9 : memref<128x32xf32, #tpu.memory_space<vmem>>) dst(%dma_wait3A_399 : memref<16384x32xf32, #tpu.memory_space<vmem_shared>>)
      %add3A_400 = arith.constant 4 : i32
      %add3A_401 = arith.addi %add3A_380, %add3A_400 : i32
      %min3A_402 = arith.constant 255 : i32
      %min3A_403 = arith.minsi %add3A_401, %min3A_402 : i32
      %dma_start3A_404 = arith.constant 0 : i32
      %dma_start3A_405 = tpu.memref_slice %arg6[%min3A_403, %dma_start3A_404] : memref<256x128xi32, #tpu.memory_space<vmem>> -> memref<1x128xi32, #tpu.memory_space<vmem>>
      %dma_start3A_406 = tpu.memref_squeeze %dma_start3A_405 : memref<1x128xi32, #tpu.memory_space<vmem>> -> memref<128xi32, #tpu.memory_space<vmem>>
      %dma_start3A_407 = arith.constant 0 : i32
      %dma_start3A_408 = arith.constant 0 : i32
      %dma_start3A_409 = tpu.memref_slice %arg2[%dma_start3A_407, %dma_start3A_408] : memref<65536x32xf32, #tpu.memory_space<hbm>> -> memref<65536x32xf32, #tpu.memory_space<hbm>>
      tpu.enqueue_indirect_dma source(%dma_start3A_409 : memref<65536x32xf32, #tpu.memory_space<hbm>>) target(%arg9 : memref<128x32xf32, #tpu.memory_space<vmem>>) offsets(%dma_start3A_406 : memref<128xi32, #tpu.memory_space<vmem>>) semaphore(%arg18 : memref<!tpu.dma_semaphore, #tpu.memory_space<semaphore_mem>>)
      %mul3A_410 = arith.constant 8 : i32
      %mul3A_411 = arith.muli %mul3A_410, %scan3A_222 : i32
      %add3A_412 = arith.constant 6 : i32
      %add3A_413 = arith.addi %mul3A_411, %add3A_412 : i32
      %dma_wait3A_414 = arith.constant 0 : i32
      %dma_wait3A_415 = tpu.memref_slice %arg6[%add3A_413, %dma_wait3A_414] : memref<256x128xi32, #tpu.memory_space<vmem>> -> memref<1x128xi32, #tpu.memory_space<vmem>>
      %dma_wait3A_416 = tpu.memref_squeeze %dma_wait3A_415 : memref<1x128xi32, #tpu.memory_space<vmem>> -> memref<128xi32, #tpu.memory_space<vmem>>
      %dma_wait3A_417 = arith.constant 0 : i32
      %dma_wait3A_418 = arith.constant 0 : i32
      %dma_wait3A_419 = tpu.memref_slice %arg2[%dma_wait3A_417, %dma_wait3A_418] : memref<65536x32xf32, #tpu.memory_space<hbm>> -> memref<65536x32xf32, #tpu.memory_space<hbm>>
      tpu.wait_indirect_dma semaphore(%arg23 : memref<!tpu.dma_semaphore, #tpu.memory_space<semaphore_mem>>) src(%dma_wait3A_419 : memref<65536x32xf32, #tpu.memory_space<hbm>>) dst(%arg14 : memref<128x32xf32, #tpu.memory_space<vmem>>)
      %dma_start3A_420 = arith.constant 0 : i32
      %dma_start3A_421 = tpu.memref_slice %arg7[%add3A_413, %dma_start3A_420] : memref<256x128xi32, #tpu.memory_space<vmem>> -> memref<1x128xi32, #tpu.memory_space<vmem>>
      %dma_start3A_422 = tpu.memref_squeeze %dma_start3A_421 : memref<1x128xi32, #tpu.memory_space<vmem>> -> memref<128xi32, #tpu.memory_space<vmem>>
      %dma_start3A_423 = arith.constant 0 : i32
      %dma_start3A_424 = arith.constant 0 : i32
      %dma_start3A_425 = tpu.memref_slice %arg16[%dma_start3A_423, %dma_start3A_424] : memref<16384x32xf32, #tpu.memory_space<vmem_shared>> -> memref<16384x32xf32, #tpu.memory_space<vmem_shared>>
      tpu.enqueue_indirect_dma source(%arg14 : memref<128x32xf32, #tpu.memory_space<vmem>>) target(%dma_start3A_425 : memref<16384x32xf32, #tpu.memory_space<vmem_shared>>) offsets(%dma_start3A_422 : memref<128xi32, #tpu.memory_space<vmem>>) semaphore(%arg31 : memref<!tpu.dma_semaphore, #tpu.memory_space<semaphore_mem>>) {add = true}
      %dma_wait3A_426 = arith.constant 0 : i32
      %dma_wait3A_427 = arith.constant 0 : i32
      %dma_wait3A_428 = tpu.memref_slice %arg7[%dma_wait3A_426, %dma_wait3A_427] : memref<256x128xi32, #tpu.memory_space<vmem>> -> memref<1x128xi32, #tpu.memory_space<vmem>>
      %dma_wait3A_429 = tpu.memref_squeeze %dma_wait3A_428 : memref<1x128xi32, #tpu.memory_space<vmem>> -> memref<128xi32, #tpu.memory_space<vmem>>
      %dma_wait3A_430 = arith.constant 0 : i32
      %dma_wait3A_431 = arith.constant 0 : i32
      %dma_wait3A_432 = tpu.memref_slice %arg16[%dma_wait3A_430, %dma_wait3A_431] : memref<16384x32xf32, #tpu.memory_space<vmem_shared>> -> memref<16384x32xf32, #tpu.memory_space<vmem_shared>>
      tpu.wait_indirect_dma semaphore(%arg27 : memref<!tpu.dma_semaphore, #tpu.memory_space<semaphore_mem>>) src(%arg10 : memref<128x32xf32, #tpu.memory_space<vmem>>) dst(%dma_wait3A_432 : memref<16384x32xf32, #tpu.memory_space<vmem_shared>>)
      %add3A_433 = arith.constant 4 : i32
      %add3A_434 = arith.addi %add3A_413, %add3A_433 : i32
      %min3A_435 = arith.constant 255 : i32
      %min3A_436 = arith.minsi %add3A_434, %min3A_435 : i32
      %dma_start3A_437 = arith.constant 0 : i32
      %dma_start3A_438 = tpu.memref_slice %arg6[%min3A_436, %dma_start3A_437] : memref<256x128xi32, #tpu.memory_space<vmem>> -> memref<1x128xi32, #tpu.memory_space<vmem>>
      %dma_start3A_439 = tpu.memref_squeeze %dma_start3A_438 : memref<1x128xi32, #tpu.memory_space<vmem>> -> memref<128xi32, #tpu.memory_space<vmem>>
      %dma_start3A_440 = arith.constant 0 : i32
      %dma_start3A_441 = arith.constant 0 : i32
      %dma_start3A_442 = tpu.memref_slice %arg2[%dma_start3A_440, %dma_start3A_441] : memref<65536x32xf32, #tpu.memory_space<hbm>> -> memref<65536x32xf32, #tpu.memory_space<hbm>>
      tpu.enqueue_indirect_dma source(%dma_start3A_442 : memref<65536x32xf32, #tpu.memory_space<hbm>>) target(%arg10 : memref<128x32xf32, #tpu.memory_space<vmem>>) offsets(%dma_start3A_439 : memref<128xi32, #tpu.memory_space<vmem>>) semaphore(%arg19 : memref<!tpu.dma_semaphore, #tpu.memory_space<semaphore_mem>>)
      %mul3A_443 = arith.constant 8 : i32
      %mul3A_444 = arith.muli %mul3A_443, %scan3A_222 : i32
      %add3A_445 = arith.constant 7 : i32
      %add3A_446 = arith.addi %mul3A_444, %add3A_445 : i32
      %dma_wait3A_447 = arith.constant 0 : i32
      %dma_wait3A_448 = tpu.memref_slice %arg6[%add3A_446, %dma_wait3A_447] : memref<256x128xi32, #tpu.memory_space<vmem>> -> memref<1x128xi32, #tpu.memory_space<vmem>>
      %dma_wait3A_449 = tpu.memref_squeeze %dma_wait3A_448 : memref<1x128xi32, #tpu.memory_space<vmem>> -> memref<128xi32, #tpu.memory_space<vmem>>
      %dma_wait3A_450 = arith.constant 0 : i32
      %dma_wait3A_451 = arith.constant 0 : i32
      %dma_wait3A_452 = tpu.memref_slice %arg2[%dma_wait3A_450, %dma_wait3A_451] : memref<65536x32xf32, #tpu.memory_space<hbm>> -> memref<65536x32xf32, #tpu.memory_space<hbm>>
      tpu.wait_indirect_dma semaphore(%arg24 : memref<!tpu.dma_semaphore, #tpu.memory_space<semaphore_mem>>) src(%dma_wait3A_452 : memref<65536x32xf32, #tpu.memory_space<hbm>>) dst(%arg15 : memref<128x32xf32, #tpu.memory_space<vmem>>)
      %dma_start3A_453 = arith.constant 0 : i32
      %dma_start3A_454 = tpu.memref_slice %arg7[%add3A_446, %dma_start3A_453] : memref<256x128xi32, #tpu.memory_space<vmem>> -> memref<1x128xi32, #tpu.memory_space<vmem>>
      %dma_start3A_455 = tpu.memref_squeeze %dma_start3A_454 : memref<1x128xi32, #tpu.memory_space<vmem>> -> memref<128xi32, #tpu.memory_space<vmem>>
      %dma_start3A_456 = arith.constant 0 : i32
      %dma_start3A_457 = arith.constant 0 : i32
      %dma_start3A_458 = tpu.memref_slice %arg16[%dma_start3A_456, %dma_start3A_457] : memref<16384x32xf32, #tpu.memory_space<vmem_shared>> -> memref<16384x32xf32, #tpu.memory_space<vmem_shared>>
      tpu.enqueue_indirect_dma source(%arg15 : memref<128x32xf32, #tpu.memory_space<vmem>>) target(%dma_start3A_458 : memref<16384x32xf32, #tpu.memory_space<vmem_shared>>) offsets(%dma_start3A_455 : memref<128xi32, #tpu.memory_space<vmem>>) semaphore(%arg32 : memref<!tpu.dma_semaphore, #tpu.memory_space<semaphore_mem>>) {add = true}
      %dma_wait3A_459 = arith.constant 0 : i32
      %dma_wait3A_460 = arith.constant 0 : i32
      %dma_wait3A_461 = tpu.memref_slice %arg7[%dma_wait3A_459, %dma_wait3A_460] : memref<256x128xi32, #tpu.memory_space<vmem>> -> memref<1x128xi32, #tpu.memory_space<vmem>>
      %dma_wait3A_462 = tpu.memref_squeeze %dma_wait3A_461 : memref<1x128xi32, #tpu.memory_space<vmem>> -> memref<128xi32, #tpu.memory_space<vmem>>
      %dma_wait3A_463 = arith.constant 0 : i32
      %dma_wait3A_464 = arith.constant 0 : i32
      %dma_wait3A_465 = tpu.memref_slice %arg16[%dma_wait3A_463, %dma_wait3A_464] : memref<16384x32xf32, #tpu.memory_space<vmem_shared>> -> memref<16384x32xf32, #tpu.memory_space<vmem_shared>>
      tpu.wait_indirect_dma semaphore(%arg28 : memref<!tpu.dma_semaphore, #tpu.memory_space<semaphore_mem>>) src(%arg11 : memref<128x32xf32, #tpu.memory_space<vmem>>) dst(%dma_wait3A_465 : memref<16384x32xf32, #tpu.memory_space<vmem_shared>>)
      %add3A_466 = arith.constant 4 : i32
      %add3A_467 = arith.addi %add3A_446, %add3A_466 : i32
      %min3A_468 = arith.constant 255 : i32
      %min3A_469 = arith.minsi %add3A_467, %min3A_468 : i32
      %dma_start3A_470 = arith.constant 0 : i32
      %dma_start3A_471 = tpu.memref_slice %arg6[%min3A_469, %dma_start3A_470] : memref<256x128xi32, #tpu.memory_space<vmem>> -> memref<1x128xi32, #tpu.memory_space<vmem>>
      %dma_start3A_472 = tpu.memref_squeeze %dma_start3A_471 : memref<1x128xi32, #tpu.memory_space<vmem>> -> memref<128xi32, #tpu.memory_space<vmem>>
      %dma_start3A_473 = arith.constant 0 : i32
      %dma_start3A_474 = arith.constant 0 : i32
      %dma_start3A_475 = tpu.memref_slice %arg2[%dma_start3A_473, %dma_start3A_474] : memref<65536x32xf32, #tpu.memory_space<hbm>> -> memref<65536x32xf32, #tpu.memory_space<hbm>>
      tpu.enqueue_indirect_dma source(%dma_start3A_475 : memref<65536x32xf32, #tpu.memory_space<hbm>>) target(%arg11 : memref<128x32xf32, #tpu.memory_space<vmem>>) offsets(%dma_start3A_472 : memref<128xi32, #tpu.memory_space<vmem>>) semaphore(%arg20 : memref<!tpu.dma_semaphore, #tpu.memory_space<semaphore_mem>>)
      %scan3A_476 = arith.constant 0 : i32
      scf.yield %scan3A_476 : i32
    }
    %scan3A_157 = arith.constant 32 : i32
    %dma_wait3A_158 = arith.constant 0 : i32
    %dma_wait3A_159 = arith.constant 0 : i32
    %dma_wait3A_160 = tpu.memref_slice %arg6[%dma_wait3A_158, %dma_wait3A_159] : memref<256x128xi32, #tpu.memory_space<vmem>> -> memref<1x128xi32, #tpu.memory_space<vmem>>
    %dma_wait3A_161 = tpu.memref_squeeze %dma_wait3A_160 : memref<1x128xi32, #tpu.memory_space<vmem>> -> memref<128xi32, #tpu.memory_space<vmem>>
    %dma_wait3A_162 = arith.constant 0 : i32
    %dma_wait3A_163 = arith.constant 0 : i32
    %dma_wait3A_164 = tpu.memref_slice %arg2[%dma_wait3A_162, %dma_wait3A_163] : memref<65536x32xf32, #tpu.memory_space<hbm>> -> memref<65536x32xf32, #tpu.memory_space<hbm>>
    tpu.wait_indirect_dma semaphore(%arg17 : memref<!tpu.dma_semaphore, #tpu.memory_space<semaphore_mem>>) src(%dma_wait3A_164 : memref<65536x32xf32, #tpu.memory_space<hbm>>) dst(%arg8 : memref<128x32xf32, #tpu.memory_space<vmem>>)
    %dma_wait3A_165 = arith.constant 0 : i32
    %dma_wait3A_166 = arith.constant 0 : i32
    %dma_wait3A_167 = tpu.memref_slice %arg6[%dma_wait3A_165, %dma_wait3A_166] : memref<256x128xi32, #tpu.memory_space<vmem>> -> memref<1x128xi32, #tpu.memory_space<vmem>>
    %dma_wait3A_168 = tpu.memref_squeeze %dma_wait3A_167 : memref<1x128xi32, #tpu.memory_space<vmem>> -> memref<128xi32, #tpu.memory_space<vmem>>
    %dma_wait3A_169 = arith.constant 0 : i32
    %dma_wait3A_170 = arith.constant 0 : i32
    %dma_wait3A_171 = tpu.memref_slice %arg2[%dma_wait3A_169, %dma_wait3A_170] : memref<65536x32xf32, #tpu.memory_space<hbm>> -> memref<65536x32xf32, #tpu.memory_space<hbm>>
    tpu.wait_indirect_dma semaphore(%arg18 : memref<!tpu.dma_semaphore, #tpu.memory_space<semaphore_mem>>) src(%dma_wait3A_171 : memref<65536x32xf32, #tpu.memory_space<hbm>>) dst(%arg9 : memref<128x32xf32, #tpu.memory_space<vmem>>)
    %dma_wait3A_172 = arith.constant 0 : i32
    %dma_wait3A_173 = arith.constant 0 : i32
    %dma_wait3A_174 = tpu.memref_slice %arg6[%dma_wait3A_172, %dma_wait3A_173] : memref<256x128xi32, #tpu.memory_space<vmem>> -> memref<1x128xi32, #tpu.memory_space<vmem>>
    %dma_wait3A_175 = tpu.memref_squeeze %dma_wait3A_174 : memref<1x128xi32, #tpu.memory_space<vmem>> -> memref<128xi32, #tpu.memory_space<vmem>>
    %dma_wait3A_176 = arith.constant 0 : i32
    %dma_wait3A_177 = arith.constant 0 : i32
    %dma_wait3A_178 = tpu.memref_slice %arg2[%dma_wait3A_176, %dma_wait3A_177] : memref<65536x32xf32, #tpu.memory_space<hbm>> -> memref<65536x32xf32, #tpu.memory_space<hbm>>
    tpu.wait_indirect_dma semaphore(%arg19 : memref<!tpu.dma_semaphore, #tpu.memory_space<semaphore_mem>>) src(%dma_wait3A_178 : memref<65536x32xf32, #tpu.memory_space<hbm>>) dst(%arg10 : memref<128x32xf32, #tpu.memory_space<vmem>>)
    %dma_wait3A_179 = arith.constant 0 : i32
    %dma_wait3A_180 = arith.constant 0 : i32
    %dma_wait3A_181 = tpu.memref_slice %arg6[%dma_wait3A_179, %dma_wait3A_180] : memref<256x128xi32, #tpu.memory_space<vmem>> -> memref<1x128xi32, #tpu.memory_space<vmem>>
    %dma_wait3A_182 = tpu.memref_squeeze %dma_wait3A_181 : memref<1x128xi32, #tpu.memory_space<vmem>> -> memref<128xi32, #tpu.memory_space<vmem>>
    %dma_wait3A_183 = arith.constant 0 : i32
    %dma_wait3A_184 = arith.constant 0 : i32
    %dma_wait3A_185 = tpu.memref_slice %arg2[%dma_wait3A_183, %dma_wait3A_184] : memref<65536x32xf32, #tpu.memory_space<hbm>> -> memref<65536x32xf32, #tpu.memory_space<hbm>>
    tpu.wait_indirect_dma semaphore(%arg20 : memref<!tpu.dma_semaphore, #tpu.memory_space<semaphore_mem>>) src(%dma_wait3A_185 : memref<65536x32xf32, #tpu.memory_space<hbm>>) dst(%arg11 : memref<128x32xf32, #tpu.memory_space<vmem>>)
    %dma_wait3A_186 = arith.constant 0 : i32
    %dma_wait3A_187 = arith.constant 0 : i32
    %dma_wait3A_188 = tpu.memref_slice %arg7[%dma_wait3A_186, %dma_wait3A_187] : memref<256x128xi32, #tpu.memory_space<vmem>> -> memref<1x128xi32, #tpu.memory_space<vmem>>
    %dma_wait3A_189 = tpu.memref_squeeze %dma_wait3A_188 : memref<1x128xi32, #tpu.memory_space<vmem>> -> memref<128xi32, #tpu.memory_space<vmem>>
    %dma_wait3A_190 = arith.constant 0 : i32
    %dma_wait3A_191 = arith.constant 0 : i32
    %dma_wait3A_192 = tpu.memref_slice %arg16[%dma_wait3A_190, %dma_wait3A_191] : memref<16384x32xf32, #tpu.memory_space<vmem_shared>> -> memref<16384x32xf32, #tpu.memory_space<vmem_shared>>
    tpu.wait_indirect_dma semaphore(%arg29 : memref<!tpu.dma_semaphore, #tpu.memory_space<semaphore_mem>>) src(%arg12 : memref<128x32xf32, #tpu.memory_space<vmem>>) dst(%dma_wait3A_192 : memref<16384x32xf32, #tpu.memory_space<vmem_shared>>)
    %dma_wait3A_193 = arith.constant 0 : i32
    %dma_wait3A_194 = arith.constant 0 : i32
    %dma_wait3A_195 = tpu.memref_slice %arg7[%dma_wait3A_193, %dma_wait3A_194] : memref<256x128xi32, #tpu.memory_space<vmem>> -> memref<1x128xi32, #tpu.memory_space<vmem>>
    %dma_wait3A_196 = tpu.memref_squeeze %dma_wait3A_195 : memref<1x128xi32, #tpu.memory_space<vmem>> -> memref<128xi32, #tpu.memory_space<vmem>>
    %dma_wait3A_197 = arith.constant 0 : i32
    %dma_wait3A_198 = arith.constant 0 : i32
    %dma_wait3A_199 = tpu.memref_slice %arg16[%dma_wait3A_197, %dma_wait3A_198] : memref<16384x32xf32, #tpu.memory_space<vmem_shared>> -> memref<16384x32xf32, #tpu.memory_space<vmem_shared>>
    tpu.wait_indirect_dma semaphore(%arg30 : memref<!tpu.dma_semaphore, #tpu.memory_space<semaphore_mem>>) src(%arg13 : memref<128x32xf32, #tpu.memory_space<vmem>>) dst(%dma_wait3A_199 : memref<16384x32xf32, #tpu.memory_space<vmem_shared>>)
    %dma_wait3A_200 = arith.constant 0 : i32
    %dma_wait3A_201 = arith.constant 0 : i32
    %dma_wait3A_202 = tpu.memref_slice %arg7[%dma_wait3A_200, %dma_wait3A_201] : memref<256x128xi32, #tpu.memory_space<vmem>> -> memref<1x128xi32, #tpu.memory_space<vmem>>
    %dma_wait3A_203 = tpu.memref_squeeze %dma_wait3A_202 : memref<1x128xi32, #tpu.memory_space<vmem>> -> memref<128xi32, #tpu.memory_space<vmem>>
    %dma_wait3A_204 = arith.constant 0 : i32
    %dma_wait3A_205 = arith.constant 0 : i32
    %dma_wait3A_206 = tpu.memref_slice %arg16[%dma_wait3A_204, %dma_wait3A_205] : memref<16384x32xf32, #tpu.memory_space<vmem_shared>> -> memref<16384x32xf32, #tpu.memory_space<vmem_shared>>
    tpu.wait_indirect_dma semaphore(%arg31 : memref<!tpu.dma_semaphore, #tpu.memory_space<semaphore_mem>>) src(%arg14 : memref<128x32xf32, #tpu.memory_space<vmem>>) dst(%dma_wait3A_206 : memref<16384x32xf32, #tpu.memory_space<vmem_shared>>)
    %dma_wait3A_207 = arith.constant 0 : i32
    %dma_wait3A_208 = arith.constant 0 : i32
    %dma_wait3A_209 = tpu.memref_slice %arg7[%dma_wait3A_207, %dma_wait3A_208] : memref<256x128xi32, #tpu.memory_space<vmem>> -> memref<1x128xi32, #tpu.memory_space<vmem>>
    %dma_wait3A_210 = tpu.memref_squeeze %dma_wait3A_209 : memref<1x128xi32, #tpu.memory_space<vmem>> -> memref<128xi32, #tpu.memory_space<vmem>>
    %dma_wait3A_211 = arith.constant 0 : i32
    %dma_wait3A_212 = arith.constant 0 : i32
    %dma_wait3A_213 = tpu.memref_slice %arg16[%dma_wait3A_211, %dma_wait3A_212] : memref<16384x32xf32, #tpu.memory_space<vmem_shared>> -> memref<16384x32xf32, #tpu.memory_space<vmem_shared>>
    tpu.wait_indirect_dma semaphore(%arg32 : memref<!tpu.dma_semaphore, #tpu.memory_space<semaphore_mem>>) src(%arg15 : memref<128x32xf32, #tpu.memory_space<vmem>>) dst(%dma_wait3A_213 : memref<16384x32xf32, #tpu.memory_space<vmem_shared>>)
    %barrier3A_214 = arith.constant 0 : index
    tpu.barrier barrier_id(%barrier3A_214)
    %mul3A_215 = arith.constant 1024 : i32
    %mul3A_216 = arith.muli %arg1, %mul3A_215 : i32
    %mul3A_217 = arith.constant 16384 : i32
    %mul3A_218 = arith.muli %add3A_112, %mul3A_217 : i32
    %mul3A_219 = arith.constant 1024 : i32
    %mul3A_220 = arith.muli %arg1, %mul3A_219 : i32
    %add3A_221 = arith.addi %mul3A_218, %mul3A_220 : i32
    "tpu.region"() ({
      %run_scoped3A = tpu.sem_alloc : memref<!tpu.dma_semaphore, #tpu.memory_space<semaphore_mem>>
      %dma_start3A_222 = arith.constant 0 : i32
      %dma_start3A_223 = tpu.memref_slice %arg5[%add3A_221, %dma_start3A_222] : memref<65536x32xf32, #tpu.memory_space<hbm>> -> memref<1024x32xf32, #tpu.memory_space<hbm>>
      %dma_start3A_224 = arith.constant 0 : i32
      %dma_start3A_225 = tpu.memref_slice %arg16[%mul3A_216, %dma_start3A_224] : memref<16384x32xf32, #tpu.memory_space<vmem_shared>> -> memref<1024x32xf32, #tpu.memory_space<vmem_shared>>
      tpu.enqueue_dma source(%dma_start3A_225 : memref<1024x32xf32, #tpu.memory_space<vmem_shared>>) target(%dma_start3A_223 : memref<1024x32xf32, #tpu.memory_space<hbm>>) target_semaphore(%run_scoped3A : memref<!tpu.dma_semaphore, #tpu.memory_space<semaphore_mem>>)
      %dma_wait3A_226 = arith.constant 0 : i32
      %dma_wait3A_227 = tpu.memref_slice %arg5[%add3A_221, %dma_wait3A_226] : memref<65536x32xf32, #tpu.memory_space<hbm>> -> memref<1024x32xf32, #tpu.memory_space<hbm>>
      %dma_wait3A_228 = arith.constant 0 : i32
      %dma_wait3A_229 = tpu.memref_slice %arg16[%mul3A_216, %dma_wait3A_228] : memref<16384x32xf32, #tpu.memory_space<vmem_shared>> -> memref<1024x32xf32, #tpu.memory_space<vmem_shared>>
      tpu.wait_dma2 semaphore(%run_scoped3A : memref<!tpu.dma_semaphore, #tpu.memory_space<semaphore_mem>>) src(%dma_wait3A_229 : memref<1024x32xf32, #tpu.memory_space<vmem_shared>>) dst(%dma_wait3A_227 : memref<1024x32xf32, #tpu.memory_space<hbm>>)
      tpu.yield
    }) : () -> ()
    return
  }
}

#map = affine_map<(d0, d1) -> (0, 0)>
module attributes {stable_mosaic.version = 14 : i64} {
  func.func @_deg_body(%arg0: i32, %arg1: i32, %arg2: memref<4096x128xi32, #tpu.memory_space<hbm>>, %arg3: memref<32768x16xf32, #tpu.memory_space<hbm>>, %arg4: memref<128x128xi32, #tpu.memory_space<vmem>>, %arg5: memref<128x16xf32, #tpu.memory_space<vmem>>, %arg6: memref<128x16xf32, #tpu.memory_space<vmem>>, %arg7: memref<16384x16xf32, #tpu.memory_space<vmem_shared>>) attributes {dimension_semantics = [#tpu.dimension_semantics<core_parallel>, #tpu.dimension_semantics<subcore_parallel>], iteration_bounds = array<i64: 2, 16>, scalar_prefetch = 0 : i64, scratch_operands = 4 : i64, tpu.core_type = #tpu.core_type<sc_vector_subcore>, window_params = [{transform_indices = #map}, {transform_indices = #map}]} {
    %mul3A = arith.constant 16 : i32
    %mul3A_0 = arith.muli %arg0, %mul3A : i32
    %add3A = arith.addi %mul3A_0, %arg1 : i32
    %mul3A_1 = arith.constant 128 : i32
    %mul3A_2 = arith.muli %add3A, %mul3A_1 : i32
    "tpu.region"() ({
      %run_scoped3A = tpu.sem_alloc : memref<!tpu.dma_semaphore, #tpu.memory_space<semaphore_mem>>
      %dma_start3A = arith.constant 0 : i32
      %dma_start3A_56 = tpu.memref_slice %arg2[%mul3A_2, %dma_start3A] : memref<4096x128xi32, #tpu.memory_space<hbm>> -> memref<128x128xi32, #tpu.memory_space<hbm>>
      %dma_start3A_57 = arith.constant 0 : i32
      %dma_start3A_58 = tpu.memref_slice %arg2[%mul3A_2, %dma_start3A_57] : memref<4096x128xi32, #tpu.memory_space<hbm>> -> memref<128x128xi32, #tpu.memory_space<hbm>>
      tpu.enqueue_dma source(%dma_start3A_58 : memref<128x128xi32, #tpu.memory_space<hbm>>) target(%arg4 : memref<128x128xi32, #tpu.memory_space<vmem>>) target_semaphore(%run_scoped3A : memref<!tpu.dma_semaphore, #tpu.memory_space<semaphore_mem>>)
      %dma_wait3A = arith.constant 0 : i32
      %dma_wait3A_59 = tpu.memref_slice %arg2[%mul3A_2, %dma_wait3A] : memref<4096x128xi32, #tpu.memory_space<hbm>> -> memref<128x128xi32, #tpu.memory_space<hbm>>
      %dma_wait3A_60 = arith.constant 0 : i32
      %dma_wait3A_61 = tpu.memref_slice %arg2[%mul3A_2, %dma_wait3A_60] : memref<4096x128xi32, #tpu.memory_space<hbm>> -> memref<128x128xi32, #tpu.memory_space<hbm>>
      tpu.wait_dma2 semaphore(%run_scoped3A : memref<!tpu.dma_semaphore, #tpu.memory_space<semaphore_mem>>) src(%dma_wait3A_61 : memref<128x128xi32, #tpu.memory_space<hbm>>) dst(%arg4 : memref<128x128xi32, #tpu.memory_space<vmem>>)
      tpu.yield
    }) : () -> ()
    %scan3A = arith.constant 0 : i32
    %scan3A_3 = arith.constant 0 : i32
    %scan3A_4 = arith.constant 128 : i32
    %scan3A_5 = arith.addi %scan3A_3, %scan3A_4 : i32
    %scan3A_6 = arith.constant 1 : i32
    %scan3A_7 = scf.for %scan3A_56 = %scan3A_3 to %scan3A_5 step %scan3A_6 iter_args(%scan3A_57 = %scan3A) -> (i32)  : i32 {
      %broadcast_in_dim3A = arith.constant 0.000000e+00 : f32
      %broadcast_in_dim3A_58 = vector.broadcast %broadcast_in_dim3A : f32 to vector<16xf32>
      %swap3A = arith.index_cast %scan3A_56 : i32 to index
      %swap3A_59 = arith.constant 0 : index
      %swap3A_60 = tpu.vector_load %arg5[%swap3A, %swap3A_59] {strides = array<i32>} : memref<128x16xf32, #tpu.memory_space<vmem>>, vector<1x16xf32>,
      %swap3A_61 = vector.shape_cast %swap3A_60 : vector<1x16xf32> to vector<16xf32>
      %swap3A_62 = vector.shape_cast %broadcast_in_dim3A_58 : vector<16xf32> to vector<1x16xf32>
      tpu.vector_store %arg5[%swap3A, %swap3A_59], %swap3A_62 {strides = array<i32>} : memref<128x16xf32, #tpu.memory_space<vmem>>, vector<1x16xf32>,
      %broadcast_in_dim3A_63 = arith.constant 1.000000e+00 : f32
      %broadcast_in_dim3A_64 = vector.broadcast %broadcast_in_dim3A_63 : f32 to vector<16xf32>
      %swap3A_65 = arith.index_cast %scan3A_56 : i32 to index
      %swap3A_66 = arith.constant 0 : index
      %swap3A_67 = tpu.vector_load %arg6[%swap3A_65, %swap3A_66] {strides = array<i32>} : memref<128x16xf32, #tpu.memory_space<vmem>>, vector<1x16xf32>,
      %swap3A_68 = vector.shape_cast %swap3A_67 : vector<1x16xf32> to vector<16xf32>
      %swap3A_69 = vector.shape_cast %broadcast_in_dim3A_64 : vector<16xf32> to vector<1x16xf32>
      tpu.vector_store %arg6[%swap3A_65, %swap3A_66], %swap3A_69 {strides = array<i32>} : memref<128x16xf32, #tpu.memory_space<vmem>>, vector<1x16xf32>,
      %scan3A_70 = arith.constant 0 : i32
      scf.yield %scan3A_70 : i32
    }
    %scan3A_8 = arith.constant 128 : i32
    %mul3A_9 = arith.constant 1024 : i32
    %mul3A_10 = arith.muli %arg1, %mul3A_9 : i32
    %add3A_11 = arith.constant 0 : i32
    %add3A_12 = arith.addi %mul3A_10, %add3A_11 : i32
    "tpu.region"() ({
      %run_scoped3A = tpu.sem_alloc : memref<!tpu.dma_semaphore, #tpu.memory_space<semaphore_mem>>
      %dma_start3A = arith.constant 0 : i32
      %dma_start3A_56 = tpu.memref_slice %arg7[%add3A_12, %dma_start3A] : memref<16384x16xf32, #tpu.memory_space<vmem_shared>> -> memref<128x16xf32, #tpu.memory_space<vmem_shared>>
      %dma_start3A_57 = arith.constant 0 : i32
      %dma_start3A_58 = tpu.memref_slice %arg7[%add3A_12, %dma_start3A_57] : memref<16384x16xf32, #tpu.memory_space<vmem_shared>> -> memref<128x16xf32, #tpu.memory_space<vmem_shared>>
      tpu.enqueue_dma source(%arg5 : memref<128x16xf32, #tpu.memory_space<vmem>>) target(%dma_start3A_58 : memref<128x16xf32, #tpu.memory_space<vmem_shared>>) target_semaphore(%run_scoped3A : memref<!tpu.dma_semaphore, #tpu.memory_space<semaphore_mem>>)
      %dma_wait3A = arith.constant 0 : i32
      %dma_wait3A_59 = tpu.memref_slice %arg7[%add3A_12, %dma_wait3A] : memref<16384x16xf32, #tpu.memory_space<vmem_shared>> -> memref<128x16xf32, #tpu.memory_space<vmem_shared>>
      %dma_wait3A_60 = arith.constant 0 : i32
      %dma_wait3A_61 = tpu.memref_slice %arg7[%add3A_12, %dma_wait3A_60] : memref<16384x16xf32, #tpu.memory_space<vmem_shared>> -> memref<128x16xf32, #tpu.memory_space<vmem_shared>>
      tpu.wait_dma2 semaphore(%run_scoped3A : memref<!tpu.dma_semaphore, #tpu.memory_space<semaphore_mem>>) src(%arg5 : memref<128x16xf32, #tpu.memory_space<vmem>>) dst(%dma_wait3A_61 : memref<128x16xf32, #tpu.memory_space<vmem_shared>>)
      tpu.yield
    }) : () -> ()
    %mul3A_13 = arith.constant 1024 : i32
    %mul3A_14 = arith.muli %arg1, %mul3A_13 : i32
    %add3A_15 = arith.constant 128 : i32
    %add3A_16 = arith.addi %mul3A_14, %add3A_15 : i32
    "tpu.region"() ({
      %run_scoped3A = tpu.sem_alloc : memref<!tpu.dma_semaphore, #tpu.memory_space<semaphore_mem>>
      %dma_start3A = arith.constant 0 : i32
      %dma_start3A_56 = tpu.memref_slice %arg7[%add3A_16, %dma_start3A] : memref<16384x16xf32, #tpu.memory_space<vmem_shared>> -> memref<128x16xf32, #tpu.memory_space<vmem_shared>>
      %dma_start3A_57 = arith.constant 0 : i32
      %dma_start3A_58 = tpu.memref_slice %arg7[%add3A_16, %dma_start3A_57] : memref<16384x16xf32, #tpu.memory_space<vmem_shared>> -> memref<128x16xf32, #tpu.memory_space<vmem_shared>>
      tpu.enqueue_dma source(%arg5 : memref<128x16xf32, #tpu.memory_space<vmem>>) target(%dma_start3A_58 : memref<128x16xf32, #tpu.memory_space<vmem_shared>>) target_semaphore(%run_scoped3A : memref<!tpu.dma_semaphore, #tpu.memory_space<semaphore_mem>>)
      %dma_wait3A = arith.constant 0 : i32
      %dma_wait3A_59 = tpu.memref_slice %arg7[%add3A_16, %dma_wait3A] : memref<16384x16xf32, #tpu.memory_space<vmem_shared>> -> memref<128x16xf32, #tpu.memory_space<vmem_shared>>
      %dma_wait3A_60 = arith.constant 0 : i32
      %dma_wait3A_61 = tpu.memref_slice %arg7[%add3A_16, %dma_wait3A_60] : memref<16384x16xf32, #tpu.memory_space<vmem_shared>> -> memref<128x16xf32, #tpu.memory_space<vmem_shared>>
      tpu.wait_dma2 semaphore(%run_scoped3A : memref<!tpu.dma_semaphore, #tpu.memory_space<semaphore_mem>>) src(%arg5 : memref<128x16xf32, #tpu.memory_space<vmem>>) dst(%dma_wait3A_61 : memref<128x16xf32, #tpu.memory_space<vmem_shared>>)
      tpu.yield
    }) : () -> ()
    %mul3A_17 = arith.constant 1024 : i32
    %mul3A_18 = arith.muli %arg1, %mul3A_17 : i32
    %add3A_19 = arith.constant 256 : i32
    %add3A_20 = arith.addi %mul3A_18, %add3A_19 : i32
    "tpu.region"() ({
      %run_scoped3A = tpu.sem_alloc : memref<!tpu.dma_semaphore, #tpu.memory_space<semaphore_mem>>
      %dma_start3A = arith.constant 0 : i32
      %dma_start3A_56 = tpu.memref_slice %arg7[%add3A_20, %dma_start3A] : memref<16384x16xf32, #tpu.memory_space<vmem_shared>> -> memref<128x16xf32, #tpu.memory_space<vmem_shared>>
      %dma_start3A_57 = arith.constant 0 : i32
      %dma_start3A_58 = tpu.memref_slice %arg7[%add3A_20, %dma_start3A_57] : memref<16384x16xf32, #tpu.memory_space<vmem_shared>> -> memref<128x16xf32, #tpu.memory_space<vmem_shared>>
      tpu.enqueue_dma source(%arg5 : memref<128x16xf32, #tpu.memory_space<vmem>>) target(%dma_start3A_58 : memref<128x16xf32, #tpu.memory_space<vmem_shared>>) target_semaphore(%run_scoped3A : memref<!tpu.dma_semaphore, #tpu.memory_space<semaphore_mem>>)
      %dma_wait3A = arith.constant 0 : i32
      %dma_wait3A_59 = tpu.memref_slice %arg7[%add3A_20, %dma_wait3A] : memref<16384x16xf32, #tpu.memory_space<vmem_shared>> -> memref<128x16xf32, #tpu.memory_space<vmem_shared>>
      %dma_wait3A_60 = arith.constant 0 : i32
      %dma_wait3A_61 = tpu.memref_slice %arg7[%add3A_20, %dma_wait3A_60] : memref<16384x16xf32, #tpu.memory_space<vmem_shared>> -> memref<128x16xf32, #tpu.memory_space<vmem_shared>>
      tpu.wait_dma2 semaphore(%run_scoped3A : memref<!tpu.dma_semaphore, #tpu.memory_space<semaphore_mem>>) src(%arg5 : memref<128x16xf32, #tpu.memory_space<vmem>>) dst(%dma_wait3A_61 : memref<128x16xf32, #tpu.memory_space<vmem_shared>>)
      tpu.yield
    }) : () -> ()
    %mul3A_21 = arith.constant 1024 : i32
    %mul3A_22 = arith.muli %arg1, %mul3A_21 : i32
    %add3A_23 = arith.constant 384 : i32
    %add3A_24 = arith.addi %mul3A_22, %add3A_23 : i32
    "tpu.region"() ({
      %run_scoped3A = tpu.sem_alloc : memref<!tpu.dma_semaphore, #tpu.memory_space<semaphore_mem>>
      %dma_start3A = arith.constant 0 : i32
      %dma_start3A_56 = tpu.memref_slice %arg7[%add3A_24, %dma_start3A] : memref<16384x16xf32, #tpu.memory_space<vmem_shared>> -> memref<128x16xf32, #tpu.memory_space<vmem_shared>>
      %dma_start3A_57 = arith.constant 0 : i32
      %dma_start3A_58 = tpu.memref_slice %arg7[%add3A_24, %dma_start3A_57] : memref<16384x16xf32, #tpu.memory_space<vmem_shared>> -> memref<128x16xf32, #tpu.memory_space<vmem_shared>>
      tpu.enqueue_dma source(%arg5 : memref<128x16xf32, #tpu.memory_space<vmem>>) target(%dma_start3A_58 : memref<128x16xf32, #tpu.memory_space<vmem_shared>>) target_semaphore(%run_scoped3A : memref<!tpu.dma_semaphore, #tpu.memory_space<semaphore_mem>>)
      %dma_wait3A = arith.constant 0 : i32
      %dma_wait3A_59 = tpu.memref_slice %arg7[%add3A_24, %dma_wait3A] : memref<16384x16xf32, #tpu.memory_space<vmem_shared>> -> memref<128x16xf32, #tpu.memory_space<vmem_shared>>
      %dma_wait3A_60 = arith.constant 0 : i32
      %dma_wait3A_61 = tpu.memref_slice %arg7[%add3A_24, %dma_wait3A_60] : memref<16384x16xf32, #tpu.memory_space<vmem_shared>> -> memref<128x16xf32, #tpu.memory_space<vmem_shared>>
      tpu.wait_dma2 semaphore(%run_scoped3A : memref<!tpu.dma_semaphore, #tpu.memory_space<semaphore_mem>>) src(%arg5 : memref<128x16xf32, #tpu.memory_space<vmem>>) dst(%dma_wait3A_61 : memref<128x16xf32, #tpu.memory_space<vmem_shared>>)
      tpu.yield
    }) : () -> ()
    %mul3A_25 = arith.constant 1024 : i32
    %mul3A_26 = arith.muli %arg1, %mul3A_25 : i32
    %add3A_27 = arith.constant 512 : i32
    %add3A_28 = arith.addi %mul3A_26, %add3A_27 : i32
    "tpu.region"() ({
      %run_scoped3A = tpu.sem_alloc : memref<!tpu.dma_semaphore, #tpu.memory_space<semaphore_mem>>
      %dma_start3A = arith.constant 0 : i32
      %dma_start3A_56 = tpu.memref_slice %arg7[%add3A_28, %dma_start3A] : memref<16384x16xf32, #tpu.memory_space<vmem_shared>> -> memref<128x16xf32, #tpu.memory_space<vmem_shared>>
      %dma_start3A_57 = arith.constant 0 : i32
      %dma_start3A_58 = tpu.memref_slice %arg7[%add3A_28, %dma_start3A_57] : memref<16384x16xf32, #tpu.memory_space<vmem_shared>> -> memref<128x16xf32, #tpu.memory_space<vmem_shared>>
      tpu.enqueue_dma source(%arg5 : memref<128x16xf32, #tpu.memory_space<vmem>>) target(%dma_start3A_58 : memref<128x16xf32, #tpu.memory_space<vmem_shared>>) target_semaphore(%run_scoped3A : memref<!tpu.dma_semaphore, #tpu.memory_space<semaphore_mem>>)
      %dma_wait3A = arith.constant 0 : i32
      %dma_wait3A_59 = tpu.memref_slice %arg7[%add3A_28, %dma_wait3A] : memref<16384x16xf32, #tpu.memory_space<vmem_shared>> -> memref<128x16xf32, #tpu.memory_space<vmem_shared>>
      %dma_wait3A_60 = arith.constant 0 : i32
      %dma_wait3A_61 = tpu.memref_slice %arg7[%add3A_28, %dma_wait3A_60] : memref<16384x16xf32, #tpu.memory_space<vmem_shared>> -> memref<128x16xf32, #tpu.memory_space<vmem_shared>>
      tpu.wait_dma2 semaphore(%run_scoped3A : memref<!tpu.dma_semaphore, #tpu.memory_space<semaphore_mem>>) src(%arg5 : memref<128x16xf32, #tpu.memory_space<vmem>>) dst(%dma_wait3A_61 : memref<128x16xf32, #tpu.memory_space<vmem_shared>>)
      tpu.yield
    }) : () -> ()
    %mul3A_29 = arith.constant 1024 : i32
    %mul3A_30 = arith.muli %arg1, %mul3A_29 : i32
    %add3A_31 = arith.constant 640 : i32
    %add3A_32 = arith.addi %mul3A_30, %add3A_31 : i32
    "tpu.region"() ({
      %run_scoped3A = tpu.sem_alloc : memref<!tpu.dma_semaphore, #tpu.memory_space<semaphore_mem>>
      %dma_start3A = arith.constant 0 : i32
      %dma_start3A_56 = tpu.memref_slice %arg7[%add3A_32, %dma_start3A] : memref<16384x16xf32, #tpu.memory_space<vmem_shared>> -> memref<128x16xf32, #tpu.memory_space<vmem_shared>>
      %dma_start3A_57 = arith.constant 0 : i32
      %dma_start3A_58 = tpu.memref_slice %arg7[%add3A_32, %dma_start3A_57] : memref<16384x16xf32, #tpu.memory_space<vmem_shared>> -> memref<128x16xf32, #tpu.memory_space<vmem_shared>>
      tpu.enqueue_dma source(%arg5 : memref<128x16xf32, #tpu.memory_space<vmem>>) target(%dma_start3A_58 : memref<128x16xf32, #tpu.memory_space<vmem_shared>>) target_semaphore(%run_scoped3A : memref<!tpu.dma_semaphore, #tpu.memory_space<semaphore_mem>>)
      %dma_wait3A = arith.constant 0 : i32
      %dma_wait3A_59 = tpu.memref_slice %arg7[%add3A_32, %dma_wait3A] : memref<16384x16xf32, #tpu.memory_space<vmem_shared>> -> memref<128x16xf32, #tpu.memory_space<vmem_shared>>
      %dma_wait3A_60 = arith.constant 0 : i32
      %dma_wait3A_61 = tpu.memref_slice %arg7[%add3A_32, %dma_wait3A_60] : memref<16384x16xf32, #tpu.memory_space<vmem_shared>> -> memref<128x16xf32, #tpu.memory_space<vmem_shared>>
      tpu.wait_dma2 semaphore(%run_scoped3A : memref<!tpu.dma_semaphore, #tpu.memory_space<semaphore_mem>>) src(%arg5 : memref<128x16xf32, #tpu.memory_space<vmem>>) dst(%dma_wait3A_61 : memref<128x16xf32, #tpu.memory_space<vmem_shared>>)
      tpu.yield
    }) : () -> ()
    %mul3A_33 = arith.constant 1024 : i32
    %mul3A_34 = arith.muli %arg1, %mul3A_33 : i32
    %add3A_35 = arith.constant 768 : i32
    %add3A_36 = arith.addi %mul3A_34, %add3A_35 : i32
    "tpu.region"() ({
      %run_scoped3A = tpu.sem_alloc : memref<!tpu.dma_semaphore, #tpu.memory_space<semaphore_mem>>
      %dma_start3A = arith.constant 0 : i32
      %dma_start3A_56 = tpu.memref_slice %arg7[%add3A_36, %dma_start3A] : memref<16384x16xf32, #tpu.memory_space<vmem_shared>> -> memref<128x16xf32, #tpu.memory_space<vmem_shared>>
      %dma_start3A_57 = arith.constant 0 : i32
      %dma_start3A_58 = tpu.memref_slice %arg7[%add3A_36, %dma_start3A_57] : memref<16384x16xf32, #tpu.memory_space<vmem_shared>> -> memref<128x16xf32, #tpu.memory_space<vmem_shared>>
      tpu.enqueue_dma source(%arg5 : memref<128x16xf32, #tpu.memory_space<vmem>>) target(%dma_start3A_58 : memref<128x16xf32, #tpu.memory_space<vmem_shared>>) target_semaphore(%run_scoped3A : memref<!tpu.dma_semaphore, #tpu.memory_space<semaphore_mem>>)
      %dma_wait3A = arith.constant 0 : i32
      %dma_wait3A_59 = tpu.memref_slice %arg7[%add3A_36, %dma_wait3A] : memref<16384x16xf32, #tpu.memory_space<vmem_shared>> -> memref<128x16xf32, #tpu.memory_space<vmem_shared>>
      %dma_wait3A_60 = arith.constant 0 : i32
      %dma_wait3A_61 = tpu.memref_slice %arg7[%add3A_36, %dma_wait3A_60] : memref<16384x16xf32, #tpu.memory_space<vmem_shared>> -> memref<128x16xf32, #tpu.memory_space<vmem_shared>>
      tpu.wait_dma2 semaphore(%run_scoped3A : memref<!tpu.dma_semaphore, #tpu.memory_space<semaphore_mem>>) src(%arg5 : memref<128x16xf32, #tpu.memory_space<vmem>>) dst(%dma_wait3A_61 : memref<128x16xf32, #tpu.memory_space<vmem_shared>>)
      tpu.yield
    }) : () -> ()
    %mul3A_37 = arith.constant 1024 : i32
    %mul3A_38 = arith.muli %arg1, %mul3A_37 : i32
    %add3A_39 = arith.constant 896 : i32
    %add3A_40 = arith.addi %mul3A_38, %add3A_39 : i32
    "tpu.region"() ({
      %run_scoped3A = tpu.sem_alloc : memref<!tpu.dma_semaphore, #tpu.memory_space<semaphore_mem>>
      %dma_start3A = arith.constant 0 : i32
      %dma_start3A_56 = tpu.memref_slice %arg7[%add3A_40, %dma_start3A] : memref<16384x16xf32, #tpu.memory_space<vmem_shared>> -> memref<128x16xf32, #tpu.memory_space<vmem_shared>>
      %dma_start3A_57 = arith.constant 0 : i32
      %dma_start3A_58 = tpu.memref_slice %arg7[%add3A_40, %dma_start3A_57] : memref<16384x16xf32, #tpu.memory_space<vmem_shared>> -> memref<128x16xf32, #tpu.memory_space<vmem_shared>>
      tpu.enqueue_dma source(%arg5 : memref<128x16xf32, #tpu.memory_space<vmem>>) target(%dma_start3A_58 : memref<128x16xf32, #tpu.memory_space<vmem_shared>>) target_semaphore(%run_scoped3A : memref<!tpu.dma_semaphore, #tpu.memory_space<semaphore_mem>>)
      %dma_wait3A = arith.constant 0 : i32
      %dma_wait3A_59 = tpu.memref_slice %arg7[%add3A_40, %dma_wait3A] : memref<16384x16xf32, #tpu.memory_space<vmem_shared>> -> memref<128x16xf32, #tpu.memory_space<vmem_shared>>
      %dma_wait3A_60 = arith.constant 0 : i32
      %dma_wait3A_61 = tpu.memref_slice %arg7[%add3A_40, %dma_wait3A_60] : memref<16384x16xf32, #tpu.memory_space<vmem_shared>> -> memref<128x16xf32, #tpu.memory_space<vmem_shared>>
      tpu.wait_dma2 semaphore(%run_scoped3A : memref<!tpu.dma_semaphore, #tpu.memory_space<semaphore_mem>>) src(%arg5 : memref<128x16xf32, #tpu.memory_space<vmem>>) dst(%dma_wait3A_61 : memref<128x16xf32, #tpu.memory_space<vmem_shared>>)
      tpu.yield
    }) : () -> ()
    %barrier3A = arith.constant 0 : index
    tpu.barrier barrier_id(%barrier3A)
    %scan3A_41 = arith.constant 0 : i32
    %scan3A_42 = arith.constant 0 : i32
    %scan3A_43 = arith.constant 128 : i32
    %scan3A_44 = arith.addi %scan3A_42, %scan3A_43 : i32
    %scan3A_45 = arith.constant 1 : i32
    %scan3A_46 = scf.for %scan3A_56 = %scan3A_42 to %scan3A_44 step %scan3A_45 iter_args(%scan3A_57 = %scan3A_41) -> (i32)  : i32 {
      "tpu.region"() ({
        %run_scoped3A = tpu.sem_alloc : memref<!tpu.dma_semaphore, #tpu.memory_space<semaphore_mem>>
        %dma_start3A = arith.constant 0 : i32
        %dma_start3A_59 = tpu.memref_slice %arg4[%scan3A_56, %dma_start3A] : memref<128x128xi32, #tpu.memory_space<vmem>> -> memref<1x128xi32, #tpu.memory_space<vmem>>
        %dma_start3A_60 = tpu.memref_squeeze %dma_start3A_59 : memref<1x128xi32, #tpu.memory_space<vmem>> -> memref<128xi32, #tpu.memory_space<vmem>>
        %dma_start3A_61 = arith.constant 0 : i32
        %dma_start3A_62 = arith.constant 0 : i32
        %dma_start3A_63 = tpu.memref_slice %arg7[%dma_start3A_61, %dma_start3A_62] : memref<16384x16xf32, #tpu.memory_space<vmem_shared>> -> memref<16384x16xf32, #tpu.memory_space<vmem_shared>>
        tpu.enqueue_indirect_dma source(%arg6 : memref<128x16xf32, #tpu.memory_space<vmem>>) target(%dma_start3A_63 : memref<16384x16xf32, #tpu.memory_space<vmem_shared>>) offsets(%dma_start3A_60 : memref<128xi32, #tpu.memory_space<vmem>>) semaphore(%run_scoped3A : memref<!tpu.dma_semaphore, #tpu.memory_space<semaphore_mem>>) {add = true}
        %dma_wait3A = arith.constant 0 : i32
        %dma_wait3A_64 = tpu.memref_slice %arg4[%scan3A_56, %dma_wait3A] : memref<128x128xi32, #tpu.memory_space<vmem>> -> memref<1x128xi32, #tpu.memory_space<vmem>>
        %dma_wait3A_65 = tpu.memref_squeeze %dma_wait3A_64 : memref<1x128xi32, #tpu.memory_space<vmem>> -> memref<128xi32, #tpu.memory_space<vmem>>
        %dma_wait3A_66 = arith.constant 0 : i32
        %dma_wait3A_67 = arith.constant 0 : i32
        %dma_wait3A_68 = tpu.memref_slice %arg7[%dma_wait3A_66, %dma_wait3A_67] : memref<16384x16xf32, #tpu.memory_space<vmem_shared>> -> memref<16384x16xf32, #tpu.memory_space<vmem_shared>>
        tpu.wait_indirect_dma semaphore(%run_scoped3A : memref<!tpu.dma_semaphore, #tpu.memory_space<semaphore_mem>>) src(%arg6 : memref<128x16xf32, #tpu.memory_space<vmem>>) dst(%dma_wait3A_68 : memref<16384x16xf32, #tpu.memory_space<vmem_shared>>)
        tpu.yield
      }) : () -> ()
      %scan3A_58 = arith.constant 0 : i32
      scf.yield %scan3A_58 : i32
    }
    %scan3A_47 = arith.constant 128 : i32
    %barrier3A_48 = arith.constant 0 : index
    tpu.barrier barrier_id(%barrier3A_48)
    %mul3A_49 = arith.constant 1024 : i32
    %mul3A_50 = arith.muli %arg1, %mul3A_49 : i32
    %mul3A_51 = arith.constant 16384 : i32
    %mul3A_52 = arith.muli %arg0, %mul3A_51 : i32
    %mul3A_53 = arith.constant 1024 : i32
    %mul3A_54 = arith.muli %arg1, %mul3A_53 : i32
    %add3A_55 = arith.addi %mul3A_52, %mul3A_54 : i32
    "tpu.region"() ({
      %run_scoped3A = tpu.sem_alloc : memref<!tpu.dma_semaphore, #tpu.memory_space<semaphore_mem>>
      %dma_start3A = arith.constant 0 : i32
      %dma_start3A_56 = tpu.memref_slice %arg3[%add3A_55, %dma_start3A] : memref<32768x16xf32, #tpu.memory_space<hbm>> -> memref<1024x16xf32, #tpu.memory_space<hbm>>
      %dma_start3A_57 = arith.constant 0 : i32
      %dma_start3A_58 = tpu.memref_slice %arg7[%mul3A_50, %dma_start3A_57] : memref<16384x16xf32, #tpu.memory_space<vmem_shared>> -> memref<1024x16xf32, #tpu.memory_space<vmem_shared>>
      tpu.enqueue_dma source(%dma_start3A_58 : memref<1024x16xf32, #tpu.memory_space<vmem_shared>>) target(%dma_start3A_56 : memref<1024x16xf32, #tpu.memory_space<hbm>>) target_semaphore(%run_scoped3A : memref<!tpu.dma_semaphore, #tpu.memory_space<semaphore_mem>>)
      %dma_wait3A = arith.constant 0 : i32
      %dma_wait3A_59 = tpu.memref_slice %arg3[%add3A_55, %dma_wait3A] : memref<32768x16xf32, #tpu.memory_space<hbm>> -> memref<1024x16xf32, #tpu.memory_space<hbm>>
      %dma_wait3A_60 = arith.constant 0 : i32
      %dma_wait3A_61 = tpu.memref_slice %arg7[%mul3A_50, %dma_wait3A_60] : memref<16384x16xf32, #tpu.memory_space<vmem_shared>> -> memref<1024x16xf32, #tpu.memory_space<vmem_shared>>
      tpu.wait_dma2 semaphore(%run_scoped3A : memref<!tpu.dma_semaphore, #tpu.memory_space<semaphore_mem>>) src(%dma_wait3A_61 : memref<1024x16xf32, #tpu.memory_space<vmem_shared>>) dst(%dma_wait3A_59 : memref<1024x16xf32, #tpu.memory_space<hbm>>)
      tpu.yield
    }) : () -> ()
    return
  }
}

module attributes {stable_mosaic.version = 14 : i64} {
  func.func @_prep_body(%arg0: i32, %arg1: memref<1024x33xf32, #tpu.memory_space<vmem>>, %arg2: memref<1024x3xf32, #tpu.memory_space<vmem>>, %arg3: memref<1024x3xf32, #tpu.memory_space<vmem>>, %arg4: memref<1024x3xf32, #tpu.memory_space<vmem>>, %arg5: memref<1024x3xf32, #tpu.memory_space<vmem>>, %arg6: memref<256x128xi32, #tpu.memory_space<vmem>>, %arg7: memref<2x1024x16xf32, #tpu.memory_space<vmem>>, %arg8: memref<33x128xf32, #tpu.memory_space<vmem>>, %arg9: memref<4x1024x32xf32, #tpu.memory_space<vmem>>, %arg10: memref<16x1024xf32, #tpu.memory_space<vmem>>, %arg11: memref<4x256x128xi32, #tpu.memory_space<vmem>>, %arg12: memref<1024x1xf32, #tpu.memory_space<vmem>>) attributes {dimension_semantics = [#tpu.dimension_semantics<arbitrary>], iteration_bounds = array<i64: 16>, scalar_prefetch = 0 : i64, scratch_operands = 0 : i64, tpu.core_type = #tpu.core_type<tc>, window_params = [{transform_indices = @transform_0, window_bounds = array<i64: 1024, 33>}, {transform_indices = @transform_1, window_bounds = array<i64: 1024, 3>}, {transform_indices = @transform_2, window_bounds = array<i64: 1024, 3>}, {transform_indices = @transform_3, window_bounds = array<i64: 1024, 3>}, {transform_indices = @transform_4, window_bounds = array<i64: 1024, 3>}, {transform_indices = @transform_5, window_bounds = array<i64: 256, 128>}, {transform_indices = @transform_6, window_bounds = array<i64: 2, 1024, 16>}, {pipeline_mode = #tpu.pipeline_mode<synchronous>, transform_indices = @transform_7, window_bounds = array<i64: 33, 128>}, {transform_indices = @transform_8, window_bounds = array<i64: 4, 1024, 32>}, {transform_indices = @transform_9, window_bounds = array<i64: 16, 1024>}, {transform_indices = @transform_10, window_bounds = array<i64: 4, 256, 128>}, {transform_indices = @transform_11, window_bounds = array<i64: 1024, 1>}]} {
    %get3A = arith.constant 0 : index
    %get3A_0 = arith.constant 0 : index
    %get3A_1 = arith.constant 0 : index
    %get3A_2 = vector.load %arg7[%get3A, %get3A_0, %get3A_1] : memref<2x1024x16xf32, #tpu.memory_space<vmem>>, vector<1x1024x1xf32>
    %get3A_3 = vector.shape_cast %get3A_2 : vector<1x1024x1xf32> to vector<1024x1xf32>
    %get3A_4 = arith.constant 1 : index
    %get3A_5 = arith.constant 0 : index
    %get3A_6 = arith.constant 0 : index
    %get3A_7 = vector.load %arg7[%get3A_4, %get3A_5, %get3A_6] : memref<2x1024x16xf32, #tpu.memory_space<vmem>>, vector<1x1024x1xf32>
    %get3A_8 = vector.shape_cast %get3A_7 : vector<1x1024x1xf32> to vector<1024x1xf32>
    %add3A = arith.addf %get3A_3, %get3A_8 : vector<1024x1xf32>
    %add3A_9 = arith.constant 1.000000e+00 : f32
    %add3A_10 = vector.broadcast %add3A_9 : f32 to vector<1024x1xf32>
    %add3A_11 = arith.addf %add3A, %add3A_10 : vector<1024x1xf32>
    %rsqrt3A = math.rsqrt %add3A_11 : vector<1024x1xf32>
    %swap3A = arith.constant 0 : index
    %swap3A_12 = arith.constant 0 : index
    %swap3A_13 = vector.load %arg12[%swap3A, %swap3A_12] : memref<1024x1xf32, #tpu.memory_space<vmem>>, vector<1024x1xf32>
    tpu.vector_store %arg12[%swap3A, %swap3A_12], %rsqrt3A {strides = array<i32>} : memref<1024x1xf32, #tpu.memory_space<vmem>>, vector<1024x1xf32>,
    %get3A_14 = arith.constant 0 : index
    %get3A_15 = arith.constant 0 : index
    %get3A_16 = vector.load %arg1[%get3A_14, %get3A_15] : memref<1024x33xf32, #tpu.memory_space<vmem>>, vector<1024x33xf32>
    %get3A_17 = arith.constant 0 : index
    %get3A_18 = arith.constant 0 : index
    %get3A_19 = vector.load %arg8[%get3A_17, %get3A_18] : memref<33x128xf32, #tpu.memory_space<vmem>>, vector<33x128xf32>
    %dot_general3A = arith.constant dense<0.000000e+00> : vector<1024x128xf32>
    %dot_general3A_20 = tpu.matmul %get3A_16, %get3A_19, %dot_general3A {dimension_numbers = #tpu.dot_dimension_numbers<[1], [0], [0], [1], [0, 0, 1, 1], [], []>, transpose_lhs_hint = false} : vector<1024x33xf32>, vector<33x128xf32>, vector<1024x128xf32> -> vector<1024x128xf32>
    %mul3A = vector.broadcast %rsqrt3A : vector<1024x1xf32> to vector<1024x128xf32>
    %mul3A_21 = arith.mulf %dot_general3A_20, %mul3A : vector<1024x128xf32>
    %slice3A = vector.extract_strided_slice %mul3A_21 {offsets = [0, 0], sizes = [1024, 32], strides = [1, 1]} : vector<1024x128xf32> to vector<1024x32xf32>
    %swap3A_22 = arith.constant 0 : index
    %swap3A_23 = arith.constant 0 : index
    %swap3A_24 = arith.constant 0 : index
    %swap3A_25 = vector.load %arg9[%swap3A_22, %swap3A_23, %swap3A_24] : memref<4x1024x32xf32, #tpu.memory_space<vmem>>, vector<1x1024x32xf32>
    %swap3A_26 = vector.shape_cast %swap3A_25 : vector<1x1024x32xf32> to vector<1024x32xf32>
    %swap3A_27 = vector.shape_cast %slice3A : vector<1024x32xf32> to vector<1x1024x32xf32>
    tpu.vector_store %arg9[%swap3A_22, %swap3A_23, %swap3A_24], %swap3A_27 {strides = array<i32>} : memref<4x1024x32xf32, #tpu.memory_space<vmem>>, vector<1x1024x32xf32>,
    %slice3A_28 = vector.extract_strided_slice %mul3A_21 {offsets = [0, 32], sizes = [1024, 32], strides = [1, 1]} : vector<1024x128xf32> to vector<1024x32xf32>
    %swap3A_29 = arith.constant 1 : index
    %swap3A_30 = arith.constant 0 : index
    %swap3A_31 = arith.constant 0 : index
    %swap3A_32 = vector.load %arg9[%swap3A_29, %swap3A_30, %swap3A_31] : memref<4x1024x32xf32, #tpu.memory_space<vmem>>, vector<1x1024x32xf32>
    %swap3A_33 = vector.shape_cast %swap3A_32 : vector<1x1024x32xf32> to vector<1024x32xf32>
    %swap3A_34 = vector.shape_cast %slice3A_28 : vector<1024x32xf32> to vector<1x1024x32xf32>
    tpu.vector_store %arg9[%swap3A_29, %swap3A_30, %swap3A_31], %swap3A_34 {strides = array<i32>} : memref<4x1024x32xf32, #tpu.memory_space<vmem>>, vector<1x1024x32xf32>,
    %slice3A_35 = vector.extract_strided_slice %mul3A_21 {offsets = [0, 64], sizes = [1024, 32], strides = [1, 1]} : vector<1024x128xf32> to vector<1024x32xf32>
    %swap3A_36 = arith.constant 2 : index
    %swap3A_37 = arith.constant 0 : index
    %swap3A_38 = arith.constant 0 : index
    %swap3A_39 = vector.load %arg9[%swap3A_36, %swap3A_37, %swap3A_38] : memref<4x1024x32xf32, #tpu.memory_space<vmem>>, vector<1x1024x32xf32>
    %swap3A_40 = vector.shape_cast %swap3A_39 : vector<1x1024x32xf32> to vector<1024x32xf32>
    %swap3A_41 = vector.shape_cast %slice3A_35 : vector<1024x32xf32> to vector<1x1024x32xf32>
    tpu.vector_store %arg9[%swap3A_36, %swap3A_37, %swap3A_38], %swap3A_41 {strides = array<i32>} : memref<4x1024x32xf32, #tpu.memory_space<vmem>>, vector<1x1024x32xf32>,
    %slice3A_42 = vector.extract_strided_slice %mul3A_21 {offsets = [0, 96], sizes = [1024, 32], strides = [1, 1]} : vector<1024x128xf32> to vector<1024x32xf32>
    %swap3A_43 = arith.constant 3 : index
    %swap3A_44 = arith.constant 0 : index
    %swap3A_45 = arith.constant 0 : index
    %swap3A_46 = vector.load %arg9[%swap3A_43, %swap3A_44, %swap3A_45] : memref<4x1024x32xf32, #tpu.memory_space<vmem>>, vector<1x1024x32xf32>
    %swap3A_47 = vector.shape_cast %swap3A_46 : vector<1x1024x32xf32> to vector<1024x32xf32>
    %swap3A_48 = vector.shape_cast %slice3A_42 : vector<1024x32xf32> to vector<1x1024x32xf32>
    tpu.vector_store %arg9[%swap3A_43, %swap3A_44, %swap3A_45], %swap3A_48 {strides = array<i32>} : memref<4x1024x32xf32, #tpu.memory_space<vmem>>, vector<1x1024x32xf32>,
    %get3A_49 = arith.constant 0 : index
    %get3A_50 = arith.constant 0 : index
    %get3A_51 = vector.load %arg6[%get3A_49, %get3A_50] : memref<256x128xi32, #tpu.memory_space<vmem>>, vector<256x128xi32>
    %add3A_52 = arith.constant 0 : i32
    %add3A_53 = vector.broadcast %add3A_52 : i32 to vector<256x128xi32>
    %add3A_54 = arith.addi %get3A_51, %add3A_53 : vector<256x128xi32>
    %swap3A_55 = arith.constant 0 : index
    %swap3A_56 = arith.constant 0 : index
    %swap3A_57 = arith.constant 0 : index
    %swap3A_58 = vector.load %arg11[%swap3A_55, %swap3A_56, %swap3A_57] : memref<4x256x128xi32, #tpu.memory_space<vmem>>, vector<1x256x128xi32>
    %swap3A_59 = vector.shape_cast %swap3A_58 : vector<1x256x128xi32> to vector<256x128xi32>
    %swap3A_60 = vector.shape_cast %add3A_54 : vector<256x128xi32> to vector<1x256x128xi32>
    tpu.vector_store %arg11[%swap3A_55, %swap3A_56, %swap3A_57], %swap3A_60 {strides = array<i32>} : memref<4x256x128xi32, #tpu.memory_space<vmem>>, vector<1x256x128xi32>,
    %add3A_61 = arith.constant 16384 : i32
    %add3A_62 = vector.broadcast %add3A_61 : i32 to vector<256x128xi32>
    %add3A_63 = arith.addi %get3A_51, %add3A_62 : vector<256x128xi32>
    %swap3A_64 = arith.constant 1 : index
    %swap3A_65 = arith.constant 0 : index
    %swap3A_66 = arith.constant 0 : index
    %swap3A_67 = vector.load %arg11[%swap3A_64, %swap3A_65, %swap3A_66] : memref<4x256x128xi32, #tpu.memory_space<vmem>>, vector<1x256x128xi32>
    %swap3A_68 = vector.shape_cast %swap3A_67 : vector<1x256x128xi32> to vector<256x128xi32>
    %swap3A_69 = vector.shape_cast %add3A_63 : vector<256x128xi32> to vector<1x256x128xi32>
    tpu.vector_store %arg11[%swap3A_64, %swap3A_65, %swap3A_66], %swap3A_69 {strides = array<i32>} : memref<4x256x128xi32, #tpu.memory_space<vmem>>, vector<1x256x128xi32>,
    %add3A_70 = arith.constant 32768 : i32
    %add3A_71 = vector.broadcast %add3A_70 : i32 to vector<256x128xi32>
    %add3A_72 = arith.addi %get3A_51, %add3A_71 : vector<256x128xi32>
    %swap3A_73 = arith.constant 2 : index
    %swap3A_74 = arith.constant 0 : index
    %swap3A_75 = arith.constant 0 : index
    %swap3A_76 = vector.load %arg11[%swap3A_73, %swap3A_74, %swap3A_75] : memref<4x256x128xi32, #tpu.memory_space<vmem>>, vector<1x256x128xi32>
    %swap3A_77 = vector.shape_cast %swap3A_76 : vector<1x256x128xi32> to vector<256x128xi32>
    %swap3A_78 = vector.shape_cast %add3A_72 : vector<256x128xi32> to vector<1x256x128xi32>
    tpu.vector_store %arg11[%swap3A_73, %swap3A_74, %swap3A_75], %swap3A_78 {strides = array<i32>} : memref<4x256x128xi32, #tpu.memory_space<vmem>>, vector<1x256x128xi32>,
    %add3A_79 = arith.constant 49152 : i32
    %add3A_80 = vector.broadcast %add3A_79 : i32 to vector<256x128xi32>
    %add3A_81 = arith.addi %get3A_51, %add3A_80 : vector<256x128xi32>
    %swap3A_82 = arith.constant 3 : index
    %swap3A_83 = arith.constant 0 : index
    %swap3A_84 = arith.constant 0 : index
    %swap3A_85 = vector.load %arg11[%swap3A_82, %swap3A_83, %swap3A_84] : memref<4x256x128xi32, #tpu.memory_space<vmem>>, vector<1x256x128xi32>
    %swap3A_86 = vector.shape_cast %swap3A_85 : vector<1x256x128xi32> to vector<256x128xi32>
    %swap3A_87 = vector.shape_cast %add3A_81 : vector<256x128xi32> to vector<1x256x128xi32>
    tpu.vector_store %arg11[%swap3A_82, %swap3A_83, %swap3A_84], %swap3A_87 {strides = array<i32>} : memref<4x256x128xi32, #tpu.memory_space<vmem>>, vector<1x256x128xi32>,
    %get3A_88 = arith.constant 0 : index
    %get3A_89 = arith.constant 0 : index
    %get3A_90 = vector.load %arg2[%get3A_88, %get3A_89] : memref<1024x3xf32, #tpu.memory_space<vmem>>, vector<1024x3xf32>
    %get3A_91 = arith.constant 0 : index
    %get3A_92 = arith.constant 0 : index
    %get3A_93 = vector.load %arg3[%get3A_91, %get3A_92] : memref<1024x3xf32, #tpu.memory_space<vmem>>, vector<1024x3xf32>
    %get3A_94 = arith.constant 0 : index
    %get3A_95 = arith.constant 0 : index
    %get3A_96 = vector.load %arg4[%get3A_94, %get3A_95] : memref<1024x3xf32, #tpu.memory_space<vmem>>, vector<1024x3xf32>
    %get3A_97 = arith.constant 0 : index
    %get3A_98 = arith.constant 0 : index
    %get3A_99 = vector.load %arg5[%get3A_97, %get3A_98] : memref<1024x3xf32, #tpu.memory_space<vmem>>, vector<1024x3xf32>
    %sub3A = arith.subf %get3A_90, %get3A_93 : vector<1024x3xf32>
    %sub3A_100 = arith.subf %get3A_96, %get3A_93 : vector<1024x3xf32>
    %mul3A_101 = arith.mulf %sub3A, %sub3A : vector<1024x3xf32>
    %reduce_sum3A = arith.constant dense<0.000000e+00> : vector<1024xf32>
    %reduce_sum3A_102 = vector.multi_reduction <add>, %mul3A_101, %reduce_sum3A [1] : vector<1024x3xf32> to vector<1024xf32>
    %broadcast_in_dim3A = vector.shape_cast %reduce_sum3A_102 : vector<1024xf32> to vector<1024x1xf32>
    %add3A_103 = arith.constant 1.000000e-10 : f32
    %add3A_104 = vector.broadcast %add3A_103 : f32 to vector<1024x1xf32>
    %add3A_105 = arith.addf %broadcast_in_dim3A, %add3A_104 : vector<1024x1xf32>
    %sqrt3A = math.sqrt %add3A_105 : vector<1024x1xf32>
    %div3A = vector.broadcast %sqrt3A : vector<1024x1xf32> to vector<1024x3xf32>
    %div3A_106 = arith.divf %sub3A, %div3A : vector<1024x3xf32>
    %mul3A_107 = arith.mulf %div3A_106, %sub3A_100 : vector<1024x3xf32>
    %reduce_sum3A_108 = arith.constant dense<0.000000e+00> : vector<1024xf32>
    %reduce_sum3A_109 = vector.multi_reduction <add>, %mul3A_107, %reduce_sum3A_108 [1] : vector<1024x3xf32> to vector<1024xf32>
    %broadcast_in_dim3A_110 = vector.shape_cast %reduce_sum3A_109 : vector<1024xf32> to vector<1024x1xf32>
    %mul3A_111 = vector.broadcast %broadcast_in_dim3A_110 : vector<1024x1xf32> to vector<1024x3xf32>
    %mul3A_112 = arith.mulf %div3A_106, %mul3A_111 : vector<1024x3xf32>
    %sub3A_113 = arith.subf %sub3A_100, %mul3A_112 : vector<1024x3xf32>
    %mul3A_114 = arith.mulf %sub3A_113, %sub3A_113 : vector<1024x3xf32>
    %reduce_sum3A_115 = arith.constant dense<0.000000e+00> : vector<1024xf32>
    %reduce_sum3A_116 = vector.multi_reduction <add>, %mul3A_114, %reduce_sum3A_115 [1] : vector<1024x3xf32> to vector<1024xf32>
    %broadcast_in_dim3A_117 = vector.shape_cast %reduce_sum3A_116 : vector<1024xf32> to vector<1024x1xf32>
    %add3A_118 = arith.constant 1.000000e-10 : f32
    %add3A_119 = vector.broadcast %add3A_118 : f32 to vector<1024x1xf32>
    %add3A_120 = arith.addf %broadcast_in_dim3A_117, %add3A_119 : vector<1024x1xf32>
    %sqrt3A_121 = math.sqrt %add3A_120 : vector<1024x1xf32>
    %div3A_122 = vector.broadcast %sqrt3A_121 : vector<1024x1xf32> to vector<1024x3xf32>
    %div3A_123 = arith.divf %sub3A_113, %div3A_122 : vector<1024x3xf32>
    %slice3A_124 = vector.extract_strided_slice %div3A_106 {offsets = [0, 0], sizes = [1024, 1], strides = [1, 1]} : vector<1024x3xf32> to vector<1024x1xf32>
    %slice3A_125 = vector.extract_strided_slice %div3A_106 {offsets = [0, 1], sizes = [1024, 1], strides = [1, 1]} : vector<1024x3xf32> to vector<1024x1xf32>
    %slice3A_126 = vector.extract_strided_slice %div3A_106 {offsets = [0, 2], sizes = [1024, 1], strides = [1, 1]} : vector<1024x3xf32> to vector<1024x1xf32>
    %slice3A_127 = vector.extract_strided_slice %div3A_123 {offsets = [0, 0], sizes = [1024, 1], strides = [1, 1]} : vector<1024x3xf32> to vector<1024x1xf32>
    %slice3A_128 = vector.extract_strided_slice %div3A_123 {offsets = [0, 1], sizes = [1024, 1], strides = [1, 1]} : vector<1024x3xf32> to vector<1024x1xf32>
    %slice3A_129 = vector.extract_strided_slice %div3A_123 {offsets = [0, 2], sizes = [1024, 1], strides = [1, 1]} : vector<1024x3xf32> to vector<1024x1xf32>
    %mul3A_130 = arith.mulf %slice3A_125, %slice3A_129 : vector<1024x1xf32>
    %mul3A_131 = arith.mulf %slice3A_126, %slice3A_128 : vector<1024x1xf32>
    %sub3A_132 = arith.subf %mul3A_130, %mul3A_131 : vector<1024x1xf32>
    %mul3A_133 = arith.mulf %slice3A_126, %slice3A_127 : vector<1024x1xf32>
    %mul3A_134 = arith.mulf %slice3A_124, %slice3A_129 : vector<1024x1xf32>
    %sub3A_135 = arith.subf %mul3A_133, %mul3A_134 : vector<1024x1xf32>
    %mul3A_136 = arith.mulf %slice3A_124, %slice3A_128 : vector<1024x1xf32>
    %mul3A_137 = arith.mulf %slice3A_125, %slice3A_127 : vector<1024x1xf32>
    %sub3A_138 = arith.subf %mul3A_136, %mul3A_137 : vector<1024x1xf32>
    %concatenate3A = tpu.concatenate %sub3A_132, %sub3A_135, %sub3A_138 in 1 : vector<1024x1xf32>, vector<1024x1xf32>, vector<1024x1xf32> -> vector<1024x3xf32>
    %broadcast_in_dim3A_139 = arith.constant 0.000000e+00 : f32
    %broadcast_in_dim3A_140 = vector.broadcast %broadcast_in_dim3A_139 : f32 to vector<1024x1xf32>
    %concatenate3A_141 = tpu.concatenate %get3A_99, %get3A_93, %div3A_106, %div3A_123, %concatenate3A, %broadcast_in_dim3A_140 in 1 : vector<1024x3xf32>, vector<1024x3xf32>, vector<1024x3xf32>, vector<1024x3xf32>, vector<1024x3xf32>, vector<1024x1xf32> -> vector<1024x16xf32>
    %transpose3A = tpu.transpose %concatenate3A_141, [1, 0] : vector<1024x16xf32> -> vector<16x1024xf32>
    %swap3A_142 = arith.constant 0 : index
    %swap3A_143 = arith.constant 0 : index
    %swap3A_144 = vector.load %arg10[%swap3A_142, %swap3A_143] : memref<16x1024xf32, #tpu.memory_space<vmem>>, vector<16x1024xf32>
    tpu.vector_store %arg10[%swap3A_142, %swap3A_143], %transpose3A {strides = array<i32>} : memref<16x1024xf32, #tpu.memory_space<vmem>>, vector<16x1024xf32>,
    return
  }
  func.func @transform_0(%arg0: i32) -> (i32, i32) {
    %c0_i32 = arith.constant 0 : i32
    %c0_i32_0 = arith.constant 0 : i32
    return %arg0, %c0_i32 : i32, i32
  }
  func.func @transform_1(%arg0: i32) -> (i32, i32) {
    %c0_i32 = arith.constant 0 : i32
    %c0_i32_0 = arith.constant 0 : i32
    return %arg0, %c0_i32 : i32, i32
  }
  func.func @transform_2(%arg0: i32) -> (i32, i32) {
    %c0_i32 = arith.constant 0 : i32
    %c0_i32_0 = arith.constant 0 : i32
    return %arg0, %c0_i32 : i32, i32
  }
  func.func @transform_3(%arg0: i32) -> (i32, i32) {
    %c0_i32 = arith.constant 0 : i32
    %c0_i32_0 = arith.constant 0 : i32
    return %arg0, %c0_i32 : i32, i32
  }
  func.func @transform_4(%arg0: i32) -> (i32, i32) {
    %c0_i32 = arith.constant 0 : i32
    %c0_i32_0 = arith.constant 0 : i32
    return %arg0, %c0_i32 : i32, i32
  }
  func.func @transform_5(%arg0: i32) -> (i32, i32) {
    %c0_i32 = arith.constant 0 : i32
    %c0_i32_0 = arith.constant 0 : i32
    return %arg0, %c0_i32 : i32, i32
  }
  func.func @transform_6(%arg0: i32) -> (i32, i32, i32) {
    %c0_i32 = arith.constant 0 : i32
    %c0_i32_0 = arith.constant 0 : i32
    %c0_i32_1 = arith.constant 0 : i32
    return %c0_i32, %arg0, %c0_i32_0 : i32, i32, i32
  }
  func.func @transform_7(%arg0: i32) -> (i32, i32) {
    %c0_i32 = arith.constant 0 : i32
    %c0_i32_0 = arith.constant 0 : i32
    %c0_i32_1 = arith.constant 0 : i32
    return %c0_i32, %c0_i32_0 : i32, i32
  }
  func.func @transform_8(%arg0: i32) -> (i32, i32, i32) {
    %c0_i32 = arith.constant 0 : i32
    %c0_i32_0 = arith.constant 0 : i32
    %c0_i32_1 = arith.constant 0 : i32
    return %c0_i32, %arg0, %c0_i32_0 : i32, i32, i32
  }
  func.func @transform_9(%arg0: i32) -> (i32, i32) {
    %c0_i32 = arith.constant 0 : i32
    %c0_i32_0 = arith.constant 0 : i32
    return %c0_i32, %arg0 : i32, i32
  }
  func.func @transform_10(%arg0: i32) -> (i32, i32, i32) {
    %c0_i32 = arith.constant 0 : i32
    %c0_i32_0 = arith.constant 0 : i32
    %c0_i32_1 = arith.constant 0 : i32
    return %c0_i32, %arg0, %c0_i32_0 : i32, i32, i32
  }
  func.func @transform_11(%arg0: i32) -> (i32, i32) {
    %c0_i32 = arith.constant 0 : i32
    %c0_i32_0 = arith.constant 0 : i32
    return %arg0, %c0_i32 : i32, i32
  }
}

module attributes {stable_mosaic.version = 14 : i64} {
  func.func @_block_body(%arg0: i32, %arg1: memref<4x512x32xf32, #tpu.memory_space<vmem>>, %arg2: memref<512x1xf32, #tpu.memory_space<vmem>>, %arg3: memref<16x512xf32, #tpu.memory_space<vmem>>, %arg4: memref<1x128xf32, #tpu.memory_space<vmem>>, %arg5: memref<1x128xf32, #tpu.memory_space<vmem>>, %arg6: memref<1x128xf32, #tpu.memory_space<vmem>>, %arg7: memref<128x64xf32, #tpu.memory_space<vmem>>, %arg8: memref<128x64xf32, #tpu.memory_space<vmem>>, %arg9: memref<128x64xf32, #tpu.memory_space<vmem>>, %arg10: memref<64x8xf32, #tpu.memory_space<vmem>>, %arg11: memref<128x128xf32, #tpu.memory_space<vmem>>, %arg12: memref<1x128xf32, #tpu.memory_space<vmem>>, %arg13: memref<1x128xf32, #tpu.memory_space<vmem>>, %arg14: memref<1x128xf32, #tpu.memory_space<vmem>>, %arg15: memref<128x128xf32, #tpu.memory_space<vmem>>, %arg16: memref<4x512x32xf32, #tpu.memory_space<vmem>>) attributes {dimension_semantics = [#tpu.dimension_semantics<arbitrary>], iteration_bounds = array<i64: 32>, scalar_prefetch = 0 : i64, scratch_operands = 0 : i64, tpu.core_type = #tpu.core_type<tc>, window_params = [{transform_indices = @transform_0, window_bounds = array<i64: 4, 512, 32>}, {transform_indices = @transform_1, window_bounds = array<i64: 512, 1>}, {transform_indices = @transform_2, window_bounds = array<i64: 16, 512>}, {pipeline_mode = #tpu.pipeline_mode<synchronous>, transform_indices = @transform_3, window_bounds = array<i64: 1, 128>}, {pipeline_mode = #tpu.pipeline_mode<synchronous>, transform_indices = @transform_4, window_bounds = array<i64: 1, 128>}, {pipeline_mode = #tpu.pipeline_mode<synchronous>, transform_indices = @transform_5, window_bounds = array<i64: 1, 128>}, {pipeline_mode = #tpu.pipeline_mode<synchronous>, transform_indices = @transform_6, window_bounds = array<i64: 128, 64>}, {pipeline_mode = #tpu.pipeline_mode<synchronous>, transform_indices = @transform_7, window_bounds = array<i64: 128, 64>}, {pipeline_mode = #tpu.pipeline_mode<synchronous>, transform_indices = @transform_8, window_bounds = array<i64: 128, 64>}, {pipeline_mode = #tpu.pipeline_mode<synchronous>, transform_indices = @transform_9, window_bounds = array<i64: 64, 8>}, {pipeline_mode = #tpu.pipeline_mode<synchronous>, transform_indices = @transform_10, window_bounds = array<i64: 128, 128>}, {pipeline_mode = #tpu.pipeline_mode<synchronous>, transform_indices = @transform_11, window_bounds = array<i64: 1, 128>}, {pipeline_mode = #tpu.pipeline_mode<synchronous>, transform_indices = @transform_12, window_bounds = array<i64: 1, 128>}, {pipeline_mode = #tpu.pipeline_mode<synchronous>, transform_indices = @transform_13, window_bounds = array<i64: 1, 128>}, {pipeline_mode = #tpu.pipeline_mode<synchronous>, transform_indices = @transform_14, window_bounds = array<i64: 128, 128>}, {transform_indices = @transform_15, window_bounds = array<i64: 4, 512, 32>}]} {
    %get3A = arith.constant 0 : index
    %get3A_0 = arith.constant 0 : index
    %get3A_1 = arith.constant 0 : index
    %get3A_2 = vector.load %arg1[%get3A, %get3A_0, %get3A_1] : memref<4x512x32xf32, #tpu.memory_space<vmem>>, vector<1x512x32xf32>
    %get3A_3 = vector.shape_cast %get3A_2 : vector<1x512x32xf32> to vector<512x32xf32>
    %get3A_4 = arith.constant 1 : index
    %get3A_5 = arith.constant 0 : index
    %get3A_6 = arith.constant 0 : index
    %get3A_7 = vector.load %arg1[%get3A_4, %get3A_5, %get3A_6] : memref<4x512x32xf32, #tpu.memory_space<vmem>>, vector<1x512x32xf32>
    %get3A_8 = vector.shape_cast %get3A_7 : vector<1x512x32xf32> to vector<512x32xf32>
    %get3A_9 = arith.constant 2 : index
    %get3A_10 = arith.constant 0 : index
    %get3A_11 = arith.constant 0 : index
    %get3A_12 = vector.load %arg1[%get3A_9, %get3A_10, %get3A_11] : memref<4x512x32xf32, #tpu.memory_space<vmem>>, vector<1x512x32xf32>
    %get3A_13 = vector.shape_cast %get3A_12 : vector<1x512x32xf32> to vector<512x32xf32>
    %get3A_14 = arith.constant 3 : index
    %get3A_15 = arith.constant 0 : index
    %get3A_16 = arith.constant 0 : index
    %get3A_17 = vector.load %arg1[%get3A_14, %get3A_15, %get3A_16] : memref<4x512x32xf32, #tpu.memory_space<vmem>>, vector<1x512x32xf32>
    %get3A_18 = vector.shape_cast %get3A_17 : vector<1x512x32xf32> to vector<512x32xf32>
    %concatenate3A = tpu.concatenate %get3A_3, %get3A_8, %get3A_13, %get3A_18 in 1 : vector<512x32xf32>, vector<512x32xf32>, vector<512x32xf32>, vector<512x32xf32> -> vector<512x128xf32>
    %get3A_19 = arith.constant 0 : index
    %get3A_20 = arith.constant 0 : index
    %get3A_21 = vector.load %arg2[%get3A_19, %get3A_20] : memref<512x1xf32, #tpu.memory_space<vmem>>, vector<512x1xf32>
    %mul3A = vector.broadcast %get3A_21 : vector<512x1xf32> to vector<512x128xf32>
    %mul3A_22 = arith.mulf %mul3A, %concatenate3A : vector<512x128xf32>
    %get3A_23 = arith.constant 0 : index
    %get3A_24 = arith.constant 0 : index
    %get3A_25 = vector.load %arg4[%get3A_23, %get3A_24] : memref<1x128xf32, #tpu.memory_space<vmem>>, vector<1x128xf32>
    %add3A = vector.broadcast %get3A_25 : vector<1x128xf32> to vector<512x128xf32>
    %add3A_26 = arith.addf %mul3A_22, %add3A : vector<512x128xf32>
    %max3A = arith.constant 0.000000e+00 : f32
    %max3A_27 = vector.broadcast %max3A : f32 to vector<512x128xf32>
    %max3A_28 = arith.maximumf %add3A_26, %max3A_27 : vector<512x128xf32>
    %broadcast_in_dim3A = arith.constant 1.000000e+00 : f32
    %broadcast_in_dim3A_29 = vector.broadcast %broadcast_in_dim3A : f32 to vector<128x1xf32>
    %dot_general3A = arith.constant dense<0.000000e+00> : vector<1x512xf32>
    %dot_general3A_30 = tpu.matmul %broadcast_in_dim3A_29, %max3A_28, %dot_general3A {dimension_numbers = #tpu.dot_dimension_numbers<[0], [1], [1], [0], [0, 1, 1, 0], [], []>, transpose_lhs_hint = false} : vector<128x1xf32>, vector<512x128xf32>, vector<1x512xf32> -> vector<1x512xf32>
    %mul3A_31 = arith.mulf %max3A_28, %max3A_28 : vector<512x128xf32>
    %dot_general3A_32 = arith.constant dense<0.000000e+00> : vector<1x512xf32>
    %dot_general3A_33 = tpu.matmul %broadcast_in_dim3A_29, %mul3A_31, %dot_general3A_32 {dimension_numbers = #tpu.dot_dimension_numbers<[0], [1], [1], [0], [0, 1, 1, 0], [], []>, transpose_lhs_hint = false} : vector<128x1xf32>, vector<512x128xf32>, vector<1x512xf32> -> vector<1x512xf32>
    %mul3A_34 = arith.constant 7.812500e-03 : f32
    %mul3A_35 = vector.broadcast %mul3A_34 : f32 to vector<1x512xf32>
    %mul3A_36 = arith.mulf %dot_general3A_30, %mul3A_35 : vector<1x512xf32>
    %mul3A_37 = arith.constant 7.812500e-03 : f32
    %mul3A_38 = vector.broadcast %mul3A_37 : f32 to vector<1x512xf32>
    %mul3A_39 = arith.mulf %dot_general3A_33, %mul3A_38 : vector<1x512xf32>
    %mul3A_40 = arith.mulf %mul3A_36, %mul3A_36 : vector<1x512xf32>
    %sub3A = arith.subf %mul3A_39, %mul3A_40 : vector<1x512xf32>
    %add3A_41 = arith.constant 9.99999974E-6 : f32
    %add3A_42 = vector.broadcast %add3A_41 : f32 to vector<1x512xf32>
    %add3A_43 = arith.addf %sub3A, %add3A_42 : vector<1x512xf32>
    %rsqrt3A = math.rsqrt %add3A_43 : vector<1x512xf32>
    %neg3A = arith.constant 0.000000e+00 : f32
    %neg3A_44 = vector.broadcast %neg3A : f32 to vector<1x512xf32>
    %neg3A_45 = arith.subf %neg3A_44, %mul3A_36 : vector<1x512xf32>
    %mul3A_46 = arith.mulf %neg3A_45, %rsqrt3A : vector<1x512xf32>
    %get3A_47 = arith.constant 0 : index
    %get3A_48 = arith.constant 0 : index
    %get3A_49 = vector.load %arg10[%get3A_47, %get3A_48] : memref<64x8xf32, #tpu.memory_space<vmem>>, vector<64x8xf32>
    %get3A_50 = arith.constant 0 : index
    %get3A_51 = arith.constant 0 : index
    %get3A_52 = vector.load %arg7[%get3A_50, %get3A_51] : memref<128x64xf32, #tpu.memory_space<vmem>>, vector<128x64xf32>
    %dot_general3A_53 = arith.constant dense<0.000000e+00> : vector<64x512xf32>
    %dot_general3A_54 = tpu.matmul %get3A_52, %max3A_28, %dot_general3A_53 {dimension_numbers = #tpu.dot_dimension_numbers<[0], [1], [1], [0], [0, 1, 1, 0], [], []>, transpose_lhs_hint = false} : vector<128x64xf32>, vector<512x128xf32>, vector<64x512xf32> -> vector<64x512xf32>
    %get3A_55 = arith.constant 0 : index
    %get3A_56 = arith.constant 0 : index
    %get3A_57 = vector.load %arg8[%get3A_55, %get3A_56] : memref<128x64xf32, #tpu.memory_space<vmem>>, vector<128x64xf32>
    %dot_general3A_58 = arith.constant dense<0.000000e+00> : vector<64x512xf32>
    %dot_general3A_59 = tpu.matmul %get3A_57, %max3A_28, %dot_general3A_58 {dimension_numbers = #tpu.dot_dimension_numbers<[0], [1], [1], [0], [0, 1, 1, 0], [], []>, transpose_lhs_hint = false} : vector<128x64xf32>, vector<512x128xf32>, vector<64x512xf32> -> vector<64x512xf32>
    %get3A_60 = arith.constant 0 : index
    %get3A_61 = arith.constant 0 : index
    %get3A_62 = vector.load %arg9[%get3A_60, %get3A_61] : memref<128x64xf32, #tpu.memory_space<vmem>>, vector<128x64xf32>
    %dot_general3A_63 = arith.constant dense<0.000000e+00> : vector<64x512xf32>
    %dot_general3A_64 = tpu.matmul %get3A_62, %max3A_28, %dot_general3A_63 {dimension_numbers = #tpu.dot_dimension_numbers<[0], [1], [1], [0], [0, 1, 1, 0], [], []>, transpose_lhs_hint = false} : vector<128x64xf32>, vector<512x128xf32>, vector<64x512xf32> -> vector<64x512xf32>
    %mul3A_65 = vector.broadcast %rsqrt3A : vector<1x512xf32> to vector<64x512xf32>
    %mul3A_66 = arith.mulf %dot_general3A_54, %mul3A_65 : vector<64x512xf32>
    %slice3A = vector.extract_strided_slice %get3A_49 {offsets = [0, 0], sizes = [64, 1], strides = [1, 1]} : vector<64x8xf32> to vector<64x1xf32>
    %mul3A_67 = vector.broadcast %slice3A : vector<64x1xf32> to vector<64x512xf32>
    %mul3A_68 = vector.broadcast %mul3A_46 : vector<1x512xf32> to vector<64x512xf32>
    %mul3A_69 = arith.mulf %mul3A_67, %mul3A_68 : vector<64x512xf32>
    %add3A_70 = arith.addf %mul3A_66, %mul3A_69 : vector<64x512xf32>
    %slice3A_71 = vector.extract_strided_slice %get3A_49 {offsets = [0, 1], sizes = [64, 1], strides = [1, 1]} : vector<64x8xf32> to vector<64x1xf32>
    %add3A_72 = vector.broadcast %slice3A_71 : vector<64x1xf32> to vector<64x512xf32>
    %add3A_73 = arith.addf %add3A_70, %add3A_72 : vector<64x512xf32>
    %mul3A_74 = vector.broadcast %rsqrt3A : vector<1x512xf32> to vector<64x512xf32>
    %mul3A_75 = arith.mulf %dot_general3A_59, %mul3A_74 : vector<64x512xf32>
    %slice3A_76 = vector.extract_strided_slice %get3A_49 {offsets = [0, 2], sizes = [64, 1], strides = [1, 1]} : vector<64x8xf32> to vector<64x1xf32>
    %mul3A_77 = vector.broadcast %slice3A_76 : vector<64x1xf32> to vector<64x512xf32>
    %mul3A_78 = vector.broadcast %mul3A_46 : vector<1x512xf32> to vector<64x512xf32>
    %mul3A_79 = arith.mulf %mul3A_77, %mul3A_78 : vector<64x512xf32>
    %add3A_80 = arith.addf %mul3A_75, %mul3A_79 : vector<64x512xf32>
    %slice3A_81 = vector.extract_strided_slice %get3A_49 {offsets = [0, 3], sizes = [64, 1], strides = [1, 1]} : vector<64x8xf32> to vector<64x1xf32>
    %add3A_82 = vector.broadcast %slice3A_81 : vector<64x1xf32> to vector<64x512xf32>
    %add3A_83 = arith.addf %add3A_80, %add3A_82 : vector<64x512xf32>
    %mul3A_84 = vector.broadcast %rsqrt3A : vector<1x512xf32> to vector<64x512xf32>
    %mul3A_85 = arith.mulf %dot_general3A_64, %mul3A_84 : vector<64x512xf32>
    %slice3A_86 = vector.extract_strided_slice %get3A_49 {offsets = [0, 4], sizes = [64, 1], strides = [1, 1]} : vector<64x8xf32> to vector<64x1xf32>
    %mul3A_87 = vector.broadcast %slice3A_86 : vector<64x1xf32> to vector<64x512xf32>
    %mul3A_88 = vector.broadcast %mul3A_46 : vector<1x512xf32> to vector<64x512xf32>
    %mul3A_89 = arith.mulf %mul3A_87, %mul3A_88 : vector<64x512xf32>
    %add3A_90 = arith.addf %mul3A_85, %mul3A_89 : vector<64x512xf32>
    %slice3A_91 = vector.extract_strided_slice %get3A_49 {offsets = [0, 5], sizes = [64, 1], strides = [1, 1]} : vector<64x8xf32> to vector<64x1xf32>
    %add3A_92 = vector.broadcast %slice3A_91 : vector<64x1xf32> to vector<64x512xf32>
    %add3A_93 = arith.addf %add3A_90, %add3A_92 : vector<64x512xf32>
    %get3A_94 = arith.constant 0 : index
    %get3A_95 = arith.constant 0 : index
    %get3A_96 = vector.load %arg5[%get3A_94, %get3A_95] : memref<1x128xf32, #tpu.memory_space<vmem>>, vector<1x128xf32>
    %get3A_97 = arith.constant 0 : index
    %get3A_98 = arith.constant 0 : index
    %get3A_99 = vector.load %arg6[%get3A_97, %get3A_98] : memref<1x128xf32, #tpu.memory_space<vmem>>, vector<1x128xf32>
    %reduce_sum3A = arith.constant dense<0.000000e+00> : vector<512xf32>
    %reduce_sum3A_100 = vector.multi_reduction <add>, %max3A_28, %reduce_sum3A [1] : vector<512x128xf32> to vector<512xf32>
    %broadcast_in_dim3A_101 = vector.shape_cast %reduce_sum3A_100 : vector<512xf32> to vector<512x1xf32>
    %div3A = arith.constant 1.280000e+02 : f32
    %div3A_102 = vector.broadcast %div3A : f32 to vector<512x1xf32>
    %div3A_103 = arith.divf %broadcast_in_dim3A_101, %div3A_102 : vector<512x1xf32>
    %sub3A_104 = vector.broadcast %div3A_103 : vector<512x1xf32> to vector<512x128xf32>
    %sub3A_105 = arith.subf %max3A_28, %sub3A_104 : vector<512x128xf32>
    %sub3A_106 = vector.broadcast %div3A_103 : vector<512x1xf32> to vector<512x128xf32>
    %sub3A_107 = arith.subf %max3A_28, %sub3A_106 : vector<512x128xf32>
    %mul3A_108 = arith.mulf %sub3A_105, %sub3A_107 : vector<512x128xf32>
    %reduce_sum3A_109 = arith.constant dense<0.000000e+00> : vector<512xf32>
    %reduce_sum3A_110 = vector.multi_reduction <add>, %mul3A_108, %reduce_sum3A_109 [1] : vector<512x128xf32> to vector<512xf32>
    %broadcast_in_dim3A_111 = vector.shape_cast %reduce_sum3A_110 : vector<512xf32> to vector<512x1xf32>
    %div3A_112 = arith.constant 1.280000e+02 : f32
    %div3A_113 = vector.broadcast %div3A_112 : f32 to vector<512x1xf32>
    %div3A_114 = arith.divf %broadcast_in_dim3A_111, %div3A_113 : vector<512x1xf32>
    %sub3A_115 = vector.broadcast %div3A_103 : vector<512x1xf32> to vector<512x128xf32>
    %sub3A_116 = arith.subf %max3A_28, %sub3A_115 : vector<512x128xf32>
    %add3A_117 = arith.constant 9.99999974E-6 : f32
    %add3A_118 = vector.broadcast %add3A_117 : f32 to vector<512x1xf32>
    %add3A_119 = arith.addf %div3A_114, %add3A_118 : vector<512x1xf32>
    %sqrt3A = math.sqrt %add3A_119 : vector<512x1xf32>
    %div3A_120 = vector.broadcast %sqrt3A : vector<512x1xf32> to vector<512x128xf32>
    %div3A_121 = arith.divf %sub3A_116, %div3A_120 : vector<512x128xf32>
    %mul3A_122 = vector.broadcast %get3A_96 : vector<1x128xf32> to vector<512x128xf32>
    %mul3A_123 = arith.mulf %div3A_121, %mul3A_122 : vector<512x128xf32>
    %add3A_124 = vector.broadcast %get3A_99 : vector<1x128xf32> to vector<512x128xf32>
    %add3A_125 = arith.addf %mul3A_123, %add3A_124 : vector<512x128xf32>
    %get3A_126 = arith.constant 0 : index
    %get3A_127 = arith.constant 0 : index
    %get3A_128 = vector.load %arg3[%get3A_126, %get3A_127] : memref<16x512xf32, #tpu.memory_space<vmem>>, vector<16x512xf32>
    %slice3A_129 = vector.extract_strided_slice %get3A_128 {offsets = [0, 0], sizes = [16, 256], strides = [1, 1]} : vector<16x512xf32> to vector<16x256xf32>
    %slice3A_130 = vector.extract_strided_slice %add3A_73 {offsets = [0, 0], sizes = [16, 256], strides = [1, 1]} : vector<64x512xf32> to vector<16x256xf32>
    %slice3A_131 = vector.extract_strided_slice %add3A_83 {offsets = [0, 0], sizes = [16, 256], strides = [1, 1]} : vector<64x512xf32> to vector<16x256xf32>
    %slice3A_132 = vector.extract_strided_slice %add3A_93 {offsets = [0, 0], sizes = [16, 256], strides = [1, 1]} : vector<64x512xf32> to vector<16x256xf32>
    %dot_general3A_133 = arith.constant dense<0.000000e+00> : vector<256x256xf32>
    %dot_general3A_134 = tpu.matmul %slice3A_131, %slice3A_130, %dot_general3A_133 {dimension_numbers = #tpu.dot_dimension_numbers<[0], [0], [1], [1], [0, 1, 1, 1], [], []>, transpose_lhs_hint = false} : vector<16x256xf32>, vector<16x256xf32>, vector<256x256xf32> -> vector<256x256xf32>
    %reduce_max3A = arith.constant dense<0xFF800000> : vector<256xf32>
    %reduce_max3A_135 = vector.multi_reduction <maximumf>, %dot_general3A_134, %reduce_max3A [0] : vector<256x256xf32> to vector<256xf32>
    %broadcast_in_dim3A_136 = vector.shape_cast %reduce_max3A_135 : vector<256xf32> to vector<1x256xf32>
    %sub3A_137 = vector.broadcast %broadcast_in_dim3A_136 : vector<1x256xf32> to vector<256x256xf32>
    %sub3A_138 = arith.subf %dot_general3A_134, %sub3A_137 : vector<256x256xf32>
    %exp3A = math.exp %sub3A_138 : vector<256x256xf32>
    %concatenate3A_139 = tpu.concatenate %slice3A_132, %slice3A_129 in 0 : vector<16x256xf32>, vector<16x256xf32> -> vector<32x256xf32>
    %dot_general3A_140 = arith.constant dense<0.000000e+00> : vector<32x256xf32>
    %dot_general3A_141 = tpu.matmul %concatenate3A_139, %exp3A, %dot_general3A_140 {dimension_numbers = #tpu.dot_dimension_numbers<[1], [0], [0], [1], [0, 0, 1, 1], [], []>, transpose_lhs_hint = false} : vector<32x256xf32>, vector<256x256xf32>, vector<32x256xf32> -> vector<32x256xf32>
    %reduce_sum3A_142 = arith.constant dense<0.000000e+00> : vector<256xf32>
    %reduce_sum3A_143 = vector.multi_reduction <add>, %exp3A, %reduce_sum3A_142 [0] : vector<256x256xf32> to vector<256xf32>
    %broadcast_in_dim3A_144 = vector.shape_cast %reduce_sum3A_143 : vector<256xf32> to vector<1x256xf32>
    %div3A_145 = arith.constant 1.000000e+00 : f32
    %div3A_146 = vector.broadcast %div3A_145 : f32 to vector<1x256xf32>
    %div3A_147 = arith.divf %div3A_146, %broadcast_in_dim3A_144 : vector<1x256xf32>
    %mul3A_148 = vector.broadcast %div3A_147 : vector<1x256xf32> to vector<32x256xf32>
    %mul3A_149 = arith.mulf %dot_general3A_141, %mul3A_148 : vector<32x256xf32>
    %slice3A_150 = vector.extract_strided_slice %mul3A_149 {offsets = [0, 0], sizes = [16, 256], strides = [1, 1]} : vector<32x256xf32> to vector<16x256xf32>
    %slice3A_151 = vector.extract_strided_slice %mul3A_149 {offsets = [16, 0], sizes = [3, 256], strides = [1, 1]} : vector<32x256xf32> to vector<3x256xf32>
    %slice3A_152 = vector.extract_strided_slice %slice3A_129 {offsets = [3, 0], sizes = [3, 256], strides = [1, 1]} : vector<16x256xf32> to vector<3x256xf32>
    %sub3A_153 = arith.subf %slice3A_151, %slice3A_152 : vector<3x256xf32>
    %mul3A_154 = arith.mulf %sub3A_153, %sub3A_153 : vector<3x256xf32>
    %reduce_sum3A_155 = arith.constant dense<0.000000e+00> : vector<256xf32>
    %reduce_sum3A_156 = vector.multi_reduction <add>, %mul3A_154, %reduce_sum3A_155 [0] : vector<3x256xf32> to vector<256xf32>
    %broadcast_in_dim3A_157 = vector.shape_cast %reduce_sum3A_156 : vector<256xf32> to vector<1x256xf32>
    %sqrt3A_158 = math.sqrt %broadcast_in_dim3A_157 : vector<1x256xf32>
    %slice3A_159 = vector.extract_strided_slice %slice3A_129 {offsets = [6, 0], sizes = [3, 256], strides = [1, 1]} : vector<16x256xf32> to vector<3x256xf32>
    %mul3A_160 = arith.mulf %slice3A_159, %sub3A_153 : vector<3x256xf32>
    %reduce_sum3A_161 = arith.constant dense<0.000000e+00> : vector<256xf32>
    %reduce_sum3A_162 = vector.multi_reduction <add>, %mul3A_160, %reduce_sum3A_161 [0] : vector<3x256xf32> to vector<256xf32>
    %broadcast_in_dim3A_163 = vector.shape_cast %reduce_sum3A_162 : vector<256xf32> to vector<1x256xf32>
    %slice3A_164 = vector.extract_strided_slice %slice3A_129 {offsets = [9, 0], sizes = [3, 256], strides = [1, 1]} : vector<16x256xf32> to vector<3x256xf32>
    %mul3A_165 = arith.mulf %slice3A_164, %sub3A_153 : vector<3x256xf32>
    %reduce_sum3A_166 = arith.constant dense<0.000000e+00> : vector<256xf32>
    %reduce_sum3A_167 = vector.multi_reduction <add>, %mul3A_165, %reduce_sum3A_166 [0] : vector<3x256xf32> to vector<256xf32>
    %broadcast_in_dim3A_168 = vector.shape_cast %reduce_sum3A_167 : vector<256xf32> to vector<1x256xf32>
    %slice3A_169 = vector.extract_strided_slice %slice3A_129 {offsets = [12, 0], sizes = [3, 256], strides = [1, 1]} : vector<16x256xf32> to vector<3x256xf32>
    %mul3A_170 = arith.mulf %slice3A_169, %sub3A_153 : vector<3x256xf32>
    %reduce_sum3A_171 = arith.constant dense<0.000000e+00> : vector<256xf32>
    %reduce_sum3A_172 = vector.multi_reduction <add>, %mul3A_170, %reduce_sum3A_171 [0] : vector<3x256xf32> to vector<256xf32>
    %broadcast_in_dim3A_173 = vector.shape_cast %reduce_sum3A_172 : vector<256xf32> to vector<1x256xf32>
    %concatenate3A_174 = tpu.concatenate %broadcast_in_dim3A_163, %broadcast_in_dim3A_168, %broadcast_in_dim3A_173 in 0 : vector<1x256xf32>, vector<1x256xf32>, vector<1x256xf32> -> vector<3x256xf32>
    %mul3A_175 = arith.mulf %concatenate3A_174, %concatenate3A_174 : vector<3x256xf32>
    %reduce_sum3A_176 = arith.constant dense<0.000000e+00> : vector<256xf32>
    %reduce_sum3A_177 = vector.multi_reduction <add>, %mul3A_175, %reduce_sum3A_176 [0] : vector<3x256xf32> to vector<256xf32>
    %broadcast_in_dim3A_178 = vector.shape_cast %reduce_sum3A_177 : vector<256xf32> to vector<1x256xf32>
    %sqrt3A_179 = math.sqrt %broadcast_in_dim3A_178 : vector<1x256xf32>
    %add3A_180 = arith.constant 1.000000e-10 : f32
    %add3A_181 = vector.broadcast %add3A_180 : f32 to vector<1x256xf32>
    %add3A_182 = arith.addf %sqrt3A_179, %add3A_181 : vector<1x256xf32>
    %div3A_183 = vector.broadcast %add3A_182 : vector<1x256xf32> to vector<3x256xf32>
    %div3A_184 = arith.divf %concatenate3A_174, %div3A_183 : vector<3x256xf32>
    %slice3A_185 = vector.extract_strided_slice %add3A_73 {offsets = [16, 0], sizes = [16, 256], strides = [1, 1]} : vector<64x512xf32> to vector<16x256xf32>
    %slice3A_186 = vector.extract_strided_slice %add3A_83 {offsets = [16, 0], sizes = [16, 256], strides = [1, 1]} : vector<64x512xf32> to vector<16x256xf32>
    %slice3A_187 = vector.extract_strided_slice %add3A_93 {offsets = [16, 0], sizes = [16, 256], strides = [1, 1]} : vector<64x512xf32> to vector<16x256xf32>
    %dot_general3A_188 = arith.constant dense<0.000000e+00> : vector<256x256xf32>
    %dot_general3A_189 = tpu.matmul %slice3A_186, %slice3A_185, %dot_general3A_188 {dimension_numbers = #tpu.dot_dimension_numbers<[0], [0], [1], [1], [0, 1, 1, 1], [], []>, transpose_lhs_hint = false} : vector<16x256xf32>, vector<16x256xf32>, vector<256x256xf32> -> vector<256x256xf32>
    %reduce_max3A_190 = arith.constant dense<0xFF800000> : vector<256xf32>
    %reduce_max3A_191 = vector.multi_reduction <maximumf>, %dot_general3A_189, %reduce_max3A_190 [0] : vector<256x256xf32> to vector<256xf32>
    %broadcast_in_dim3A_192 = vector.shape_cast %reduce_max3A_191 : vector<256xf32> to vector<1x256xf32>
    %sub3A_193 = vector.broadcast %broadcast_in_dim3A_192 : vector<1x256xf32> to vector<256x256xf32>
    %sub3A_194 = arith.subf %dot_general3A_189, %sub3A_193 : vector<256x256xf32>
    %exp3A_195 = math.exp %sub3A_194 : vector<256x256xf32>
    %concatenate3A_196 = tpu.concatenate %slice3A_187, %slice3A_129 in 0 : vector<16x256xf32>, vector<16x256xf32> -> vector<32x256xf32>
    %dot_general3A_197 = arith.constant dense<0.000000e+00> : vector<32x256xf32>
    %dot_general3A_198 = tpu.matmul %concatenate3A_196, %exp3A_195, %dot_general3A_197 {dimension_numbers = #tpu.dot_dimension_numbers<[1], [0], [0], [1], [0, 0, 1, 1], [], []>, transpose_lhs_hint = false} : vector<32x256xf32>, vector<256x256xf32>, vector<32x256xf32> -> vector<32x256xf32>
    %reduce_sum3A_199 = arith.constant dense<0.000000e+00> : vector<256xf32>
    %reduce_sum3A_200 = vector.multi_reduction <add>, %exp3A_195, %reduce_sum3A_199 [0] : vector<256x256xf32> to vector<256xf32>
    %broadcast_in_dim3A_201 = vector.shape_cast %reduce_sum3A_200 : vector<256xf32> to vector<1x256xf32>
    %div3A_202 = arith.constant 1.000000e+00 : f32
    %div3A_203 = vector.broadcast %div3A_202 : f32 to vector<1x256xf32>
    %div3A_204 = arith.divf %div3A_203, %broadcast_in_dim3A_201 : vector<1x256xf32>
    %mul3A_205 = vector.broadcast %div3A_204 : vector<1x256xf32> to vector<32x256xf32>
    %mul3A_206 = arith.mulf %dot_general3A_198, %mul3A_205 : vector<32x256xf32>
    %slice3A_207 = vector.extract_strided_slice %mul3A_206 {offsets = [0, 0], sizes = [16, 256], strides = [1, 1]} : vector<32x256xf32> to vector<16x256xf32>
    %slice3A_208 = vector.extract_strided_slice %mul3A_206 {offsets = [16, 0], sizes = [3, 256], strides = [1, 1]} : vector<32x256xf32> to vector<3x256xf32>
    %slice3A_209 = vector.extract_strided_slice %slice3A_129 {offsets = [3, 0], sizes = [3, 256], strides = [1, 1]} : vector<16x256xf32> to vector<3x256xf32>
    %sub3A_210 = arith.subf %slice3A_208, %slice3A_209 : vector<3x256xf32>
    %mul3A_211 = arith.mulf %sub3A_210, %sub3A_210 : vector<3x256xf32>
    %reduce_sum3A_212 = arith.constant dense<0.000000e+00> : vector<256xf32>
    %reduce_sum3A_213 = vector.multi_reduction <add>, %mul3A_211, %reduce_sum3A_212 [0] : vector<3x256xf32> to vector<256xf32>
    %broadcast_in_dim3A_214 = vector.shape_cast %reduce_sum3A_213 : vector<256xf32> to vector<1x256xf32>
    %sqrt3A_215 = math.sqrt %broadcast_in_dim3A_214 : vector<1x256xf32>
    %slice3A_216 = vector.extract_strided_slice %slice3A_129 {offsets = [6, 0], sizes = [3, 256], strides = [1, 1]} : vector<16x256xf32> to vector<3x256xf32>
    %mul3A_217 = arith.mulf %slice3A_216, %sub3A_210 : vector<3x256xf32>
    %reduce_sum3A_218 = arith.constant dense<0.000000e+00> : vector<256xf32>
    %reduce_sum3A_219 = vector.multi_reduction <add>, %mul3A_217, %reduce_sum3A_218 [0] : vector<3x256xf32> to vector<256xf32>
    %broadcast_in_dim3A_220 = vector.shape_cast %reduce_sum3A_219 : vector<256xf32> to vector<1x256xf32>
    %slice3A_221 = vector.extract_strided_slice %slice3A_129 {offsets = [9, 0], sizes = [3, 256], strides = [1, 1]} : vector<16x256xf32> to vector<3x256xf32>
    %mul3A_222 = arith.mulf %slice3A_221, %sub3A_210 : vector<3x256xf32>
    %reduce_sum3A_223 = arith.constant dense<0.000000e+00> : vector<256xf32>
    %reduce_sum3A_224 = vector.multi_reduction <add>, %mul3A_222, %reduce_sum3A_223 [0] : vector<3x256xf32> to vector<256xf32>
    %broadcast_in_dim3A_225 = vector.shape_cast %reduce_sum3A_224 : vector<256xf32> to vector<1x256xf32>
    %slice3A_226 = vector.extract_strided_slice %slice3A_129 {offsets = [12, 0], sizes = [3, 256], strides = [1, 1]} : vector<16x256xf32> to vector<3x256xf32>
    %mul3A_227 = arith.mulf %slice3A_226, %sub3A_210 : vector<3x256xf32>
    %reduce_sum3A_228 = arith.constant dense<0.000000e+00> : vector<256xf32>
    %reduce_sum3A_229 = vector.multi_reduction <add>, %mul3A_227, %reduce_sum3A_228 [0] : vector<3x256xf32> to vector<256xf32>
    %broadcast_in_dim3A_230 = vector.shape_cast %reduce_sum3A_229 : vector<256xf32> to vector<1x256xf32>
    %concatenate3A_231 = tpu.concatenate %broadcast_in_dim3A_220, %broadcast_in_dim3A_225, %broadcast_in_dim3A_230 in 0 : vector<1x256xf32>, vector<1x256xf32>, vector<1x256xf32> -> vector<3x256xf32>
    %mul3A_232 = arith.mulf %concatenate3A_231, %concatenate3A_231 : vector<3x256xf32>
    %reduce_sum3A_233 = arith.constant dense<0.000000e+00> : vector<256xf32>
    %reduce_sum3A_234 = vector.multi_reduction <add>, %mul3A_232, %reduce_sum3A_233 [0] : vector<3x256xf32> to vector<256xf32>
    %broadcast_in_dim3A_235 = vector.shape_cast %reduce_sum3A_234 : vector<256xf32> to vector<1x256xf32>
    %sqrt3A_236 = math.sqrt %broadcast_in_dim3A_235 : vector<1x256xf32>
    %add3A_237 = arith.constant 1.000000e-10 : f32
    %add3A_238 = vector.broadcast %add3A_237 : f32 to vector<1x256xf32>
    %add3A_239 = arith.addf %sqrt3A_236, %add3A_238 : vector<1x256xf32>
    %div3A_240 = vector.broadcast %add3A_239 : vector<1x256xf32> to vector<3x256xf32>
    %div3A_241 = arith.divf %concatenate3A_231, %div3A_240 : vector<3x256xf32>
    %slice3A_242 = vector.extract_strided_slice %add3A_73 {offsets = [32, 0], sizes = [16, 256], strides = [1, 1]} : vector<64x512xf32> to vector<16x256xf32>
    %slice3A_243 = vector.extract_strided_slice %add3A_83 {offsets = [32, 0], sizes = [16, 256], strides = [1, 1]} : vector<64x512xf32> to vector<16x256xf32>
    %slice3A_244 = vector.extract_strided_slice %add3A_93 {offsets = [32, 0], sizes = [16, 256], strides = [1, 1]} : vector<64x512xf32> to vector<16x256xf32>
    %dot_general3A_245 = arith.constant dense<0.000000e+00> : vector<256x256xf32>
    %dot_general3A_246 = tpu.matmul %slice3A_243, %slice3A_242, %dot_general3A_245 {dimension_numbers = #tpu.dot_dimension_numbers<[0], [0], [1], [1], [0, 1, 1, 1], [], []>, transpose_lhs_hint = false} : vector<16x256xf32>, vector<16x256xf32>, vector<256x256xf32> -> vector<256x256xf32>
    %reduce_max3A_247 = arith.constant dense<0xFF800000> : vector<256xf32>
    %reduce_max3A_248 = vector.multi_reduction <maximumf>, %dot_general3A_246, %reduce_max3A_247 [0] : vector<256x256xf32> to vector<256xf32>
    %broadcast_in_dim3A_249 = vector.shape_cast %reduce_max3A_248 : vector<256xf32> to vector<1x256xf32>
    %sub3A_250 = vector.broadcast %broadcast_in_dim3A_249 : vector<1x256xf32> to vector<256x256xf32>
    %sub3A_251 = arith.subf %dot_general3A_246, %sub3A_250 : vector<256x256xf32>
    %exp3A_252 = math.exp %sub3A_251 : vector<256x256xf32>
    %concatenate3A_253 = tpu.concatenate %slice3A_244, %slice3A_129 in 0 : vector<16x256xf32>, vector<16x256xf32> -> vector<32x256xf32>
    %dot_general3A_254 = arith.constant dense<0.000000e+00> : vector<32x256xf32>
    %dot_general3A_255 = tpu.matmul %concatenate3A_253, %exp3A_252, %dot_general3A_254 {dimension_numbers = #tpu.dot_dimension_numbers<[1], [0], [0], [1], [0, 0, 1, 1], [], []>, transpose_lhs_hint = false} : vector<32x256xf32>, vector<256x256xf32>, vector<32x256xf32> -> vector<32x256xf32>
    %reduce_sum3A_256 = arith.constant dense<0.000000e+00> : vector<256xf32>
    %reduce_sum3A_257 = vector.multi_reduction <add>, %exp3A_252, %reduce_sum3A_256 [0] : vector<256x256xf32> to vector<256xf32>
    %broadcast_in_dim3A_258 = vector.shape_cast %reduce_sum3A_257 : vector<256xf32> to vector<1x256xf32>
    %div3A_259 = arith.constant 1.000000e+00 : f32
    %div3A_260 = vector.broadcast %div3A_259 : f32 to vector<1x256xf32>
    %div3A_261 = arith.divf %div3A_260, %broadcast_in_dim3A_258 : vector<1x256xf32>
    %mul3A_262 = vector.broadcast %div3A_261 : vector<1x256xf32> to vector<32x256xf32>
    %mul3A_263 = arith.mulf %dot_general3A_255, %mul3A_262 : vector<32x256xf32>
    %slice3A_264 = vector.extract_strided_slice %mul3A_263 {offsets = [0, 0], sizes = [16, 256], strides = [1, 1]} : vector<32x256xf32> to vector<16x256xf32>
    %slice3A_265 = vector.extract_strided_slice %mul3A_263 {offsets = [16, 0], sizes = [3, 256], strides = [1, 1]} : vector<32x256xf32> to vector<3x256xf32>
    %slice3A_266 = vector.extract_strided_slice %slice3A_129 {offsets = [3, 0], sizes = [3, 256], strides = [1, 1]} : vector<16x256xf32> to vector<3x256xf32>
    %sub3A_267 = arith.subf %slice3A_265, %slice3A_266 : vector<3x256xf32>
    %mul3A_268 = arith.mulf %sub3A_267, %sub3A_267 : vector<3x256xf32>
    %reduce_sum3A_269 = arith.constant dense<0.000000e+00> : vector<256xf32>
    %reduce_sum3A_270 = vector.multi_reduction <add>, %mul3A_268, %reduce_sum3A_269 [0] : vector<3x256xf32> to vector<256xf32>
    %broadcast_in_dim3A_271 = vector.shape_cast %reduce_sum3A_270 : vector<256xf32> to vector<1x256xf32>
    %sqrt3A_272 = math.sqrt %broadcast_in_dim3A_271 : vector<1x256xf32>
    %slice3A_273 = vector.extract_strided_slice %slice3A_129 {offsets = [6, 0], sizes = [3, 256], strides = [1, 1]} : vector<16x256xf32> to vector<3x256xf32>
    %mul3A_274 = arith.mulf %slice3A_273, %sub3A_267 : vector<3x256xf32>
    %reduce_sum3A_275 = arith.constant dense<0.000000e+00> : vector<256xf32>
    %reduce_sum3A_276 = vector.multi_reduction <add>, %mul3A_274, %reduce_sum3A_275 [0] : vector<3x256xf32> to vector<256xf32>
    %broadcast_in_dim3A_277 = vector.shape_cast %reduce_sum3A_276 : vector<256xf32> to vector<1x256xf32>
    %slice3A_278 = vector.extract_strided_slice %slice3A_129 {offsets = [9, 0], sizes = [3, 256], strides = [1, 1]} : vector<16x256xf32> to vector<3x256xf32>
    %mul3A_279 = arith.mulf %slice3A_278, %sub3A_267 : vector<3x256xf32>
    %reduce_sum3A_280 = arith.constant dense<0.000000e+00> : vector<256xf32>
    %reduce_sum3A_281 = vector.multi_reduction <add>, %mul3A_279, %reduce_sum3A_280 [0] : vector<3x256xf32> to vector<256xf32>
    %broadcast_in_dim3A_282 = vector.shape_cast %reduce_sum3A_281 : vector<256xf32> to vector<1x256xf32>
    %slice3A_283 = vector.extract_strided_slice %slice3A_129 {offsets = [12, 0], sizes = [3, 256], strides = [1, 1]} : vector<16x256xf32> to vector<3x256xf32>
    %mul3A_284 = arith.mulf %slice3A_283, %sub3A_267 : vector<3x256xf32>
    %reduce_sum3A_285 = arith.constant dense<0.000000e+00> : vector<256xf32>
    %reduce_sum3A_286 = vector.multi_reduction <add>, %mul3A_284, %reduce_sum3A_285 [0] : vector<3x256xf32> to vector<256xf32>
    %broadcast_in_dim3A_287 = vector.shape_cast %reduce_sum3A_286 : vector<256xf32> to vector<1x256xf32>
    %concatenate3A_288 = tpu.concatenate %broadcast_in_dim3A_277, %broadcast_in_dim3A_282, %broadcast_in_dim3A_287 in 0 : vector<1x256xf32>, vector<1x256xf32>, vector<1x256xf32> -> vector<3x256xf32>
    %mul3A_289 = arith.mulf %concatenate3A_288, %concatenate3A_288 : vector<3x256xf32>
    %reduce_sum3A_290 = arith.constant dense<0.000000e+00> : vector<256xf32>
    %reduce_sum3A_291 = vector.multi_reduction <add>, %mul3A_289, %reduce_sum3A_290 [0] : vector<3x256xf32> to vector<256xf32>
    %broadcast_in_dim3A_292 = vector.shape_cast %reduce_sum3A_291 : vector<256xf32> to vector<1x256xf32>
    %sqrt3A_293 = math.sqrt %broadcast_in_dim3A_292 : vector<1x256xf32>
    %add3A_294 = arith.constant 1.000000e-10 : f32
    %add3A_295 = vector.broadcast %add3A_294 : f32 to vector<1x256xf32>
    %add3A_296 = arith.addf %sqrt3A_293, %add3A_295 : vector<1x256xf32>
    %div3A_297 = vector.broadcast %add3A_296 : vector<1x256xf32> to vector<3x256xf32>
    %div3A_298 = arith.divf %concatenate3A_288, %div3A_297 : vector<3x256xf32>
    %slice3A_299 = vector.extract_strided_slice %add3A_73 {offsets = [48, 0], sizes = [16, 256], strides = [1, 1]} : vector<64x512xf32> to vector<16x256xf32>
    %slice3A_300 = vector.extract_strided_slice %add3A_83 {offsets = [48, 0], sizes = [16, 256], strides = [1, 1]} : vector<64x512xf32> to vector<16x256xf32>
    %slice3A_301 = vector.extract_strided_slice %add3A_93 {offsets = [48, 0], sizes = [16, 256], strides = [1, 1]} : vector<64x512xf32> to vector<16x256xf32>
    %dot_general3A_302 = arith.constant dense<0.000000e+00> : vector<256x256xf32>
    %dot_general3A_303 = tpu.matmul %slice3A_300, %slice3A_299, %dot_general3A_302 {dimension_numbers = #tpu.dot_dimension_numbers<[0], [0], [1], [1], [0, 1, 1, 1], [], []>, transpose_lhs_hint = false} : vector<16x256xf32>, vector<16x256xf32>, vector<256x256xf32> -> vector<256x256xf32>
    %reduce_max3A_304 = arith.constant dense<0xFF800000> : vector<256xf32>
    %reduce_max3A_305 = vector.multi_reduction <maximumf>, %dot_general3A_303, %reduce_max3A_304 [0] : vector<256x256xf32> to vector<256xf32>
    %broadcast_in_dim3A_306 = vector.shape_cast %reduce_max3A_305 : vector<256xf32> to vector<1x256xf32>
    %sub3A_307 = vector.broadcast %broadcast_in_dim3A_306 : vector<1x256xf32> to vector<256x256xf32>
    %sub3A_308 = arith.subf %dot_general3A_303, %sub3A_307 : vector<256x256xf32>
    %exp3A_309 = math.exp %sub3A_308 : vector<256x256xf32>
    %concatenate3A_310 = tpu.concatenate %slice3A_301, %slice3A_129 in 0 : vector<16x256xf32>, vector<16x256xf32> -> vector<32x256xf32>
    %dot_general3A_311 = arith.constant dense<0.000000e+00> : vector<32x256xf32>
    %dot_general3A_312 = tpu.matmul %concatenate3A_310, %exp3A_309, %dot_general3A_311 {dimension_numbers = #tpu.dot_dimension_numbers<[1], [0], [0], [1], [0, 0, 1, 1], [], []>, transpose_lhs_hint = false} : vector<32x256xf32>, vector<256x256xf32>, vector<32x256xf32> -> vector<32x256xf32>
    %reduce_sum3A_313 = arith.constant dense<0.000000e+00> : vector<256xf32>
    %reduce_sum3A_314 = vector.multi_reduction <add>, %exp3A_309, %reduce_sum3A_313 [0] : vector<256x256xf32> to vector<256xf32>
    %broadcast_in_dim3A_315 = vector.shape_cast %reduce_sum3A_314 : vector<256xf32> to vector<1x256xf32>
    %div3A_316 = arith.constant 1.000000e+00 : f32
    %div3A_317 = vector.broadcast %div3A_316 : f32 to vector<1x256xf32>
    %div3A_318 = arith.divf %div3A_317, %broadcast_in_dim3A_315 : vector<1x256xf32>
    %mul3A_319 = vector.broadcast %div3A_318 : vector<1x256xf32> to vector<32x256xf32>
    %mul3A_320 = arith.mulf %dot_general3A_312, %mul3A_319 : vector<32x256xf32>
    %slice3A_321 = vector.extract_strided_slice %mul3A_320 {offsets = [0, 0], sizes = [16, 256], strides = [1, 1]} : vector<32x256xf32> to vector<16x256xf32>
    %slice3A_322 = vector.extract_strided_slice %mul3A_320 {offsets = [16, 0], sizes = [3, 256], strides = [1, 1]} : vector<32x256xf32> to vector<3x256xf32>
    %slice3A_323 = vector.extract_strided_slice %slice3A_129 {offsets = [3, 0], sizes = [3, 256], strides = [1, 1]} : vector<16x256xf32> to vector<3x256xf32>
    %sub3A_324 = arith.subf %slice3A_322, %slice3A_323 : vector<3x256xf32>
    %mul3A_325 = arith.mulf %sub3A_324, %sub3A_324 : vector<3x256xf32>
    %reduce_sum3A_326 = arith.constant dense<0.000000e+00> : vector<256xf32>
    %reduce_sum3A_327 = vector.multi_reduction <add>, %mul3A_325, %reduce_sum3A_326 [0] : vector<3x256xf32> to vector<256xf32>
    %broadcast_in_dim3A_328 = vector.shape_cast %reduce_sum3A_327 : vector<256xf32> to vector<1x256xf32>
    %sqrt3A_329 = math.sqrt %broadcast_in_dim3A_328 : vector<1x256xf32>
    %slice3A_330 = vector.extract_strided_slice %slice3A_129 {offsets = [6, 0], sizes = [3, 256], strides = [1, 1]} : vector<16x256xf32> to vector<3x256xf32>
    %mul3A_331 = arith.mulf %slice3A_330, %sub3A_324 : vector<3x256xf32>
    %reduce_sum3A_332 = arith.constant dense<0.000000e+00> : vector<256xf32>
    %reduce_sum3A_333 = vector.multi_reduction <add>, %mul3A_331, %reduce_sum3A_332 [0] : vector<3x256xf32> to vector<256xf32>
    %broadcast_in_dim3A_334 = vector.shape_cast %reduce_sum3A_333 : vector<256xf32> to vector<1x256xf32>
    %slice3A_335 = vector.extract_strided_slice %slice3A_129 {offsets = [9, 0], sizes = [3, 256], strides = [1, 1]} : vector<16x256xf32> to vector<3x256xf32>
    %mul3A_336 = arith.mulf %slice3A_335, %sub3A_324 : vector<3x256xf32>
    %reduce_sum3A_337 = arith.constant dense<0.000000e+00> : vector<256xf32>
    %reduce_sum3A_338 = vector.multi_reduction <add>, %mul3A_336, %reduce_sum3A_337 [0] : vector<3x256xf32> to vector<256xf32>
    %broadcast_in_dim3A_339 = vector.shape_cast %reduce_sum3A_338 : vector<256xf32> to vector<1x256xf32>
    %slice3A_340 = vector.extract_strided_slice %slice3A_129 {offsets = [12, 0], sizes = [3, 256], strides = [1, 1]} : vector<16x256xf32> to vector<3x256xf32>
    %mul3A_341 = arith.mulf %slice3A_340, %sub3A_324 : vector<3x256xf32>
    %reduce_sum3A_342 = arith.constant dense<0.000000e+00> : vector<256xf32>
    %reduce_sum3A_343 = vector.multi_reduction <add>, %mul3A_341, %reduce_sum3A_342 [0] : vector<3x256xf32> to vector<256xf32>
    %broadcast_in_dim3A_344 = vector.shape_cast %reduce_sum3A_343 : vector<256xf32> to vector<1x256xf32>
    %concatenate3A_345 = tpu.concatenate %broadcast_in_dim3A_334, %broadcast_in_dim3A_339, %broadcast_in_dim3A_344 in 0 : vector<1x256xf32>, vector<1x256xf32>, vector<1x256xf32> -> vector<3x256xf32>
    %mul3A_346 = arith.mulf %concatenate3A_345, %concatenate3A_345 : vector<3x256xf32>
    %reduce_sum3A_347 = arith.constant dense<0.000000e+00> : vector<256xf32>
    %reduce_sum3A_348 = vector.multi_reduction <add>, %mul3A_346, %reduce_sum3A_347 [0] : vector<3x256xf32> to vector<256xf32>
    %broadcast_in_dim3A_349 = vector.shape_cast %reduce_sum3A_348 : vector<256xf32> to vector<1x256xf32>
    %sqrt3A_350 = math.sqrt %broadcast_in_dim3A_349 : vector<1x256xf32>
    %add3A_351 = arith.constant 1.000000e-10 : f32
    %add3A_352 = vector.broadcast %add3A_351 : f32 to vector<1x256xf32>
    %add3A_353 = arith.addf %sqrt3A_350, %add3A_352 : vector<1x256xf32>
    %div3A_354 = vector.broadcast %add3A_353 : vector<1x256xf32> to vector<3x256xf32>
    %div3A_355 = arith.divf %concatenate3A_345, %div3A_354 : vector<3x256xf32>
    %concatenate3A_356 = tpu.concatenate %slice3A_150, %slice3A_207, %slice3A_264, %slice3A_321 in 0 : vector<16x256xf32>, vector<16x256xf32>, vector<16x256xf32>, vector<16x256xf32> -> vector<64x256xf32>
    %concatenate3A_357 = tpu.concatenate %concatenate3A_174, %concatenate3A_231, %concatenate3A_288, %concatenate3A_345, %sqrt3A_158, %sqrt3A_215, %sqrt3A_272, %sqrt3A_329, %div3A_184, %div3A_241, %div3A_298, %div3A_355 in 0 : vector<3x256xf32>, vector<3x256xf32>, vector<3x256xf32>, vector<3x256xf32>, vector<1x256xf32>, vector<1x256xf32>, vector<1x256xf32>, vector<1x256xf32>, vector<3x256xf32>, vector<3x256xf32>, vector<3x256xf32>, vector<3x256xf32> -> vector<28x256xf32>
    %slice3A_358 = vector.extract_strided_slice %get3A_128 {offsets = [0, 256], sizes = [16, 256], strides = [1, 1]} : vector<16x512xf32> to vector<16x256xf32>
    %slice3A_359 = vector.extract_strided_slice %add3A_73 {offsets = [0, 256], sizes = [16, 256], strides = [1, 1]} : vector<64x512xf32> to vector<16x256xf32>
    %slice3A_360 = vector.extract_strided_slice %add3A_83 {offsets = [0, 256], sizes = [16, 256], strides = [1, 1]} : vector<64x512xf32> to vector<16x256xf32>
    %slice3A_361 = vector.extract_strided_slice %add3A_93 {offsets = [0, 256], sizes = [16, 256], strides = [1, 1]} : vector<64x512xf32> to vector<16x256xf32>
    %dot_general3A_362 = arith.constant dense<0.000000e+00> : vector<256x256xf32>
    %dot_general3A_363 = tpu.matmul %slice3A_360, %slice3A_359, %dot_general3A_362 {dimension_numbers = #tpu.dot_dimension_numbers<[0], [0], [1], [1], [0, 1, 1, 1], [], []>, transpose_lhs_hint = false} : vector<16x256xf32>, vector<16x256xf32>, vector<256x256xf32> -> vector<256x256xf32>
    %reduce_max3A_364 = arith.constant dense<0xFF800000> : vector<256xf32>
    %reduce_max3A_365 = vector.multi_reduction <maximumf>, %dot_general3A_363, %reduce_max3A_364 [0] : vector<256x256xf32> to vector<256xf32>
    %broadcast_in_dim3A_366 = vector.shape_cast %reduce_max3A_365 : vector<256xf32> to vector<1x256xf32>
    %sub3A_367 = vector.broadcast %broadcast_in_dim3A_366 : vector<1x256xf32> to vector<256x256xf32>
    %sub3A_368 = arith.subf %dot_general3A_363, %sub3A_367 : vector<256x256xf32>
    %exp3A_369 = math.exp %sub3A_368 : vector<256x256xf32>
    %concatenate3A_370 = tpu.concatenate %slice3A_361, %slice3A_358 in 0 : vector<16x256xf32>, vector<16x256xf32> -> vector<32x256xf32>
    %dot_general3A_371 = arith.constant dense<0.000000e+00> : vector<32x256xf32>
    %dot_general3A_372 = tpu.matmul %concatenate3A_370, %exp3A_369, %dot_general3A_371 {dimension_numbers = #tpu.dot_dimension_numbers<[1], [0], [0], [1], [0, 0, 1, 1], [], []>, transpose_lhs_hint = false} : vector<32x256xf32>, vector<256x256xf32>, vector<32x256xf32> -> vector<32x256xf32>
    %reduce_sum3A_373 = arith.constant dense<0.000000e+00> : vector<256xf32>
    %reduce_sum3A_374 = vector.multi_reduction <add>, %exp3A_369, %reduce_sum3A_373 [0] : vector<256x256xf32> to vector<256xf32>
    %broadcast_in_dim3A_375 = vector.shape_cast %reduce_sum3A_374 : vector<256xf32> to vector<1x256xf32>
    %div3A_376 = arith.constant 1.000000e+00 : f32
    %div3A_377 = vector.broadcast %div3A_376 : f32 to vector<1x256xf32>
    %div3A_378 = arith.divf %div3A_377, %broadcast_in_dim3A_375 : vector<1x256xf32>
    %mul3A_379 = vector.broadcast %div3A_378 : vector<1x256xf32> to vector<32x256xf32>
    %mul3A_380 = arith.mulf %dot_general3A_372, %mul3A_379 : vector<32x256xf32>
    %slice3A_381 = vector.extract_strided_slice %mul3A_380 {offsets = [0, 0], sizes = [16, 256], strides = [1, 1]} : vector<32x256xf32> to vector<16x256xf32>
    %slice3A_382 = vector.extract_strided_slice %mul3A_380 {offsets = [16, 0], sizes = [3, 256], strides = [1, 1]} : vector<32x256xf32> to vector<3x256xf32>
    %slice3A_383 = vector.extract_strided_slice %slice3A_358 {offsets = [3, 0], sizes = [3, 256], strides = [1, 1]} : vector<16x256xf32> to vector<3x256xf32>
    %sub3A_384 = arith.subf %slice3A_382, %slice3A_383 : vector<3x256xf32>
    %mul3A_385 = arith.mulf %sub3A_384, %sub3A_384 : vector<3x256xf32>
    %reduce_sum3A_386 = arith.constant dense<0.000000e+00> : vector<256xf32>
    %reduce_sum3A_387 = vector.multi_reduction <add>, %mul3A_385, %reduce_sum3A_386 [0] : vector<3x256xf32> to vector<256xf32>
    %broadcast_in_dim3A_388 = vector.shape_cast %reduce_sum3A_387 : vector<256xf32> to vector<1x256xf32>
    %sqrt3A_389 = math.sqrt %broadcast_in_dim3A_388 : vector<1x256xf32>
    %slice3A_390 = vector.extract_strided_slice %slice3A_358 {offsets = [6, 0], sizes = [3, 256], strides = [1, 1]} : vector<16x256xf32> to vector<3x256xf32>
    %mul3A_391 = arith.mulf %slice3A_390, %sub3A_384 : vector<3x256xf32>
    %reduce_sum3A_392 = arith.constant dense<0.000000e+00> : vector<256xf32>
    %reduce_sum3A_393 = vector.multi_reduction <add>, %mul3A_391, %reduce_sum3A_392 [0] : vector<3x256xf32> to vector<256xf32>
    %broadcast_in_dim3A_394 = vector.shape_cast %reduce_sum3A_393 : vector<256xf32> to vector<1x256xf32>
    %slice3A_395 = vector.extract_strided_slice %slice3A_358 {offsets = [9, 0], sizes = [3, 256], strides = [1, 1]} : vector<16x256xf32> to vector<3x256xf32>
    %mul3A_396 = arith.mulf %slice3A_395, %sub3A_384 : vector<3x256xf32>
    %reduce_sum3A_397 = arith.constant dense<0.000000e+00> : vector<256xf32>
    %reduce_sum3A_398 = vector.multi_reduction <add>, %mul3A_396, %reduce_sum3A_397 [0] : vector<3x256xf32> to vector<256xf32>
    %broadcast_in_dim3A_399 = vector.shape_cast %reduce_sum3A_398 : vector<256xf32> to vector<1x256xf32>
    %slice3A_400 = vector.extract_strided_slice %slice3A_358 {offsets = [12, 0], sizes = [3, 256], strides = [1, 1]} : vector<16x256xf32> to vector<3x256xf32>
    %mul3A_401 = arith.mulf %slice3A_400, %sub3A_384 : vector<3x256xf32>
    %reduce_sum3A_402 = arith.constant dense<0.000000e+00> : vector<256xf32>
    %reduce_sum3A_403 = vector.multi_reduction <add>, %mul3A_401, %reduce_sum3A_402 [0] : vector<3x256xf32> to vector<256xf32>
    %broadcast_in_dim3A_404 = vector.shape_cast %reduce_sum3A_403 : vector<256xf32> to vector<1x256xf32>
    %concatenate3A_405 = tpu.concatenate %broadcast_in_dim3A_394, %broadcast_in_dim3A_399, %broadcast_in_dim3A_404 in 0 : vector<1x256xf32>, vector<1x256xf32>, vector<1x256xf32> -> vector<3x256xf32>
    %mul3A_406 = arith.mulf %concatenate3A_405, %concatenate3A_405 : vector<3x256xf32>
    %reduce_sum3A_407 = arith.constant dense<0.000000e+00> : vector<256xf32>
    %reduce_sum3A_408 = vector.multi_reduction <add>, %mul3A_406, %reduce_sum3A_407 [0] : vector<3x256xf32> to vector<256xf32>
    %broadcast_in_dim3A_409 = vector.shape_cast %reduce_sum3A_408 : vector<256xf32> to vector<1x256xf32>
    %sqrt3A_410 = math.sqrt %broadcast_in_dim3A_409 : vector<1x256xf32>
    %add3A_411 = arith.constant 1.000000e-10 : f32
    %add3A_412 = vector.broadcast %add3A_411 : f32 to vector<1x256xf32>
    %add3A_413 = arith.addf %sqrt3A_410, %add3A_412 : vector<1x256xf32>
    %div3A_414 = vector.broadcast %add3A_413 : vector<1x256xf32> to vector<3x256xf32>
    %div3A_415 = arith.divf %concatenate3A_405, %div3A_414 : vector<3x256xf32>
    %slice3A_416 = vector.extract_strided_slice %add3A_73 {offsets = [16, 256], sizes = [16, 256], strides = [1, 1]} : vector<64x512xf32> to vector<16x256xf32>
    %slice3A_417 = vector.extract_strided_slice %add3A_83 {offsets = [16, 256], sizes = [16, 256], strides = [1, 1]} : vector<64x512xf32> to vector<16x256xf32>
    %slice3A_418 = vector.extract_strided_slice %add3A_93 {offsets = [16, 256], sizes = [16, 256], strides = [1, 1]} : vector<64x512xf32> to vector<16x256xf32>
    %dot_general3A_419 = arith.constant dense<0.000000e+00> : vector<256x256xf32>
    %dot_general3A_420 = tpu.matmul %slice3A_417, %slice3A_416, %dot_general3A_419 {dimension_numbers = #tpu.dot_dimension_numbers<[0], [0], [1], [1], [0, 1, 1, 1], [], []>, transpose_lhs_hint = false} : vector<16x256xf32>, vector<16x256xf32>, vector<256x256xf32> -> vector<256x256xf32>
    %reduce_max3A_421 = arith.constant dense<0xFF800000> : vector<256xf32>
    %reduce_max3A_422 = vector.multi_reduction <maximumf>, %dot_general3A_420, %reduce_max3A_421 [0] : vector<256x256xf32> to vector<256xf32>
    %broadcast_in_dim3A_423 = vector.shape_cast %reduce_max3A_422 : vector<256xf32> to vector<1x256xf32>
    %sub3A_424 = vector.broadcast %broadcast_in_dim3A_423 : vector<1x256xf32> to vector<256x256xf32>
    %sub3A_425 = arith.subf %dot_general3A_420, %sub3A_424 : vector<256x256xf32>
    %exp3A_426 = math.exp %sub3A_425 : vector<256x256xf32>
    %concatenate3A_427 = tpu.concatenate %slice3A_418, %slice3A_358 in 0 : vector<16x256xf32>, vector<16x256xf32> -> vector<32x256xf32>
    %dot_general3A_428 = arith.constant dense<0.000000e+00> : vector<32x256xf32>
    %dot_general3A_429 = tpu.matmul %concatenate3A_427, %exp3A_426, %dot_general3A_428 {dimension_numbers = #tpu.dot_dimension_numbers<[1], [0], [0], [1], [0, 0, 1, 1], [], []>, transpose_lhs_hint = false} : vector<32x256xf32>, vector<256x256xf32>, vector<32x256xf32> -> vector<32x256xf32>
    %reduce_sum3A_430 = arith.constant dense<0.000000e+00> : vector<256xf32>
    %reduce_sum3A_431 = vector.multi_reduction <add>, %exp3A_426, %reduce_sum3A_430 [0] : vector<256x256xf32> to vector<256xf32>
    %broadcast_in_dim3A_432 = vector.shape_cast %reduce_sum3A_431 : vector<256xf32> to vector<1x256xf32>
    %div3A_433 = arith.constant 1.000000e+00 : f32
    %div3A_434 = vector.broadcast %div3A_433 : f32 to vector<1x256xf32>
    %div3A_435 = arith.divf %div3A_434, %broadcast_in_dim3A_432 : vector<1x256xf32>
    %mul3A_436 = vector.broadcast %div3A_435 : vector<1x256xf32> to vector<32x256xf32>
    %mul3A_437 = arith.mulf %dot_general3A_429, %mul3A_436 : vector<32x256xf32>
    %slice3A_438 = vector.extract_strided_slice %mul3A_437 {offsets = [0, 0], sizes = [16, 256], strides = [1, 1]} : vector<32x256xf32> to vector<16x256xf32>
    %slice3A_439 = vector.extract_strided_slice %mul3A_437 {offsets = [16, 0], sizes = [3, 256], strides = [1, 1]} : vector<32x256xf32> to vector<3x256xf32>
    %slice3A_440 = vector.extract_strided_slice %slice3A_358 {offsets = [3, 0], sizes = [3, 256], strides = [1, 1]} : vector<16x256xf32> to vector<3x256xf32>
    %sub3A_441 = arith.subf %slice3A_439, %slice3A_440 : vector<3x256xf32>
    %mul3A_442 = arith.mulf %sub3A_441, %sub3A_441 : vector<3x256xf32>
    %reduce_sum3A_443 = arith.constant dense<0.000000e+00> : vector<256xf32>
    %reduce_sum3A_444 = vector.multi_reduction <add>, %mul3A_442, %reduce_sum3A_443 [0] : vector<3x256xf32> to vector<256xf32>
    %broadcast_in_dim3A_445 = vector.shape_cast %reduce_sum3A_444 : vector<256xf32> to vector<1x256xf32>
    %sqrt3A_446 = math.sqrt %broadcast_in_dim3A_445 : vector<1x256xf32>
    %slice3A_447 = vector.extract_strided_slice %slice3A_358 {offsets = [6, 0], sizes = [3, 256], strides = [1, 1]} : vector<16x256xf32> to vector<3x256xf32>
    %mul3A_448 = arith.mulf %slice3A_447, %sub3A_441 : vector<3x256xf32>
    %reduce_sum3A_449 = arith.constant dense<0.000000e+00> : vector<256xf32>
    %reduce_sum3A_450 = vector.multi_reduction <add>, %mul3A_448, %reduce_sum3A_449 [0] : vector<3x256xf32> to vector<256xf32>
    %broadcast_in_dim3A_451 = vector.shape_cast %reduce_sum3A_450 : vector<256xf32> to vector<1x256xf32>
    %slice3A_452 = vector.extract_strided_slice %slice3A_358 {offsets = [9, 0], sizes = [3, 256], strides = [1, 1]} : vector<16x256xf32> to vector<3x256xf32>
    %mul3A_453 = arith.mulf %slice3A_452, %sub3A_441 : vector<3x256xf32>
    %reduce_sum3A_454 = arith.constant dense<0.000000e+00> : vector<256xf32>
    %reduce_sum3A_455 = vector.multi_reduction <add>, %mul3A_453, %reduce_sum3A_454 [0] : vector<3x256xf32> to vector<256xf32>
    %broadcast_in_dim3A_456 = vector.shape_cast %reduce_sum3A_455 : vector<256xf32> to vector<1x256xf32>
    %slice3A_457 = vector.extract_strided_slice %slice3A_358 {offsets = [12, 0], sizes = [3, 256], strides = [1, 1]} : vector<16x256xf32> to vector<3x256xf32>
    %mul3A_458 = arith.mulf %slice3A_457, %sub3A_441 : vector<3x256xf32>
    %reduce_sum3A_459 = arith.constant dense<0.000000e+00> : vector<256xf32>
    %reduce_sum3A_460 = vector.multi_reduction <add>, %mul3A_458, %reduce_sum3A_459 [0] : vector<3x256xf32> to vector<256xf32>
    %broadcast_in_dim3A_461 = vector.shape_cast %reduce_sum3A_460 : vector<256xf32> to vector<1x256xf32>
    %concatenate3A_462 = tpu.concatenate %broadcast_in_dim3A_451, %broadcast_in_dim3A_456, %broadcast_in_dim3A_461 in 0 : vector<1x256xf32>, vector<1x256xf32>, vector<1x256xf32> -> vector<3x256xf32>
    %mul3A_463 = arith.mulf %concatenate3A_462, %concatenate3A_462 : vector<3x256xf32>
    %reduce_sum3A_464 = arith.constant dense<0.000000e+00> : vector<256xf32>
    %reduce_sum3A_465 = vector.multi_reduction <add>, %mul3A_463, %reduce_sum3A_464 [0] : vector<3x256xf32> to vector<256xf32>
    %broadcast_in_dim3A_466 = vector.shape_cast %reduce_sum3A_465 : vector<256xf32> to vector<1x256xf32>
    %sqrt3A_467 = math.sqrt %broadcast_in_dim3A_466 : vector<1x256xf32>
    %add3A_468 = arith.constant 1.000000e-10 : f32
    %add3A_469 = vector.broadcast %add3A_468 : f32 to vector<1x256xf32>
    %add3A_470 = arith.addf %sqrt3A_467, %add3A_469 : vector<1x256xf32>
    %div3A_471 = vector.broadcast %add3A_470 : vector<1x256xf32> to vector<3x256xf32>
    %div3A_472 = arith.divf %concatenate3A_462, %div3A_471 : vector<3x256xf32>
    %slice3A_473 = vector.extract_strided_slice %add3A_73 {offsets = [32, 256], sizes = [16, 256], strides = [1, 1]} : vector<64x512xf32> to vector<16x256xf32>
    %slice3A_474 = vector.extract_strided_slice %add3A_83 {offsets = [32, 256], sizes = [16, 256], strides = [1, 1]} : vector<64x512xf32> to vector<16x256xf32>
    %slice3A_475 = vector.extract_strided_slice %add3A_93 {offsets = [32, 256], sizes = [16, 256], strides = [1, 1]} : vector<64x512xf32> to vector<16x256xf32>
    %dot_general3A_476 = arith.constant dense<0.000000e+00> : vector<256x256xf32>
    %dot_general3A_477 = tpu.matmul %slice3A_474, %slice3A_473, %dot_general3A_476 {dimension_numbers = #tpu.dot_dimension_numbers<[0], [0], [1], [1], [0, 1, 1, 1], [], []>, transpose_lhs_hint = false} : vector<16x256xf32>, vector<16x256xf32>, vector<256x256xf32> -> vector<256x256xf32>
    %reduce_max3A_478 = arith.constant dense<0xFF800000> : vector<256xf32>
    %reduce_max3A_479 = vector.multi_reduction <maximumf>, %dot_general3A_477, %reduce_max3A_478 [0] : vector<256x256xf32> to vector<256xf32>
    %broadcast_in_dim3A_480 = vector.shape_cast %reduce_max3A_479 : vector<256xf32> to vector<1x256xf32>
    %sub3A_481 = vector.broadcast %broadcast_in_dim3A_480 : vector<1x256xf32> to vector<256x256xf32>
    %sub3A_482 = arith.subf %dot_general3A_477, %sub3A_481 : vector<256x256xf32>
    %exp3A_483 = math.exp %sub3A_482 : vector<256x256xf32>
    %concatenate3A_484 = tpu.concatenate %slice3A_475, %slice3A_358 in 0 : vector<16x256xf32>, vector<16x256xf32> -> vector<32x256xf32>
    %dot_general3A_485 = arith.constant dense<0.000000e+00> : vector<32x256xf32>
    %dot_general3A_486 = tpu.matmul %concatenate3A_484, %exp3A_483, %dot_general3A_485 {dimension_numbers = #tpu.dot_dimension_numbers<[1], [0], [0], [1], [0, 0, 1, 1], [], []>, transpose_lhs_hint = false} : vector<32x256xf32>, vector<256x256xf32>, vector<32x256xf32> -> vector<32x256xf32>
    %reduce_sum3A_487 = arith.constant dense<0.000000e+00> : vector<256xf32>
    %reduce_sum3A_488 = vector.multi_reduction <add>, %exp3A_483, %reduce_sum3A_487 [0] : vector<256x256xf32> to vector<256xf32>
    %broadcast_in_dim3A_489 = vector.shape_cast %reduce_sum3A_488 : vector<256xf32> to vector<1x256xf32>
    %div3A_490 = arith.constant 1.000000e+00 : f32
    %div3A_491 = vector.broadcast %div3A_490 : f32 to vector<1x256xf32>
    %div3A_492 = arith.divf %div3A_491, %broadcast_in_dim3A_489 : vector<1x256xf32>
    %mul3A_493 = vector.broadcast %div3A_492 : vector<1x256xf32> to vector<32x256xf32>
    %mul3A_494 = arith.mulf %dot_general3A_486, %mul3A_493 : vector<32x256xf32>
    %slice3A_495 = vector.extract_strided_slice %mul3A_494 {offsets = [0, 0], sizes = [16, 256], strides = [1, 1]} : vector<32x256xf32> to vector<16x256xf32>
    %slice3A_496 = vector.extract_strided_slice %mul3A_494 {offsets = [16, 0], sizes = [3, 256], strides = [1, 1]} : vector<32x256xf32> to vector<3x256xf32>
    %slice3A_497 = vector.extract_strided_slice %slice3A_358 {offsets = [3, 0], sizes = [3, 256], strides = [1, 1]} : vector<16x256xf32> to vector<3x256xf32>
    %sub3A_498 = arith.subf %slice3A_496, %slice3A_497 : vector<3x256xf32>
    %mul3A_499 = arith.mulf %sub3A_498, %sub3A_498 : vector<3x256xf32>
    %reduce_sum3A_500 = arith.constant dense<0.000000e+00> : vector<256xf32>
    %reduce_sum3A_501 = vector.multi_reduction <add>, %mul3A_499, %reduce_sum3A_500 [0] : vector<3x256xf32> to vector<256xf32>
    %broadcast_in_dim3A_502 = vector.shape_cast %reduce_sum3A_501 : vector<256xf32> to vector<1x256xf32>
    %sqrt3A_503 = math.sqrt %broadcast_in_dim3A_502 : vector<1x256xf32>
    %slice3A_504 = vector.extract_strided_slice %slice3A_358 {offsets = [6, 0], sizes = [3, 256], strides = [1, 1]} : vector<16x256xf32> to vector<3x256xf32>
    %mul3A_505 = arith.mulf %slice3A_504, %sub3A_498 : vector<3x256xf32>
    %reduce_sum3A_506 = arith.constant dense<0.000000e+00> : vector<256xf32>
    %reduce_sum3A_507 = vector.multi_reduction <add>, %mul3A_505, %reduce_sum3A_506 [0] : vector<3x256xf32> to vector<256xf32>
    %broadcast_in_dim3A_508 = vector.shape_cast %reduce_sum3A_507 : vector<256xf32> to vector<1x256xf32>
    %slice3A_509 = vector.extract_strided_slice %slice3A_358 {offsets = [9, 0], sizes = [3, 256], strides = [1, 1]} : vector<16x256xf32> to vector<3x256xf32>
    %mul3A_510 = arith.mulf %slice3A_509, %sub3A_498 : vector<3x256xf32>
    %reduce_sum3A_511 = arith.constant dense<0.000000e+00> : vector<256xf32>
    %reduce_sum3A_512 = vector.multi_reduction <add>, %mul3A_510, %reduce_sum3A_511 [0] : vector<3x256xf32> to vector<256xf32>
    %broadcast_in_dim3A_513 = vector.shape_cast %reduce_sum3A_512 : vector<256xf32> to vector<1x256xf32>
    %slice3A_514 = vector.extract_strided_slice %slice3A_358 {offsets = [12, 0], sizes = [3, 256], strides = [1, 1]} : vector<16x256xf32> to vector<3x256xf32>
    %mul3A_515 = arith.mulf %slice3A_514, %sub3A_498 : vector<3x256xf32>
    %reduce_sum3A_516 = arith.constant dense<0.000000e+00> : vector<256xf32>
    %reduce_sum3A_517 = vector.multi_reduction <add>, %mul3A_515, %reduce_sum3A_516 [0] : vector<3x256xf32> to vector<256xf32>
    %broadcast_in_dim3A_518 = vector.shape_cast %reduce_sum3A_517 : vector<256xf32> to vector<1x256xf32>
    %concatenate3A_519 = tpu.concatenate %broadcast_in_dim3A_508, %broadcast_in_dim3A_513, %broadcast_in_dim3A_518 in 0 : vector<1x256xf32>, vector<1x256xf32>, vector<1x256xf32> -> vector<3x256xf32>
    %mul3A_520 = arith.mulf %concatenate3A_519, %concatenate3A_519 : vector<3x256xf32>
    %reduce_sum3A_521 = arith.constant dense<0.000000e+00> : vector<256xf32>
    %reduce_sum3A_522 = vector.multi_reduction <add>, %mul3A_520, %reduce_sum3A_521 [0] : vector<3x256xf32> to vector<256xf32>
    %broadcast_in_dim3A_523 = vector.shape_cast %reduce_sum3A_522 : vector<256xf32> to vector<1x256xf32>
    %sqrt3A_524 = math.sqrt %broadcast_in_dim3A_523 : vector<1x256xf32>
    %add3A_525 = arith.constant 1.000000e-10 : f32
    %add3A_526 = vector.broadcast %add3A_525 : f32 to vector<1x256xf32>
    %add3A_527 = arith.addf %sqrt3A_524, %add3A_526 : vector<1x256xf32>
    %div3A_528 = vector.broadcast %add3A_527 : vector<1x256xf32> to vector<3x256xf32>
    %div3A_529 = arith.divf %concatenate3A_519, %div3A_528 : vector<3x256xf32>
    %slice3A_530 = vector.extract_strided_slice %add3A_73 {offsets = [48, 256], sizes = [16, 256], strides = [1, 1]} : vector<64x512xf32> to vector<16x256xf32>
    %slice3A_531 = vector.extract_strided_slice %add3A_83 {offsets = [48, 256], sizes = [16, 256], strides = [1, 1]} : vector<64x512xf32> to vector<16x256xf32>
    %slice3A_532 = vector.extract_strided_slice %add3A_93 {offsets = [48, 256], sizes = [16, 256], strides = [1, 1]} : vector<64x512xf32> to vector<16x256xf32>
    %dot_general3A_533 = arith.constant dense<0.000000e+00> : vector<256x256xf32>
    %dot_general3A_534 = tpu.matmul %slice3A_531, %slice3A_530, %dot_general3A_533 {dimension_numbers = #tpu.dot_dimension_numbers<[0], [0], [1], [1], [0, 1, 1, 1], [], []>, transpose_lhs_hint = false} : vector<16x256xf32>, vector<16x256xf32>, vector<256x256xf32> -> vector<256x256xf32>
    %reduce_max3A_535 = arith.constant dense<0xFF800000> : vector<256xf32>
    %reduce_max3A_536 = vector.multi_reduction <maximumf>, %dot_general3A_534, %reduce_max3A_535 [0] : vector<256x256xf32> to vector<256xf32>
    %broadcast_in_dim3A_537 = vector.shape_cast %reduce_max3A_536 : vector<256xf32> to vector<1x256xf32>
    %sub3A_538 = vector.broadcast %broadcast_in_dim3A_537 : vector<1x256xf32> to vector<256x256xf32>
    %sub3A_539 = arith.subf %dot_general3A_534, %sub3A_538 : vector<256x256xf32>
    %exp3A_540 = math.exp %sub3A_539 : vector<256x256xf32>
    %concatenate3A_541 = tpu.concatenate %slice3A_532, %slice3A_358 in 0 : vector<16x256xf32>, vector<16x256xf32> -> vector<32x256xf32>
    %dot_general3A_542 = arith.constant dense<0.000000e+00> : vector<32x256xf32>
    %dot_general3A_543 = tpu.matmul %concatenate3A_541, %exp3A_540, %dot_general3A_542 {dimension_numbers = #tpu.dot_dimension_numbers<[1], [0], [0], [1], [0, 0, 1, 1], [], []>, transpose_lhs_hint = false} : vector<32x256xf32>, vector<256x256xf32>, vector<32x256xf32> -> vector<32x256xf32>
    %reduce_sum3A_544 = arith.constant dense<0.000000e+00> : vector<256xf32>
    %reduce_sum3A_545 = vector.multi_reduction <add>, %exp3A_540, %reduce_sum3A_544 [0] : vector<256x256xf32> to vector<256xf32>
    %broadcast_in_dim3A_546 = vector.shape_cast %reduce_sum3A_545 : vector<256xf32> to vector<1x256xf32>
    %div3A_547 = arith.constant 1.000000e+00 : f32
    %div3A_548 = vector.broadcast %div3A_547 : f32 to vector<1x256xf32>
    %div3A_549 = arith.divf %div3A_548, %broadcast_in_dim3A_546 : vector<1x256xf32>
    %mul3A_550 = vector.broadcast %div3A_549 : vector<1x256xf32> to vector<32x256xf32>
    %mul3A_551 = arith.mulf %dot_general3A_543, %mul3A_550 : vector<32x256xf32>
    %slice3A_552 = vector.extract_strided_slice %mul3A_551 {offsets = [0, 0], sizes = [16, 256], strides = [1, 1]} : vector<32x256xf32> to vector<16x256xf32>
    %slice3A_553 = vector.extract_strided_slice %mul3A_551 {offsets = [16, 0], sizes = [3, 256], strides = [1, 1]} : vector<32x256xf32> to vector<3x256xf32>
    %slice3A_554 = vector.extract_strided_slice %slice3A_358 {offsets = [3, 0], sizes = [3, 256], strides = [1, 1]} : vector<16x256xf32> to vector<3x256xf32>
    %sub3A_555 = arith.subf %slice3A_553, %slice3A_554 : vector<3x256xf32>
    %mul3A_556 = arith.mulf %sub3A_555, %sub3A_555 : vector<3x256xf32>
    %reduce_sum3A_557 = arith.constant dense<0.000000e+00> : vector<256xf32>
    %reduce_sum3A_558 = vector.multi_reduction <add>, %mul3A_556, %reduce_sum3A_557 [0] : vector<3x256xf32> to vector<256xf32>
    %broadcast_in_dim3A_559 = vector.shape_cast %reduce_sum3A_558 : vector<256xf32> to vector<1x256xf32>
    %sqrt3A_560 = math.sqrt %broadcast_in_dim3A_559 : vector<1x256xf32>
    %slice3A_561 = vector.extract_strided_slice %slice3A_358 {offsets = [6, 0], sizes = [3, 256], strides = [1, 1]} : vector<16x256xf32> to vector<3x256xf32>
    %mul3A_562 = arith.mulf %slice3A_561, %sub3A_555 : vector<3x256xf32>
    %reduce_sum3A_563 = arith.constant dense<0.000000e+00> : vector<256xf32>
    %reduce_sum3A_564 = vector.multi_reduction <add>, %mul3A_562, %reduce_sum3A_563 [0] : vector<3x256xf32> to vector<256xf32>
    %broadcast_in_dim3A_565 = vector.shape_cast %reduce_sum3A_564 : vector<256xf32> to vector<1x256xf32>
    %slice3A_566 = vector.extract_strided_slice %slice3A_358 {offsets = [9, 0], sizes = [3, 256], strides = [1, 1]} : vector<16x256xf32> to vector<3x256xf32>
    %mul3A_567 = arith.mulf %slice3A_566, %sub3A_555 : vector<3x256xf32>
    %reduce_sum3A_568 = arith.constant dense<0.000000e+00> : vector<256xf32>
    %reduce_sum3A_569 = vector.multi_reduction <add>, %mul3A_567, %reduce_sum3A_568 [0] : vector<3x256xf32> to vector<256xf32>
    %broadcast_in_dim3A_570 = vector.shape_cast %reduce_sum3A_569 : vector<256xf32> to vector<1x256xf32>
    %slice3A_571 = vector.extract_strided_slice %slice3A_358 {offsets = [12, 0], sizes = [3, 256], strides = [1, 1]} : vector<16x256xf32> to vector<3x256xf32>
    %mul3A_572 = arith.mulf %slice3A_571, %sub3A_555 : vector<3x256xf32>
    %reduce_sum3A_573 = arith.constant dense<0.000000e+00> : vector<256xf32>
    %reduce_sum3A_574 = vector.multi_reduction <add>, %mul3A_572, %reduce_sum3A_573 [0] : vector<3x256xf32> to vector<256xf32>
    %broadcast_in_dim3A_575 = vector.shape_cast %reduce_sum3A_574 : vector<256xf32> to vector<1x256xf32>
    %concatenate3A_576 = tpu.concatenate %broadcast_in_dim3A_565, %broadcast_in_dim3A_570, %broadcast_in_dim3A_575 in 0 : vector<1x256xf32>, vector<1x256xf32>, vector<1x256xf32> -> vector<3x256xf32>
    %mul3A_577 = arith.mulf %concatenate3A_576, %concatenate3A_576 : vector<3x256xf32>
    %reduce_sum3A_578 = arith.constant dense<0.000000e+00> : vector<256xf32>
    %reduce_sum3A_579 = vector.multi_reduction <add>, %mul3A_577, %reduce_sum3A_578 [0] : vector<3x256xf32> to vector<256xf32>
    %broadcast_in_dim3A_580 = vector.shape_cast %reduce_sum3A_579 : vector<256xf32> to vector<1x256xf32>
    %sqrt3A_581 = math.sqrt %broadcast_in_dim3A_580 : vector<1x256xf32>
    %add3A_582 = arith.constant 1.000000e-10 : f32
    %add3A_583 = vector.broadcast %add3A_582 : f32 to vector<1x256xf32>
    %add3A_584 = arith.addf %sqrt3A_581, %add3A_583 : vector<1x256xf32>
    %div3A_585 = vector.broadcast %add3A_584 : vector<1x256xf32> to vector<3x256xf32>
    %div3A_586 = arith.divf %concatenate3A_576, %div3A_585 : vector<3x256xf32>
    %concatenate3A_587 = tpu.concatenate %slice3A_381, %slice3A_438, %slice3A_495, %slice3A_552 in 0 : vector<16x256xf32>, vector<16x256xf32>, vector<16x256xf32>, vector<16x256xf32> -> vector<64x256xf32>
    %concatenate3A_588 = tpu.concatenate %concatenate3A_405, %concatenate3A_462, %concatenate3A_519, %concatenate3A_576, %sqrt3A_389, %sqrt3A_446, %sqrt3A_503, %sqrt3A_560, %div3A_415, %div3A_472, %div3A_529, %div3A_586 in 0 : vector<3x256xf32>, vector<3x256xf32>, vector<3x256xf32>, vector<3x256xf32>, vector<1x256xf32>, vector<1x256xf32>, vector<1x256xf32>, vector<1x256xf32>, vector<3x256xf32>, vector<3x256xf32>, vector<3x256xf32>, vector<3x256xf32> -> vector<28x256xf32>
    %concatenate3A_589 = tpu.concatenate %concatenate3A_356, %concatenate3A_587 in 1 : vector<64x256xf32>, vector<64x256xf32> -> vector<64x512xf32>
    %concatenate3A_590 = tpu.concatenate %concatenate3A_357, %concatenate3A_588 in 1 : vector<28x256xf32>, vector<28x256xf32> -> vector<28x512xf32>
    %get3A_591 = arith.constant 0 : index
    %get3A_592 = arith.constant 0 : index
    %get3A_593 = vector.load %arg11[%get3A_591, %get3A_592] : memref<128x128xf32, #tpu.memory_space<vmem>>, vector<64x128xf32>
    %dot_general3A_594 = arith.constant dense<0.000000e+00> : vector<512x128xf32>
    %dot_general3A_595 = tpu.matmul %concatenate3A_589, %get3A_593, %dot_general3A_594 {dimension_numbers = #tpu.dot_dimension_numbers<[0], [0], [1], [1], [0, 1, 1, 1], [], []>, transpose_lhs_hint = false} : vector<64x512xf32>, vector<64x128xf32>, vector<512x128xf32> -> vector<512x128xf32>
    %get3A_596 = arith.constant 64 : index
    %get3A_597 = arith.constant 0 : index
    %get3A_598 = vector.load %arg11[%get3A_596, %get3A_597] : memref<128x128xf32, #tpu.memory_space<vmem>>, vector<28x128xf32>
    %dot_general3A_599 = arith.constant dense<0.000000e+00> : vector<512x128xf32>
    %dot_general3A_600 = tpu.matmul %concatenate3A_590, %get3A_598, %dot_general3A_599 {dimension_numbers = #tpu.dot_dimension_numbers<[0], [0], [1], [1], [0, 1, 1, 1], [], []>, transpose_lhs_hint = false} : vector<28x512xf32>, vector<28x128xf32>, vector<512x128xf32> -> vector<512x128xf32>
    %add3A_601 = arith.addf %dot_general3A_595, %dot_general3A_600 : vector<512x128xf32>
    %get3A_602 = arith.constant 0 : index
    %get3A_603 = arith.constant 0 : index
    %get3A_604 = vector.load %arg12[%get3A_602, %get3A_603] : memref<1x128xf32, #tpu.memory_space<vmem>>, vector<1x128xf32>
    %add3A_605 = vector.broadcast %get3A_604 : vector<1x128xf32> to vector<512x128xf32>
    %add3A_606 = arith.addf %add3A_601, %add3A_605 : vector<512x128xf32>
    %add3A_607 = arith.addf %add3A_125, %add3A_606 : vector<512x128xf32>
    %get3A_608 = arith.constant 0 : index
    %get3A_609 = arith.constant 0 : index
    %get3A_610 = vector.load %arg13[%get3A_608, %get3A_609] : memref<1x128xf32, #tpu.memory_space<vmem>>, vector<1x128xf32>
    %get3A_611 = arith.constant 0 : index
    %get3A_612 = arith.constant 0 : index
    %get3A_613 = vector.load %arg14[%get3A_611, %get3A_612] : memref<1x128xf32, #tpu.memory_space<vmem>>, vector<1x128xf32>
    %reduce_sum3A_614 = arith.constant dense<0.000000e+00> : vector<512xf32>
    %reduce_sum3A_615 = vector.multi_reduction <add>, %add3A_607, %reduce_sum3A_614 [1] : vector<512x128xf32> to vector<512xf32>
    %broadcast_in_dim3A_616 = vector.shape_cast %reduce_sum3A_615 : vector<512xf32> to vector<512x1xf32>
    %div3A_617 = arith.constant 1.280000e+02 : f32
    %div3A_618 = vector.broadcast %div3A_617 : f32 to vector<512x1xf32>
    %div3A_619 = arith.divf %broadcast_in_dim3A_616, %div3A_618 : vector<512x1xf32>
    %sub3A_620 = vector.broadcast %div3A_619 : vector<512x1xf32> to vector<512x128xf32>
    %sub3A_621 = arith.subf %add3A_607, %sub3A_620 : vector<512x128xf32>
    %sub3A_622 = vector.broadcast %div3A_619 : vector<512x1xf32> to vector<512x128xf32>
    %sub3A_623 = arith.subf %add3A_607, %sub3A_622 : vector<512x128xf32>
    %mul3A_624 = arith.mulf %sub3A_621, %sub3A_623 : vector<512x128xf32>
    %reduce_sum3A_625 = arith.constant dense<0.000000e+00> : vector<512xf32>
    %reduce_sum3A_626 = vector.multi_reduction <add>, %mul3A_624, %reduce_sum3A_625 [1] : vector<512x128xf32> to vector<512xf32>
    %broadcast_in_dim3A_627 = vector.shape_cast %reduce_sum3A_626 : vector<512xf32> to vector<512x1xf32>
    %div3A_628 = arith.constant 1.280000e+02 : f32
    %div3A_629 = vector.broadcast %div3A_628 : f32 to vector<512x1xf32>
    %div3A_630 = arith.divf %broadcast_in_dim3A_627, %div3A_629 : vector<512x1xf32>
    %sub3A_631 = vector.broadcast %div3A_619 : vector<512x1xf32> to vector<512x128xf32>
    %sub3A_632 = arith.subf %add3A_607, %sub3A_631 : vector<512x128xf32>
    %add3A_633 = arith.constant 9.99999974E-6 : f32
    %add3A_634 = vector.broadcast %add3A_633 : f32 to vector<512x1xf32>
    %add3A_635 = arith.addf %div3A_630, %add3A_634 : vector<512x1xf32>
    %sqrt3A_636 = math.sqrt %add3A_635 : vector<512x1xf32>
    %div3A_637 = vector.broadcast %sqrt3A_636 : vector<512x1xf32> to vector<512x128xf32>
    %div3A_638 = arith.divf %sub3A_632, %div3A_637 : vector<512x128xf32>
    %mul3A_639 = vector.broadcast %get3A_610 : vector<1x128xf32> to vector<512x128xf32>
    %mul3A_640 = arith.mulf %div3A_638, %mul3A_639 : vector<512x128xf32>
    %add3A_641 = vector.broadcast %get3A_613 : vector<1x128xf32> to vector<512x128xf32>
    %add3A_642 = arith.addf %mul3A_640, %add3A_641 : vector<512x128xf32>
    %add3A_643 = arith.addf %add3A_125, %add3A_642 : vector<512x128xf32>
    %get3A_644 = arith.constant 0 : index
    %get3A_645 = arith.constant 0 : index
    %get3A_646 = vector.load %arg15[%get3A_644, %get3A_645] : memref<128x128xf32, #tpu.memory_space<vmem>>, vector<128x128xf32>
    %dot_general3A_647 = arith.constant dense<0.000000e+00> : vector<512x128xf32>
    %dot_general3A_648 = tpu.matmul %add3A_643, %get3A_646, %dot_general3A_647 {dimension_numbers = #tpu.dot_dimension_numbers<[1], [0], [0], [1], [0, 0, 1, 1], [], []>, transpose_lhs_hint = false} : vector<512x128xf32>, vector<128x128xf32>, vector<512x128xf32> -> vector<512x128xf32>
    %mul3A_649 = vector.broadcast %get3A_21 : vector<512x1xf32> to vector<512x128xf32>
    %mul3A_650 = arith.mulf %dot_general3A_648, %mul3A_649 : vector<512x128xf32>
    %slice3A_651 = vector.extract_strided_slice %mul3A_650 {offsets = [0, 0], sizes = [512, 32], strides = [1, 1]} : vector<512x128xf32> to vector<512x32xf32>
    %swap3A = arith.constant 0 : index
    %swap3A_652 = arith.constant 0 : index
    %swap3A_653 = arith.constant 0 : index
    %swap3A_654 = vector.load %arg16[%swap3A, %swap3A_652, %swap3A_653] : memref<4x512x32xf32, #tpu.memory_space<vmem>>, vector<1x512x32xf32>
    %swap3A_655 = vector.shape_cast %swap3A_654 : vector<1x512x32xf32> to vector<512x32xf32>
    %swap3A_656 = vector.shape_cast %slice3A_651 : vector<512x32xf32> to vector<1x512x32xf32>
    tpu.vector_store %arg16[%swap3A, %swap3A_652, %swap3A_653], %swap3A_656 {strides = array<i32>} : memref<4x512x32xf32, #tpu.memory_space<vmem>>, vector<1x512x32xf32>,
    %slice3A_657 = vector.extract_strided_slice %mul3A_650 {offsets = [0, 32], sizes = [512, 32], strides = [1, 1]} : vector<512x128xf32> to vector<512x32xf32>
    %swap3A_658 = arith.constant 1 : index
    %swap3A_659 = arith.constant 0 : index
    %swap3A_660 = arith.constant 0 : index
    %swap3A_661 = vector.load %arg16[%swap3A_658, %swap3A_659, %swap3A_660] : memref<4x512x32xf32, #tpu.memory_space<vmem>>, vector<1x512x32xf32>
    %swap3A_662 = vector.shape_cast %swap3A_661 : vector<1x512x32xf32> to vector<512x32xf32>
    %swap3A_663 = vector.shape_cast %slice3A_657 : vector<512x32xf32> to vector<1x512x32xf32>
    tpu.vector_store %arg16[%swap3A_658, %swap3A_659, %swap3A_660], %swap3A_663 {strides = array<i32>} : memref<4x512x32xf32, #tpu.memory_space<vmem>>, vector<1x512x32xf32>,
    %slice3A_664 = vector.extract_strided_slice %mul3A_650 {offsets = [0, 64], sizes = [512, 32], strides = [1, 1]} : vector<512x128xf32> to vector<512x32xf32>
    %swap3A_665 = arith.constant 2 : index
    %swap3A_666 = arith.constant 0 : index
    %swap3A_667 = arith.constant 0 : index
    %swap3A_668 = vector.load %arg16[%swap3A_665, %swap3A_666, %swap3A_667] : memref<4x512x32xf32, #tpu.memory_space<vmem>>, vector<1x512x32xf32>
    %swap3A_669 = vector.shape_cast %swap3A_668 : vector<1x512x32xf32> to vector<512x32xf32>
    %swap3A_670 = vector.shape_cast %slice3A_664 : vector<512x32xf32> to vector<1x512x32xf32>
    tpu.vector_store %arg16[%swap3A_665, %swap3A_666, %swap3A_667], %swap3A_670 {strides = array<i32>} : memref<4x512x32xf32, #tpu.memory_space<vmem>>, vector<1x512x32xf32>,
    %slice3A_671 = vector.extract_strided_slice %mul3A_650 {offsets = [0, 96], sizes = [512, 32], strides = [1, 1]} : vector<512x128xf32> to vector<512x32xf32>
    %swap3A_672 = arith.constant 3 : index
    %swap3A_673 = arith.constant 0 : index
    %swap3A_674 = arith.constant 0 : index
    %swap3A_675 = vector.load %arg16[%swap3A_672, %swap3A_673, %swap3A_674] : memref<4x512x32xf32, #tpu.memory_space<vmem>>, vector<1x512x32xf32>
    %swap3A_676 = vector.shape_cast %swap3A_675 : vector<1x512x32xf32> to vector<512x32xf32>
    %swap3A_677 = vector.shape_cast %slice3A_671 : vector<512x32xf32> to vector<1x512x32xf32>
    tpu.vector_store %arg16[%swap3A_672, %swap3A_673, %swap3A_674], %swap3A_677 {strides = array<i32>} : memref<4x512x32xf32, #tpu.memory_space<vmem>>, vector<1x512x32xf32>,
    return
  }
  func.func @transform_0(%arg0: i32) -> (i32, i32, i32) {
    %c0_i32 = arith.constant 0 : i32
    %c0_i32_0 = arith.constant 0 : i32
    %c0_i32_1 = arith.constant 0 : i32
    return %c0_i32, %arg0, %c0_i32_0 : i32, i32, i32
  }
  func.func @transform_1(%arg0: i32) -> (i32, i32) {
    %c0_i32 = arith.constant 0 : i32
    %c0_i32_0 = arith.constant 0 : i32
    return %arg0, %c0_i32 : i32, i32
  }
  func.func @transform_2(%arg0: i32) -> (i32, i32) {
    %c0_i32 = arith.constant 0 : i32
    %c0_i32_0 = arith.constant 0 : i32
    return %c0_i32, %arg0 : i32, i32
  }
  func.func @transform_3(%arg0: i32) -> (i32, i32) {
    %c0_i32 = arith.constant 0 : i32
    %c0_i32_0 = arith.constant 0 : i32
    %c0_i32_1 = arith.constant 0 : i32
    return %c0_i32, %c0_i32_0 : i32, i32
  }
  func.func @transform_4(%arg0: i32) -> (i32, i32) {
    %c0_i32 = arith.constant 0 : i32
    %c0_i32_0 = arith.constant 0 : i32
    %c0_i32_1 = arith.constant 0 : i32
    return %c0_i32, %c0_i32_0 : i32, i32
  }
  func.func @transform_5(%arg0: i32) -> (i32, i32) {
    %c0_i32 = arith.constant 0 : i32
    %c0_i32_0 = arith.constant 0 : i32
    %c0_i32_1 = arith.constant 0 : i32
    return %c0_i32, %c0_i32_0 : i32, i32
  }
  func.func @transform_6(%arg0: i32) -> (i32, i32) {
    %c0_i32 = arith.constant 0 : i32
    %c0_i32_0 = arith.constant 0 : i32
    %c0_i32_1 = arith.constant 0 : i32
    return %c0_i32, %c0_i32_0 : i32, i32
  }
  func.func @transform_7(%arg0: i32) -> (i32, i32) {
    %c0_i32 = arith.constant 0 : i32
    %c0_i32_0 = arith.constant 0 : i32
    %c0_i32_1 = arith.constant 0 : i32
    return %c0_i32, %c0_i32_0 : i32, i32
  }
  func.func @transform_8(%arg0: i32) -> (i32, i32) {
    %c0_i32 = arith.constant 0 : i32
    %c0_i32_0 = arith.constant 0 : i32
    %c0_i32_1 = arith.constant 0 : i32
    return %c0_i32, %c0_i32_0 : i32, i32
  }
  func.func @transform_9(%arg0: i32) -> (i32, i32) {
    %c0_i32 = arith.constant 0 : i32
    %c0_i32_0 = arith.constant 0 : i32
    %c0_i32_1 = arith.constant 0 : i32
    return %c0_i32, %c0_i32_0 : i32, i32
  }
  func.func @transform_10(%arg0: i32) -> (i32, i32) {
    %c0_i32 = arith.constant 0 : i32
    %c0_i32_0 = arith.constant 0 : i32
    %c0_i32_1 = arith.constant 0 : i32
    return %c0_i32, %c0_i32_0 : i32, i32
  }
  func.func @transform_11(%arg0: i32) -> (i32, i32) {
    %c0_i32 = arith.constant 0 : i32
    %c0_i32_0 = arith.constant 0 : i32
    %c0_i32_1 = arith.constant 0 : i32
    return %c0_i32, %c0_i32_0 : i32, i32
  }
  func.func @transform_12(%arg0: i32) -> (i32, i32) {
    %c0_i32 = arith.constant 0 : i32
    %c0_i32_0 = arith.constant 0 : i32
    %c0_i32_1 = arith.constant 0 : i32
    return %c0_i32, %c0_i32_0 : i32, i32
  }
  func.func @transform_13(%arg0: i32) -> (i32, i32) {
    %c0_i32 = arith.constant 0 : i32
    %c0_i32_0 = arith.constant 0 : i32
    %c0_i32_1 = arith.constant 0 : i32
    return %c0_i32, %c0_i32_0 : i32, i32
  }
  func.func @transform_14(%arg0: i32) -> (i32, i32) {
    %c0_i32 = arith.constant 0 : i32
    %c0_i32_0 = arith.constant 0 : i32
    %c0_i32_1 = arith.constant 0 : i32
    return %c0_i32, %c0_i32_0 : i32, i32
  }
  func.func @transform_15(%arg0: i32) -> (i32, i32, i32) {
    %c0_i32 = arith.constant 0 : i32
    %c0_i32_0 = arith.constant 0 : i32
    %c0_i32_1 = arith.constant 0 : i32
    return %c0_i32, %arg0, %c0_i32_0 : i32, i32, i32
  }
}

module attributes {stable_mosaic.version = 14 : i64} {
  func.func @_block_body(%arg0: i32, %arg1: memref<4x512x32xf32, #tpu.memory_space<vmem>>, %arg2: memref<512x1xf32, #tpu.memory_space<vmem>>, %arg3: memref<16x512xf32, #tpu.memory_space<vmem>>, %arg4: memref<1x128xf32, #tpu.memory_space<vmem>>, %arg5: memref<1x128xf32, #tpu.memory_space<vmem>>, %arg6: memref<1x128xf32, #tpu.memory_space<vmem>>, %arg7: memref<128x64xf32, #tpu.memory_space<vmem>>, %arg8: memref<128x64xf32, #tpu.memory_space<vmem>>, %arg9: memref<128x64xf32, #tpu.memory_space<vmem>>, %arg10: memref<64x8xf32, #tpu.memory_space<vmem>>, %arg11: memref<128x128xf32, #tpu.memory_space<vmem>>, %arg12: memref<1x128xf32, #tpu.memory_space<vmem>>, %arg13: memref<1x128xf32, #tpu.memory_space<vmem>>, %arg14: memref<1x128xf32, #tpu.memory_space<vmem>>, %arg15: memref<128x128xf32, #tpu.memory_space<vmem>>, %arg16: memref<2x1x128xf32, #tpu.memory_space<vmem>>) attributes {dimension_semantics = [#tpu.dimension_semantics<arbitrary>], iteration_bounds = array<i64: 32>, scalar_prefetch = 0 : i64, scratch_operands = 0 : i64, tpu.core_type = #tpu.core_type<tc>, window_params = [{transform_indices = @transform_0, window_bounds = array<i64: 4, 512, 32>}, {transform_indices = @transform_1, window_bounds = array<i64: 512, 1>}, {transform_indices = @transform_2, window_bounds = array<i64: 16, 512>}, {pipeline_mode = #tpu.pipeline_mode<synchronous>, transform_indices = @transform_3, window_bounds = array<i64: 1, 128>}, {pipeline_mode = #tpu.pipeline_mode<synchronous>, transform_indices = @transform_4, window_bounds = array<i64: 1, 128>}, {pipeline_mode = #tpu.pipeline_mode<synchronous>, transform_indices = @transform_5, window_bounds = array<i64: 1, 128>}, {pipeline_mode = #tpu.pipeline_mode<synchronous>, transform_indices = @transform_6, window_bounds = array<i64: 128, 64>}, {pipeline_mode = #tpu.pipeline_mode<synchronous>, transform_indices = @transform_7, window_bounds = array<i64: 128, 64>}, {pipeline_mode = #tpu.pipeline_mode<synchronous>, transform_indices = @transform_8, window_bounds = array<i64: 128, 64>}, {pipeline_mode = #tpu.pipeline_mode<synchronous>, transform_indices = @transform_9, window_bounds = array<i64: 64, 8>}, {pipeline_mode = #tpu.pipeline_mode<synchronous>, transform_indices = @transform_10, window_bounds = array<i64: 128, 128>}, {pipeline_mode = #tpu.pipeline_mode<synchronous>, transform_indices = @transform_11, window_bounds = array<i64: 1, 128>}, {pipeline_mode = #tpu.pipeline_mode<synchronous>, transform_indices = @transform_12, window_bounds = array<i64: 1, 128>}, {pipeline_mode = #tpu.pipeline_mode<synchronous>, transform_indices = @transform_13, window_bounds = array<i64: 1, 128>}, {pipeline_mode = #tpu.pipeline_mode<synchronous>, transform_indices = @transform_14, window_bounds = array<i64: 128, 128>}, {transform_indices = @transform_15, window_bounds = array<i64: 2, 1, 128>}]} {
    %get3A = arith.constant 0 : index
    %get3A_0 = arith.constant 0 : index
    %get3A_1 = arith.constant 0 : index
    %get3A_2 = vector.load %arg1[%get3A, %get3A_0, %get3A_1] : memref<4x512x32xf32, #tpu.memory_space<vmem>>, vector<1x512x32xf32>
    %get3A_3 = vector.shape_cast %get3A_2 : vector<1x512x32xf32> to vector<512x32xf32>
    %get3A_4 = arith.constant 1 : index
    %get3A_5 = arith.constant 0 : index
    %get3A_6 = arith.constant 0 : index
    %get3A_7 = vector.load %arg1[%get3A_4, %get3A_5, %get3A_6] : memref<4x512x32xf32, #tpu.memory_space<vmem>>, vector<1x512x32xf32>
    %get3A_8 = vector.shape_cast %get3A_7 : vector<1x512x32xf32> to vector<512x32xf32>
    %get3A_9 = arith.constant 2 : index
    %get3A_10 = arith.constant 0 : index
    %get3A_11 = arith.constant 0 : index
    %get3A_12 = vector.load %arg1[%get3A_9, %get3A_10, %get3A_11] : memref<4x512x32xf32, #tpu.memory_space<vmem>>, vector<1x512x32xf32>
    %get3A_13 = vector.shape_cast %get3A_12 : vector<1x512x32xf32> to vector<512x32xf32>
    %get3A_14 = arith.constant 3 : index
    %get3A_15 = arith.constant 0 : index
    %get3A_16 = arith.constant 0 : index
    %get3A_17 = vector.load %arg1[%get3A_14, %get3A_15, %get3A_16] : memref<4x512x32xf32, #tpu.memory_space<vmem>>, vector<1x512x32xf32>
    %get3A_18 = vector.shape_cast %get3A_17 : vector<1x512x32xf32> to vector<512x32xf32>
    %concatenate3A = tpu.concatenate %get3A_3, %get3A_8, %get3A_13, %get3A_18 in 1 : vector<512x32xf32>, vector<512x32xf32>, vector<512x32xf32>, vector<512x32xf32> -> vector<512x128xf32>
    %get3A_19 = arith.constant 0 : index
    %get3A_20 = arith.constant 0 : index
    %get3A_21 = vector.load %arg2[%get3A_19, %get3A_20] : memref<512x1xf32, #tpu.memory_space<vmem>>, vector<512x1xf32>
    %mul3A = vector.broadcast %get3A_21 : vector<512x1xf32> to vector<512x128xf32>
    %mul3A_22 = arith.mulf %mul3A, %concatenate3A : vector<512x128xf32>
    %get3A_23 = arith.constant 0 : index
    %get3A_24 = arith.constant 0 : index
    %get3A_25 = vector.load %arg4[%get3A_23, %get3A_24] : memref<1x128xf32, #tpu.memory_space<vmem>>, vector<1x128xf32>
    %add3A = vector.broadcast %get3A_25 : vector<1x128xf32> to vector<512x128xf32>
    %add3A_26 = arith.addf %mul3A_22, %add3A : vector<512x128xf32>
    %max3A = arith.constant 0.000000e+00 : f32
    %max3A_27 = vector.broadcast %max3A : f32 to vector<512x128xf32>
    %max3A_28 = arith.maximumf %add3A_26, %max3A_27 : vector<512x128xf32>
    %broadcast_in_dim3A = arith.constant 1.000000e+00 : f32
    %broadcast_in_dim3A_29 = vector.broadcast %broadcast_in_dim3A : f32 to vector<128x1xf32>
    %dot_general3A = arith.constant dense<0.000000e+00> : vector<1x512xf32>
    %dot_general3A_30 = tpu.matmul %broadcast_in_dim3A_29, %max3A_28, %dot_general3A {dimension_numbers = #tpu.dot_dimension_numbers<[0], [1], [1], [0], [0, 1, 1, 0], [], []>, transpose_lhs_hint = false} : vector<128x1xf32>, vector<512x128xf32>, vector<1x512xf32> -> vector<1x512xf32>
    %mul3A_31 = arith.mulf %max3A_28, %max3A_28 : vector<512x128xf32>
    %dot_general3A_32 = arith.constant dense<0.000000e+00> : vector<1x512xf32>
    %dot_general3A_33 = tpu.matmul %broadcast_in_dim3A_29, %mul3A_31, %dot_general3A_32 {dimension_numbers = #tpu.dot_dimension_numbers<[0], [1], [1], [0], [0, 1, 1, 0], [], []>, transpose_lhs_hint = false} : vector<128x1xf32>, vector<512x128xf32>, vector<1x512xf32> -> vector<1x512xf32>
    %mul3A_34 = arith.constant 7.812500e-03 : f32
    %mul3A_35 = vector.broadcast %mul3A_34 : f32 to vector<1x512xf32>
    %mul3A_36 = arith.mulf %dot_general3A_30, %mul3A_35 : vector<1x512xf32>
    %mul3A_37 = arith.constant 7.812500e-03 : f32
    %mul3A_38 = vector.broadcast %mul3A_37 : f32 to vector<1x512xf32>
    %mul3A_39 = arith.mulf %dot_general3A_33, %mul3A_38 : vector<1x512xf32>
    %mul3A_40 = arith.mulf %mul3A_36, %mul3A_36 : vector<1x512xf32>
    %sub3A = arith.subf %mul3A_39, %mul3A_40 : vector<1x512xf32>
    %add3A_41 = arith.constant 9.99999974E-6 : f32
    %add3A_42 = vector.broadcast %add3A_41 : f32 to vector<1x512xf32>
    %add3A_43 = arith.addf %sub3A, %add3A_42 : vector<1x512xf32>
    %rsqrt3A = math.rsqrt %add3A_43 : vector<1x512xf32>
    %neg3A = arith.constant 0.000000e+00 : f32
    %neg3A_44 = vector.broadcast %neg3A : f32 to vector<1x512xf32>
    %neg3A_45 = arith.subf %neg3A_44, %mul3A_36 : vector<1x512xf32>
    %mul3A_46 = arith.mulf %neg3A_45, %rsqrt3A : vector<1x512xf32>
    %get3A_47 = arith.constant 0 : index
    %get3A_48 = arith.constant 0 : index
    %get3A_49 = vector.load %arg10[%get3A_47, %get3A_48] : memref<64x8xf32, #tpu.memory_space<vmem>>, vector<64x8xf32>
    %get3A_50 = arith.constant 0 : index
    %get3A_51 = arith.constant 0 : index
    %get3A_52 = vector.load %arg7[%get3A_50, %get3A_51] : memref<128x64xf32, #tpu.memory_space<vmem>>, vector<128x64xf32>
    %dot_general3A_53 = arith.constant dense<0.000000e+00> : vector<64x512xf32>
    %dot_general3A_54 = tpu.matmul %get3A_52, %max3A_28, %dot_general3A_53 {dimension_numbers = #tpu.dot_dimension_numbers<[0], [1], [1], [0], [0, 1, 1, 0], [], []>, transpose_lhs_hint = false} : vector<128x64xf32>, vector<512x128xf32>, vector<64x512xf32> -> vector<64x512xf32>
    %get3A_55 = arith.constant 0 : index
    %get3A_56 = arith.constant 0 : index
    %get3A_57 = vector.load %arg8[%get3A_55, %get3A_56] : memref<128x64xf32, #tpu.memory_space<vmem>>, vector<128x64xf32>
    %dot_general3A_58 = arith.constant dense<0.000000e+00> : vector<64x512xf32>
    %dot_general3A_59 = tpu.matmul %get3A_57, %max3A_28, %dot_general3A_58 {dimension_numbers = #tpu.dot_dimension_numbers<[0], [1], [1], [0], [0, 1, 1, 0], [], []>, transpose_lhs_hint = false} : vector<128x64xf32>, vector<512x128xf32>, vector<64x512xf32> -> vector<64x512xf32>
    %get3A_60 = arith.constant 0 : index
    %get3A_61 = arith.constant 0 : index
    %get3A_62 = vector.load %arg9[%get3A_60, %get3A_61] : memref<128x64xf32, #tpu.memory_space<vmem>>, vector<128x64xf32>
    %dot_general3A_63 = arith.constant dense<0.000000e+00> : vector<64x512xf32>
    %dot_general3A_64 = tpu.matmul %get3A_62, %max3A_28, %dot_general3A_63 {dimension_numbers = #tpu.dot_dimension_numbers<[0], [1], [1], [0], [0, 1, 1, 0], [], []>, transpose_lhs_hint = false} : vector<128x64xf32>, vector<512x128xf32>, vector<64x512xf32> -> vector<64x512xf32>
    %mul3A_65 = vector.broadcast %rsqrt3A : vector<1x512xf32> to vector<64x512xf32>
    %mul3A_66 = arith.mulf %dot_general3A_54, %mul3A_65 : vector<64x512xf32>
    %slice3A = vector.extract_strided_slice %get3A_49 {offsets = [0, 0], sizes = [64, 1], strides = [1, 1]} : vector<64x8xf32> to vector<64x1xf32>
    %mul3A_67 = vector.broadcast %slice3A : vector<64x1xf32> to vector<64x512xf32>
    %mul3A_68 = vector.broadcast %mul3A_46 : vector<1x512xf32> to vector<64x512xf32>
    %mul3A_69 = arith.mulf %mul3A_67, %mul3A_68 : vector<64x512xf32>
    %add3A_70 = arith.addf %mul3A_66, %mul3A_69 : vector<64x512xf32>
    %slice3A_71 = vector.extract_strided_slice %get3A_49 {offsets = [0, 1], sizes = [64, 1], strides = [1, 1]} : vector<64x8xf32> to vector<64x1xf32>
    %add3A_72 = vector.broadcast %slice3A_71 : vector<64x1xf32> to vector<64x512xf32>
    %add3A_73 = arith.addf %add3A_70, %add3A_72 : vector<64x512xf32>
    %mul3A_74 = vector.broadcast %rsqrt3A : vector<1x512xf32> to vector<64x512xf32>
    %mul3A_75 = arith.mulf %dot_general3A_59, %mul3A_74 : vector<64x512xf32>
    %slice3A_76 = vector.extract_strided_slice %get3A_49 {offsets = [0, 2], sizes = [64, 1], strides = [1, 1]} : vector<64x8xf32> to vector<64x1xf32>
    %mul3A_77 = vector.broadcast %slice3A_76 : vector<64x1xf32> to vector<64x512xf32>
    %mul3A_78 = vector.broadcast %mul3A_46 : vector<1x512xf32> to vector<64x512xf32>
    %mul3A_79 = arith.mulf %mul3A_77, %mul3A_78 : vector<64x512xf32>
    %add3A_80 = arith.addf %mul3A_75, %mul3A_79 : vector<64x512xf32>
    %slice3A_81 = vector.extract_strided_slice %get3A_49 {offsets = [0, 3], sizes = [64, 1], strides = [1, 1]} : vector<64x8xf32> to vector<64x1xf32>
    %add3A_82 = vector.broadcast %slice3A_81 : vector<64x1xf32> to vector<64x512xf32>
    %add3A_83 = arith.addf %add3A_80, %add3A_82 : vector<64x512xf32>
    %mul3A_84 = vector.broadcast %rsqrt3A : vector<1x512xf32> to vector<64x512xf32>
    %mul3A_85 = arith.mulf %dot_general3A_64, %mul3A_84 : vector<64x512xf32>
    %slice3A_86 = vector.extract_strided_slice %get3A_49 {offsets = [0, 4], sizes = [64, 1], strides = [1, 1]} : vector<64x8xf32> to vector<64x1xf32>
    %mul3A_87 = vector.broadcast %slice3A_86 : vector<64x1xf32> to vector<64x512xf32>
    %mul3A_88 = vector.broadcast %mul3A_46 : vector<1x512xf32> to vector<64x512xf32>
    %mul3A_89 = arith.mulf %mul3A_87, %mul3A_88 : vector<64x512xf32>
    %add3A_90 = arith.addf %mul3A_85, %mul3A_89 : vector<64x512xf32>
    %slice3A_91 = vector.extract_strided_slice %get3A_49 {offsets = [0, 5], sizes = [64, 1], strides = [1, 1]} : vector<64x8xf32> to vector<64x1xf32>
    %add3A_92 = vector.broadcast %slice3A_91 : vector<64x1xf32> to vector<64x512xf32>
    %add3A_93 = arith.addf %add3A_90, %add3A_92 : vector<64x512xf32>
    %get3A_94 = arith.constant 0 : index
    %get3A_95 = arith.constant 0 : index
    %get3A_96 = vector.load %arg5[%get3A_94, %get3A_95] : memref<1x128xf32, #tpu.memory_space<vmem>>, vector<1x128xf32>
    %get3A_97 = arith.constant 0 : index
    %get3A_98 = arith.constant 0 : index
    %get3A_99 = vector.load %arg6[%get3A_97, %get3A_98] : memref<1x128xf32, #tpu.memory_space<vmem>>, vector<1x128xf32>
    %reduce_sum3A = arith.constant dense<0.000000e+00> : vector<512xf32>
    %reduce_sum3A_100 = vector.multi_reduction <add>, %max3A_28, %reduce_sum3A [1] : vector<512x128xf32> to vector<512xf32>
    %broadcast_in_dim3A_101 = vector.shape_cast %reduce_sum3A_100 : vector<512xf32> to vector<512x1xf32>
    %div3A = arith.constant 1.280000e+02 : f32
    %div3A_102 = vector.broadcast %div3A : f32 to vector<512x1xf32>
    %div3A_103 = arith.divf %broadcast_in_dim3A_101, %div3A_102 : vector<512x1xf32>
    %sub3A_104 = vector.broadcast %div3A_103 : vector<512x1xf32> to vector<512x128xf32>
    %sub3A_105 = arith.subf %max3A_28, %sub3A_104 : vector<512x128xf32>
    %sub3A_106 = vector.broadcast %div3A_103 : vector<512x1xf32> to vector<512x128xf32>
    %sub3A_107 = arith.subf %max3A_28, %sub3A_106 : vector<512x128xf32>
    %mul3A_108 = arith.mulf %sub3A_105, %sub3A_107 : vector<512x128xf32>
    %reduce_sum3A_109 = arith.constant dense<0.000000e+00> : vector<512xf32>
    %reduce_sum3A_110 = vector.multi_reduction <add>, %mul3A_108, %reduce_sum3A_109 [1] : vector<512x128xf32> to vector<512xf32>
    %broadcast_in_dim3A_111 = vector.shape_cast %reduce_sum3A_110 : vector<512xf32> to vector<512x1xf32>
    %div3A_112 = arith.constant 1.280000e+02 : f32
    %div3A_113 = vector.broadcast %div3A_112 : f32 to vector<512x1xf32>
    %div3A_114 = arith.divf %broadcast_in_dim3A_111, %div3A_113 : vector<512x1xf32>
    %sub3A_115 = vector.broadcast %div3A_103 : vector<512x1xf32> to vector<512x128xf32>
    %sub3A_116 = arith.subf %max3A_28, %sub3A_115 : vector<512x128xf32>
    %add3A_117 = arith.constant 9.99999974E-6 : f32
    %add3A_118 = vector.broadcast %add3A_117 : f32 to vector<512x1xf32>
    %add3A_119 = arith.addf %div3A_114, %add3A_118 : vector<512x1xf32>
    %sqrt3A = math.sqrt %add3A_119 : vector<512x1xf32>
    %div3A_120 = vector.broadcast %sqrt3A : vector<512x1xf32> to vector<512x128xf32>
    %div3A_121 = arith.divf %sub3A_116, %div3A_120 : vector<512x128xf32>
    %mul3A_122 = vector.broadcast %get3A_96 : vector<1x128xf32> to vector<512x128xf32>
    %mul3A_123 = arith.mulf %div3A_121, %mul3A_122 : vector<512x128xf32>
    %add3A_124 = vector.broadcast %get3A_99 : vector<1x128xf32> to vector<512x128xf32>
    %add3A_125 = arith.addf %mul3A_123, %add3A_124 : vector<512x128xf32>
    %get3A_126 = arith.constant 0 : index
    %get3A_127 = arith.constant 0 : index
    %get3A_128 = vector.load %arg3[%get3A_126, %get3A_127] : memref<16x512xf32, #tpu.memory_space<vmem>>, vector<16x512xf32>
    %slice3A_129 = vector.extract_strided_slice %get3A_128 {offsets = [0, 0], sizes = [16, 256], strides = [1, 1]} : vector<16x512xf32> to vector<16x256xf32>
    %slice3A_130 = vector.extract_strided_slice %add3A_73 {offsets = [0, 0], sizes = [16, 256], strides = [1, 1]} : vector<64x512xf32> to vector<16x256xf32>
    %slice3A_131 = vector.extract_strided_slice %add3A_83 {offsets = [0, 0], sizes = [16, 256], strides = [1, 1]} : vector<64x512xf32> to vector<16x256xf32>
    %slice3A_132 = vector.extract_strided_slice %add3A_93 {offsets = [0, 0], sizes = [16, 256], strides = [1, 1]} : vector<64x512xf32> to vector<16x256xf32>
    %dot_general3A_133 = arith.constant dense<0.000000e+00> : vector<256x256xf32>
    %dot_general3A_134 = tpu.matmul %slice3A_131, %slice3A_130, %dot_general3A_133 {dimension_numbers = #tpu.dot_dimension_numbers<[0], [0], [1], [1], [0, 1, 1, 1], [], []>, transpose_lhs_hint = false} : vector<16x256xf32>, vector<16x256xf32>, vector<256x256xf32> -> vector<256x256xf32>
    %reduce_max3A = arith.constant dense<0xFF800000> : vector<256xf32>
    %reduce_max3A_135 = vector.multi_reduction <maximumf>, %dot_general3A_134, %reduce_max3A [0] : vector<256x256xf32> to vector<256xf32>
    %broadcast_in_dim3A_136 = vector.shape_cast %reduce_max3A_135 : vector<256xf32> to vector<1x256xf32>
    %sub3A_137 = vector.broadcast %broadcast_in_dim3A_136 : vector<1x256xf32> to vector<256x256xf32>
    %sub3A_138 = arith.subf %dot_general3A_134, %sub3A_137 : vector<256x256xf32>
    %exp3A = math.exp %sub3A_138 : vector<256x256xf32>
    %concatenate3A_139 = tpu.concatenate %slice3A_132, %slice3A_129 in 0 : vector<16x256xf32>, vector<16x256xf32> -> vector<32x256xf32>
    %dot_general3A_140 = arith.constant dense<0.000000e+00> : vector<32x256xf32>
    %dot_general3A_141 = tpu.matmul %concatenate3A_139, %exp3A, %dot_general3A_140 {dimension_numbers = #tpu.dot_dimension_numbers<[1], [0], [0], [1], [0, 0, 1, 1], [], []>, transpose_lhs_hint = false} : vector<32x256xf32>, vector<256x256xf32>, vector<32x256xf32> -> vector<32x256xf32>
    %reduce_sum3A_142 = arith.constant dense<0.000000e+00> : vector<256xf32>
    %reduce_sum3A_143 = vector.multi_reduction <add>, %exp3A, %reduce_sum3A_142 [0] : vector<256x256xf32> to vector<256xf32>
    %broadcast_in_dim3A_144 = vector.shape_cast %reduce_sum3A_143 : vector<256xf32> to vector<1x256xf32>
    %div3A_145 = arith.constant 1.000000e+00 : f32
    %div3A_146 = vector.broadcast %div3A_145 : f32 to vector<1x256xf32>
    %div3A_147 = arith.divf %div3A_146, %broadcast_in_dim3A_144 : vector<1x256xf32>
    %mul3A_148 = vector.broadcast %div3A_147 : vector<1x256xf32> to vector<32x256xf32>
    %mul3A_149 = arith.mulf %dot_general3A_141, %mul3A_148 : vector<32x256xf32>
    %slice3A_150 = vector.extract_strided_slice %mul3A_149 {offsets = [0, 0], sizes = [16, 256], strides = [1, 1]} : vector<32x256xf32> to vector<16x256xf32>
    %slice3A_151 = vector.extract_strided_slice %mul3A_149 {offsets = [16, 0], sizes = [3, 256], strides = [1, 1]} : vector<32x256xf32> to vector<3x256xf32>
    %slice3A_152 = vector.extract_strided_slice %slice3A_129 {offsets = [3, 0], sizes = [3, 256], strides = [1, 1]} : vector<16x256xf32> to vector<3x256xf32>
    %sub3A_153 = arith.subf %slice3A_151, %slice3A_152 : vector<3x256xf32>
    %mul3A_154 = arith.mulf %sub3A_153, %sub3A_153 : vector<3x256xf32>
    %reduce_sum3A_155 = arith.constant dense<0.000000e+00> : vector<256xf32>
    %reduce_sum3A_156 = vector.multi_reduction <add>, %mul3A_154, %reduce_sum3A_155 [0] : vector<3x256xf32> to vector<256xf32>
    %broadcast_in_dim3A_157 = vector.shape_cast %reduce_sum3A_156 : vector<256xf32> to vector<1x256xf32>
    %sqrt3A_158 = math.sqrt %broadcast_in_dim3A_157 : vector<1x256xf32>
    %slice3A_159 = vector.extract_strided_slice %slice3A_129 {offsets = [6, 0], sizes = [3, 256], strides = [1, 1]} : vector<16x256xf32> to vector<3x256xf32>
    %mul3A_160 = arith.mulf %slice3A_159, %sub3A_153 : vector<3x256xf32>
    %reduce_sum3A_161 = arith.constant dense<0.000000e+00> : vector<256xf32>
    %reduce_sum3A_162 = vector.multi_reduction <add>, %mul3A_160, %reduce_sum3A_161 [0] : vector<3x256xf32> to vector<256xf32>
    %broadcast_in_dim3A_163 = vector.shape_cast %reduce_sum3A_162 : vector<256xf32> to vector<1x256xf32>
    %slice3A_164 = vector.extract_strided_slice %slice3A_129 {offsets = [9, 0], sizes = [3, 256], strides = [1, 1]} : vector<16x256xf32> to vector<3x256xf32>
    %mul3A_165 = arith.mulf %slice3A_164, %sub3A_153 : vector<3x256xf32>
    %reduce_sum3A_166 = arith.constant dense<0.000000e+00> : vector<256xf32>
    %reduce_sum3A_167 = vector.multi_reduction <add>, %mul3A_165, %reduce_sum3A_166 [0] : vector<3x256xf32> to vector<256xf32>
    %broadcast_in_dim3A_168 = vector.shape_cast %reduce_sum3A_167 : vector<256xf32> to vector<1x256xf32>
    %slice3A_169 = vector.extract_strided_slice %slice3A_129 {offsets = [12, 0], sizes = [3, 256], strides = [1, 1]} : vector<16x256xf32> to vector<3x256xf32>
    %mul3A_170 = arith.mulf %slice3A_169, %sub3A_153 : vector<3x256xf32>
    %reduce_sum3A_171 = arith.constant dense<0.000000e+00> : vector<256xf32>
    %reduce_sum3A_172 = vector.multi_reduction <add>, %mul3A_170, %reduce_sum3A_171 [0] : vector<3x256xf32> to vector<256xf32>
    %broadcast_in_dim3A_173 = vector.shape_cast %reduce_sum3A_172 : vector<256xf32> to vector<1x256xf32>
    %concatenate3A_174 = tpu.concatenate %broadcast_in_dim3A_163, %broadcast_in_dim3A_168, %broadcast_in_dim3A_173 in 0 : vector<1x256xf32>, vector<1x256xf32>, vector<1x256xf32> -> vector<3x256xf32>
    %mul3A_175 = arith.mulf %concatenate3A_174, %concatenate3A_174 : vector<3x256xf32>
    %reduce_sum3A_176 = arith.constant dense<0.000000e+00> : vector<256xf32>
    %reduce_sum3A_177 = vector.multi_reduction <add>, %mul3A_175, %reduce_sum3A_176 [0] : vector<3x256xf32> to vector<256xf32>
    %broadcast_in_dim3A_178 = vector.shape_cast %reduce_sum3A_177 : vector<256xf32> to vector<1x256xf32>
    %sqrt3A_179 = math.sqrt %broadcast_in_dim3A_178 : vector<1x256xf32>
    %add3A_180 = arith.constant 1.000000e-10 : f32
    %add3A_181 = vector.broadcast %add3A_180 : f32 to vector<1x256xf32>
    %add3A_182 = arith.addf %sqrt3A_179, %add3A_181 : vector<1x256xf32>
    %div3A_183 = vector.broadcast %add3A_182 : vector<1x256xf32> to vector<3x256xf32>
    %div3A_184 = arith.divf %concatenate3A_174, %div3A_183 : vector<3x256xf32>
    %slice3A_185 = vector.extract_strided_slice %add3A_73 {offsets = [16, 0], sizes = [16, 256], strides = [1, 1]} : vector<64x512xf32> to vector<16x256xf32>
    %slice3A_186 = vector.extract_strided_slice %add3A_83 {offsets = [16, 0], sizes = [16, 256], strides = [1, 1]} : vector<64x512xf32> to vector<16x256xf32>
    %slice3A_187 = vector.extract_strided_slice %add3A_93 {offsets = [16, 0], sizes = [16, 256], strides = [1, 1]} : vector<64x512xf32> to vector<16x256xf32>
    %dot_general3A_188 = arith.constant dense<0.000000e+00> : vector<256x256xf32>
    %dot_general3A_189 = tpu.matmul %slice3A_186, %slice3A_185, %dot_general3A_188 {dimension_numbers = #tpu.dot_dimension_numbers<[0], [0], [1], [1], [0, 1, 1, 1], [], []>, transpose_lhs_hint = false} : vector<16x256xf32>, vector<16x256xf32>, vector<256x256xf32> -> vector<256x256xf32>
    %reduce_max3A_190 = arith.constant dense<0xFF800000> : vector<256xf32>
    %reduce_max3A_191 = vector.multi_reduction <maximumf>, %dot_general3A_189, %reduce_max3A_190 [0] : vector<256x256xf32> to vector<256xf32>
    %broadcast_in_dim3A_192 = vector.shape_cast %reduce_max3A_191 : vector<256xf32> to vector<1x256xf32>
    %sub3A_193 = vector.broadcast %broadcast_in_dim3A_192 : vector<1x256xf32> to vector<256x256xf32>
    %sub3A_194 = arith.subf %dot_general3A_189, %sub3A_193 : vector<256x256xf32>
    %exp3A_195 = math.exp %sub3A_194 : vector<256x256xf32>
    %concatenate3A_196 = tpu.concatenate %slice3A_187, %slice3A_129 in 0 : vector<16x256xf32>, vector<16x256xf32> -> vector<32x256xf32>
    %dot_general3A_197 = arith.constant dense<0.000000e+00> : vector<32x256xf32>
    %dot_general3A_198 = tpu.matmul %concatenate3A_196, %exp3A_195, %dot_general3A_197 {dimension_numbers = #tpu.dot_dimension_numbers<[1], [0], [0], [1], [0, 0, 1, 1], [], []>, transpose_lhs_hint = false} : vector<32x256xf32>, vector<256x256xf32>, vector<32x256xf32> -> vector<32x256xf32>
    %reduce_sum3A_199 = arith.constant dense<0.000000e+00> : vector<256xf32>
    %reduce_sum3A_200 = vector.multi_reduction <add>, %exp3A_195, %reduce_sum3A_199 [0] : vector<256x256xf32> to vector<256xf32>
    %broadcast_in_dim3A_201 = vector.shape_cast %reduce_sum3A_200 : vector<256xf32> to vector<1x256xf32>
    %div3A_202 = arith.constant 1.000000e+00 : f32
    %div3A_203 = vector.broadcast %div3A_202 : f32 to vector<1x256xf32>
    %div3A_204 = arith.divf %div3A_203, %broadcast_in_dim3A_201 : vector<1x256xf32>
    %mul3A_205 = vector.broadcast %div3A_204 : vector<1x256xf32> to vector<32x256xf32>
    %mul3A_206 = arith.mulf %dot_general3A_198, %mul3A_205 : vector<32x256xf32>
    %slice3A_207 = vector.extract_strided_slice %mul3A_206 {offsets = [0, 0], sizes = [16, 256], strides = [1, 1]} : vector<32x256xf32> to vector<16x256xf32>
    %slice3A_208 = vector.extract_strided_slice %mul3A_206 {offsets = [16, 0], sizes = [3, 256], strides = [1, 1]} : vector<32x256xf32> to vector<3x256xf32>
    %slice3A_209 = vector.extract_strided_slice %slice3A_129 {offsets = [3, 0], sizes = [3, 256], strides = [1, 1]} : vector<16x256xf32> to vector<3x256xf32>
    %sub3A_210 = arith.subf %slice3A_208, %slice3A_209 : vector<3x256xf32>
    %mul3A_211 = arith.mulf %sub3A_210, %sub3A_210 : vector<3x256xf32>
    %reduce_sum3A_212 = arith.constant dense<0.000000e+00> : vector<256xf32>
    %reduce_sum3A_213 = vector.multi_reduction <add>, %mul3A_211, %reduce_sum3A_212 [0] : vector<3x256xf32> to vector<256xf32>
    %broadcast_in_dim3A_214 = vector.shape_cast %reduce_sum3A_213 : vector<256xf32> to vector<1x256xf32>
    %sqrt3A_215 = math.sqrt %broadcast_in_dim3A_214 : vector<1x256xf32>
    %slice3A_216 = vector.extract_strided_slice %slice3A_129 {offsets = [6, 0], sizes = [3, 256], strides = [1, 1]} : vector<16x256xf32> to vector<3x256xf32>
    %mul3A_217 = arith.mulf %slice3A_216, %sub3A_210 : vector<3x256xf32>
    %reduce_sum3A_218 = arith.constant dense<0.000000e+00> : vector<256xf32>
    %reduce_sum3A_219 = vector.multi_reduction <add>, %mul3A_217, %reduce_sum3A_218 [0] : vector<3x256xf32> to vector<256xf32>
    %broadcast_in_dim3A_220 = vector.shape_cast %reduce_sum3A_219 : vector<256xf32> to vector<1x256xf32>
    %slice3A_221 = vector.extract_strided_slice %slice3A_129 {offsets = [9, 0], sizes = [3, 256], strides = [1, 1]} : vector<16x256xf32> to vector<3x256xf32>
    %mul3A_222 = arith.mulf %slice3A_221, %sub3A_210 : vector<3x256xf32>
    %reduce_sum3A_223 = arith.constant dense<0.000000e+00> : vector<256xf32>
    %reduce_sum3A_224 = vector.multi_reduction <add>, %mul3A_222, %reduce_sum3A_223 [0] : vector<3x256xf32> to vector<256xf32>
    %broadcast_in_dim3A_225 = vector.shape_cast %reduce_sum3A_224 : vector<256xf32> to vector<1x256xf32>
    %slice3A_226 = vector.extract_strided_slice %slice3A_129 {offsets = [12, 0], sizes = [3, 256], strides = [1, 1]} : vector<16x256xf32> to vector<3x256xf32>
    %mul3A_227 = arith.mulf %slice3A_226, %sub3A_210 : vector<3x256xf32>
    %reduce_sum3A_228 = arith.constant dense<0.000000e+00> : vector<256xf32>
    %reduce_sum3A_229 = vector.multi_reduction <add>, %mul3A_227, %reduce_sum3A_228 [0] : vector<3x256xf32> to vector<256xf32>
    %broadcast_in_dim3A_230 = vector.shape_cast %reduce_sum3A_229 : vector<256xf32> to vector<1x256xf32>
    %concatenate3A_231 = tpu.concatenate %broadcast_in_dim3A_220, %broadcast_in_dim3A_225, %broadcast_in_dim3A_230 in 0 : vector<1x256xf32>, vector<1x256xf32>, vector<1x256xf32> -> vector<3x256xf32>
    %mul3A_232 = arith.mulf %concatenate3A_231, %concatenate3A_231 : vector<3x256xf32>
    %reduce_sum3A_233 = arith.constant dense<0.000000e+00> : vector<256xf32>
    %reduce_sum3A_234 = vector.multi_reduction <add>, %mul3A_232, %reduce_sum3A_233 [0] : vector<3x256xf32> to vector<256xf32>
    %broadcast_in_dim3A_235 = vector.shape_cast %reduce_sum3A_234 : vector<256xf32> to vector<1x256xf32>
    %sqrt3A_236 = math.sqrt %broadcast_in_dim3A_235 : vector<1x256xf32>
    %add3A_237 = arith.constant 1.000000e-10 : f32
    %add3A_238 = vector.broadcast %add3A_237 : f32 to vector<1x256xf32>
    %add3A_239 = arith.addf %sqrt3A_236, %add3A_238 : vector<1x256xf32>
    %div3A_240 = vector.broadcast %add3A_239 : vector<1x256xf32> to vector<3x256xf32>
    %div3A_241 = arith.divf %concatenate3A_231, %div3A_240 : vector<3x256xf32>
    %slice3A_242 = vector.extract_strided_slice %add3A_73 {offsets = [32, 0], sizes = [16, 256], strides = [1, 1]} : vector<64x512xf32> to vector<16x256xf32>
    %slice3A_243 = vector.extract_strided_slice %add3A_83 {offsets = [32, 0], sizes = [16, 256], strides = [1, 1]} : vector<64x512xf32> to vector<16x256xf32>
    %slice3A_244 = vector.extract_strided_slice %add3A_93 {offsets = [32, 0], sizes = [16, 256], strides = [1, 1]} : vector<64x512xf32> to vector<16x256xf32>
    %dot_general3A_245 = arith.constant dense<0.000000e+00> : vector<256x256xf32>
    %dot_general3A_246 = tpu.matmul %slice3A_243, %slice3A_242, %dot_general3A_245 {dimension_numbers = #tpu.dot_dimension_numbers<[0], [0], [1], [1], [0, 1, 1, 1], [], []>, transpose_lhs_hint = false} : vector<16x256xf32>, vector<16x256xf32>, vector<256x256xf32> -> vector<256x256xf32>
    %reduce_max3A_247 = arith.constant dense<0xFF800000> : vector<256xf32>
    %reduce_max3A_248 = vector.multi_reduction <maximumf>, %dot_general3A_246, %reduce_max3A_247 [0] : vector<256x256xf32> to vector<256xf32>
    %broadcast_in_dim3A_249 = vector.shape_cast %reduce_max3A_248 : vector<256xf32> to vector<1x256xf32>
    %sub3A_250 = vector.broadcast %broadcast_in_dim3A_249 : vector<1x256xf32> to vector<256x256xf32>
    %sub3A_251 = arith.subf %dot_general3A_246, %sub3A_250 : vector<256x256xf32>
    %exp3A_252 = math.exp %sub3A_251 : vector<256x256xf32>
    %concatenate3A_253 = tpu.concatenate %slice3A_244, %slice3A_129 in 0 : vector<16x256xf32>, vector<16x256xf32> -> vector<32x256xf32>
    %dot_general3A_254 = arith.constant dense<0.000000e+00> : vector<32x256xf32>
    %dot_general3A_255 = tpu.matmul %concatenate3A_253, %exp3A_252, %dot_general3A_254 {dimension_numbers = #tpu.dot_dimension_numbers<[1], [0], [0], [1], [0, 0, 1, 1], [], []>, transpose_lhs_hint = false} : vector<32x256xf32>, vector<256x256xf32>, vector<32x256xf32> -> vector<32x256xf32>
    %reduce_sum3A_256 = arith.constant dense<0.000000e+00> : vector<256xf32>
    %reduce_sum3A_257 = vector.multi_reduction <add>, %exp3A_252, %reduce_sum3A_256 [0] : vector<256x256xf32> to vector<256xf32>
    %broadcast_in_dim3A_258 = vector.shape_cast %reduce_sum3A_257 : vector<256xf32> to vector<1x256xf32>
    %div3A_259 = arith.constant 1.000000e+00 : f32
    %div3A_260 = vector.broadcast %div3A_259 : f32 to vector<1x256xf32>
    %div3A_261 = arith.divf %div3A_260, %broadcast_in_dim3A_258 : vector<1x256xf32>
    %mul3A_262 = vector.broadcast %div3A_261 : vector<1x256xf32> to vector<32x256xf32>
    %mul3A_263 = arith.mulf %dot_general3A_255, %mul3A_262 : vector<32x256xf32>
    %slice3A_264 = vector.extract_strided_slice %mul3A_263 {offsets = [0, 0], sizes = [16, 256], strides = [1, 1]} : vector<32x256xf32> to vector<16x256xf32>
    %slice3A_265 = vector.extract_strided_slice %mul3A_263 {offsets = [16, 0], sizes = [3, 256], strides = [1, 1]} : vector<32x256xf32> to vector<3x256xf32>
    %slice3A_266 = vector.extract_strided_slice %slice3A_129 {offsets = [3, 0], sizes = [3, 256], strides = [1, 1]} : vector<16x256xf32> to vector<3x256xf32>
    %sub3A_267 = arith.subf %slice3A_265, %slice3A_266 : vector<3x256xf32>
    %mul3A_268 = arith.mulf %sub3A_267, %sub3A_267 : vector<3x256xf32>
    %reduce_sum3A_269 = arith.constant dense<0.000000e+00> : vector<256xf32>
    %reduce_sum3A_270 = vector.multi_reduction <add>, %mul3A_268, %reduce_sum3A_269 [0] : vector<3x256xf32> to vector<256xf32>
    %broadcast_in_dim3A_271 = vector.shape_cast %reduce_sum3A_270 : vector<256xf32> to vector<1x256xf32>
    %sqrt3A_272 = math.sqrt %broadcast_in_dim3A_271 : vector<1x256xf32>
    %slice3A_273 = vector.extract_strided_slice %slice3A_129 {offsets = [6, 0], sizes = [3, 256], strides = [1, 1]} : vector<16x256xf32> to vector<3x256xf32>
    %mul3A_274 = arith.mulf %slice3A_273, %sub3A_267 : vector<3x256xf32>
    %reduce_sum3A_275 = arith.constant dense<0.000000e+00> : vector<256xf32>
    %reduce_sum3A_276 = vector.multi_reduction <add>, %mul3A_274, %reduce_sum3A_275 [0] : vector<3x256xf32> to vector<256xf32>
    %broadcast_in_dim3A_277 = vector.shape_cast %reduce_sum3A_276 : vector<256xf32> to vector<1x256xf32>
    %slice3A_278 = vector.extract_strided_slice %slice3A_129 {offsets = [9, 0], sizes = [3, 256], strides = [1, 1]} : vector<16x256xf32> to vector<3x256xf32>
    %mul3A_279 = arith.mulf %slice3A_278, %sub3A_267 : vector<3x256xf32>
    %reduce_sum3A_280 = arith.constant dense<0.000000e+00> : vector<256xf32>
    %reduce_sum3A_281 = vector.multi_reduction <add>, %mul3A_279, %reduce_sum3A_280 [0] : vector<3x256xf32> to vector<256xf32>
    %broadcast_in_dim3A_282 = vector.shape_cast %reduce_sum3A_281 : vector<256xf32> to vector<1x256xf32>
    %slice3A_283 = vector.extract_strided_slice %slice3A_129 {offsets = [12, 0], sizes = [3, 256], strides = [1, 1]} : vector<16x256xf32> to vector<3x256xf32>
    %mul3A_284 = arith.mulf %slice3A_283, %sub3A_267 : vector<3x256xf32>
    %reduce_sum3A_285 = arith.constant dense<0.000000e+00> : vector<256xf32>
    %reduce_sum3A_286 = vector.multi_reduction <add>, %mul3A_284, %reduce_sum3A_285 [0] : vector<3x256xf32> to vector<256xf32>
    %broadcast_in_dim3A_287 = vector.shape_cast %reduce_sum3A_286 : vector<256xf32> to vector<1x256xf32>
    %concatenate3A_288 = tpu.concatenate %broadcast_in_dim3A_277, %broadcast_in_dim3A_282, %broadcast_in_dim3A_287 in 0 : vector<1x256xf32>, vector<1x256xf32>, vector<1x256xf32> -> vector<3x256xf32>
    %mul3A_289 = arith.mulf %concatenate3A_288, %concatenate3A_288 : vector<3x256xf32>
    %reduce_sum3A_290 = arith.constant dense<0.000000e+00> : vector<256xf32>
    %reduce_sum3A_291 = vector.multi_reduction <add>, %mul3A_289, %reduce_sum3A_290 [0] : vector<3x256xf32> to vector<256xf32>
    %broadcast_in_dim3A_292 = vector.shape_cast %reduce_sum3A_291 : vector<256xf32> to vector<1x256xf32>
    %sqrt3A_293 = math.sqrt %broadcast_in_dim3A_292 : vector<1x256xf32>
    %add3A_294 = arith.constant 1.000000e-10 : f32
    %add3A_295 = vector.broadcast %add3A_294 : f32 to vector<1x256xf32>
    %add3A_296 = arith.addf %sqrt3A_293, %add3A_295 : vector<1x256xf32>
    %div3A_297 = vector.broadcast %add3A_296 : vector<1x256xf32> to vector<3x256xf32>
    %div3A_298 = arith.divf %concatenate3A_288, %div3A_297 : vector<3x256xf32>
    %slice3A_299 = vector.extract_strided_slice %add3A_73 {offsets = [48, 0], sizes = [16, 256], strides = [1, 1]} : vector<64x512xf32> to vector<16x256xf32>
    %slice3A_300 = vector.extract_strided_slice %add3A_83 {offsets = [48, 0], sizes = [16, 256], strides = [1, 1]} : vector<64x512xf32> to vector<16x256xf32>
    %slice3A_301 = vector.extract_strided_slice %add3A_93 {offsets = [48, 0], sizes = [16, 256], strides = [1, 1]} : vector<64x512xf32> to vector<16x256xf32>
    %dot_general3A_302 = arith.constant dense<0.000000e+00> : vector<256x256xf32>
    %dot_general3A_303 = tpu.matmul %slice3A_300, %slice3A_299, %dot_general3A_302 {dimension_numbers = #tpu.dot_dimension_numbers<[0], [0], [1], [1], [0, 1, 1, 1], [], []>, transpose_lhs_hint = false} : vector<16x256xf32>, vector<16x256xf32>, vector<256x256xf32> -> vector<256x256xf32>
    %reduce_max3A_304 = arith.constant dense<0xFF800000> : vector<256xf32>
    %reduce_max3A_305 = vector.multi_reduction <maximumf>, %dot_general3A_303, %reduce_max3A_304 [0] : vector<256x256xf32> to vector<256xf32>
    %broadcast_in_dim3A_306 = vector.shape_cast %reduce_max3A_305 : vector<256xf32> to vector<1x256xf32>
    %sub3A_307 = vector.broadcast %broadcast_in_dim3A_306 : vector<1x256xf32> to vector<256x256xf32>
    %sub3A_308 = arith.subf %dot_general3A_303, %sub3A_307 : vector<256x256xf32>
    %exp3A_309 = math.exp %sub3A_308 : vector<256x256xf32>
    %concatenate3A_310 = tpu.concatenate %slice3A_301, %slice3A_129 in 0 : vector<16x256xf32>, vector<16x256xf32> -> vector<32x256xf32>
    %dot_general3A_311 = arith.constant dense<0.000000e+00> : vector<32x256xf32>
    %dot_general3A_312 = tpu.matmul %concatenate3A_310, %exp3A_309, %dot_general3A_311 {dimension_numbers = #tpu.dot_dimension_numbers<[1], [0], [0], [1], [0, 0, 1, 1], [], []>, transpose_lhs_hint = false} : vector<32x256xf32>, vector<256x256xf32>, vector<32x256xf32> -> vector<32x256xf32>
    %reduce_sum3A_313 = arith.constant dense<0.000000e+00> : vector<256xf32>
    %reduce_sum3A_314 = vector.multi_reduction <add>, %exp3A_309, %reduce_sum3A_313 [0] : vector<256x256xf32> to vector<256xf32>
    %broadcast_in_dim3A_315 = vector.shape_cast %reduce_sum3A_314 : vector<256xf32> to vector<1x256xf32>
    %div3A_316 = arith.constant 1.000000e+00 : f32
    %div3A_317 = vector.broadcast %div3A_316 : f32 to vector<1x256xf32>
    %div3A_318 = arith.divf %div3A_317, %broadcast_in_dim3A_315 : vector<1x256xf32>
    %mul3A_319 = vector.broadcast %div3A_318 : vector<1x256xf32> to vector<32x256xf32>
    %mul3A_320 = arith.mulf %dot_general3A_312, %mul3A_319 : vector<32x256xf32>
    %slice3A_321 = vector.extract_strided_slice %mul3A_320 {offsets = [0, 0], sizes = [16, 256], strides = [1, 1]} : vector<32x256xf32> to vector<16x256xf32>
    %slice3A_322 = vector.extract_strided_slice %mul3A_320 {offsets = [16, 0], sizes = [3, 256], strides = [1, 1]} : vector<32x256xf32> to vector<3x256xf32>
    %slice3A_323 = vector.extract_strided_slice %slice3A_129 {offsets = [3, 0], sizes = [3, 256], strides = [1, 1]} : vector<16x256xf32> to vector<3x256xf32>
    %sub3A_324 = arith.subf %slice3A_322, %slice3A_323 : vector<3x256xf32>
    %mul3A_325 = arith.mulf %sub3A_324, %sub3A_324 : vector<3x256xf32>
    %reduce_sum3A_326 = arith.constant dense<0.000000e+00> : vector<256xf32>
    %reduce_sum3A_327 = vector.multi_reduction <add>, %mul3A_325, %reduce_sum3A_326 [0] : vector<3x256xf32> to vector<256xf32>
    %broadcast_in_dim3A_328 = vector.shape_cast %reduce_sum3A_327 : vector<256xf32> to vector<1x256xf32>
    %sqrt3A_329 = math.sqrt %broadcast_in_dim3A_328 : vector<1x256xf32>
    %slice3A_330 = vector.extract_strided_slice %slice3A_129 {offsets = [6, 0], sizes = [3, 256], strides = [1, 1]} : vector<16x256xf32> to vector<3x256xf32>
    %mul3A_331 = arith.mulf %slice3A_330, %sub3A_324 : vector<3x256xf32>
    %reduce_sum3A_332 = arith.constant dense<0.000000e+00> : vector<256xf32>
    %reduce_sum3A_333 = vector.multi_reduction <add>, %mul3A_331, %reduce_sum3A_332 [0] : vector<3x256xf32> to vector<256xf32>
    %broadcast_in_dim3A_334 = vector.shape_cast %reduce_sum3A_333 : vector<256xf32> to vector<1x256xf32>
    %slice3A_335 = vector.extract_strided_slice %slice3A_129 {offsets = [9, 0], sizes = [3, 256], strides = [1, 1]} : vector<16x256xf32> to vector<3x256xf32>
    %mul3A_336 = arith.mulf %slice3A_335, %sub3A_324 : vector<3x256xf32>
    %reduce_sum3A_337 = arith.constant dense<0.000000e+00> : vector<256xf32>
    %reduce_sum3A_338 = vector.multi_reduction <add>, %mul3A_336, %reduce_sum3A_337 [0] : vector<3x256xf32> to vector<256xf32>
    %broadcast_in_dim3A_339 = vector.shape_cast %reduce_sum3A_338 : vector<256xf32> to vector<1x256xf32>
    %slice3A_340 = vector.extract_strided_slice %slice3A_129 {offsets = [12, 0], sizes = [3, 256], strides = [1, 1]} : vector<16x256xf32> to vector<3x256xf32>
    %mul3A_341 = arith.mulf %slice3A_340, %sub3A_324 : vector<3x256xf32>
    %reduce_sum3A_342 = arith.constant dense<0.000000e+00> : vector<256xf32>
    %reduce_sum3A_343 = vector.multi_reduction <add>, %mul3A_341, %reduce_sum3A_342 [0] : vector<3x256xf32> to vector<256xf32>
    %broadcast_in_dim3A_344 = vector.shape_cast %reduce_sum3A_343 : vector<256xf32> to vector<1x256xf32>
    %concatenate3A_345 = tpu.concatenate %broadcast_in_dim3A_334, %broadcast_in_dim3A_339, %broadcast_in_dim3A_344 in 0 : vector<1x256xf32>, vector<1x256xf32>, vector<1x256xf32> -> vector<3x256xf32>
    %mul3A_346 = arith.mulf %concatenate3A_345, %concatenate3A_345 : vector<3x256xf32>
    %reduce_sum3A_347 = arith.constant dense<0.000000e+00> : vector<256xf32>
    %reduce_sum3A_348 = vector.multi_reduction <add>, %mul3A_346, %reduce_sum3A_347 [0] : vector<3x256xf32> to vector<256xf32>
    %broadcast_in_dim3A_349 = vector.shape_cast %reduce_sum3A_348 : vector<256xf32> to vector<1x256xf32>
    %sqrt3A_350 = math.sqrt %broadcast_in_dim3A_349 : vector<1x256xf32>
    %add3A_351 = arith.constant 1.000000e-10 : f32
    %add3A_352 = vector.broadcast %add3A_351 : f32 to vector<1x256xf32>
    %add3A_353 = arith.addf %sqrt3A_350, %add3A_352 : vector<1x256xf32>
    %div3A_354 = vector.broadcast %add3A_353 : vector<1x256xf32> to vector<3x256xf32>
    %div3A_355 = arith.divf %concatenate3A_345, %div3A_354 : vector<3x256xf32>
    %concatenate3A_356 = tpu.concatenate %slice3A_150, %slice3A_207, %slice3A_264, %slice3A_321 in 0 : vector<16x256xf32>, vector<16x256xf32>, vector<16x256xf32>, vector<16x256xf32> -> vector<64x256xf32>
    %concatenate3A_357 = tpu.concatenate %concatenate3A_174, %concatenate3A_231, %concatenate3A_288, %concatenate3A_345, %sqrt3A_158, %sqrt3A_215, %sqrt3A_272, %sqrt3A_329, %div3A_184, %div3A_241, %div3A_298, %div3A_355 in 0 : vector<3x256xf32>, vector<3x256xf32>, vector<3x256xf32>, vector<3x256xf32>, vector<1x256xf32>, vector<1x256xf32>, vector<1x256xf32>, vector<1x256xf32>, vector<3x256xf32>, vector<3x256xf32>, vector<3x256xf32>, vector<3x256xf32> -> vector<28x256xf32>
    %slice3A_358 = vector.extract_strided_slice %get3A_128 {offsets = [0, 256], sizes = [16, 256], strides = [1, 1]} : vector<16x512xf32> to vector<16x256xf32>
    %slice3A_359 = vector.extract_strided_slice %add3A_73 {offsets = [0, 256], sizes = [16, 256], strides = [1, 1]} : vector<64x512xf32> to vector<16x256xf32>
    %slice3A_360 = vector.extract_strided_slice %add3A_83 {offsets = [0, 256], sizes = [16, 256], strides = [1, 1]} : vector<64x512xf32> to vector<16x256xf32>
    %slice3A_361 = vector.extract_strided_slice %add3A_93 {offsets = [0, 256], sizes = [16, 256], strides = [1, 1]} : vector<64x512xf32> to vector<16x256xf32>
    %dot_general3A_362 = arith.constant dense<0.000000e+00> : vector<256x256xf32>
    %dot_general3A_363 = tpu.matmul %slice3A_360, %slice3A_359, %dot_general3A_362 {dimension_numbers = #tpu.dot_dimension_numbers<[0], [0], [1], [1], [0, 1, 1, 1], [], []>, transpose_lhs_hint = false} : vector<16x256xf32>, vector<16x256xf32>, vector<256x256xf32> -> vector<256x256xf32>
    %reduce_max3A_364 = arith.constant dense<0xFF800000> : vector<256xf32>
    %reduce_max3A_365 = vector.multi_reduction <maximumf>, %dot_general3A_363, %reduce_max3A_364 [0] : vector<256x256xf32> to vector<256xf32>
    %broadcast_in_dim3A_366 = vector.shape_cast %reduce_max3A_365 : vector<256xf32> to vector<1x256xf32>
    %sub3A_367 = vector.broadcast %broadcast_in_dim3A_366 : vector<1x256xf32> to vector<256x256xf32>
    %sub3A_368 = arith.subf %dot_general3A_363, %sub3A_367 : vector<256x256xf32>
    %exp3A_369 = math.exp %sub3A_368 : vector<256x256xf32>
    %concatenate3A_370 = tpu.concatenate %slice3A_361, %slice3A_358 in 0 : vector<16x256xf32>, vector<16x256xf32> -> vector<32x256xf32>
    %dot_general3A_371 = arith.constant dense<0.000000e+00> : vector<32x256xf32>
    %dot_general3A_372 = tpu.matmul %concatenate3A_370, %exp3A_369, %dot_general3A_371 {dimension_numbers = #tpu.dot_dimension_numbers<[1], [0], [0], [1], [0, 0, 1, 1], [], []>, transpose_lhs_hint = false} : vector<32x256xf32>, vector<256x256xf32>, vector<32x256xf32> -> vector<32x256xf32>
    %reduce_sum3A_373 = arith.constant dense<0.000000e+00> : vector<256xf32>
    %reduce_sum3A_374 = vector.multi_reduction <add>, %exp3A_369, %reduce_sum3A_373 [0] : vector<256x256xf32> to vector<256xf32>
    %broadcast_in_dim3A_375 = vector.shape_cast %reduce_sum3A_374 : vector<256xf32> to vector<1x256xf32>
    %div3A_376 = arith.constant 1.000000e+00 : f32
    %div3A_377 = vector.broadcast %div3A_376 : f32 to vector<1x256xf32>
    %div3A_378 = arith.divf %div3A_377, %broadcast_in_dim3A_375 : vector<1x256xf32>
    %mul3A_379 = vector.broadcast %div3A_378 : vector<1x256xf32> to vector<32x256xf32>
    %mul3A_380 = arith.mulf %dot_general3A_372, %mul3A_379 : vector<32x256xf32>
    %slice3A_381 = vector.extract_strided_slice %mul3A_380 {offsets = [0, 0], sizes = [16, 256], strides = [1, 1]} : vector<32x256xf32> to vector<16x256xf32>
    %slice3A_382 = vector.extract_strided_slice %mul3A_380 {offsets = [16, 0], sizes = [3, 256], strides = [1, 1]} : vector<32x256xf32> to vector<3x256xf32>
    %slice3A_383 = vector.extract_strided_slice %slice3A_358 {offsets = [3, 0], sizes = [3, 256], strides = [1, 1]} : vector<16x256xf32> to vector<3x256xf32>
    %sub3A_384 = arith.subf %slice3A_382, %slice3A_383 : vector<3x256xf32>
    %mul3A_385 = arith.mulf %sub3A_384, %sub3A_384 : vector<3x256xf32>
    %reduce_sum3A_386 = arith.constant dense<0.000000e+00> : vector<256xf32>
    %reduce_sum3A_387 = vector.multi_reduction <add>, %mul3A_385, %reduce_sum3A_386 [0] : vector<3x256xf32> to vector<256xf32>
    %broadcast_in_dim3A_388 = vector.shape_cast %reduce_sum3A_387 : vector<256xf32> to vector<1x256xf32>
    %sqrt3A_389 = math.sqrt %broadcast_in_dim3A_388 : vector<1x256xf32>
    %slice3A_390 = vector.extract_strided_slice %slice3A_358 {offsets = [6, 0], sizes = [3, 256], strides = [1, 1]} : vector<16x256xf32> to vector<3x256xf32>
    %mul3A_391 = arith.mulf %slice3A_390, %sub3A_384 : vector<3x256xf32>
    %reduce_sum3A_392 = arith.constant dense<0.000000e+00> : vector<256xf32>
    %reduce_sum3A_393 = vector.multi_reduction <add>, %mul3A_391, %reduce_sum3A_392 [0] : vector<3x256xf32> to vector<256xf32>
    %broadcast_in_dim3A_394 = vector.shape_cast %reduce_sum3A_393 : vector<256xf32> to vector<1x256xf32>
    %slice3A_395 = vector.extract_strided_slice %slice3A_358 {offsets = [9, 0], sizes = [3, 256], strides = [1, 1]} : vector<16x256xf32> to vector<3x256xf32>
    %mul3A_396 = arith.mulf %slice3A_395, %sub3A_384 : vector<3x256xf32>
    %reduce_sum3A_397 = arith.constant dense<0.000000e+00> : vector<256xf32>
    %reduce_sum3A_398 = vector.multi_reduction <add>, %mul3A_396, %reduce_sum3A_397 [0] : vector<3x256xf32> to vector<256xf32>
    %broadcast_in_dim3A_399 = vector.shape_cast %reduce_sum3A_398 : vector<256xf32> to vector<1x256xf32>
    %slice3A_400 = vector.extract_strided_slice %slice3A_358 {offsets = [12, 0], sizes = [3, 256], strides = [1, 1]} : vector<16x256xf32> to vector<3x256xf32>
    %mul3A_401 = arith.mulf %slice3A_400, %sub3A_384 : vector<3x256xf32>
    %reduce_sum3A_402 = arith.constant dense<0.000000e+00> : vector<256xf32>
    %reduce_sum3A_403 = vector.multi_reduction <add>, %mul3A_401, %reduce_sum3A_402 [0] : vector<3x256xf32> to vector<256xf32>
    %broadcast_in_dim3A_404 = vector.shape_cast %reduce_sum3A_403 : vector<256xf32> to vector<1x256xf32>
    %concatenate3A_405 = tpu.concatenate %broadcast_in_dim3A_394, %broadcast_in_dim3A_399, %broadcast_in_dim3A_404 in 0 : vector<1x256xf32>, vector<1x256xf32>, vector<1x256xf32> -> vector<3x256xf32>
    %mul3A_406 = arith.mulf %concatenate3A_405, %concatenate3A_405 : vector<3x256xf32>
    %reduce_sum3A_407 = arith.constant dense<0.000000e+00> : vector<256xf32>
    %reduce_sum3A_408 = vector.multi_reduction <add>, %mul3A_406, %reduce_sum3A_407 [0] : vector<3x256xf32> to vector<256xf32>
    %broadcast_in_dim3A_409 = vector.shape_cast %reduce_sum3A_408 : vector<256xf32> to vector<1x256xf32>
    %sqrt3A_410 = math.sqrt %broadcast_in_dim3A_409 : vector<1x256xf32>
    %add3A_411 = arith.constant 1.000000e-10 : f32
    %add3A_412 = vector.broadcast %add3A_411 : f32 to vector<1x256xf32>
    %add3A_413 = arith.addf %sqrt3A_410, %add3A_412 : vector<1x256xf32>
    %div3A_414 = vector.broadcast %add3A_413 : vector<1x256xf32> to vector<3x256xf32>
    %div3A_415 = arith.divf %concatenate3A_405, %div3A_414 : vector<3x256xf32>
    %slice3A_416 = vector.extract_strided_slice %add3A_73 {offsets = [16, 256], sizes = [16, 256], strides = [1, 1]} : vector<64x512xf32> to vector<16x256xf32>
    %slice3A_417 = vector.extract_strided_slice %add3A_83 {offsets = [16, 256], sizes = [16, 256], strides = [1, 1]} : vector<64x512xf32> to vector<16x256xf32>
    %slice3A_418 = vector.extract_strided_slice %add3A_93 {offsets = [16, 256], sizes = [16, 256], strides = [1, 1]} : vector<64x512xf32> to vector<16x256xf32>
    %dot_general3A_419 = arith.constant dense<0.000000e+00> : vector<256x256xf32>
    %dot_general3A_420 = tpu.matmul %slice3A_417, %slice3A_416, %dot_general3A_419 {dimension_numbers = #tpu.dot_dimension_numbers<[0], [0], [1], [1], [0, 1, 1, 1], [], []>, transpose_lhs_hint = false} : vector<16x256xf32>, vector<16x256xf32>, vector<256x256xf32> -> vector<256x256xf32>
    %reduce_max3A_421 = arith.constant dense<0xFF800000> : vector<256xf32>
    %reduce_max3A_422 = vector.multi_reduction <maximumf>, %dot_general3A_420, %reduce_max3A_421 [0] : vector<256x256xf32> to vector<256xf32>
    %broadcast_in_dim3A_423 = vector.shape_cast %reduce_max3A_422 : vector<256xf32> to vector<1x256xf32>
    %sub3A_424 = vector.broadcast %broadcast_in_dim3A_423 : vector<1x256xf32> to vector<256x256xf32>
    %sub3A_425 = arith.subf %dot_general3A_420, %sub3A_424 : vector<256x256xf32>
    %exp3A_426 = math.exp %sub3A_425 : vector<256x256xf32>
    %concatenate3A_427 = tpu.concatenate %slice3A_418, %slice3A_358 in 0 : vector<16x256xf32>, vector<16x256xf32> -> vector<32x256xf32>
    %dot_general3A_428 = arith.constant dense<0.000000e+00> : vector<32x256xf32>
    %dot_general3A_429 = tpu.matmul %concatenate3A_427, %exp3A_426, %dot_general3A_428 {dimension_numbers = #tpu.dot_dimension_numbers<[1], [0], [0], [1], [0, 0, 1, 1], [], []>, transpose_lhs_hint = false} : vector<32x256xf32>, vector<256x256xf32>, vector<32x256xf32> -> vector<32x256xf32>
    %reduce_sum3A_430 = arith.constant dense<0.000000e+00> : vector<256xf32>
    %reduce_sum3A_431 = vector.multi_reduction <add>, %exp3A_426, %reduce_sum3A_430 [0] : vector<256x256xf32> to vector<256xf32>
    %broadcast_in_dim3A_432 = vector.shape_cast %reduce_sum3A_431 : vector<256xf32> to vector<1x256xf32>
    %div3A_433 = arith.constant 1.000000e+00 : f32
    %div3A_434 = vector.broadcast %div3A_433 : f32 to vector<1x256xf32>
    %div3A_435 = arith.divf %div3A_434, %broadcast_in_dim3A_432 : vector<1x256xf32>
    %mul3A_436 = vector.broadcast %div3A_435 : vector<1x256xf32> to vector<32x256xf32>
    %mul3A_437 = arith.mulf %dot_general3A_429, %mul3A_436 : vector<32x256xf32>
    %slice3A_438 = vector.extract_strided_slice %mul3A_437 {offsets = [0, 0], sizes = [16, 256], strides = [1, 1]} : vector<32x256xf32> to vector<16x256xf32>
    %slice3A_439 = vector.extract_strided_slice %mul3A_437 {offsets = [16, 0], sizes = [3, 256], strides = [1, 1]} : vector<32x256xf32> to vector<3x256xf32>
    %slice3A_440 = vector.extract_strided_slice %slice3A_358 {offsets = [3, 0], sizes = [3, 256], strides = [1, 1]} : vector<16x256xf32> to vector<3x256xf32>
    %sub3A_441 = arith.subf %slice3A_439, %slice3A_440 : vector<3x256xf32>
    %mul3A_442 = arith.mulf %sub3A_441, %sub3A_441 : vector<3x256xf32>
    %reduce_sum3A_443 = arith.constant dense<0.000000e+00> : vector<256xf32>
    %reduce_sum3A_444 = vector.multi_reduction <add>, %mul3A_442, %reduce_sum3A_443 [0] : vector<3x256xf32> to vector<256xf32>
    %broadcast_in_dim3A_445 = vector.shape_cast %reduce_sum3A_444 : vector<256xf32> to vector<1x256xf32>
    %sqrt3A_446 = math.sqrt %broadcast_in_dim3A_445 : vector<1x256xf32>
    %slice3A_447 = vector.extract_strided_slice %slice3A_358 {offsets = [6, 0], sizes = [3, 256], strides = [1, 1]} : vector<16x256xf32> to vector<3x256xf32>
    %mul3A_448 = arith.mulf %slice3A_447, %sub3A_441 : vector<3x256xf32>
    %reduce_sum3A_449 = arith.constant dense<0.000000e+00> : vector<256xf32>
    %reduce_sum3A_450 = vector.multi_reduction <add>, %mul3A_448, %reduce_sum3A_449 [0] : vector<3x256xf32> to vector<256xf32>
    %broadcast_in_dim3A_451 = vector.shape_cast %reduce_sum3A_450 : vector<256xf32> to vector<1x256xf32>
    %slice3A_452 = vector.extract_strided_slice %slice3A_358 {offsets = [9, 0], sizes = [3, 256], strides = [1, 1]} : vector<16x256xf32> to vector<3x256xf32>
    %mul3A_453 = arith.mulf %slice3A_452, %sub3A_441 : vector<3x256xf32>
    %reduce_sum3A_454 = arith.constant dense<0.000000e+00> : vector<256xf32>
    %reduce_sum3A_455 = vector.multi_reduction <add>, %mul3A_453, %reduce_sum3A_454 [0] : vector<3x256xf32> to vector<256xf32>
    %broadcast_in_dim3A_456 = vector.shape_cast %reduce_sum3A_455 : vector<256xf32> to vector<1x256xf32>
    %slice3A_457 = vector.extract_strided_slice %slice3A_358 {offsets = [12, 0], sizes = [3, 256], strides = [1, 1]} : vector<16x256xf32> to vector<3x256xf32>
    %mul3A_458 = arith.mulf %slice3A_457, %sub3A_441 : vector<3x256xf32>
    %reduce_sum3A_459 = arith.constant dense<0.000000e+00> : vector<256xf32>
    %reduce_sum3A_460 = vector.multi_reduction <add>, %mul3A_458, %reduce_sum3A_459 [0] : vector<3x256xf32> to vector<256xf32>
    %broadcast_in_dim3A_461 = vector.shape_cast %reduce_sum3A_460 : vector<256xf32> to vector<1x256xf32>
    %concatenate3A_462 = tpu.concatenate %broadcast_in_dim3A_451, %broadcast_in_dim3A_456, %broadcast_in_dim3A_461 in 0 : vector<1x256xf32>, vector<1x256xf32>, vector<1x256xf32> -> vector<3x256xf32>
    %mul3A_463 = arith.mulf %concatenate3A_462, %concatenate3A_462 : vector<3x256xf32>
    %reduce_sum3A_464 = arith.constant dense<0.000000e+00> : vector<256xf32>
    %reduce_sum3A_465 = vector.multi_reduction <add>, %mul3A_463, %reduce_sum3A_464 [0] : vector<3x256xf32> to vector<256xf32>
    %broadcast_in_dim3A_466 = vector.shape_cast %reduce_sum3A_465 : vector<256xf32> to vector<1x256xf32>
    %sqrt3A_467 = math.sqrt %broadcast_in_dim3A_466 : vector<1x256xf32>
    %add3A_468 = arith.constant 1.000000e-10 : f32
    %add3A_469 = vector.broadcast %add3A_468 : f32 to vector<1x256xf32>
    %add3A_470 = arith.addf %sqrt3A_467, %add3A_469 : vector<1x256xf32>
    %div3A_471 = vector.broadcast %add3A_470 : vector<1x256xf32> to vector<3x256xf32>
    %div3A_472 = arith.divf %concatenate3A_462, %div3A_471 : vector<3x256xf32>
    %slice3A_473 = vector.extract_strided_slice %add3A_73 {offsets = [32, 256], sizes = [16, 256], strides = [1, 1]} : vector<64x512xf32> to vector<16x256xf32>
    %slice3A_474 = vector.extract_strided_slice %add3A_83 {offsets = [32, 256], sizes = [16, 256], strides = [1, 1]} : vector<64x512xf32> to vector<16x256xf32>
    %slice3A_475 = vector.extract_strided_slice %add3A_93 {offsets = [32, 256], sizes = [16, 256], strides = [1, 1]} : vector<64x512xf32> to vector<16x256xf32>
    %dot_general3A_476 = arith.constant dense<0.000000e+00> : vector<256x256xf32>
    %dot_general3A_477 = tpu.matmul %slice3A_474, %slice3A_473, %dot_general3A_476 {dimension_numbers = #tpu.dot_dimension_numbers<[0], [0], [1], [1], [0, 1, 1, 1], [], []>, transpose_lhs_hint = false} : vector<16x256xf32>, vector<16x256xf32>, vector<256x256xf32> -> vector<256x256xf32>
    %reduce_max3A_478 = arith.constant dense<0xFF800000> : vector<256xf32>
    %reduce_max3A_479 = vector.multi_reduction <maximumf>, %dot_general3A_477, %reduce_max3A_478 [0] : vector<256x256xf32> to vector<256xf32>
    %broadcast_in_dim3A_480 = vector.shape_cast %reduce_max3A_479 : vector<256xf32> to vector<1x256xf32>
    %sub3A_481 = vector.broadcast %broadcast_in_dim3A_480 : vector<1x256xf32> to vector<256x256xf32>
    %sub3A_482 = arith.subf %dot_general3A_477, %sub3A_481 : vector<256x256xf32>
    %exp3A_483 = math.exp %sub3A_482 : vector<256x256xf32>
    %concatenate3A_484 = tpu.concatenate %slice3A_475, %slice3A_358 in 0 : vector<16x256xf32>, vector<16x256xf32> -> vector<32x256xf32>
    %dot_general3A_485 = arith.constant dense<0.000000e+00> : vector<32x256xf32>
    %dot_general3A_486 = tpu.matmul %concatenate3A_484, %exp3A_483, %dot_general3A_485 {dimension_numbers = #tpu.dot_dimension_numbers<[1], [0], [0], [1], [0, 0, 1, 1], [], []>, transpose_lhs_hint = false} : vector<32x256xf32>, vector<256x256xf32>, vector<32x256xf32> -> vector<32x256xf32>
    %reduce_sum3A_487 = arith.constant dense<0.000000e+00> : vector<256xf32>
    %reduce_sum3A_488 = vector.multi_reduction <add>, %exp3A_483, %reduce_sum3A_487 [0] : vector<256x256xf32> to vector<256xf32>
    %broadcast_in_dim3A_489 = vector.shape_cast %reduce_sum3A_488 : vector<256xf32> to vector<1x256xf32>
    %div3A_490 = arith.constant 1.000000e+00 : f32
    %div3A_491 = vector.broadcast %div3A_490 : f32 to vector<1x256xf32>
    %div3A_492 = arith.divf %div3A_491, %broadcast_in_dim3A_489 : vector<1x256xf32>
    %mul3A_493 = vector.broadcast %div3A_492 : vector<1x256xf32> to vector<32x256xf32>
    %mul3A_494 = arith.mulf %dot_general3A_486, %mul3A_493 : vector<32x256xf32>
    %slice3A_495 = vector.extract_strided_slice %mul3A_494 {offsets = [0, 0], sizes = [16, 256], strides = [1, 1]} : vector<32x256xf32> to vector<16x256xf32>
    %slice3A_496 = vector.extract_strided_slice %mul3A_494 {offsets = [16, 0], sizes = [3, 256], strides = [1, 1]} : vector<32x256xf32> to vector<3x256xf32>
    %slice3A_497 = vector.extract_strided_slice %slice3A_358 {offsets = [3, 0], sizes = [3, 256], strides = [1, 1]} : vector<16x256xf32> to vector<3x256xf32>
    %sub3A_498 = arith.subf %slice3A_496, %slice3A_497 : vector<3x256xf32>
    %mul3A_499 = arith.mulf %sub3A_498, %sub3A_498 : vector<3x256xf32>
    %reduce_sum3A_500 = arith.constant dense<0.000000e+00> : vector<256xf32>
    %reduce_sum3A_501 = vector.multi_reduction <add>, %mul3A_499, %reduce_sum3A_500 [0] : vector<3x256xf32> to vector<256xf32>
    %broadcast_in_dim3A_502 = vector.shape_cast %reduce_sum3A_501 : vector<256xf32> to vector<1x256xf32>
    %sqrt3A_503 = math.sqrt %broadcast_in_dim3A_502 : vector<1x256xf32>
    %slice3A_504 = vector.extract_strided_slice %slice3A_358 {offsets = [6, 0], sizes = [3, 256], strides = [1, 1]} : vector<16x256xf32> to vector<3x256xf32>
    %mul3A_505 = arith.mulf %slice3A_504, %sub3A_498 : vector<3x256xf32>
    %reduce_sum3A_506 = arith.constant dense<0.000000e+00> : vector<256xf32>
    %reduce_sum3A_507 = vector.multi_reduction <add>, %mul3A_505, %reduce_sum3A_506 [0] : vector<3x256xf32> to vector<256xf32>
    %broadcast_in_dim3A_508 = vector.shape_cast %reduce_sum3A_507 : vector<256xf32> to vector<1x256xf32>
    %slice3A_509 = vector.extract_strided_slice %slice3A_358 {offsets = [9, 0], sizes = [3, 256], strides = [1, 1]} : vector<16x256xf32> to vector<3x256xf32>
    %mul3A_510 = arith.mulf %slice3A_509, %sub3A_498 : vector<3x256xf32>
    %reduce_sum3A_511 = arith.constant dense<0.000000e+00> : vector<256xf32>
    %reduce_sum3A_512 = vector.multi_reduction <add>, %mul3A_510, %reduce_sum3A_511 [0] : vector<3x256xf32> to vector<256xf32>
    %broadcast_in_dim3A_513 = vector.shape_cast %reduce_sum3A_512 : vector<256xf32> to vector<1x256xf32>
    %slice3A_514 = vector.extract_strided_slice %slice3A_358 {offsets = [12, 0], sizes = [3, 256], strides = [1, 1]} : vector<16x256xf32> to vector<3x256xf32>
    %mul3A_515 = arith.mulf %slice3A_514, %sub3A_498 : vector<3x256xf32>
    %reduce_sum3A_516 = arith.constant dense<0.000000e+00> : vector<256xf32>
    %reduce_sum3A_517 = vector.multi_reduction <add>, %mul3A_515, %reduce_sum3A_516 [0] : vector<3x256xf32> to vector<256xf32>
    %broadcast_in_dim3A_518 = vector.shape_cast %reduce_sum3A_517 : vector<256xf32> to vector<1x256xf32>
    %concatenate3A_519 = tpu.concatenate %broadcast_in_dim3A_508, %broadcast_in_dim3A_513, %broadcast_in_dim3A_518 in 0 : vector<1x256xf32>, vector<1x256xf32>, vector<1x256xf32> -> vector<3x256xf32>
    %mul3A_520 = arith.mulf %concatenate3A_519, %concatenate3A_519 : vector<3x256xf32>
    %reduce_sum3A_521 = arith.constant dense<0.000000e+00> : vector<256xf32>
    %reduce_sum3A_522 = vector.multi_reduction <add>, %mul3A_520, %reduce_sum3A_521 [0] : vector<3x256xf32> to vector<256xf32>
    %broadcast_in_dim3A_523 = vector.shape_cast %reduce_sum3A_522 : vector<256xf32> to vector<1x256xf32>
    %sqrt3A_524 = math.sqrt %broadcast_in_dim3A_523 : vector<1x256xf32>
    %add3A_525 = arith.constant 1.000000e-10 : f32
    %add3A_526 = vector.broadcast %add3A_525 : f32 to vector<1x256xf32>
    %add3A_527 = arith.addf %sqrt3A_524, %add3A_526 : vector<1x256xf32>
    %div3A_528 = vector.broadcast %add3A_527 : vector<1x256xf32> to vector<3x256xf32>
    %div3A_529 = arith.divf %concatenate3A_519, %div3A_528 : vector<3x256xf32>
    %slice3A_530 = vector.extract_strided_slice %add3A_73 {offsets = [48, 256], sizes = [16, 256], strides = [1, 1]} : vector<64x512xf32> to vector<16x256xf32>
    %slice3A_531 = vector.extract_strided_slice %add3A_83 {offsets = [48, 256], sizes = [16, 256], strides = [1, 1]} : vector<64x512xf32> to vector<16x256xf32>
    %slice3A_532 = vector.extract_strided_slice %add3A_93 {offsets = [48, 256], sizes = [16, 256], strides = [1, 1]} : vector<64x512xf32> to vector<16x256xf32>
    %dot_general3A_533 = arith.constant dense<0.000000e+00> : vector<256x256xf32>
    %dot_general3A_534 = tpu.matmul %slice3A_531, %slice3A_530, %dot_general3A_533 {dimension_numbers = #tpu.dot_dimension_numbers<[0], [0], [1], [1], [0, 1, 1, 1], [], []>, transpose_lhs_hint = false} : vector<16x256xf32>, vector<16x256xf32>, vector<256x256xf32> -> vector<256x256xf32>
    %reduce_max3A_535 = arith.constant dense<0xFF800000> : vector<256xf32>
    %reduce_max3A_536 = vector.multi_reduction <maximumf>, %dot_general3A_534, %reduce_max3A_535 [0] : vector<256x256xf32> to vector<256xf32>
    %broadcast_in_dim3A_537 = vector.shape_cast %reduce_max3A_536 : vector<256xf32> to vector<1x256xf32>
    %sub3A_538 = vector.broadcast %broadcast_in_dim3A_537 : vector<1x256xf32> to vector<256x256xf32>
    %sub3A_539 = arith.subf %dot_general3A_534, %sub3A_538 : vector<256x256xf32>
    %exp3A_540 = math.exp %sub3A_539 : vector<256x256xf32>
    %concatenate3A_541 = tpu.concatenate %slice3A_532, %slice3A_358 in 0 : vector<16x256xf32>, vector<16x256xf32> -> vector<32x256xf32>
    %dot_general3A_542 = arith.constant dense<0.000000e+00> : vector<32x256xf32>
    %dot_general3A_543 = tpu.matmul %concatenate3A_541, %exp3A_540, %dot_general3A_542 {dimension_numbers = #tpu.dot_dimension_numbers<[1], [0], [0], [1], [0, 0, 1, 1], [], []>, transpose_lhs_hint = false} : vector<32x256xf32>, vector<256x256xf32>, vector<32x256xf32> -> vector<32x256xf32>
    %reduce_sum3A_544 = arith.constant dense<0.000000e+00> : vector<256xf32>
    %reduce_sum3A_545 = vector.multi_reduction <add>, %exp3A_540, %reduce_sum3A_544 [0] : vector<256x256xf32> to vector<256xf32>
    %broadcast_in_dim3A_546 = vector.shape_cast %reduce_sum3A_545 : vector<256xf32> to vector<1x256xf32>
    %div3A_547 = arith.constant 1.000000e+00 : f32
    %div3A_548 = vector.broadcast %div3A_547 : f32 to vector<1x256xf32>
    %div3A_549 = arith.divf %div3A_548, %broadcast_in_dim3A_546 : vector<1x256xf32>
    %mul3A_550 = vector.broadcast %div3A_549 : vector<1x256xf32> to vector<32x256xf32>
    %mul3A_551 = arith.mulf %dot_general3A_543, %mul3A_550 : vector<32x256xf32>
    %slice3A_552 = vector.extract_strided_slice %mul3A_551 {offsets = [0, 0], sizes = [16, 256], strides = [1, 1]} : vector<32x256xf32> to vector<16x256xf32>
    %slice3A_553 = vector.extract_strided_slice %mul3A_551 {offsets = [16, 0], sizes = [3, 256], strides = [1, 1]} : vector<32x256xf32> to vector<3x256xf32>
    %slice3A_554 = vector.extract_strided_slice %slice3A_358 {offsets = [3, 0], sizes = [3, 256], strides = [1, 1]} : vector<16x256xf32> to vector<3x256xf32>
    %sub3A_555 = arith.subf %slice3A_553, %slice3A_554 : vector<3x256xf32>
    %mul3A_556 = arith.mulf %sub3A_555, %sub3A_555 : vector<3x256xf32>
    %reduce_sum3A_557 = arith.constant dense<0.000000e+00> : vector<256xf32>
    %reduce_sum3A_558 = vector.multi_reduction <add>, %mul3A_556, %reduce_sum3A_557 [0] : vector<3x256xf32> to vector<256xf32>
    %broadcast_in_dim3A_559 = vector.shape_cast %reduce_sum3A_558 : vector<256xf32> to vector<1x256xf32>
    %sqrt3A_560 = math.sqrt %broadcast_in_dim3A_559 : vector<1x256xf32>
    %slice3A_561 = vector.extract_strided_slice %slice3A_358 {offsets = [6, 0], sizes = [3, 256], strides = [1, 1]} : vector<16x256xf32> to vector<3x256xf32>
    %mul3A_562 = arith.mulf %slice3A_561, %sub3A_555 : vector<3x256xf32>
    %reduce_sum3A_563 = arith.constant dense<0.000000e+00> : vector<256xf32>
    %reduce_sum3A_564 = vector.multi_reduction <add>, %mul3A_562, %reduce_sum3A_563 [0] : vector<3x256xf32> to vector<256xf32>
    %broadcast_in_dim3A_565 = vector.shape_cast %reduce_sum3A_564 : vector<256xf32> to vector<1x256xf32>
    %slice3A_566 = vector.extract_strided_slice %slice3A_358 {offsets = [9, 0], sizes = [3, 256], strides = [1, 1]} : vector<16x256xf32> to vector<3x256xf32>
    %mul3A_567 = arith.mulf %slice3A_566, %sub3A_555 : vector<3x256xf32>
    %reduce_sum3A_568 = arith.constant dense<0.000000e+00> : vector<256xf32>
    %reduce_sum3A_569 = vector.multi_reduction <add>, %mul3A_567, %reduce_sum3A_568 [0] : vector<3x256xf32> to vector<256xf32>
    %broadcast_in_dim3A_570 = vector.shape_cast %reduce_sum3A_569 : vector<256xf32> to vector<1x256xf32>
    %slice3A_571 = vector.extract_strided_slice %slice3A_358 {offsets = [12, 0], sizes = [3, 256], strides = [1, 1]} : vector<16x256xf32> to vector<3x256xf32>
    %mul3A_572 = arith.mulf %slice3A_571, %sub3A_555 : vector<3x256xf32>
    %reduce_sum3A_573 = arith.constant dense<0.000000e+00> : vector<256xf32>
    %reduce_sum3A_574 = vector.multi_reduction <add>, %mul3A_572, %reduce_sum3A_573 [0] : vector<3x256xf32> to vector<256xf32>
    %broadcast_in_dim3A_575 = vector.shape_cast %reduce_sum3A_574 : vector<256xf32> to vector<1x256xf32>
    %concatenate3A_576 = tpu.concatenate %broadcast_in_dim3A_565, %broadcast_in_dim3A_570, %broadcast_in_dim3A_575 in 0 : vector<1x256xf32>, vector<1x256xf32>, vector<1x256xf32> -> vector<3x256xf32>
    %mul3A_577 = arith.mulf %concatenate3A_576, %concatenate3A_576 : vector<3x256xf32>
    %reduce_sum3A_578 = arith.constant dense<0.000000e+00> : vector<256xf32>
    %reduce_sum3A_579 = vector.multi_reduction <add>, %mul3A_577, %reduce_sum3A_578 [0] : vector<3x256xf32> to vector<256xf32>
    %broadcast_in_dim3A_580 = vector.shape_cast %reduce_sum3A_579 : vector<256xf32> to vector<1x256xf32>
    %sqrt3A_581 = math.sqrt %broadcast_in_dim3A_580 : vector<1x256xf32>
    %add3A_582 = arith.constant 1.000000e-10 : f32
    %add3A_583 = vector.broadcast %add3A_582 : f32 to vector<1x256xf32>
    %add3A_584 = arith.addf %sqrt3A_581, %add3A_583 : vector<1x256xf32>
    %div3A_585 = vector.broadcast %add3A_584 : vector<1x256xf32> to vector<3x256xf32>
    %div3A_586 = arith.divf %concatenate3A_576, %div3A_585 : vector<3x256xf32>
    %concatenate3A_587 = tpu.concatenate %slice3A_381, %slice3A_438, %slice3A_495, %slice3A_552 in 0 : vector<16x256xf32>, vector<16x256xf32>, vector<16x256xf32>, vector<16x256xf32> -> vector<64x256xf32>
    %concatenate3A_588 = tpu.concatenate %concatenate3A_405, %concatenate3A_462, %concatenate3A_519, %concatenate3A_576, %sqrt3A_389, %sqrt3A_446, %sqrt3A_503, %sqrt3A_560, %div3A_415, %div3A_472, %div3A_529, %div3A_586 in 0 : vector<3x256xf32>, vector<3x256xf32>, vector<3x256xf32>, vector<3x256xf32>, vector<1x256xf32>, vector<1x256xf32>, vector<1x256xf32>, vector<1x256xf32>, vector<3x256xf32>, vector<3x256xf32>, vector<3x256xf32>, vector<3x256xf32> -> vector<28x256xf32>
    %concatenate3A_589 = tpu.concatenate %concatenate3A_356, %concatenate3A_587 in 1 : vector<64x256xf32>, vector<64x256xf32> -> vector<64x512xf32>
    %concatenate3A_590 = tpu.concatenate %concatenate3A_357, %concatenate3A_588 in 1 : vector<28x256xf32>, vector<28x256xf32> -> vector<28x512xf32>
    %get3A_591 = arith.constant 0 : index
    %get3A_592 = arith.constant 0 : index
    %get3A_593 = vector.load %arg11[%get3A_591, %get3A_592] : memref<128x128xf32, #tpu.memory_space<vmem>>, vector<64x128xf32>
    %dot_general3A_594 = arith.constant dense<0.000000e+00> : vector<512x128xf32>
    %dot_general3A_595 = tpu.matmul %concatenate3A_589, %get3A_593, %dot_general3A_594 {dimension_numbers = #tpu.dot_dimension_numbers<[0], [0], [1], [1], [0, 1, 1, 1], [], []>, transpose_lhs_hint = false} : vector<64x512xf32>, vector<64x128xf32>, vector<512x128xf32> -> vector<512x128xf32>
    %get3A_596 = arith.constant 64 : index
    %get3A_597 = arith.constant 0 : index
    %get3A_598 = vector.load %arg11[%get3A_596, %get3A_597] : memref<128x128xf32, #tpu.memory_space<vmem>>, vector<28x128xf32>
    %dot_general3A_599 = arith.constant dense<0.000000e+00> : vector<512x128xf32>
    %dot_general3A_600 = tpu.matmul %concatenate3A_590, %get3A_598, %dot_general3A_599 {dimension_numbers = #tpu.dot_dimension_numbers<[0], [0], [1], [1], [0, 1, 1, 1], [], []>, transpose_lhs_hint = false} : vector<28x512xf32>, vector<28x128xf32>, vector<512x128xf32> -> vector<512x128xf32>
    %add3A_601 = arith.addf %dot_general3A_595, %dot_general3A_600 : vector<512x128xf32>
    %get3A_602 = arith.constant 0 : index
    %get3A_603 = arith.constant 0 : index
    %get3A_604 = vector.load %arg12[%get3A_602, %get3A_603] : memref<1x128xf32, #tpu.memory_space<vmem>>, vector<1x128xf32>
    %add3A_605 = vector.broadcast %get3A_604 : vector<1x128xf32> to vector<512x128xf32>
    %add3A_606 = arith.addf %add3A_601, %add3A_605 : vector<512x128xf32>
    %add3A_607 = arith.addf %add3A_125, %add3A_606 : vector<512x128xf32>
    %get3A_608 = arith.constant 0 : index
    %get3A_609 = arith.constant 0 : index
    %get3A_610 = vector.load %arg13[%get3A_608, %get3A_609] : memref<1x128xf32, #tpu.memory_space<vmem>>, vector<1x128xf32>
    %get3A_611 = arith.constant 0 : index
    %get3A_612 = arith.constant 0 : index
    %get3A_613 = vector.load %arg14[%get3A_611, %get3A_612] : memref<1x128xf32, #tpu.memory_space<vmem>>, vector<1x128xf32>
    %reduce_sum3A_614 = arith.constant dense<0.000000e+00> : vector<512xf32>
    %reduce_sum3A_615 = vector.multi_reduction <add>, %add3A_607, %reduce_sum3A_614 [1] : vector<512x128xf32> to vector<512xf32>
    %broadcast_in_dim3A_616 = vector.shape_cast %reduce_sum3A_615 : vector<512xf32> to vector<512x1xf32>
    %div3A_617 = arith.constant 1.280000e+02 : f32
    %div3A_618 = vector.broadcast %div3A_617 : f32 to vector<512x1xf32>
    %div3A_619 = arith.divf %broadcast_in_dim3A_616, %div3A_618 : vector<512x1xf32>
    %sub3A_620 = vector.broadcast %div3A_619 : vector<512x1xf32> to vector<512x128xf32>
    %sub3A_621 = arith.subf %add3A_607, %sub3A_620 : vector<512x128xf32>
    %sub3A_622 = vector.broadcast %div3A_619 : vector<512x1xf32> to vector<512x128xf32>
    %sub3A_623 = arith.subf %add3A_607, %sub3A_622 : vector<512x128xf32>
    %mul3A_624 = arith.mulf %sub3A_621, %sub3A_623 : vector<512x128xf32>
    %reduce_sum3A_625 = arith.constant dense<0.000000e+00> : vector<512xf32>
    %reduce_sum3A_626 = vector.multi_reduction <add>, %mul3A_624, %reduce_sum3A_625 [1] : vector<512x128xf32> to vector<512xf32>
    %broadcast_in_dim3A_627 = vector.shape_cast %reduce_sum3A_626 : vector<512xf32> to vector<512x1xf32>
    %div3A_628 = arith.constant 1.280000e+02 : f32
    %div3A_629 = vector.broadcast %div3A_628 : f32 to vector<512x1xf32>
    %div3A_630 = arith.divf %broadcast_in_dim3A_627, %div3A_629 : vector<512x1xf32>
    %sub3A_631 = vector.broadcast %div3A_619 : vector<512x1xf32> to vector<512x128xf32>
    %sub3A_632 = arith.subf %add3A_607, %sub3A_631 : vector<512x128xf32>
    %add3A_633 = arith.constant 9.99999974E-6 : f32
    %add3A_634 = vector.broadcast %add3A_633 : f32 to vector<512x1xf32>
    %add3A_635 = arith.addf %div3A_630, %add3A_634 : vector<512x1xf32>
    %sqrt3A_636 = math.sqrt %add3A_635 : vector<512x1xf32>
    %div3A_637 = vector.broadcast %sqrt3A_636 : vector<512x1xf32> to vector<512x128xf32>
    %div3A_638 = arith.divf %sub3A_632, %div3A_637 : vector<512x128xf32>
    %mul3A_639 = vector.broadcast %get3A_610 : vector<1x128xf32> to vector<512x128xf32>
    %mul3A_640 = arith.mulf %div3A_638, %mul3A_639 : vector<512x128xf32>
    %add3A_641 = vector.broadcast %get3A_613 : vector<1x128xf32> to vector<512x128xf32>
    %add3A_642 = arith.addf %mul3A_640, %add3A_641 : vector<512x128xf32>
    %add3A_643 = arith.addf %add3A_125, %add3A_642 : vector<512x128xf32>
    %slice3A_644 = vector.extract_strided_slice %add3A_643 {offsets = [0, 0], sizes = [256, 128], strides = [1, 1]} : vector<512x128xf32> to vector<256x128xf32>
    %reduce_sum3A_645 = arith.constant dense<0.000000e+00> : vector<128xf32>
    %reduce_sum3A_646 = vector.multi_reduction <add>, %slice3A_644, %reduce_sum3A_645 [0] : vector<256x128xf32> to vector<128xf32>
    %broadcast_in_dim3A_647 = vector.shape_cast %reduce_sum3A_646 : vector<128xf32> to vector<1x128xf32>
    %div3A_648 = arith.constant 2.560000e+02 : f32
    %div3A_649 = vector.broadcast %div3A_648 : f32 to vector<1x128xf32>
    %div3A_650 = arith.divf %broadcast_in_dim3A_647, %div3A_649 : vector<1x128xf32>
    %slice3A_651 = vector.extract_strided_slice %add3A_643 {offsets = [256, 0], sizes = [256, 128], strides = [1, 1]} : vector<512x128xf32> to vector<256x128xf32>
    %reduce_sum3A_652 = arith.constant dense<0.000000e+00> : vector<128xf32>
    %reduce_sum3A_653 = vector.multi_reduction <add>, %slice3A_651, %reduce_sum3A_652 [0] : vector<256x128xf32> to vector<128xf32>
    %broadcast_in_dim3A_654 = vector.shape_cast %reduce_sum3A_653 : vector<128xf32> to vector<1x128xf32>
    %div3A_655 = arith.constant 2.560000e+02 : f32
    %div3A_656 = vector.broadcast %div3A_655 : f32 to vector<1x128xf32>
    %div3A_657 = arith.divf %broadcast_in_dim3A_654, %div3A_656 : vector<1x128xf32>
    %concatenate3A_658 = tpu.concatenate %div3A_650, %div3A_657 in 0 : vector<1x128xf32>, vector<1x128xf32> -> vector<2x128xf32>
    %broadcast_in_dim3A_659 = vector.shape_cast %concatenate3A_658 : vector<2x128xf32> to vector<2x1x128xf32>
    %swap3A = arith.constant 0 : index
    %swap3A_660 = arith.constant 0 : index
    %swap3A_661 = arith.constant 0 : index
    %swap3A_662 = vector.load %arg16[%swap3A, %swap3A_660, %swap3A_661] : memref<2x1x128xf32, #tpu.memory_space<vmem>>, vector<2x1x128xf32>
    tpu.vector_store %arg16[%swap3A, %swap3A_660, %swap3A_661], %broadcast_in_dim3A_659 {strides = array<i32>} : memref<2x1x128xf32, #tpu.memory_space<vmem>>, vector<2x1x128xf32>,
    return
  }
  func.func @transform_0(%arg0: i32) -> (i32, i32, i32) {
    %c0_i32 = arith.constant 0 : i32
    %c0_i32_0 = arith.constant 0 : i32
    %c0_i32_1 = arith.constant 0 : i32
    return %c0_i32, %arg0, %c0_i32_0 : i32, i32, i32
  }
  func.func @transform_1(%arg0: i32) -> (i32, i32) {
    %c0_i32 = arith.constant 0 : i32
    %c0_i32_0 = arith.constant 0 : i32
    return %arg0, %c0_i32 : i32, i32
  }
  func.func @transform_2(%arg0: i32) -> (i32, i32) {
    %c0_i32 = arith.constant 0 : i32
    %c0_i32_0 = arith.constant 0 : i32
    return %c0_i32, %arg0 : i32, i32
  }
  func.func @transform_3(%arg0: i32) -> (i32, i32) {
    %c0_i32 = arith.constant 0 : i32
    %c0_i32_0 = arith.constant 0 : i32
    %c0_i32_1 = arith.constant 0 : i32
    return %c0_i32, %c0_i32_0 : i32, i32
  }
  func.func @transform_4(%arg0: i32) -> (i32, i32) {
    %c0_i32 = arith.constant 0 : i32
    %c0_i32_0 = arith.constant 0 : i32
    %c0_i32_1 = arith.constant 0 : i32
    return %c0_i32, %c0_i32_0 : i32, i32
  }
  func.func @transform_5(%arg0: i32) -> (i32, i32) {
    %c0_i32 = arith.constant 0 : i32
    %c0_i32_0 = arith.constant 0 : i32
    %c0_i32_1 = arith.constant 0 : i32
    return %c0_i32, %c0_i32_0 : i32, i32
  }
  func.func @transform_6(%arg0: i32) -> (i32, i32) {
    %c0_i32 = arith.constant 0 : i32
    %c0_i32_0 = arith.constant 0 : i32
    %c0_i32_1 = arith.constant 0 : i32
    return %c0_i32, %c0_i32_0 : i32, i32
  }
  func.func @transform_7(%arg0: i32) -> (i32, i32) {
    %c0_i32 = arith.constant 0 : i32
    %c0_i32_0 = arith.constant 0 : i32
    %c0_i32_1 = arith.constant 0 : i32
    return %c0_i32, %c0_i32_0 : i32, i32
  }
  func.func @transform_8(%arg0: i32) -> (i32, i32) {
    %c0_i32 = arith.constant 0 : i32
    %c0_i32_0 = arith.constant 0 : i32
    %c0_i32_1 = arith.constant 0 : i32
    return %c0_i32, %c0_i32_0 : i32, i32
  }
  func.func @transform_9(%arg0: i32) -> (i32, i32) {
    %c0_i32 = arith.constant 0 : i32
    %c0_i32_0 = arith.constant 0 : i32
    %c0_i32_1 = arith.constant 0 : i32
    return %c0_i32, %c0_i32_0 : i32, i32
  }
  func.func @transform_10(%arg0: i32) -> (i32, i32) {
    %c0_i32 = arith.constant 0 : i32
    %c0_i32_0 = arith.constant 0 : i32
    %c0_i32_1 = arith.constant 0 : i32
    return %c0_i32, %c0_i32_0 : i32, i32
  }
  func.func @transform_11(%arg0: i32) -> (i32, i32) {
    %c0_i32 = arith.constant 0 : i32
    %c0_i32_0 = arith.constant 0 : i32
    %c0_i32_1 = arith.constant 0 : i32
    return %c0_i32, %c0_i32_0 : i32, i32
  }
  func.func @transform_12(%arg0: i32) -> (i32, i32) {
    %c0_i32 = arith.constant 0 : i32
    %c0_i32_0 = arith.constant 0 : i32
    %c0_i32_1 = arith.constant 0 : i32
    return %c0_i32, %c0_i32_0 : i32, i32
  }
  func.func @transform_13(%arg0: i32) -> (i32, i32) {
    %c0_i32 = arith.constant 0 : i32
    %c0_i32_0 = arith.constant 0 : i32
    %c0_i32_1 = arith.constant 0 : i32
    return %c0_i32, %c0_i32_0 : i32, i32
  }
  func.func @transform_14(%arg0: i32) -> (i32, i32) {
    %c0_i32 = arith.constant 0 : i32
    %c0_i32_0 = arith.constant 0 : i32
    %c0_i32_1 = arith.constant 0 : i32
    return %c0_i32, %c0_i32_0 : i32, i32
  }
  func.func @transform_15(%arg0: i32) -> (i32, i32, i32) {
    %c0_i32 = arith.constant 0 : i32
    %c0_i32_0 = arith.constant 0 : i32
    %c0_i32_1 = arith.constant 0 : i32
    return %arg0, %c0_i32, %c0_i32_0 : i32, i32, i32
  }
}

module attributes {stable_mosaic.version = 14 : i64} {
  func.func @_head_body(%arg0: memref<64x128xf32, #tpu.memory_space<vmem>>, %arg1: memref<128x1024xf32, #tpu.memory_space<vmem>>, %arg2: memref<1x1024xf32, #tpu.memory_space<vmem>>, %arg3: memref<1024x128xf32, #tpu.memory_space<vmem>>, %arg4: memref<1x128xf32, #tpu.memory_space<vmem>>, %arg5: memref<64x128xf32, #tpu.memory_space<vmem>>) attributes {dimension_semantics = [], scalar_prefetch = 0 : i64, scratch_operands = 0 : i64, tpu.core_type = #tpu.core_type<tc>} {
    %get3A = arith.constant 0 : index
    %get3A_0 = arith.constant 0 : index
    %get3A_1 = vector.load %arg0[%get3A, %get3A_0] : memref<64x128xf32, #tpu.memory_space<vmem>>, vector<64x128xf32>
    %get3A_2 = arith.constant 0 : index
    %get3A_3 = arith.constant 0 : index
    %get3A_4 = vector.load %arg1[%get3A_2, %get3A_3] : memref<128x1024xf32, #tpu.memory_space<vmem>>, vector<128x1024xf32>
    %dot_general3A = arith.constant dense<0.000000e+00> : vector<64x1024xf32>
    %dot_general3A_5 = tpu.matmul %get3A_1, %get3A_4, %dot_general3A {dimension_numbers = #tpu.dot_dimension_numbers<[1], [0], [0], [1], [0, 0, 1, 1], [], []>, transpose_lhs_hint = false} : vector<64x128xf32>, vector<128x1024xf32>, vector<64x1024xf32> -> vector<64x1024xf32>
    %get3A_6 = arith.constant 0 : index
    %get3A_7 = arith.constant 0 : index
    %get3A_8 = vector.load %arg2[%get3A_6, %get3A_7] : memref<1x1024xf32, #tpu.memory_space<vmem>>, vector<1x1024xf32>
    %add3A = vector.broadcast %get3A_8 : vector<1x1024xf32> to vector<64x1024xf32>
    %add3A_9 = arith.addf %dot_general3A_5, %add3A : vector<64x1024xf32>
    %max3A = arith.constant 0.000000e+00 : f32
    %max3A_10 = vector.broadcast %max3A : f32 to vector<64x1024xf32>
    %max3A_11 = arith.maximumf %add3A_9, %max3A_10 : vector<64x1024xf32>
    %get3A_12 = arith.constant 0 : index
    %get3A_13 = arith.constant 0 : index
    %get3A_14 = vector.load %arg3[%get3A_12, %get3A_13] : memref<1024x128xf32, #tpu.memory_space<vmem>>, vector<1024x128xf32>
    %dot_general3A_15 = arith.constant dense<0.000000e+00> : vector<64x128xf32>
    %dot_general3A_16 = tpu.matmul %max3A_11, %get3A_14, %dot_general3A_15 {dimension_numbers = #tpu.dot_dimension_numbers<[1], [0], [0], [1], [0, 0, 1, 1], [], []>, transpose_lhs_hint = false} : vector<64x1024xf32>, vector<1024x128xf32>, vector<64x128xf32> -> vector<64x128xf32>
    %get3A_17 = arith.constant 0 : index
    %get3A_18 = arith.constant 0 : index
    %get3A_19 = vector.load %arg4[%get3A_17, %get3A_18] : memref<1x128xf32, #tpu.memory_space<vmem>>, vector<1x128xf32>
    %add3A_20 = vector.broadcast %get3A_19 : vector<1x128xf32> to vector<64x128xf32>
    %add3A_21 = arith.addf %dot_general3A_16, %add3A_20 : vector<64x128xf32>
    %swap3A = arith.constant 0 : index
    %swap3A_22 = arith.constant 0 : index
    %swap3A_23 = vector.load %arg5[%swap3A, %swap3A_22] : memref<64x128xf32, #tpu.memory_space<vmem>>, vector<64x128xf32>
    tpu.vector_store %arg5[%swap3A, %swap3A_22], %add3A_21 {strides = array<i32>} : memref<64x128xf32, #tpu.memory_space<vmem>>, vector<64x128xf32>,
    return
  }
}

</mosaic_0001>

<sc_bundles>
// kernel: kernel.12.cloned.1.call-start
scs
__scs_entry_jumppad:
0x0: {  	(pc) =	sbr.rel $0x88, $3  }
0x1: {  	(tag) =	ssettag $0x0;
	lr =	simm.s32 $0x1  }
0x2: {  	[smem:$0x3F81] =	sst lr;
	_ =	strace $0xD0000000  }
0x3: {  	_ = 	snop  }
0x4: {  	_ = 	snop  }
0x5: {  	_ = 	snop  }
0x6: {  	_ = 	snop  }
0x7: {  	_ = 	snop  }
__scs_overlays_trampoline_lowered:
0x8: {  	[smem:$0x3F90] =	sst s0  }
0x9: {  	[smem:$0x3F91] =	sst s1  }
0xa: {  	[smem:$0x3F92] =	sst s2  }
0xb: {  	[smem:$0x3F93] =	sst s3  }
0xc: {  	[smem:$0x3F94] =	sst s4  }
0xd: {  	[smem:$0x3F95] =	sst s5  }
0xe: {  	[smem:$0x3F96] =	sst s6  }
0xf: {  	[smem:$0x3F97] =	sst s7  }
0x10: {  	[smem:$0x3F98] =	sst s8  }
0x11: {  	[smem:$0x3F99] =	sst s9;
	s0 =	simm.s32 @!p0 $0x0  }
0x12: {  	s1 =	sld [smem:$0x3F7F];
	s0 =	simm.s32 @p0 $0x1  }
0x13: {  	[smem:$0x3F9A] =	sst s0;
	s0 =	simm.s32 @!p1 $0x0  }
0x14: {  	s2 =	sld [smem:$0x3F7E];
	s0 =	simm.s32 @p1 $0x1  }
0x15: {  	[smem:$0x3F9B] =	sst s0;
	s0 =	simm.s32 @!p2 $0x0  }
0x16: {  	s3 =	sld [smem:$0x3FDB];
	s0 =	simm.s32 @p2 $0x1  }
0x17: {  	s4 =	simm.s32 $0x1BF5;
	[smem:$0x3F9D] =	sst s0  }
0x18: {  	s0 =	sld [smem:$0x3F80];
	_ =	swait.ge [sflag:s4], $0x0  }
0x19: {  	s7 =	sld [smem:$0x3F81]  }
0x1a: {  	s8 =	sadd.s32 $0xFFFFE003, lr  }
0x1b: {  	s9 =	sadd.s32 $0xFFFFFEF7, lr;
	s5 =	simm.s32 $0xFFFFFFFF;
	p2 =	slt.u32 s8, $0xFFFFF086  }
0x1c: {  	p1 =	slt.u32 s9, $0xF7A;
	s5 =	simm.s32 @!p2 $0x0  }
0x1d: {  	s5 =	simm.s32 @p1 $0x1;
	p0 =	seq.s32 s7, s2  }
0x1e: {  	s7 =	smul.u32 @!p0 $0xF7A, s2;
	p2 =	seq.s32 @!p0 s5, $0x0  }
0x1f: {  	s9 =	smul.u32 $0xF7A, s1;
	s8 =	simm.s32 @!p0 $0x1BF5;
	p2 =	por !p2, p0  }
0x20: {  	[sflag:s8] =	ssyncset.s32 @!p0 $0xFFFFF086;
	s6 =	sadd.s32 @!p0 s3, s7;
	s7 =	simm.s32 @!p0 $0x108  }
0x21: {  	s3 =	sadd.s32 s3, s9;
	s6 =	sadd.s32 @!p0 $0x88, s6;
	s7 =	simm.s32 @p2 $0x1082  }
0x22: {  	[simem:s7], [sflag:s8] =	dma.local @!p0 [hbm:s6], $0xF7A  }
0x23: {  	s9 =	sor.u32 $0xD0000000, s2;
	s6 =	simm.s32 $0x108;
	_ =	swait.ge @!p0 [sflag:s8], $0x0  }
0x24: {  	s3 =	sadd.s32 $0x88, s3;
	s6 =	simm.s32 @!p1 $0x1082;
	[sflag:s4] =	ssyncset.s32 $0xFFFFF086  }
0x25: {  	[simem:s6], [sflag:s4] =	dma.local [hbm:s3], $0xF7A  }
0x26: {  	[smem:$0x3F81] =	sst s1;
	(tag) =	ssettag s2;
	_ =	strace s9  }
0x27: {  	s1 =	sld [smem:$0x3F91]  }
0x28: {  	s2 =	sld [smem:$0x3F92]  }
0x29: {  	s4 =	sld [smem:$0x3F94]  }
0x2a: {  	p0 =	seq.s32 s5, $0x0;
	s5 =	sld [smem:$0x3F95]  }
0x2b: {  	s6 =	sld [smem:$0x3F96]  }
0x2c: {  	s7 =	sld [smem:$0x3F97]  }
0x2d: {  	s3 =	simm.s32 $0x108;
	s8 =	sld [smem:$0x3F98]  }
0x2e: {  	s3 =	simm.s32 @!p0 $0x1082;
	s9 =	sld [smem:$0x3F99]  }
0x2f: {  	lr =	sadd.s32 s0, s3;
	s0 =	sld [smem:$0x3F90]  }
0x30: {  	s3 =	sld [smem:$0x3F93]  }
0x31: {  	[smem:$0x3F9C] =	sst s10  }
0x32: {  	s10 =	sld [smem:$0x3F9A];
	_ =	sdelay $0x3  }
0x33: {  	p0 =	seq.s32 s10, $0x1;
	s10 =	sld [smem:$0x3F9C];
	_ =	sdelay $0x3  }
0x34: {  	[smem:$0x3F9C] =	sst s10  }
0x35: {  	s10 =	sld [smem:$0x3F9B];
	_ =	sdelay $0x3  }
0x36: {  	p1 =	seq.s32 s10, $0x1;
	s10 =	sld [smem:$0x3F9C];
	_ =	sdelay $0x3  }
0x37: {  	[smem:$0x3F9C] =	sst s10  }
0x38: {  	s10 =	sld [smem:$0x3F9D]  }
0x39: {  	_ = 	snop;
	(pc) =	sbr.ind lr, $3  }
0x3a: {  	_ = 	snop  }
0x3b: {  	_ = 	snop  }
0x3c: {  	p2 =	seq.s32 s10, $0x1;
	s10 =	sld [smem:$0x3F9C]  }
0x3d: {  	_ =	shalt  }
0x3e: {  	_ =	shalt  }
0x3f: {  	_ =	shalt  }
0x40: {  	_ =	shalt  }
0x41: {  	_ =	shalt  }
0x42: {  	_ =	shalt  }
0x43: {  	_ =	shalt  }
0x44: {  	_ =	shalt  }
0x45: {  	_ =	shalt  }
0x46: {  	_ =	shalt  }
0x47: {  	_ =	shalt  }
0x48: {  	_ =	shalt  }
0x49: {  	_ =	shalt  }
0x4a: {  	_ =	shalt  }
0x4b: {  	_ =	shalt  }
0x4c: {  	_ =	shalt  }
0x4d: {  	_ =	shalt  }
0x4e: {  	_ =	shalt  }
0x4f: {  	_ =	shalt  }
0x50: {  	_ =	shalt  }
0x51: {  	_ =	shalt  }
0x52: {  	_ =	shalt  }
0x53: {  	_ =	shalt  }
0x54: {  	_ =	shalt  }
0x55: {  	_ =	shalt  }
0x56: {  	_ =	shalt  }
0x57: {  	_ =	shalt  }
0x58: {  	_ =	shalt  }
0x59: {  	_ =	shalt  }
0x5a: {  	_ =	shalt  }
0x5b: {  	_ =	shalt  }
0x5c: {  	_ =	shalt  }
0x5d: {  	_ =	shalt  }
0x5e: {  	_ =	shalt  }
0x5f: {  	_ =	shalt  }
0x60: {  	_ =	shalt  }
0x61: {  	_ =	shalt  }
0x62: {  	_ =	shalt  }
0x63: {  	_ =	shalt  }
0x64: {  	_ =	shalt  }
0x65: {  	_ =	shalt  }
0x66: {  	_ =	shalt  }
0x67: {  	_ =	shalt  }
0x68: {  	_ =	shalt  }
0x69: {  	_ =	shalt  }
0x6a: {  	_ =	shalt  }
0x6b: {  	_ =	shalt  }
0x6c: {  	_ =	shalt  }
0x6d: {  	_ =	shalt  }
0x6e: {  	_ =	shalt  }
0x6f: {  	_ =	shalt  }
0x70: {  	_ =	shalt  }
0x71: {  	_ =	shalt  }
0x72: {  	_ =	shalt  }
0x73: {  	_ =	shalt  }
0x74: {  	_ =	shalt  }
0x75: {  	_ =	shalt  }
0x76: {  	_ =	shalt  }
0x77: {  	_ =	shalt  }
0x78: {  	_ =	shalt  }
0x79: {  	_ =	shalt  }
0x7a: {  	_ =	shalt  }
0x7b: {  	_ =	shalt  }
0x7c: {  	_ =	shalt  }
0x7d: {  	_ =	shalt  }
0x7e: {  	_ =	shalt  }
0x7f: {  	_ =	shalt  }
0x80: {  	_ =	shalt  }
0x81: {  	_ =	shalt  }
0x82: {  	_ =	shalt  }
0x83: {  	_ =	shalt  }
0x84: {  	_ =	shalt  }
0x85: {  	_ =	shalt  }
0x86: {  	_ =	shalt  }
0x87: {  	_ =	shalt  }
.Lfunc_end0:
.L_simem_size_0:
called_computation.1_lowered:
.L_overlay_start_0:
0x88: {  	s2 =	sld [smem:$0x3FD9]  }
0x89: {  	s3 =	sld [smem:$0x3FFE];
	_ =	sdelay $0x1  }
0x8a: {  	s1 =	srdreg.scid  }
0x8b: {  	s0 =	sand.u32 $0x1, s1  }
0x8c: {  	s16 =	sshll.u32 s0, $0xA;
	s2 =	sadd.s32 s3, s2  }
0x8d: {  	s2 =	sadd.s32 s2, s16  }
0x8e: {  	[smem:$0x3FA8] =	sst s2  }
0x8f: {  	_ = 	snop  }
0x90: {  	(tm) =	ssettm $0x1  }
0x91: {  	s17 =	sld [smem:$0x3FFB];
	_ =	sdelay $0x3  }
0x92: {  	_ =	strace s17  }
0x93: {  	s2 =	sld [smem:$0x3FFC];
	_ =	sdelay $0x3  }
0x94: {  	_ =	strace s2  }
0x95: {  	s2 =	sld [smem:$0x3FFD];
	_ =	sdelay $0x3  }
0x96: {  	_ =	strace s2  }
0x97: {  	_ =	strace $0x8FFFFFFF  }
0x98: {  	s18 =	sld [smem:$0x3FDB];
	_ =	sdelay $0x1  }
0x99: {  	s19 =	simm.s32 $_scs_section_size  }
0x9a: {  	s4 =	simm.s32 $_size__tile_overlayer_lowered;
	s5 =	simm.s32 $_tile_overlayer_lowered  }
0x9b: {  	s22 =	simm.s32 $0x1BFF;
	s21 =	sshll.u32 s5, $0x1;
	s2 =	sadd.s32 s19, s18  }
0x9c: {  	s6 =	simm.s32 $0x0;
	s20 =	sshll.u32 s4, $0x1;
	s4 =	sadd.s32 s21, s2  }
0x9d: {  	[timem:s6], [sflag:s22] =	dma.local [hbm:s4], s20  }
0x9e: {  	_ =	swait.ge [sflag:s22], s20  }
0x9f: {  	s3 =	ssub.s32 $0x0, s20;
	[sflag:s22] =	ssyncset.done $0x0  }
0xa0: {  	[sflag:s22] =	ssyncadd.s32 s3;
	_ =	sdelay $0x1  }
0xa1: {  	s23 =	simm.s32 $0x1B8B  }
0xa2: {  	_ =	swait.ge [sflag:s23], $0x1  }
0xa3: {  	[sflag:s23] =	ssyncset.done $0x0  }
0xa4: {  	s25 =	simm.s32 $0x1B8E;
	s24 =	sld [smem:$0x3FFE];
	[sflag:s23] =	ssyncadd.s32 $0xFFFFFFFF  }
0xa5: {  	s26 =	simm.s32 $execute0_lowered;
	[smem:$0x3FD2] =	sst s25  }
0xa6: {  	s4 =	sshll.u32 s26, $0x1;
	_ =	strace $0x80000049;
	[dreg:$0x1] =	wrdreg $0xFFFFFFFF  }
0xa7: {  	s28 =	simm.s32 $_size_execute0_lowered;
	s2 =	sadd.s32 s2, s4;
	[dreg:$0x0] =	wrdreg $0x0  }
0xa8: {  	s4 =	sshll.u32 s28, $0x1;
	[dreg:$0x2] =	wrdreg s2  }
0xa9: {  	[dreg:$0x3] =	wrdreg s4  }
0xaa: {  	[dreg:$0x4] =	wrdreg $0xC0  }
0xab: {  	_ =	task [dreg:s6], $0x5FFFF  }
0xac: {  	[dreg:$0x1] =	wrdreg $0xFFFFFFFF  }
0xad: {  	[dreg:$0x0] =	wrdreg $0x60  }
0xae: {  	[dreg:$0x2] =	wrdreg s24  }
0xaf: {  	[dreg:$0x3] =	wrdreg $0x180000  }
0xb0: {  	[dreg:$0x4] =	wrdreg $0x9  }
0xb1: {  	_ =	task.clear_ibuf [dreg:s6], $0x5FFFF;
	_ =	strace $0x90000049  }
0xb2: {  	s29 =	simm.s32 $0x9;
	_ =	strace $0x8000004B  }
0xb3: {  	_ =	swait.ge [sflag:s29], $0x1  }
0xb4: {  	[sflag:s29] =	ssyncadd.s32 $0xFFFFFFFF  }
0xb5: {  	_ =	strace $0x9000004B  }
0xb6: {  	_ =	sfence  }
0xb7: {  	s30 =	sld [smem:$0x0];
	_ =	sdelay $0x2  }
0xb8: {  	s31 =	sshll.u32 s1, $0xD;
	s1 =	sshrl.u32 s1, $0x2  }
0xb9: {  	s3 =	sand.u32 $0x4000, s31;
	s1 =	sadd.s32 s1, s30  }
0xba: {  	s0 =	sor.u32 s3, s0;
	s1 =	sshll.u32 s1, $0x11  }
0xbb: {  	s0 =	sor.u32 s1, s0  }
0xbc: {  	s0 =	sadd.s32 $0x8F2B, s0  }
0xbd: {  	[sflag:s0] =	ssyncadd.remote.s32 $0x1  }
0xbe: {  	_ =	sfence.sel $0xFFFF  }
0xbf: {  	[dreg:$0x0] =	wrdreg $0xFFFFFFFF;
	(pc) =	sbr.abs _section_cstart, $3  }
0xc0: {  	[dreg:$0x1] =	wrdreg $0xFFFFFFFF  }
0xc1: {  	_ =	task.clear_ibuf [dreg:s6], $0x2FFFF;
	_ =	strace $0x9FFFFFFF  }
0xc2: {  	(tm) =	ssettm $0x7FFFFFFF  }
0xc3: {  	_ =	shalt  }
tec
execute0_lowered:
.L_overlay_start_1:
0x0: {  	(tag) =	ssettag $0x1  }
0x1: {  	s0 =	rddreg [dreg:$0x0]  }
0x2: {  	s1 =	rddreg [dreg:$0x1];
	s2 =	simm.s32 $0x0;
	s18 =	srdreg.scid  }
0x3: {  	s3 =	stileid.u32;
	s14 =	simm.s32 $0x11;
	s17 =	simm.s32 $0x80  }
0x4: {  	s28 =	simm.s32 $0x15000;
	s29 =	simm.s32 $0x3;
	s30 =	simm.s32 $0x16000  }
0x5: {  	s31 =	simm.s32 $0x4;
	s13 =	simm.s32 $0x9;
	s10 =	simm.s32 $0xC  }
0x6: {  	[smem:$0x7FF] =	sst s2;
	s2 =	sand.u32 $0x1, s18;
	s4 =	sadd.s32 $0x55400, s0  }
0x7: {  	s5 =	sshll.u32 s3, $0xC;
	s7 =	sadd.s32 $0x15400, s0;
	s19 =	sshll.u32 s3, $0xF  }
0x8: {  	s26 =	sshll.u32 s3, $0x6;
	s18 =	simm.s32 $0x10000;
	_ =	strace $0x8000004A  }
0x9: {  	s6 =	ssub.s32 $0x2, s2;
	s8 =	sadd.s32 s5, s0;
	s0 =	sadd.s32 $0x95400, s0  }
0xa: {  	s2 =	sshll.u32 s2, $0x11;
	s15 =	sor.u32 $0x1C11, s26;
	s26 =	simm.s32 $0x2  }
0xb: {  	s9 =	sshrl.u32 s6, $0x1;
	s8 =	sadd.s32 $0x5400, s8;
	s2 =	sor.u32 s5, s2  }
0xc: {  	s5 =	sadd.s32 s19, s1;
	s19 =	simm.s32 $0x11000;
	[dreg:$0xb] =	wrdreg s15  }
0xd: {  	s6 =	ssub.s32 s6, s9;
	[dreg:$0x3] =	wrdreg s8;
	s20 =	sadd.s32 s7, s2  }
0xe: {  	s21 =	sor.u32 $0x10000, s2;
	s22 =	sadd.s32 s4, s2;
	s2 =	sadd.s32 s0, s2  }
0xf: {  	s16 =	sshrl.u32 s5, $0x3;
	s5 =	simm.s32 $0x6;
	[dreg:$0x4] =	wrdreg s20  }
0x10: {  	s8 =	simm.s32 $0xB;
	s9 =	simm.s32 $0x8;
	[dreg:$0x5] =	wrdreg s22  }
0x11: {  	[dreg:$0x6] =	wrdreg s2;
	s23 =	sadd.s32 s7, s21;
	s24 =	sadd.s32 s4, s21  }
0x12: {  	s0 =	sadd.s32 s0, s21;
	s25 =	smax.u32 s6, $0x1;
	[dreg:$0x7] =	wrdreg s23  }
0x13: {  	s21 =	simm.s32 $0x12000;
	s2 =	simm.s32 $0x5;
	[dreg:$0x8] =	wrdreg s24  }
0x14: {  	s6 =	simm.s32 $0xA;
	s7 =	simm.s32 $0x7;
	[dreg:$0x9] =	wrdreg s0  }
0x15: {  	s20 =	simm.s32 $0x0;
	[dreg:$0xa] =	wrdreg s25;
	s23 =	simm.s32 $0x13000  }
0x16: {  	s24 =	simm.s32 $0x1;
	s25 =	simm.s32 $0x14000;
	s0 =	simm.s32 $0x17000  }
.LBB2_1:
0x17: {  	s3 =	simm.s32 $0x0;
	s11 =	rddreg [dreg:$0x3];
	s12 =	simm.s32 $0x8000  }
0x18: {  	[tilespmem:s12], [sflag:$0x11] =	stream.linear.gather [hbm4b:s11+s3], $0x8000, $0x38;
	v63 =	vld [tilespmem:$0x0]  }
0x19: {  	_ =	swait.ge [sflag:s14], $0x8000  }
0x1a: {  	[sflag:s14] =	ssyncset.done $0x0  }
0x1b: {  	s22 =	rddreg [dreg:$0x4];
	[sflag:s14] =	ssyncadd.s32 $0xFFFF8000  }
0x1c: {  	[tilespmem:s3], [sflag:$0x11] =	stream.linear.gather [hbm4b:s22+s3], $0x8000, $0x38;
	v63 =	vld [tilespmem:$0x0]  }
0x1d: {  	_ =	swait.ge [sflag:s14], $0x8000  }
0x1e: {  	[sflag:s14] =	ssyncset.done $0x0  }
0x1f: {  	s12 =	rddreg [dreg:$0x5];
	[sflag:s14] =	ssyncadd.s32 $0xFFFF8000  }
0x20: {  	[spmem:s16], [sflag:s15] =	dma.local [hbm:s12], $0x1000  }
0x21: {  	_ =	swait.ge [sflag:s14], $0x1000  }
0x22: {  	[sflag:s14] =	ssyncset.done $0x0  }
0x23: {  	[sflag:s14] =	ssyncadd.s32 $0xFFFFF000  }
0x24: {  	[bflag:$0x0] =	sbarrier.arrive $0xFFFF  }
0x25: {  	[tilespmem:s18], [sflag:$0x1] =	stream.indirect.gather [hbm4b:s4+s17], $0x20, s3, s17, $0xb8;
	v63 =	vld [tilespmem:$0x0]  }
0x26: {  	_ = 	snop  }
0x27: {  	[tilespmem:s19], [sflag:$0x2] =	stream.indirect.gather [hbm4b:s4+s17], $0x20, s17, s17, $0xb8;
	v63 =	vld [tilespmem:$0x0]  }
0x28: {  	s22 =	simm.s32 $0x100  }
0x29: {  	[tilespmem:s21], [sflag:$0x3] =	stream.indirect.gather [hbm4b:s4+s17], $0x20, s22, s17, $0xb8;
	v63 =	vld [tilespmem:$0x0]  }
0x2a: {  	s12 =	simm.s32 $0x180  }
0x2b: {  	[tilespmem:s23], [sflag:$0x4] =	stream.indirect.gather [hbm4b:s4+s17], $0x20, s12, s17, $0xb8;
	v63 =	vld [tilespmem:$0x0]  }
0x2c: {  	_ =	swait.ge [sflag:s24], $0x1000  }
0x2d: {  	p0 =	por $0x1, $0x1;
	[sflag:s24] =	ssyncset.done $0x0  }
0x2e: {  	s15 =	simm.s32 $0x8000;
	s12 =	simm.s32 @!p0 $0xD;
	[sflag:s24] =	ssyncadd.s32 $0xFFFFF000  }
0x2f: {  	[spmem:s1] =	stream.indirect.scatter.add.f32 [tilespmem:s18], [sflag:$0x9], $0x20, s15, s17, $0xb8;
	v63 =	vld [tilespmem:$0x0]  }
0x30: {  	_ =	swait.ge @!p0 [sflag:s12], $0x1000  }
0x31: {  	[sflag:s12] =	ssyncset.done @!p0 $0x0  }
0x32: {  	s22 =	simm.s32 $0x200;
	[sflag:s12] =	ssyncadd.s32 @!p0 $0xFFFFF000  }
0x33: {  	[tilespmem:s25], [sflag:$0x5] =	stream.indirect.gather [hbm4b:s4+s17], $0x20, s22, s17, $0xb8;
	v63 =	vld [tilespmem:$0x0]  }
0x34: {  	_ =	swait.ge [sflag:s26], $0x1000  }
0x35: {  	[sflag:s26] =	ssyncset.done $0x0  }
0x36: {  	s15 =	simm.s32 $0x8080;
	s12 =	simm.s32 @!p0 $0xE;
	[sflag:s26] =	ssyncadd.s32 $0xFFFFF000  }
0x37: {  	[spmem:s1] =	stream.indirect.scatter.add.f32 [tilespmem:s19], [sflag:$0xA], $0x20, s15, s17, $0xb8;
	v63 =	vld [tilespmem:$0x0]  }
0x38: {  	_ =	swait.ge @!p0 [sflag:s12], $0x1000  }
0x39: {  	[sflag:s12] =	ssyncset.done @!p0 $0x0  }
0x3a: {  	s22 =	simm.s32 $0x280;
	[sflag:s12] =	ssyncadd.s32 @!p0 $0xFFFFF000  }
0x3b: {  	[tilespmem:s28], [sflag:$0x6] =	stream.indirect.gather [hbm4b:s4+s17], $0x20, s22, s17, $0xb8;
	v63 =	vld [tilespmem:$0x0]  }
0x3c: {  	_ =	swait.ge [sflag:s29], $0x1000  }
0x3d: {  	[sflag:s29] =	ssyncset.done $0x0  }
0x3e: {  	s15 =	simm.s32 $0x8100;
	s12 =	simm.s32 @!p0 $0xF;
	[sflag:s29] =	ssyncadd.s32 $0xFFFFF000  }
0x3f: {  	[spmem:s1] =	stream.indirect.scatter.add.f32 [tilespmem:s21], [sflag:$0xB], $0x20, s15, s17, $0xb8;
	v63 =	vld [tilespmem:$0x0]  }
0x40: {  	_ =	swait.ge @!p0 [sflag:s12], $0x1000  }
0x41: {  	[sflag:s12] =	ssyncset.done @!p0 $0x0  }
0x42: {  	s22 =	simm.s32 $0x300;
	[sflag:s12] =	ssyncadd.s32 @!p0 $0xFFFFF000  }
0x43: {  	[tilespmem:s30], [sflag:$0x7] =	stream.indirect.gather [hbm4b:s4+s17], $0x20, s22, s17, $0xb8;
	v63 =	vld [tilespmem:$0x0]  }
0x44: {  	_ =	swait.ge [sflag:s31], $0x1000  }
0x45: {  	[sflag:s31] =	ssyncset.done $0x0  }
0x46: {  	s15 =	simm.s32 $0x8180;
	s12 =	simm.s32 @!p0 $0x10;
	[sflag:s31] =	ssyncadd.s32 $0xFFFFF000  }
0x47: {  	[spmem:s1] =	stream.indirect.scatter.add.f32 [tilespmem:s23], [sflag:$0xC], $0x20, s15, s17, $0xb8;
	v63 =	vld [tilespmem:$0x0]  }
0x48: {  	_ =	swait.ge @!p0 [sflag:s12], $0x1000  }
0x49: {  	[sflag:s12] =	ssyncset.done @!p0 $0x0  }
0x4a: {  	s22 =	simm.s32 $0x380;
	[sflag:s12] =	ssyncadd.s32 @!p0 $0xFFFFF000  }
0x4b: {  	[tilespmem:s0], [sflag:$0x8] =	stream.indirect.gather [hbm4b:s4+s17], $0x20, s22, s17, $0xb8;
	v63 =	vld [tilespmem:$0x0]  }
0x4c: {  	_ =	swait.ge [sflag:s2], $0x1000  }
0x4d: {  	[sflag:s2] =	ssyncset.done $0x0  }
0x4e: {  	s15 =	simm.s32 $0x8200;
	[sflag:s2] =	ssyncadd.s32 $0xFFFFF000  }
0x4f: {  	[spmem:s1] =	stream.indirect.scatter.add.f32 [tilespmem:s25], [sflag:$0xD], $0x20, s15, s17, $0xb8;
	v63 =	vld [tilespmem:$0x0]  }
0x50: {  	s22 =	smin.u32 s3, $0xF7;
	_ =	swait.ge [sflag:s13], $0x1000  }
0x51: {  	s11 =	sshll.u32 s22, $0x7;
	[sflag:s13] =	ssyncset.done $0x0  }
0x52: {  	s11 =	sadd.s32 $0x400, s11;
	[sflag:s13] =	ssyncadd.s32 $0xFFFFF000  }
0x53: {  	[tilespmem:s18], [sflag:$0x1] =	stream.indirect.gather [hbm4b:s4+s17], $0x20, s11, s17, $0xb8;
	v63 =	vld [tilespmem:$0x0]  }
0x54: {  	_ =	swait.ge [sflag:s5], $0x1000  }
0x55: {  	[sflag:s5] =	ssyncset.done $0x0  }
0x56: {  	s12 =	simm.s32 $0x8280;
	[sflag:s5] =	ssyncadd.s32 $0xFFFFF000  }
0x57: {  	[spmem:s1] =	stream.indirect.scatter.add.f32 [tilespmem:s28], [sflag:$0xE], $0x20, s12, s17, $0xb8;
	v63 =	vld [tilespmem:$0x0]  }
0x58: {  	s15 =	smin.u32 s3, $0xF6;
	_ =	swait.ge [sflag:s6], $0x1000  }
0x59: {  	s11 =	sshll.u32 s15, $0x7;
	[sflag:s6] =	ssyncset.done $0x0  }
0x5a: {  	s11 =	sadd.s32 $0x480, s11;
	[sflag:s6] =	ssyncadd.s32 $0xFFFFF000  }
0x5b: {  	[tilespmem:s19], [sflag:$0x2] =	stream.indirect.gather [hbm4b:s4+s17], $0x20, s11, s17, $0xb8;
	v63 =	vld [tilespmem:$0x0]  }
0x5c: {  	_ =	swait.ge [sflag:s7], $0x1000  }
0x5d: {  	[sflag:s7] =	ssyncset.done $0x0  }
0x5e: {  	s22 =	simm.s32 $0x8300;
	[sflag:s7] =	ssyncadd.s32 $0xFFFFF000  }
0x5f: {  	[spmem:s1] =	stream.indirect.scatter.add.f32 [tilespmem:s30], [sflag:$0xF], $0x20, s22, s17, $0xb8;
	v63 =	vld [tilespmem:$0x0]  }
0x60: {  	s12 =	smin.u32 s3, $0xF5;
	_ =	swait.ge [sflag:s8], $0x1000  }
0x61: {  	s11 =	sshll.u32 s12, $0x7;
	[sflag:s8] =	ssyncset.done $0x0  }
0x62: {  	s11 =	sadd.s32 $0x500, s11;
	[sflag:s8] =	ssyncadd.s32 $0xFFFFF000  }
0x63: {  	[tilespmem:s21], [sflag:$0x3] =	stream.indirect.gather [hbm4b:s4+s17], $0x20, s11, s17, $0xb8;
	v63 =	vld [tilespmem:$0x0]  }
0x64: {  	_ =	swait.ge [sflag:s9], $0x1000  }
0x65: {  	s22 =	smin.u32 s3, $0xF4;
	[sflag:s9] =	ssyncset.done $0x0  }
0x66: {  	s15 =	simm.s32 $0x8380;
	s12 =	sshll.u32 s22, $0x7;
	[sflag:s9] =	ssyncadd.s32 $0xFFFFF000  }
0x67: {  	[spmem:s1] =	stream.indirect.scatter.add.f32 [tilespmem:s0], [sflag:$0x10], $0x20, s15, s17, $0xb8;
	v63 =	vld [tilespmem:$0x0]  }
0x68: {  	s22 =	sadd.s32 $0x580, s12;
	_ =	swait.ge [sflag:s10], $0x1000  }
0x69: {  	s12 =	simm.s32 $0x0;
	s11 =	simm.s32 $0x1000;
	[sflag:s10] =	ssyncset.done $0x0  }
.LBB2_2:
0x6a: {  	[sflag:s10] =	ssyncadd.s32 $0xFFFFF000  }
0x6b: {  	s12 =	sadd.s32 $0x8, s12;
	s3 =	smov.u32 s11;
	s11 =	sadd.s32 $0x1000, s11  }
0x6c: {  	[tilespmem:s23], [sflag:$0x4] =	stream.indirect.gather [hbm4b:s4+s17], $0x20, s22, s17, $0xb8;
	v63 =	vld [tilespmem:$0x0]  }
0x6d: {  	s22 =	sshra.s32 s3, $0x2;
	p0 =	sne.s32 s11, $0x20000;
	_ =	swait.ge [sflag:s24], $0x1000  }
0x6e: {  	p1 =	seq.s32 s3, $0x0;
	s15 =	sadd.s32 $0x8000, s22;
	[sflag:s24] =	ssyncset.done $0x0  }
0x6f: {  	s3 =	simm.s32 @!p1 $0xD;
	[sflag:s24] =	ssyncadd.s32 $0xFFFFF000  }
0x70: {  	[spmem:s1] =	stream.indirect.scatter.add.f32 [tilespmem:s18], [sflag:$0x9], $0x20, s15, s17, $0xb8;
	v63 =	vld [tilespmem:$0x0]  }
0x71: {  	_ =	swait.ge @!p1 [sflag:s3], $0x1000  }
0x72: {  	s15 =	sadd.s32 $0x200, s22;
	[sflag:s3] =	ssyncset.done @!p1 $0x0  }
0x73: {  	[sflag:s3] =	ssyncadd.s32 @!p1 $0xFFFFF000  }
0x74: {  	[tilespmem:s25], [sflag:$0x5] =	stream.indirect.gather [hbm4b:s4+s17], $0x20, s15, s17, $0xb8;
	v63 =	vld [tilespmem:$0x0]  }
0x75: {  	_ =	swait.ge [sflag:s26], $0x1000  }
0x76: {  	s3 =	sadd.s32 $0x8080, s22;
	[sflag:s26] =	ssyncset.done $0x0  }
0x77: {  	s15 =	simm.s32 @!p1 $0xE;
	[sflag:s26] =	ssyncadd.s32 $0xFFFFF000  }
0x78: {  	[spmem:s1] =	stream.indirect.scatter.add.f32 [tilespmem:s19], [sflag:$0xA], $0x20, s3, s17, $0xb8;
	v63 =	vld [tilespmem:$0x0]  }
0x79: {  	_ =	swait.ge @!p1 [sflag:s15], $0x1000  }
0x7a: {  	s3 =	sadd.s32 $0x280, s22;
	[sflag:s15] =	ssyncset.done @!p1 $0x0  }
0x7b: {  	[sflag:s15] =	ssyncadd.s32 @!p1 $0xFFFFF000  }
0x7c: {  	[tilespmem:s28], [sflag:$0x6] =	stream.indirect.gather [hbm4b:s4+s17], $0x20, s3, s17, $0xb8;
	v63 =	vld [tilespmem:$0x0]  }
0x7d: {  	_ =	swait.ge [sflag:s29], $0x1000  }
0x7e: {  	s3 =	sadd.s32 $0x8100, s22;
	[sflag:s29] =	ssyncset.done $0x0  }
0x7f: {  	s15 =	simm.s32 @!p1 $0xF;
	[sflag:s29] =	ssyncadd.s32 $0xFFFFF000  }
0x80: {  	[spmem:s1] =	stream.indirect.scatter.add.f32 [tilespmem:s21], [sflag:$0xB], $0x20, s3, s17, $0xb8;
	v63 =	vld [tilespmem:$0x0]  }
0x81: {  	_ =	swait.ge @!p1 [sflag:s15], $0x1000  }
0x82: {  	s3 =	sadd.s32 $0x300, s22;
	[sflag:s15] =	ssyncset.done @!p1 $0x0  }
0x83: {  	[sflag:s15] =	ssyncadd.s32 @!p1 $0xFFFFF000  }
0x84: {  	[tilespmem:s30], [sflag:$0x7] =	stream.indirect.gather [hbm4b:s4+s17], $0x20, s3, s17, $0xb8;
	v63 =	vld [tilespmem:$0x0]  }
0x85: {  	_ =	swait.ge [sflag:s31], $0x1000  }
0x86: {  	s3 =	sadd.s32 $0x8180, s22;
	[sflag:s31] =	ssyncset.done $0x0  }
0x87: {  	s15 =	simm.s32 @!p1 $0x10;
	[sflag:s31] =	ssyncadd.s32 $0xFFFFF000  }
0x88: {  	[spmem:s1] =	stream.indirect.scatter.add.f32 [tilespmem:s23], [sflag:$0xC], $0x20, s3, s17, $0xb8;
	v63 =	vld [tilespmem:$0x0]  }
0x89: {  	_ =	swait.ge @!p1 [sflag:s15], $0x1000  }
0x8a: {  	s3 =	sadd.s32 $0x380, s22;
	[sflag:s15] =	ssyncset.done @!p1 $0x0  }
0x8b: {  	[sflag:s15] =	ssyncadd.s32 @!p1 $0xFFFFF000  }
0x8c: {  	[tilespmem:s0], [sflag:$0x8] =	stream.indirect.gather [hbm4b:s4+s17], $0x20, s3, s17, $0xb8;
	v63 =	vld [tilespmem:$0x0]  }
0x8d: {  	_ =	swait.ge [sflag:s2], $0x1000  }
0x8e: {  	s3 =	sadd.s32 $0x8200, s22;
	[sflag:s2] =	ssyncset.done $0x0  }
0x8f: {  	s15 =	smin.u32 s12, $0xF7;
	[sflag:s2] =	ssyncadd.s32 $0xFFFFF000  }
0x90: {  	[spmem:s1] =	stream.indirect.scatter.add.f32 [tilespmem:s25], [sflag:$0xD], $0x20, s3, s17, $0xb8;
	v63 =	vld [tilespmem:$0x0]  }
0x91: {  	s3 =	sshll.u32 s15, $0x7;
	_ =	swait.ge [sflag:s13], $0x1000  }
0x92: {  	s3 =	sadd.s32 $0x400, s3;
	[sflag:s13] =	ssyncset.done $0x0  }
0x93: {  	[sflag:s13] =	ssyncadd.s32 $0xFFFFF000  }
0x94: {  	[tilespmem:s18], [sflag:$0x1] =	stream.indirect.gather [hbm4b:s4+s17], $0x20, s3, s17, $0xb8;
	v63 =	vld [tilespmem:$0x0]  }
0x95: {  	_ =	swait.ge [sflag:s5], $0x1000  }
0x96: {  	s3 =	sadd.s32 $0x8280, s22;
	[sflag:s5] =	ssyncset.done $0x0  }
0x97: {  	s15 =	smin.u32 s12, $0xF6;
	[sflag:s5] =	ssyncadd.s32 $0xFFFFF000  }
0x98: {  	[spmem:s1] =	stream.indirect.scatter.add.f32 [tilespmem:s28], [sflag:$0xE], $0x20, s3, s17, $0xb8;
	v63 =	vld [tilespmem:$0x0]  }
0x99: {  	s3 =	sshll.u32 s15, $0x7;
	_ =	swait.ge [sflag:s6], $0x1000  }
0x9a: {  	s3 =	sadd.s32 $0x480, s3;
	[sflag:s6] =	ssyncset.done $0x0  }
0x9b: {  	[sflag:s6] =	ssyncadd.s32 $0xFFFFF000  }
0x9c: {  	[tilespmem:s19], [sflag:$0x2] =	stream.indirect.gather [hbm4b:s4+s17], $0x20, s3, s17, $0xb8;
	v63 =	vld [tilespmem:$0x0]  }
0x9d: {  	_ =	swait.ge [sflag:s7], $0x1000  }
0x9e: {  	s3 =	sadd.s32 $0x8300, s22;
	[sflag:s7] =	ssyncset.done $0x0  }
0x9f: {  	s15 =	smin.u32 s12, $0xF5;
	[sflag:s7] =	ssyncadd.s32 $0xFFFFF000  }
0xa0: {  	[spmem:s1] =	stream.indirect.scatter.add.f32 [tilespmem:s30], [sflag:$0xF], $0x20, s3, s17, $0xb8;
	v63 =	vld [tilespmem:$0x0]  }
0xa1: {  	s3 =	sshll.u32 s15, $0x7;
	_ =	swait.ge [sflag:s8], $0x1000  }
0xa2: {  	s3 =	sadd.s32 $0x500, s3;
	[sflag:s8] =	ssyncset.done $0x0  }
0xa3: {  	[sflag:s8] =	ssyncadd.s32 $0xFFFFF000  }
0xa4: {  	[tilespmem:s21], [sflag:$0x3] =	stream.indirect.gather [hbm4b:s4+s17], $0x20, s3, s17, $0xb8;
	v63 =	vld [tilespmem:$0x0]  }
0xa5: {  	_ =	swait.ge [sflag:s9], $0x1000  }
.Ltmp0:
0xa6: {  	s3 =	sadd.s32 $0x8380, s22;
	[sflag:s9] =	ssyncset.done $0x0;
	(pc) =	sbr.rel @p0 .LBB2_2-.Ltmp0, $4  }
0xa7: {  	s15 =	smin.u32 s12, $0xF4;
	[sflag:s9] =	ssyncadd.s32 $0xFFFFF000  }
0xa8: {  	[spmem:s1] =	stream.indirect.scatter.add.f32 [tilespmem:s0], [sflag:$0x10], $0x20, s3, s17, $0xb8;
	v63 =	vld [tilespmem:$0x0]  }
0xa9: {  	s3 =	sshll.u32 s15, $0x7;
	_ =	swait.ge [sflag:s10], $0x1000  }
0xaa: {  	s22 =	sadd.s32 $0x580, s3;
	[sflag:s10] =	ssyncset.done $0x0  }
0xab: {  	[sflag:s10] =	ssyncadd.s32 $0xFFFFF000  }
0xac: {  	[tilespmem:s23], [sflag:$0x4] =	stream.indirect.gather [hbm4b:s4+s17], $0x20, s22, s17, $0xb8;
	v63 =	vld [tilespmem:$0x0]  }
0xad: {  	_ =	swait.ge [sflag:s24], $0x1000  }
0xae: {  	[sflag:s24] =	ssyncset.done $0x0  }
0xaf: {  	[sflag:s24] =	ssyncadd.s32 $0xFFFFF000  }
0xb0: {  	_ =	swait.ge [sflag:s26], $0x1000  }
0xb1: {  	[sflag:s26] =	ssyncset.done $0x0  }
0xb2: {  	[sflag:s26] =	ssyncadd.s32 $0xFFFFF000  }
0xb3: {  	_ =	swait.ge [sflag:s29], $0x1000  }
0xb4: {  	[sflag:s29] =	ssyncset.done $0x0  }
0xb5: {  	[sflag:s29] =	ssyncadd.s32 $0xFFFFF000  }
0xb6: {  	_ =	swait.ge [sflag:s31], $0x1000  }
0xb7: {  	[sflag:s31] =	ssyncset.done $0x0  }
0xb8: {  	s3 =	simm.s32 $0xD;
	[sflag:s31] =	ssyncadd.s32 $0xFFFFF000  }
0xb9: {  	_ =	swait.ge [sflag:s3], $0x1000  }
0xba: {  	[sflag:s3] =	ssyncset.done $0x0  }
0xbb: {  	s22 =	simm.s32 $0xE;
	[sflag:s3] =	ssyncadd.s32 $0xFFFFF000  }
0xbc: {  	_ =	swait.ge [sflag:s22], $0x1000  }
0xbd: {  	[sflag:s22] =	ssyncset.done $0x0  }
0xbe: {  	s11 =	simm.s32 $0xF;
	[sflag:s22] =	ssyncadd.s32 $0xFFFFF000  }
0xbf: {  	_ =	swait.ge [sflag:s11], $0x1000  }
0xc0: {  	[sflag:s11] =	ssyncset.done $0x0  }
0xc1: {  	s12 =	simm.s32 $0x10;
	[sflag:s11] =	ssyncadd.s32 $0xFFFFF000  }
0xc2: {  	_ =	swait.ge [sflag:s12], $0x1000  }
0xc3: {  	[sflag:s12] =	ssyncset.done $0x0  }
0xc4: {  	[sflag:s12] =	ssyncadd.s32 $0xFFFFF000  }
0xc5: {  	[bflag:$0x0] =	sbarrier.arrive $0xFFFF  }
0xc6: {  	s15 =	rddreg [dreg:$0x6]  }
0xc7: {  	s12 =	rddreg [dreg:$0xb]  }
0xc8: {  	[hbm:s15], [sflag:s12] =	dma.local [spmem:s16], $0x1000  }
0xc9: {  	_ =	swait.ge [sflag:s14], $0x1000  }
0xca: {  	[sflag:s14] =	ssyncset.done $0x0  }
0xcb: {  	s11 =	simm.s32 $0x0;
	s22 =	rddreg [dreg:$0x7];
	[sflag:s14] =	ssyncadd.s32 $0xFFFFF000  }
0xcc: {  	[tilespmem:s11], [sflag:$0x11] =	stream.linear.gather [hbm4b:s22+s11], $0x8000, $0x38;
	v63 =	vld [tilespmem:$0x0]  }
0xcd: {  	_ =	swait.ge [sflag:s14], $0x8000  }
0xce: {  	[sflag:s14] =	ssyncset.done $0x0  }
0xcf: {  	s15 =	rddreg [dreg:$0x8];
	[sflag:s14] =	ssyncadd.s32 $0xFFFF8000  }
0xd0: {  	[spmem:s16], [sflag:s12] =	dma.local [hbm:s15], $0x1000  }
0xd1: {  	_ =	swait.ge [sflag:s14], $0x1000  }
0xd2: {  	[sflag:s14] =	ssyncset.done $0x0  }
0xd3: {  	[sflag:s14] =	ssyncadd.s32 $0xFFFFF000  }
0xd4: {  	[bflag:$0x0] =	sbarrier.arrive $0xFFFF  }
0xd5: {  	[tilespmem:s18], [sflag:$0x1] =	stream.indirect.gather [hbm4b:s4+s17], $0x20, s11, s17, $0xb8;
	v63 =	vld [tilespmem:$0x0]  }
0xd6: {  	_ = 	snop  }
0xd7: {  	[tilespmem:s19], [sflag:$0x2] =	stream.indirect.gather [hbm4b:s4+s17], $0x20, s17, s17, $0xb8;
	v63 =	vld [tilespmem:$0x0]  }
0xd8: {  	s22 =	simm.s32 $0x100  }
0xd9: {  	[tilespmem:s21], [sflag:$0x3] =	stream.indirect.gather [hbm4b:s4+s17], $0x20, s22, s17, $0xb8;
	v63 =	vld [tilespmem:$0x0]  }
0xda: {  	s12 =	simm.s32 $0x180  }
0xdb: {  	[tilespmem:s23], [sflag:$0x4] =	stream.indirect.gather [hbm4b:s4+s17], $0x20, s12, s17, $0xb8;
	v63 =	vld [tilespmem:$0x0]  }
0xdc: {  	_ =	swait.ge [sflag:s24], $0x1000  }
0xdd: {  	p0 =	por $0x1, $0x1;
	[sflag:s24] =	ssyncset.done $0x0  }
0xde: {  	s15 =	simm.s32 $0x8000;
	s12 =	simm.s32 @!p0 $0xD;
	[sflag:s24] =	ssyncadd.s32 $0xFFFFF000  }
0xdf: {  	[spmem:s1] =	stream.indirect.scatter.add.f32 [tilespmem:s18], [sflag:$0x9], $0x20, s15, s17, $0xb8;
	v63 =	vld [tilespmem:$0x0]  }
0xe0: {  	_ =	swait.ge @!p0 [sflag:s12], $0x1000  }
0xe1: {  	[sflag:s12] =	ssyncset.done @!p0 $0x0  }
0xe2: {  	s22 =	simm.s32 $0x200;
	[sflag:s12] =	ssyncadd.s32 @!p0 $0xFFFFF000  }
0xe3: {  	[tilespmem:s25], [sflag:$0x5] =	stream.indirect.gather [hbm4b:s4+s17], $0x20, s22, s17, $0xb8;
	v63 =	vld [tilespmem:$0x0]  }
0xe4: {  	_ =	swait.ge [sflag:s26], $0x1000  }
0xe5: {  	[sflag:s26] =	ssyncset.done $0x0  }
0xe6: {  	s15 =	simm.s32 $0x8080;
	s12 =	simm.s32 @!p0 $0xE;
	[sflag:s26] =	ssyncadd.s32 $0xFFFFF000  }
0xe7: {  	[spmem:s1] =	stream.indirect.scatter.add.f32 [tilespmem:s19], [sflag:$0xA], $0x20, s15, s17, $0xb8;
	v63 =	vld [tilespmem:$0x0]  }
0xe8: {  	_ =	swait.ge @!p0 [sflag:s12], $0x1000  }
0xe9: {  	[sflag:s12] =	ssyncset.done @!p0 $0x0  }
0xea: {  	s22 =	simm.s32 $0x280;
	[sflag:s12] =	ssyncadd.s32 @!p0 $0xFFFFF000  }
0xeb: {  	[tilespmem:s28], [sflag:$0x6] =	stream.indirect.gather [hbm4b:s4+s17], $0x20, s22, s17, $0xb8;
	v63 =	vld [tilespmem:$0x0]  }
0xec: {  	_ =	swait.ge [sflag:s29], $0x1000  }
0xed: {  	[sflag:s29] =	ssyncset.done $0x0  }
0xee: {  	s15 =	simm.s32 $0x8100;
	s12 =	simm.s32 @!p0 $0xF;
	[sflag:s29] =	ssyncadd.s32 $0xFFFFF000  }
0xef: {  	[spmem:s1] =	stream.indirect.scatter.add.f32 [tilespmem:s21], [sflag:$0xB], $0x20, s15, s17, $0xb8;
	v63 =	vld [tilespmem:$0x0]  }
0xf0: {  	_ =	swait.ge @!p0 [sflag:s12], $0x1000  }
0xf1: {  	[sflag:s12] =	ssyncset.done @!p0 $0x0  }
0xf2: {  	s22 =	simm.s32 $0x300;
	[sflag:s12] =	ssyncadd.s32 @!p0 $0xFFFFF000  }
0xf3: {  	[tilespmem:s30], [sflag:$0x7] =	stream.indirect.gather [hbm4b:s4+s17], $0x20, s22, s17, $0xb8;
	v63 =	vld [tilespmem:$0x0]  }
0xf4: {  	_ =	swait.ge [sflag:s31], $0x1000  }
0xf5: {  	[sflag:s31] =	ssyncset.done $0x0  }
0xf6: {  	s15 =	simm.s32 $0x8180;
	s12 =	simm.s32 @!p0 $0x10;
	[sflag:s31] =	ssyncadd.s32 $0xFFFFF000  }
0xf7: {  	[spmem:s1] =	stream.indirect.scatter.add.f32 [tilespmem:s23], [sflag:$0xC], $0x20, s15, s17, $0xb8;
	v63 =	vld [tilespmem:$0x0]  }
0xf8: {  	_ =	swait.ge @!p0 [sflag:s12], $0x1000  }
0xf9: {  	[sflag:s12] =	ssyncset.done @!p0 $0x0  }
0xfa: {  	s22 =	simm.s32 $0x380;
	[sflag:s12] =	ssyncadd.s32 @!p0 $0xFFFFF000  }
0xfb: {  	[tilespmem:s0], [sflag:$0x8] =	stream.indirect.gather [hbm4b:s4+s17], $0x20, s22, s17, $0xb8;
	v63 =	vld [tilespmem:$0x0]  }
0xfc: {  	_ =	swait.ge [sflag:s2], $0x1000  }
0xfd: {  	[sflag:s2] =	ssyncset.done $0x0  }
0xfe: {  	s12 =	simm.s32 $0x8200;
	[sflag:s2] =	ssyncadd.s32 $0xFFFFF000  }
0xff: {  	[spmem:s1] =	stream.indirect.scatter.add.f32 [tilespmem:s25], [sflag:$0xD], $0x20, s12, s17, $0xb8;
	v63 =	vld [tilespmem:$0x0]  }
0x100: {  	s15 =	smin.u32 s11, $0xF7;
	_ =	swait.ge [sflag:s13], $0x1000  }
0x101: {  	s3 =	sshll.u32 s15, $0x7;
	[sflag:s13] =	ssyncset.done $0x0  }
0x102: {  	s3 =	sadd.s32 $0x400, s3;
	[sflag:s13] =	ssyncadd.s32 $0xFFFFF000  }
0x103: {  	[tilespmem:s18], [sflag:$0x1] =	stream.indirect.gather [hbm4b:s4+s17], $0x20, s3, s17, $0xb8;
	v63 =	vld [tilespmem:$0x0]  }
0x104: {  	_ =	swait.ge [sflag:s5], $0x1000  }
0x105: {  	[sflag:s5] =	ssyncset.done $0x0  }
0x106: {  	s22 =	simm.s32 $0x8280;
	[sflag:s5] =	ssyncadd.s32 $0xFFFFF000  }
0x107: {  	[spmem:s1] =	stream.indirect.scatter.add.f32 [tilespmem:s28], [sflag:$0xE], $0x20, s22, s17, $0xb8;
	v63 =	vld [tilespmem:$0x0]  }
0x108: {  	s12 =	smin.u32 s11, $0xF6;
	_ =	swait.ge [sflag:s6], $0x1000  }
0x109: {  	s3 =	sshll.u32 s12, $0x7;
	[sflag:s6] =	ssyncset.done $0x0  }
0x10a: {  	s3 =	sadd.s32 $0x480, s3;
	[sflag:s6] =	ssyncadd.s32 $0xFFFFF000  }
0x10b: {  	[tilespmem:s19], [sflag:$0x2] =	stream.indirect.gather [hbm4b:s4+s17], $0x20, s3, s17, $0xb8;
	v63 =	vld [tilespmem:$0x0]  }
0x10c: {  	_ =	swait.ge [sflag:s7], $0x1000  }
0x10d: {  	[sflag:s7] =	ssyncset.done $0x0  }
0x10e: {  	s15 =	simm.s32 $0x8300;
	[sflag:s7] =	ssyncadd.s32 $0xFFFFF000  }
0x10f: {  	[spmem:s1] =	stream.indirect.scatter.add.f32 [tilespmem:s30], [sflag:$0xF], $0x20, s15, s17, $0xb8;
	v63 =	vld [tilespmem:$0x0]  }
0x110: {  	s22 =	smin.u32 s11, $0xF5;
	_ =	swait.ge [sflag:s8], $0x1000  }
0x111: {  	s3 =	sshll.u32 s22, $0x7;
	[sflag:s8] =	ssyncset.done $0x0  }
0x112: {  	s3 =	sadd.s32 $0x500, s3;
	[sflag:s8] =	ssyncadd.s32 $0xFFFFF000  }
0x113: {  	[tilespmem:s21], [sflag:$0x3] =	stream.indirect.gather [hbm4b:s4+s17], $0x20, s3, s17, $0xb8;
	v63 =	vld [tilespmem:$0x0]  }
0x114: {  	_ =	swait.ge [sflag:s9], $0x1000  }
0x115: {  	[sflag:s9] =	ssyncset.done $0x0  }
0x116: {  	s12 =	simm.s32 $0x8380;
	s15 =	smin.u32 s11, $0xF4;
	[sflag:s9] =	ssyncadd.s32 $0xFFFFF000  }
0x117: {  	[spmem:s1] =	stream.indirect.scatter.add.f32 [tilespmem:s0], [sflag:$0x10], $0x20, s12, s17, $0xb8;
	v63 =	vld [tilespmem:$0x0]  }
0x118: {  	s22 =	sshll.u32 s15, $0x7;
	_ =	swait.ge [sflag:s10], $0x1000  }
0x119: {  	s22 =	sadd.s32 $0x580, s22;
	s12 =	simm.s32 $0x1000;
	[sflag:s10] =	ssyncset.done $0x0  }
.LBB2_4:
0x11a: {  	[sflag:s10] =	ssyncadd.s32 $0xFFFFF000  }
0x11b: {  	s11 =	sadd.s32 $0x8, s11;
	s3 =	smov.u32 s12;
	s12 =	sadd.s32 $0x1000, s12  }
0x11c: {  	[tilespmem:s23], [sflag:$0x4] =	stream.indirect.gather [hbm4b:s4+s17], $0x20, s22, s17, $0xb8;
	v63 =	vld [tilespmem:$0x0]  }
0x11d: {  	s22 =	sshra.s32 s3, $0x2;
	p0 =	sne.s32 s12, $0x20000;
	_ =	swait.ge [sflag:s24], $0x1000  }
0x11e: {  	p1 =	seq.s32 s3, $0x0;
	s15 =	sadd.s32 $0x8000, s22;
	[sflag:s24] =	ssyncset.done $0x0  }
0x11f: {  	s3 =	simm.s32 @!p1 $0xD;
	[sflag:s24] =	ssyncadd.s32 $0xFFFFF000  }
0x120: {  	[spmem:s1] =	stream.indirect.scatter.add.f32 [tilespmem:s18], [sflag:$0x9], $0x20, s15, s17, $0xb8;
	v63 =	vld [tilespmem:$0x0]  }
0x121: {  	_ =	swait.ge @!p1 [sflag:s3], $0x1000  }
0x122: {  	s15 =	sadd.s32 $0x200, s22;
	[sflag:s3] =	ssyncset.done @!p1 $0x0  }
0x123: {  	[sflag:s3] =	ssyncadd.s32 @!p1 $0xFFFFF000  }
0x124: {  	[tilespmem:s25], [sflag:$0x5] =	stream.indirect.gather [hbm4b:s4+s17], $0x20, s15, s17, $0xb8;
	v63 =	vld [tilespmem:$0x0]  }
0x125: {  	_ =	swait.ge [sflag:s26], $0x1000  }
0x126: {  	s3 =	sadd.s32 $0x8080, s22;
	[sflag:s26] =	ssyncset.done $0x0  }
0x127: {  	s15 =	simm.s32 @!p1 $0xE;
	[sflag:s26] =	ssyncadd.s32 $0xFFFFF000  }
0x128: {  	[spmem:s1] =	stream.indirect.scatter.add.f32 [tilespmem:s19], [sflag:$0xA], $0x20, s3, s17, $0xb8;
	v63 =	vld [tilespmem:$0x0]  }
0x129: {  	_ =	swait.ge @!p1 [sflag:s15], $0x1000  }
0x12a: {  	s3 =	sadd.s32 $0x280, s22;
	[sflag:s15] =	ssyncset.done @!p1 $0x0  }
0x12b: {  	[sflag:s15] =	ssyncadd.s32 @!p1 $0xFFFFF000  }
0x12c: {  	[tilespmem:s28], [sflag:$0x6] =	stream.indirect.gather [hbm4b:s4+s17], $0x20, s3, s17, $0xb8;
	v63 =	vld [tilespmem:$0x0]  }
0x12d: {  	_ =	swait.ge [sflag:s29], $0x1000  }
0x12e: {  	s3 =	sadd.s32 $0x8100, s22;
	[sflag:s29] =	ssyncset.done $0x0  }
0x12f: {  	s15 =	simm.s32 @!p1 $0xF;
	[sflag:s29] =	ssyncadd.s32 $0xFFFFF000  }
0x130: {  	[spmem:s1] =	stream.indirect.scatter.add.f32 [tilespmem:s21], [sflag:$0xB], $0x20, s3, s17, $0xb8;
	v63 =	vld [tilespmem:$0x0]  }
0x131: {  	_ =	swait.ge @!p1 [sflag:s15], $0x1000  }
0x132: {  	s3 =	sadd.s32 $0x300, s22;
	[sflag:s15] =	ssyncset.done @!p1 $0x0  }
0x133: {  	[sflag:s15] =	ssyncadd.s32 @!p1 $0xFFFFF000  }
0x134: {  	[tilespmem:s30], [sflag:$0x7] =	stream.indirect.gather [hbm4b:s4+s17], $0x20, s3, s17, $0xb8;
	v63 =	vld [tilespmem:$0x0]  }
0x135: {  	_ =	swait.ge [sflag:s31], $0x1000  }
0x136: {  	s3 =	sadd.s32 $0x8180, s22;
	[sflag:s31] =	ssyncset.done $0x0  }
0x137: {  	s15 =	simm.s32 @!p1 $0x10;
	[sflag:s31] =	ssyncadd.s32 $0xFFFFF000  }
0x138: {  	[spmem:s1] =	stream.indirect.scatter.add.f32 [tilespmem:s23], [sflag:$0xC], $0x20, s3, s17, $0xb8;
	v63 =	vld [tilespmem:$0x0]  }
0x139: {  	_ =	swait.ge @!p1 [sflag:s15], $0x1000  }
0x13a: {  	s3 =	sadd.s32 $0x380, s22;
	[sflag:s15] =	ssyncset.done @!p1 $0x0  }
0x13b: {  	[sflag:s15] =	ssyncadd.s32 @!p1 $0xFFFFF000  }
0x13c: {  	[tilespmem:s0], [sflag:$0x8] =	stream.indirect.gather [hbm4b:s4+s17], $0x20, s3, s17, $0xb8;
	v63 =	vld [tilespmem:$0x0]  }
0x13d: {  	_ =	swait.ge [sflag:s2], $0x1000  }
0x13e: {  	s3 =	sadd.s32 $0x8200, s22;
	[sflag:s2] =	ssyncset.done $0x0  }
0x13f: {  	s15 =	smin.u32 s11, $0xF7;
	[sflag:s2] =	ssyncadd.s32 $0xFFFFF000  }
0x140: {  	[spmem:s1] =	stream.indirect.scatter.add.f32 [tilespmem:s25], [sflag:$0xD], $0x20, s3, s17, $0xb8;
	v63 =	vld [tilespmem:$0x0]  }
0x141: {  	s3 =	sshll.u32 s15, $0x7;
	_ =	swait.ge [sflag:s13], $0x1000  }
0x142: {  	s3 =	sadd.s32 $0x400, s3;
	[sflag:s13] =	ssyncset.done $0x0  }
0x143: {  	[sflag:s13] =	ssyncadd.s32 $0xFFFFF000  }
0x144: {  	[tilespmem:s18], [sflag:$0x1] =	stream.indirect.gather [hbm4b:s4+s17], $0x20, s3, s17, $0xb8;
	v63 =	vld [tilespmem:$0x0]  }
0x145: {  	_ =	swait.ge [sflag:s5], $0x1000  }
0x146: {  	s3 =	sadd.s32 $0x8280, s22;
	[sflag:s5] =	ssyncset.done $0x0  }
0x147: {  	s15 =	smin.u32 s11, $0xF6;
	[sflag:s5] =	ssyncadd.s32 $0xFFFFF000  }
0x148: {  	[spmem:s1] =	stream.indirect.scatter.add.f32 [tilespmem:s28], [sflag:$0xE], $0x20, s3, s17, $0xb8;
	v63 =	vld [tilespmem:$0x0]  }
0x149: {  	s3 =	sshll.u32 s15, $0x7;
	_ =	swait.ge [sflag:s6], $0x1000  }
0x14a: {  	s3 =	sadd.s32 $0x480, s3;
	[sflag:s6] =	ssyncset.done $0x0  }
0x14b: {  	[sflag:s6] =	ssyncadd.s32 $0xFFFFF000  }
0x14c: {  	[tilespmem:s19], [sflag:$0x2] =	stream.indirect.gather [hbm4b:s4+s17], $0x20, s3, s17, $0xb8;
	v63 =	vld [tilespmem:$0x0]  }
0x14d: {  	_ =	swait.ge [sflag:s7], $0x1000  }
0x14e: {  	s3 =	sadd.s32 $0x8300, s22;
	[sflag:s7] =	ssyncset.done $0x0  }
0x14f: {  	s15 =	smin.u32 s11, $0xF5;
	[sflag:s7] =	ssyncadd.s32 $0xFFFFF000  }
0x150: {  	[spmem:s1] =	stream.indirect.scatter.add.f32 [tilespmem:s30], [sflag:$0xF], $0x20, s3, s17, $0xb8;
	v63 =	vld [tilespmem:$0x0]  }
0x151: {  	s3 =	sshll.u32 s15, $0x7;
	_ =	swait.ge [sflag:s8], $0x1000  }
0x152: {  	s3 =	sadd.s32 $0x500, s3;
	[sflag:s8] =	ssyncset.done $0x0  }
0x153: {  	[sflag:s8] =	ssyncadd.s32 $0xFFFFF000  }
0x154: {  	[tilespmem:s21], [sflag:$0x3] =	stream.indirect.gather [hbm4b:s4+s17], $0x20, s3, s17, $0xb8;
	v63 =	vld [tilespmem:$0x0]  }
0x155: {  	_ =	swait.ge [sflag:s9], $0x1000  }
.Ltmp1:
0x156: {  	s3 =	sadd.s32 $0x8380, s22;
	[sflag:s9] =	ssyncset.done $0x0;
	(pc) =	sbr.rel @p0 .LBB2_4-.Ltmp1, $4  }
0x157: {  	s15 =	smin.u32 s11, $0xF4;
	[sflag:s9] =	ssyncadd.s32 $0xFFFFF000  }
0x158: {  	[spmem:s1] =	stream.indirect.scatter.add.f32 [tilespmem:s0], [sflag:$0x10], $0x20, s3, s17, $0xb8;
	v63 =	vld [tilespmem:$0x0]  }
0x159: {  	s3 =	sshll.u32 s15, $0x7;
	_ =	swait.ge [sflag:s10], $0x1000  }
0x15a: {  	s22 =	sadd.s32 $0x580, s3;
	[sflag:s10] =	ssyncset.done $0x0  }
0x15b: {  	[sflag:s10] =	ssyncadd.s32 $0xFFFFF000  }
0x15c: {  	[tilespmem:s23], [sflag:$0x4] =	stream.indirect.gather [hbm4b:s4+s17], $0x20, s22, s17, $0xb8;
	v63 =	vld [tilespmem:$0x0]  }
0x15d: {  	_ =	swait.ge [sflag:s24], $0x1000  }
0x15e: {  	[sflag:s24] =	ssyncset.done $0x0  }
0x15f: {  	[sflag:s24] =	ssyncadd.s32 $0xFFFFF000  }
0x160: {  	_ =	swait.ge [sflag:s26], $0x1000  }
0x161: {  	[sflag:s26] =	ssyncset.done $0x0  }
0x162: {  	[sflag:s26] =	ssyncadd.s32 $0xFFFFF000  }
0x163: {  	_ =	swait.ge [sflag:s29], $0x1000  }
0x164: {  	[sflag:s29] =	ssyncset.done $0x0  }
0x165: {  	[sflag:s29] =	ssyncadd.s32 $0xFFFFF000  }
0x166: {  	_ =	swait.ge [sflag:s31], $0x1000  }
0x167: {  	[sflag:s31] =	ssyncset.done $0x0  }
0x168: {  	s3 =	simm.s32 $0xD;
	[sflag:s31] =	ssyncadd.s32 $0xFFFFF000  }
0x169: {  	_ =	swait.ge [sflag:s3], $0x1000  }
0x16a: {  	[sflag:s3] =	ssyncset.done $0x0  }
0x16b: {  	s15 =	simm.s32 $0xE;
	[sflag:s3] =	ssyncadd.s32 $0xFFFFF000  }
0x16c: {  	_ =	swait.ge [sflag:s15], $0x1000  }
0x16d: {  	[sflag:s15] =	ssyncset.done $0x0  }
0x16e: {  	s22 =	simm.s32 $0xF;
	[sflag:s15] =	ssyncadd.s32 $0xFFFFF000  }
0x16f: {  	_ =	swait.ge [sflag:s22], $0x1000  }
0x170: {  	[sflag:s22] =	ssyncset.done $0x0  }
0x171: {  	s11 =	simm.s32 $0x10;
	[sflag:s22] =	ssyncadd.s32 $0xFFFFF000  }
0x172: {  	_ =	swait.ge [sflag:s11], $0x1000  }
0x173: {  	[sflag:s11] =	ssyncset.done $0x0  }
0x174: {  	[sflag:s11] =	ssyncadd.s32 $0xFFFFF000  }
0x175: {  	[bflag:$0x0] =	sbarrier.arrive $0xFFFF  }
0x176: {  	s12 =	rddreg [dreg:$0x9]  }
0x177: {  	s15 =	rddreg [dreg:$0xb]  }
0x178: {  	[hbm:s12], [sflag:s15] =	dma.local [spmem:s16], $0x1000  }
0x179: {  	_ =	swait.ge [sflag:s14], $0x1000  }
0x17a: {  	s20 =	sadd.s32 $0x1, s20;
	s22 =	rddreg [dreg:$0xa]  }
0x17b: {  	p0 =	sne.s32 s20, s22  }
.Ltmp2:
0x17c: {  	_ = 	snop;
	(pc) =	sbr.rel @p0 .LBB2_1-.Ltmp2, $3  }
0x17d: {  	_ =	sdelay $0x1  }
0x17e: {  	[sflag:s14] =	ssyncset.done $0x0  }
0x17f: {  	[sflag:s14] =	ssyncadd.s32 $0xFFFFF000  }
0x180: {  	_ =	sfence.sel $0x180000  }
0x181: {  	[bflag:$0x0] =	sbarrier.arrive $0xFFFF  }
0x182: {  	_ =	strace $0x9000004A  }
0x183: {  	s0 =	stileid.u32;
	[bflag:$0x2] =	sbarrier.arrive $0xFFFF  }
0x184: {  	p0 =	sne.s32 s0, $0x0;
	s0 =	rddreg [dreg:$0x2]  }
0x185: {  	s0 =	sadd.s32 @!p0 $0x100000, s0  }
0x186: {  	[sflag:s0] =	ssyncadd.tile.s32 @!p0 $0x1;
	_ =	shalt  }
.Lfunc_end2:
_tile_overlayer_lowered:
.L_overlay_start_2:
0x187: {  	(tag) =	ssettag $0x2  }
0x188: {  	s0 =	rddreg [dreg:$0x0];
	s2 =	stileid.u32  }
0x189: {  	s1 =	rddreg [dreg:$0x1];
	p0 =	sne.s32 s2, $0x0  }
0x18a: {  	s3 =	rddreg [dreg:$0x2];
	[bflag:$0x3] =	sbarrier.arrive $0xFFFF;
	s2 =	simm.s32 @!p0 $0x1C11  }
0x18b: {  	[timem:s3], [sflag:s2] =	dma.local @!p0 [hbm:s0], s1  }
0x18c: {  	s0 =	simm.s32 @!p0 $0x11  }
0x18d: {  	_ =	swait.ge @!p0 [sflag:s0], s1  }
0x18e: {  	s1 =	ssub.s32 @!p0 $0x0, s1;
	[sflag:s0] =	ssyncset.done @!p0 $0x0  }
0x18f: {  	[sflag:s0] =	ssyncadd.s32 @!p0 s1  }
0x190: {  	[bflag:$0x3] =	sbarrier.arrive $0xFFFF  }
0x191: {  	_ =	shalt  }

// kernel: kernel.15.cloned.1.call-start
scs
__scs_entry_jumppad:
0x0: {  	(pc) =	sbr.rel $0x88, $3  }
0x1: {  	(tag) =	ssettag $0x0;
	lr =	simm.s32 $0x1  }
0x2: {  	[smem:$0x3F81] =	sst lr;
	_ =	strace $0xD0000000  }
0x3: {  	_ = 	snop  }
0x4: {  	_ = 	snop  }
0x5: {  	_ = 	snop  }
0x6: {  	_ = 	snop  }
0x7: {  	_ = 	snop  }
__scs_overlays_trampoline_lowered:
0x8: {  	[smem:$0x3F90] =	sst s0  }
0x9: {  	[smem:$0x3F91] =	sst s1  }
0xa: {  	[smem:$0x3F92] =	sst s2  }
0xb: {  	[smem:$0x3F93] =	sst s3  }
0xc: {  	[smem:$0x3F94] =	sst s4  }
0xd: {  	[smem:$0x3F95] =	sst s5  }
0xe: {  	[smem:$0x3F96] =	sst s6  }
0xf: {  	[smem:$0x3F97] =	sst s7  }
0x10: {  	[smem:$0x3F98] =	sst s8  }
0x11: {  	[smem:$0x3F99] =	sst s9;
	s0 =	simm.s32 @!p0 $0x0  }
0x12: {  	s1 =	sld [smem:$0x3F7F];
	s0 =	simm.s32 @p0 $0x1  }
0x13: {  	[smem:$0x3F9A] =	sst s0;
	s0 =	simm.s32 @!p1 $0x0  }
0x14: {  	s2 =	sld [smem:$0x3F7E];
	s0 =	simm.s32 @p1 $0x1  }
0x15: {  	[smem:$0x3F9B] =	sst s0;
	s0 =	simm.s32 @!p2 $0x0  }
0x16: {  	s3 =	sld [smem:$0x3FDB];
	s0 =	simm.s32 @p2 $0x1  }
0x17: {  	s4 =	simm.s32 $0x1BF5;
	[smem:$0x3F9D] =	sst s0  }
0x18: {  	s0 =	sld [smem:$0x3F80];
	_ =	swait.ge [sflag:s4], $0x0  }
0x19: {  	s7 =	sld [smem:$0x3F81]  }
0x1a: {  	s8 =	sadd.s32 $0xFFFFE003, lr  }
0x1b: {  	s9 =	sadd.s32 $0xFFFFFEF7, lr;
	s5 =	simm.s32 $0xFFFFFFFF;
	p2 =	slt.u32 s8, $0xFFFFF086  }
0x1c: {  	p1 =	slt.u32 s9, $0xF7A;
	s5 =	simm.s32 @!p2 $0x0  }
0x1d: {  	s5 =	simm.s32 @p1 $0x1;
	p0 =	seq.s32 s7, s2  }
0x1e: {  	s7 =	smul.u32 @!p0 $0xF7A, s2;
	p2 =	seq.s32 @!p0 s5, $0x0  }
0x1f: {  	s9 =	smul.u32 $0xF7A, s1;
	s8 =	simm.s32 @!p0 $0x1BF5;
	p2 =	por !p2, p0  }
0x20: {  	[sflag:s8] =	ssyncset.s32 @!p0 $0xFFFFF086;
	s6 =	sadd.s32 @!p0 s3, s7;
	s7 =	simm.s32 @!p0 $0x108  }
0x21: {  	s3 =	sadd.s32 s3, s9;
	s6 =	sadd.s32 @!p0 $0x88, s6;
	s7 =	simm.s32 @p2 $0x1082  }
0x22: {  	[simem:s7], [sflag:s8] =	dma.local @!p0 [hbm:s6], $0xF7A  }
0x23: {  	s9 =	sor.u32 $0xD0000000, s2;
	s6 =	simm.s32 $0x108;
	_ =	swait.ge @!p0 [sflag:s8], $0x0  }
0x24: {  	s3 =	sadd.s32 $0x88, s3;
	s6 =	simm.s32 @!p1 $0x1082;
	[sflag:s4] =	ssyncset.s32 $0xFFFFF086  }
0x25: {  	[simem:s6], [sflag:s4] =	dma.local [hbm:s3], $0xF7A  }
0x26: {  	[smem:$0x3F81] =	sst s1;
	(tag) =	ssettag s2;
	_ =	strace s9  }
0x27: {  	s1 =	sld [smem:$0x3F91]  }
0x28: {  	s2 =	sld [smem:$0x3F92]  }
0x29: {  	s4 =	sld [smem:$0x3F94]  }
0x2a: {  	p0 =	seq.s32 s5, $0x0;
	s5 =	sld [smem:$0x3F95]  }
0x2b: {  	s6 =	sld [smem:$0x3F96]  }
0x2c: {  	s7 =	sld [smem:$0x3F97]  }
0x2d: {  	s3 =	simm.s32 $0x108;
	s8 =	sld [smem:$0x3F98]  }
0x2e: {  	s3 =	simm.s32 @!p0 $0x1082;
	s9 =	sld [smem:$0x3F99]  }
0x2f: {  	lr =	sadd.s32 s0, s3;
	s0 =	sld [smem:$0x3F90]  }
0x30: {  	s3 =	sld [smem:$0x3F93]  }
0x31: {  	[smem:$0x3F9C] =	sst s10  }
0x32: {  	s10 =	sld [smem:$0x3F9A];
	_ =	sdelay $0x3  }
0x33: {  	p0 =	seq.s32 s10, $0x1;
	s10 =	sld [smem:$0x3F9C];
	_ =	sdelay $0x3  }
0x34: {  	[smem:$0x3F9C] =	sst s10  }
0x35: {  	s10 =	sld [smem:$0x3F9B];
	_ =	sdelay $0x3  }
0x36: {  	p1 =	seq.s32 s10, $0x1;
	s10 =	sld [smem:$0x3F9C];
	_ =	sdelay $0x3  }
0x37: {  	[smem:$0x3F9C] =	sst s10  }
0x38: {  	s10 =	sld [smem:$0x3F9D]  }
0x39: {  	_ = 	snop;
	(pc) =	sbr.ind lr, $3  }
0x3a: {  	_ = 	snop  }
0x3b: {  	_ = 	snop  }
0x3c: {  	p2 =	seq.s32 s10, $0x1;
	s10 =	sld [smem:$0x3F9C]  }
0x3d: {  	_ =	shalt  }
0x3e: {  	_ =	shalt  }
0x3f: {  	_ =	shalt  }
0x40: {  	_ =	shalt  }
0x41: {  	_ =	shalt  }
0x42: {  	_ =	shalt  }
0x43: {  	_ =	shalt  }
0x44: {  	_ =	shalt  }
0x45: {  	_ =	shalt  }
0x46: {  	_ =	shalt  }
0x47: {  	_ =	shalt  }
0x48: {  	_ =	shalt  }
0x49: {  	_ =	shalt  }
0x4a: {  	_ =	shalt  }
0x4b: {  	_ =	shalt  }
0x4c: {  	_ =	shalt  }
0x4d: {  	_ =	shalt  }
0x4e: {  	_ =	shalt  }
0x4f: {  	_ =	shalt  }
0x50: {  	_ =	shalt  }
0x51: {  	_ =	shalt  }
0x52: {  	_ =	shalt  }
0x53: {  	_ =	shalt  }
0x54: {  	_ =	shalt  }
0x55: {  	_ =	shalt  }
0x56: {  	_ =	shalt  }
0x57: {  	_ =	shalt  }
0x58: {  	_ =	shalt  }
0x59: {  	_ =	shalt  }
0x5a: {  	_ =	shalt  }
0x5b: {  	_ =	shalt  }
0x5c: {  	_ =	shalt  }
0x5d: {  	_ =	shalt  }
0x5e: {  	_ =	shalt  }
0x5f: {  	_ =	shalt  }
0x60: {  	_ =	shalt  }
0x61: {  	_ =	shalt  }
0x62: {  	_ =	shalt  }
0x63: {  	_ =	shalt  }
0x64: {  	_ =	shalt  }
0x65: {  	_ =	shalt  }
0x66: {  	_ =	shalt  }
0x67: {  	_ =	shalt  }
0x68: {  	_ =	shalt  }
0x69: {  	_ =	shalt  }
0x6a: {  	_ =	shalt  }
0x6b: {  	_ =	shalt  }
0x6c: {  	_ =	shalt  }
0x6d: {  	_ =	shalt  }
0x6e: {  	_ =	shalt  }
0x6f: {  	_ =	shalt  }
0x70: {  	_ =	shalt  }
0x71: {  	_ =	shalt  }
0x72: {  	_ =	shalt  }
0x73: {  	_ =	shalt  }
0x74: {  	_ =	shalt  }
0x75: {  	_ =	shalt  }
0x76: {  	_ =	shalt  }
0x77: {  	_ =	shalt  }
0x78: {  	_ =	shalt  }
0x79: {  	_ =	shalt  }
0x7a: {  	_ =	shalt  }
0x7b: {  	_ =	shalt  }
0x7c: {  	_ =	shalt  }
0x7d: {  	_ =	shalt  }
0x7e: {  	_ =	shalt  }
0x7f: {  	_ =	shalt  }
0x80: {  	_ =	shalt  }
0x81: {  	_ =	shalt  }
0x82: {  	_ =	shalt  }
0x83: {  	_ =	shalt  }
0x84: {  	_ =	shalt  }
0x85: {  	_ =	shalt  }
0x86: {  	_ =	shalt  }
0x87: {  	_ =	shalt  }
.Lfunc_end0:
.L_simem_size_0:
called_computation.2_lowered:
.L_overlay_start_0:
0x88: {  	s2 =	sld [smem:$0x3FD9]  }
0x89: {  	s3 =	sld [smem:$0x3FFE];
	_ =	sdelay $0x1  }
0x8a: {  	s1 =	srdreg.scid  }
0x8b: {  	s0 =	sand.u32 $0x1, s1  }
0x8c: {  	s16 =	sshll.u32 s0, $0xA;
	s2 =	sadd.s32 s3, s2  }
0x8d: {  	s2 =	sadd.s32 s2, s16  }
0x8e: {  	[smem:$0x3FA8] =	sst s2  }
0x8f: {  	_ = 	snop  }
0x90: {  	(tm) =	ssettm $0x1  }
0x91: {  	s17 =	sld [smem:$0x3FFB];
	_ =	sdelay $0x3  }
0x92: {  	_ =	strace s17  }
0x93: {  	s2 =	sld [smem:$0x3FFC];
	_ =	sdelay $0x3  }
0x94: {  	_ =	strace s2  }
0x95: {  	s2 =	sld [smem:$0x3FFD];
	_ =	sdelay $0x3  }
0x96: {  	_ =	strace s2  }
0x97: {  	_ =	strace $0x8FFFFFFF  }
0x98: {  	s18 =	sld [smem:$0x3FDB];
	_ =	sdelay $0x1  }
0x99: {  	s19 =	simm.s32 $_scs_section_size  }
0x9a: {  	s4 =	simm.s32 $_size__tile_overlayer_lowered;
	s5 =	simm.s32 $_tile_overlayer_lowered  }
0x9b: {  	s22 =	simm.s32 $0x1BFF;
	s21 =	sshll.u32 s5, $0x1;
	s2 =	sadd.s32 s19, s18  }
0x9c: {  	s6 =	simm.s32 $0x0;
	s20 =	sshll.u32 s4, $0x1;
	s4 =	sadd.s32 s21, s2  }
0x9d: {  	[timem:s6], [sflag:s22] =	dma.local [hbm:s4], s20  }
0x9e: {  	_ =	swait.ge [sflag:s22], s20  }
0x9f: {  	s3 =	ssub.s32 $0x0, s20;
	[sflag:s22] =	ssyncset.done $0x0  }
0xa0: {  	[sflag:s22] =	ssyncadd.s32 s3;
	_ =	sdelay $0x1  }
0xa1: {  	s23 =	simm.s32 $0x1B8B  }
0xa2: {  	_ =	swait.ge [sflag:s23], $0x1  }
0xa3: {  	[sflag:s23] =	ssyncset.done $0x0  }
0xa4: {  	s25 =	simm.s32 $0x1B8E;
	s24 =	sld [smem:$0x3FFE];
	[sflag:s23] =	ssyncadd.s32 $0xFFFFFFFF  }
0xa5: {  	s26 =	simm.s32 $execute0_lowered;
	[smem:$0x3FD2] =	sst s25  }
0xa6: {  	s4 =	sshll.u32 s26, $0x1;
	_ =	strace $0x8000004C;
	[dreg:$0x1] =	wrdreg $0xFFFFFFFF  }
0xa7: {  	s28 =	simm.s32 $_size_execute0_lowered;
	s2 =	sadd.s32 s2, s4;
	[dreg:$0x0] =	wrdreg $0x0  }
0xa8: {  	s4 =	sshll.u32 s28, $0x1;
	[dreg:$0x2] =	wrdreg s2  }
0xa9: {  	[dreg:$0x3] =	wrdreg s4  }
0xaa: {  	[dreg:$0x4] =	wrdreg $0xC0  }
0xab: {  	_ =	task [dreg:s6], $0x5FFFF  }
0xac: {  	[dreg:$0x1] =	wrdreg $0xFFFFFFFF  }
0xad: {  	[dreg:$0x0] =	wrdreg $0x60  }
0xae: {  	[dreg:$0x2] =	wrdreg s24  }
0xaf: {  	[dreg:$0x3] =	wrdreg $0x180000  }
0xb0: {  	[dreg:$0x4] =	wrdreg $0x9  }
0xb1: {  	_ =	task.clear_ibuf [dreg:s6], $0x5FFFF;
	_ =	strace $0x9000004C  }
0xb2: {  	s29 =	simm.s32 $0x9;
	_ =	strace $0x8000004E  }
0xb3: {  	_ =	swait.ge [sflag:s29], $0x1  }
0xb4: {  	[sflag:s29] =	ssyncadd.s32 $0xFFFFFFFF  }
0xb5: {  	_ =	strace $0x9000004E  }
0xb6: {  	_ =	sfence  }
0xb7: {  	s30 =	sld [smem:$0x0];
	_ =	sdelay $0x2  }
0xb8: {  	s31 =	sshll.u32 s1, $0xD;
	s1 =	sshrl.u32 s1, $0x2  }
0xb9: {  	s3 =	sand.u32 $0x4000, s31;
	s1 =	sadd.s32 s1, s30  }
0xba: {  	s0 =	sor.u32 s3, s0;
	s1 =	sshll.u32 s1, $0x11  }
0xbb: {  	s0 =	sor.u32 s1, s0  }
0xbc: {  	s0 =	sadd.s32 $0x8F2B, s0  }
0xbd: {  	[sflag:s0] =	ssyncadd.remote.s32 $0x1  }
0xbe: {  	_ =	sfence.sel $0xFFFF  }
0xbf: {  	[dreg:$0x0] =	wrdreg $0xFFFFFFFF;
	(pc) =	sbr.abs _section_cstart, $3  }
0xc0: {  	[dreg:$0x1] =	wrdreg $0xFFFFFFFF  }
0xc1: {  	_ =	task.clear_ibuf [dreg:s6], $0x2FFFF;
	_ =	strace $0x9FFFFFFF  }
0xc2: {  	(tm) =	ssettm $0x7FFFFFFF  }
0xc3: {  	_ =	shalt  }
tec
execute0_lowered:
.L_overlay_start_1:
0x0: {  	(tag) =	ssettag $0x1  }
0x1: {  	s0 =	rddreg [dreg:$0x0]  }
0x2: {  	s1 =	rddreg [dreg:$0x1];
	s2 =	simm.s32 $0x0;
	s18 =	srdreg.scid  }
0x3: {  	s3 =	stileid.u32;
	s14 =	simm.s32 $0x11;
	s17 =	simm.s32 $0x80  }
0x4: {  	s28 =	simm.s32 $0x15000;
	s29 =	simm.s32 $0x3;
	s30 =	simm.s32 $0x16000  }
0x5: {  	s31 =	simm.s32 $0x4;
	s13 =	simm.s32 $0x9;
	s10 =	simm.s32 $0xC  }
0x6: {  	[smem:$0x7FF] =	sst s2;
	s2 =	sand.u32 $0x1, s18;
	s4 =	sadd.s32 $0x55400, s0  }
0x7: {  	s5 =	sshll.u32 s3, $0xC;
	s7 =	sadd.s32 $0x15400, s0;
	s19 =	sshll.u32 s3, $0xF  }
0x8: {  	s26 =	sshll.u32 s3, $0x6;
	s18 =	simm.s32 $0x10000;
	_ =	strace $0x8000004D  }
0x9: {  	s6 =	ssub.s32 $0x2, s2;
	s8 =	sadd.s32 s5, s0;
	s0 =	sadd.s32 $0x95400, s0  }
0xa: {  	s2 =	sshll.u32 s2, $0x11;
	s15 =	sor.u32 $0x1C11, s26;
	s26 =	simm.s32 $0x2  }
0xb: {  	s9 =	sshrl.u32 s6, $0x1;
	s8 =	sadd.s32 $0x5400, s8;
	s2 =	sor.u32 s5, s2  }
0xc: {  	s5 =	sadd.s32 s19, s1;
	s19 =	simm.s32 $0x11000;
	[dreg:$0xb] =	wrdreg s15  }
0xd: {  	s6 =	ssub.s32 s6, s9;
	[dreg:$0x3] =	wrdreg s8;
	s20 =	sadd.s32 s7, s2  }
0xe: {  	s21 =	sor.u32 $0x10000, s2;
	s22 =	sadd.s32 s4, s2;
	s2 =	sadd.s32 s0, s2  }
0xf: {  	s16 =	sshrl.u32 s5, $0x3;
	s5 =	simm.s32 $0x6;
	[dreg:$0x4] =	wrdreg s20  }
0x10: {  	s8 =	simm.s32 $0xB;
	s9 =	simm.s32 $0x8;
	[dreg:$0x5] =	wrdreg s22  }
0x11: {  	[dreg:$0x6] =	wrdreg s2;
	s23 =	sadd.s32 s7, s21;
	s24 =	sadd.s32 s4, s21  }
0x12: {  	s0 =	sadd.s32 s0, s21;
	s25 =	smax.u32 s6, $0x1;
	[dreg:$0x7] =	wrdreg s23  }
0x13: {  	s21 =	simm.s32 $0x12000;
	s2 =	simm.s32 $0x5;
	[dreg:$0x8] =	wrdreg s24  }
0x14: {  	s6 =	simm.s32 $0xA;
	s7 =	simm.s32 $0x7;
	[dreg:$0x9] =	wrdreg s0  }
0x15: {  	s20 =	simm.s32 $0x0;
	[dreg:$0xa] =	wrdreg s25;
	s23 =	simm.s32 $0x13000  }
0x16: {  	s24 =	simm.s32 $0x1;
	s25 =	simm.s32 $0x14000;
	s0 =	simm.s32 $0x17000  }
.LBB2_1:
0x17: {  	s3 =	simm.s32 $0x0;
	s11 =	rddreg [dreg:$0x3];
	s12 =	simm.s32 $0x8000  }
0x18: {  	[tilespmem:s12], [sflag:$0x11] =	stream.linear.gather [hbm4b:s11+s3], $0x8000, $0x38;
	v63 =	vld [tilespmem:$0x0]  }
0x19: {  	_ =	swait.ge [sflag:s14], $0x8000  }
0x1a: {  	[sflag:s14] =	ssyncset.done $0x0  }
0x1b: {  	s22 =	rddreg [dreg:$0x4];
	[sflag:s14] =	ssyncadd.s32 $0xFFFF8000  }
0x1c: {  	[tilespmem:s3], [sflag:$0x11] =	stream.linear.gather [hbm4b:s22+s3], $0x8000, $0x38;
	v63 =	vld [tilespmem:$0x0]  }
0x1d: {  	_ =	swait.ge [sflag:s14], $0x8000  }
0x1e: {  	[sflag:s14] =	ssyncset.done $0x0  }
0x1f: {  	s12 =	rddreg [dreg:$0x5];
	[sflag:s14] =	ssyncadd.s32 $0xFFFF8000  }
0x20: {  	[spmem:s16], [sflag:s15] =	dma.local [hbm:s12], $0x1000  }
0x21: {  	_ =	swait.ge [sflag:s14], $0x1000  }
0x22: {  	[sflag:s14] =	ssyncset.done $0x0  }
0x23: {  	[sflag:s14] =	ssyncadd.s32 $0xFFFFF000  }
0x24: {  	[bflag:$0x0] =	sbarrier.arrive $0xFFFF  }
0x25: {  	[tilespmem:s18], [sflag:$0x1] =	stream.indirect.gather [hbm4b:s4+s17], $0x20, s3, s17, $0xb8;
	v63 =	vld [tilespmem:$0x0]  }
0x26: {  	_ = 	snop  }
0x27: {  	[tilespmem:s19], [sflag:$0x2] =	stream.indirect.gather [hbm4b:s4+s17], $0x20, s17, s17, $0xb8;
	v63 =	vld [tilespmem:$0x0]  }
0x28: {  	s22 =	simm.s32 $0x100  }
0x29: {  	[tilespmem:s21], [sflag:$0x3] =	stream.indirect.gather [hbm4b:s4+s17], $0x20, s22, s17, $0xb8;
	v63 =	vld [tilespmem:$0x0]  }
0x2a: {  	s12 =	simm.s32 $0x180  }
0x2b: {  	[tilespmem:s23], [sflag:$0x4] =	stream.indirect.gather [hbm4b:s4+s17], $0x20, s12, s17, $0xb8;
	v63 =	vld [tilespmem:$0x0]  }
0x2c: {  	_ =	swait.ge [sflag:s24], $0x1000  }
0x2d: {  	p0 =	por $0x1, $0x1;
	[sflag:s24] =	ssyncset.done $0x0  }
0x2e: {  	s15 =	simm.s32 $0x8000;
	s12 =	simm.s32 @!p0 $0xD;
	[sflag:s24] =	ssyncadd.s32 $0xFFFFF000  }
0x2f: {  	[spmem:s1] =	stream.indirect.scatter.add.f32 [tilespmem:s18], [sflag:$0x9], $0x20, s15, s17, $0xb8;
	v63 =	vld [tilespmem:$0x0]  }
0x30: {  	_ =	swait.ge @!p0 [sflag:s12], $0x1000  }
0x31: {  	[sflag:s12] =	ssyncset.done @!p0 $0x0  }
0x32: {  	s22 =	simm.s32 $0x200;
	[sflag:s12] =	ssyncadd.s32 @!p0 $0xFFFFF000  }
0x33: {  	[tilespmem:s25], [sflag:$0x5] =	stream.indirect.gather [hbm4b:s4+s17], $0x20, s22, s17, $0xb8;
	v63 =	vld [tilespmem:$0x0]  }
0x34: {  	_ =	swait.ge [sflag:s26], $0x1000  }
0x35: {  	[sflag:s26] =	ssyncset.done $0x0  }
0x36: {  	s15 =	simm.s32 $0x8080;
	s12 =	simm.s32 @!p0 $0xE;
	[sflag:s26] =	ssyncadd.s32 $0xFFFFF000  }
0x37: {  	[spmem:s1] =	stream.indirect.scatter.add.f32 [tilespmem:s19], [sflag:$0xA], $0x20, s15, s17, $0xb8;
	v63 =	vld [tilespmem:$0x0]  }
0x38: {  	_ =	swait.ge @!p0 [sflag:s12], $0x1000  }
0x39: {  	[sflag:s12] =	ssyncset.done @!p0 $0x0  }
0x3a: {  	s22 =	simm.s32 $0x280;
	[sflag:s12] =	ssyncadd.s32 @!p0 $0xFFFFF000  }
0x3b: {  	[tilespmem:s28], [sflag:$0x6] =	stream.indirect.gather [hbm4b:s4+s17], $0x20, s22, s17, $0xb8;
	v63 =	vld [tilespmem:$0x0]  }
0x3c: {  	_ =	swait.ge [sflag:s29], $0x1000  }
0x3d: {  	[sflag:s29] =	ssyncset.done $0x0  }
0x3e: {  	s15 =	simm.s32 $0x8100;
	s12 =	simm.s32 @!p0 $0xF;
	[sflag:s29] =	ssyncadd.s32 $0xFFFFF000  }
0x3f: {  	[spmem:s1] =	stream.indirect.scatter.add.f32 [tilespmem:s21], [sflag:$0xB], $0x20, s15, s17, $0xb8;
	v63 =	vld [tilespmem:$0x0]  }
0x40: {  	_ =	swait.ge @!p0 [sflag:s12], $0x1000  }
0x41: {  	[sflag:s12] =	ssyncset.done @!p0 $0x0  }
0x42: {  	s22 =	simm.s32 $0x300;
	[sflag:s12] =	ssyncadd.s32 @!p0 $0xFFFFF000  }
0x43: {  	[tilespmem:s30], [sflag:$0x7] =	stream.indirect.gather [hbm4b:s4+s17], $0x20, s22, s17, $0xb8;
	v63 =	vld [tilespmem:$0x0]  }
0x44: {  	_ =	swait.ge [sflag:s31], $0x1000  }
0x45: {  	[sflag:s31] =	ssyncset.done $0x0  }
0x46: {  	s15 =	simm.s32 $0x8180;
	s12 =	simm.s32 @!p0 $0x10;
	[sflag:s31] =	ssyncadd.s32 $0xFFFFF000  }
0x47: {  	[spmem:s1] =	stream.indirect.scatter.add.f32 [tilespmem:s23], [sflag:$0xC], $0x20, s15, s17, $0xb8;
	v63 =	vld [tilespmem:$0x0]  }
0x48: {  	_ =	swait.ge @!p0 [sflag:s12], $0x1000  }
0x49: {  	[sflag:s12] =	ssyncset.done @!p0 $0x0  }
0x4a: {  	s22 =	simm.s32 $0x380;
	[sflag:s12] =	ssyncadd.s32 @!p0 $0xFFFFF000  }
0x4b: {  	[tilespmem:s0], [sflag:$0x8] =	stream.indirect.gather [hbm4b:s4+s17], $0x20, s22, s17, $0xb8;
	v63 =	vld [tilespmem:$0x0]  }
0x4c: {  	_ =	swait.ge [sflag:s2], $0x1000  }
0x4d: {  	[sflag:s2] =	ssyncset.done $0x0  }
0x4e: {  	s15 =	simm.s32 $0x8200;
	[sflag:s2] =	ssyncadd.s32 $0xFFFFF000  }
0x4f: {  	[spmem:s1] =	stream.indirect.scatter.add.f32 [tilespmem:s25], [sflag:$0xD], $0x20, s15, s17, $0xb8;
	v63 =	vld [tilespmem:$0x0]  }
0x50: {  	s22 =	smin.u32 s3, $0xF7;
	_ =	swait.ge [sflag:s13], $0x1000  }
0x51: {  	s11 =	sshll.u32 s22, $0x7;
	[sflag:s13] =	ssyncset.done $0x0  }
0x52: {  	s11 =	sadd.s32 $0x400, s11;
	[sflag:s13] =	ssyncadd.s32 $0xFFFFF000  }
0x53: {  	[tilespmem:s18], [sflag:$0x1] =	stream.indirect.gather [hbm4b:s4+s17], $0x20, s11, s17, $0xb8;
	v63 =	vld [tilespmem:$0x0]  }
0x54: {  	_ =	swait.ge [sflag:s5], $0x1000  }
0x55: {  	[sflag:s5] =	ssyncset.done $0x0  }
0x56: {  	s12 =	simm.s32 $0x8280;
	[sflag:s5] =	ssyncadd.s32 $0xFFFFF000  }
0x57: {  	[spmem:s1] =	stream.indirect.scatter.add.f32 [tilespmem:s28], [sflag:$0xE], $0x20, s12, s17, $0xb8;
	v63 =	vld [tilespmem:$0x0]  }
0x58: {  	s15 =	smin.u32 s3, $0xF6;
	_ =	swait.ge [sflag:s6], $0x1000  }
0x59: {  	s11 =	sshll.u32 s15, $0x7;
	[sflag:s6] =	ssyncset.done $0x0  }
0x5a: {  	s11 =	sadd.s32 $0x480, s11;
	[sflag:s6] =	ssyncadd.s32 $0xFFFFF000  }
0x5b: {  	[tilespmem:s19], [sflag:$0x2] =	stream.indirect.gather [hbm4b:s4+s17], $0x20, s11, s17, $0xb8;
	v63 =	vld [tilespmem:$0x0]  }
0x5c: {  	_ =	swait.ge [sflag:s7], $0x1000  }
0x5d: {  	[sflag:s7] =	ssyncset.done $0x0  }
0x5e: {  	s22 =	simm.s32 $0x8300;
	[sflag:s7] =	ssyncadd.s32 $0xFFFFF000  }
0x5f: {  	[spmem:s1] =	stream.indirect.scatter.add.f32 [tilespmem:s30], [sflag:$0xF], $0x20, s22, s17, $0xb8;
	v63 =	vld [tilespmem:$0x0]  }
0x60: {  	s12 =	smin.u32 s3, $0xF5;
	_ =	swait.ge [sflag:s8], $0x1000  }
0x61: {  	s11 =	sshll.u32 s12, $0x7;
	[sflag:s8] =	ssyncset.done $0x0  }
0x62: {  	s11 =	sadd.s32 $0x500, s11;
	[sflag:s8] =	ssyncadd.s32 $0xFFFFF000  }
0x63: {  	[tilespmem:s21], [sflag:$0x3] =	stream.indirect.gather [hbm4b:s4+s17], $0x20, s11, s17, $0xb8;
	v63 =	vld [tilespmem:$0x0]  }
0x64: {  	_ =	swait.ge [sflag:s9], $0x1000  }
0x65: {  	s22 =	smin.u32 s3, $0xF4;
	[sflag:s9] =	ssyncset.done $0x0  }
0x66: {  	s15 =	simm.s32 $0x8380;
	s12 =	sshll.u32 s22, $0x7;
	[sflag:s9] =	ssyncadd.s32 $0xFFFFF000  }
0x67: {  	[spmem:s1] =	stream.indirect.scatter.add.f32 [tilespmem:s0], [sflag:$0x10], $0x20, s15, s17, $0xb8;
	v63 =	vld [tilespmem:$0x0]  }
0x68: {  	s22 =	sadd.s32 $0x580, s12;
	_ =	swait.ge [sflag:s10], $0x1000  }
0x69: {  	s12 =	simm.s32 $0x0;
	s11 =	simm.s32 $0x1000;
	[sflag:s10] =	ssyncset.done $0x0  }
.LBB2_2:
0x6a: {  	[sflag:s10] =	ssyncadd.s32 $0xFFFFF000  }
0x6b: {  	s12 =	sadd.s32 $0x8, s12;
	s3 =	smov.u32 s11;
	s11 =	sadd.s32 $0x1000, s11  }
0x6c: {  	[tilespmem:s23], [sflag:$0x4] =	stream.indirect.gather [hbm4b:s4+s17], $0x20, s22, s17, $0xb8;
	v63 =	vld [tilespmem:$0x0]  }
0x6d: {  	s22 =	sshra.s32 s3, $0x2;
	p0 =	sne.s32 s11, $0x20000;
	_ =	swait.ge [sflag:s24], $0x1000  }
0x6e: {  	p1 =	seq.s32 s3, $0x0;
	s15 =	sadd.s32 $0x8000, s22;
	[sflag:s24] =	ssyncset.done $0x0  }
0x6f: {  	s3 =	simm.s32 @!p1 $0xD;
	[sflag:s24] =	ssyncadd.s32 $0xFFFFF000  }
0x70: {  	[spmem:s1] =	stream.indirect.scatter.add.f32 [tilespmem:s18], [sflag:$0x9], $0x20, s15, s17, $0xb8;
	v63 =	vld [tilespmem:$0x0]  }
0x71: {  	_ =	swait.ge @!p1 [sflag:s3], $0x1000  }
0x72: {  	s15 =	sadd.s32 $0x200, s22;
	[sflag:s3] =	ssyncset.done @!p1 $0x0  }
0x73: {  	[sflag:s3] =	ssyncadd.s32 @!p1 $0xFFFFF000  }
0x74: {  	[tilespmem:s25], [sflag:$0x5] =	stream.indirect.gather [hbm4b:s4+s17], $0x20, s15, s17, $0xb8;
	v63 =	vld [tilespmem:$0x0]  }
0x75: {  	_ =	swait.ge [sflag:s26], $0x1000  }
0x76: {  	s3 =	sadd.s32 $0x8080, s22;
	[sflag:s26] =	ssyncset.done $0x0  }
0x77: {  	s15 =	simm.s32 @!p1 $0xE;
	[sflag:s26] =	ssyncadd.s32 $0xFFFFF000  }
0x78: {  	[spmem:s1] =	stream.indirect.scatter.add.f32 [tilespmem:s19], [sflag:$0xA], $0x20, s3, s17, $0xb8;
	v63 =	vld [tilespmem:$0x0]  }
0x79: {  	_ =	swait.ge @!p1 [sflag:s15], $0x1000  }
0x7a: {  	s3 =	sadd.s32 $0x280, s22;
	[sflag:s15] =	ssyncset.done @!p1 $0x0  }
0x7b: {  	[sflag:s15] =	ssyncadd.s32 @!p1 $0xFFFFF000  }
0x7c: {  	[tilespmem:s28], [sflag:$0x6] =	stream.indirect.gather [hbm4b:s4+s17], $0x20, s3, s17, $0xb8;
	v63 =	vld [tilespmem:$0x0]  }
0x7d: {  	_ =	swait.ge [sflag:s29], $0x1000  }
0x7e: {  	s3 =	sadd.s32 $0x8100, s22;
	[sflag:s29] =	ssyncset.done $0x0  }
0x7f: {  	s15 =	simm.s32 @!p1 $0xF;
	[sflag:s29] =	ssyncadd.s32 $0xFFFFF000  }
0x80: {  	[spmem:s1] =	stream.indirect.scatter.add.f32 [tilespmem:s21], [sflag:$0xB], $0x20, s3, s17, $0xb8;
	v63 =	vld [tilespmem:$0x0]  }
0x81: {  	_ =	swait.ge @!p1 [sflag:s15], $0x1000  }
0x82: {  	s3 =	sadd.s32 $0x300, s22;
	[sflag:s15] =	ssyncset.done @!p1 $0x0  }
0x83: {  	[sflag:s15] =	ssyncadd.s32 @!p1 $0xFFFFF000  }
0x84: {  	[tilespmem:s30], [sflag:$0x7] =	stream.indirect.gather [hbm4b:s4+s17], $0x20, s3, s17, $0xb8;
	v63 =	vld [tilespmem:$0x0]  }
0x85: {  	_ =	swait.ge [sflag:s31], $0x1000  }
0x86: {  	s3 =	sadd.s32 $0x8180, s22;
	[sflag:s31] =	ssyncset.done $0x0  }
0x87: {  	s15 =	simm.s32 @!p1 $0x10;
	[sflag:s31] =	ssyncadd.s32 $0xFFFFF000  }
0x88: {  	[spmem:s1] =	stream.indirect.scatter.add.f32 [tilespmem:s23], [sflag:$0xC], $0x20, s3, s17, $0xb8;
	v63 =	vld [tilespmem:$0x0]  }
0x89: {  	_ =	swait.ge @!p1 [sflag:s15], $0x1000  }
0x8a: {  	s3 =	sadd.s32 $0x380, s22;
	[sflag:s15] =	ssyncset.done @!p1 $0x0  }
0x8b: {  	[sflag:s15] =	ssyncadd.s32 @!p1 $0xFFFFF000  }
0x8c: {  	[tilespmem:s0], [sflag:$0x8] =	stream.indirect.gather [hbm4b:s4+s17], $0x20, s3, s17, $0xb8;
	v63 =	vld [tilespmem:$0x0]  }
0x8d: {  	_ =	swait.ge [sflag:s2], $0x1000  }
0x8e: {  	s3 =	sadd.s32 $0x8200, s22;
	[sflag:s2] =	ssyncset.done $0x0  }
0x8f: {  	s15 =	smin.u32 s12, $0xF7;
	[sflag:s2] =	ssyncadd.s32 $0xFFFFF000  }
0x90: {  	[spmem:s1] =	stream.indirect.scatter.add.f32 [tilespmem:s25], [sflag:$0xD], $0x20, s3, s17, $0xb8;
	v63 =	vld [tilespmem:$0x0]  }
0x91: {  	s3 =	sshll.u32 s15, $0x7;
	_ =	swait.ge [sflag:s13], $0x1000  }
0x92: {  	s3 =	sadd.s32 $0x400, s3;
	[sflag:s13] =	ssyncset.done $0x0  }
0x93: {  	[sflag:s13] =	ssyncadd.s32 $0xFFFFF000  }
0x94: {  	[tilespmem:s18], [sflag:$0x1] =	stream.indirect.gather [hbm4b:s4+s17], $0x20, s3, s17, $0xb8;
	v63 =	vld [tilespmem:$0x0]  }
0x95: {  	_ =	swait.ge [sflag:s5], $0x1000  }
0x96: {  	s3 =	sadd.s32 $0x8280, s22;
	[sflag:s5] =	ssyncset.done $0x0  }
0x97: {  	s15 =	smin.u32 s12, $0xF6;
	[sflag:s5] =	ssyncadd.s32 $0xFFFFF000  }
0x98: {  	[spmem:s1] =	stream.indirect.scatter.add.f32 [tilespmem:s28], [sflag:$0xE], $0x20, s3, s17, $0xb8;
	v63 =	vld [tilespmem:$0x0]  }
0x99: {  	s3 =	sshll.u32 s15, $0x7;
	_ =	swait.ge [sflag:s6], $0x1000  }
0x9a: {  	s3 =	sadd.s32 $0x480, s3;
	[sflag:s6] =	ssyncset.done $0x0  }
0x9b: {  	[sflag:s6] =	ssyncadd.s32 $0xFFFFF000  }
0x9c: {  	[tilespmem:s19], [sflag:$0x2] =	stream.indirect.gather [hbm4b:s4+s17], $0x20, s3, s17, $0xb8;
	v63 =	vld [tilespmem:$0x0]  }
0x9d: {  	_ =	swait.ge [sflag:s7], $0x1000  }
0x9e: {  	s3 =	sadd.s32 $0x8300, s22;
	[sflag:s7] =	ssyncset.done $0x0  }
0x9f: {  	s15 =	smin.u32 s12, $0xF5;
	[sflag:s7] =	ssyncadd.s32 $0xFFFFF000  }
0xa0: {  	[spmem:s1] =	stream.indirect.scatter.add.f32 [tilespmem:s30], [sflag:$0xF], $0x20, s3, s17, $0xb8;
	v63 =	vld [tilespmem:$0x0]  }
0xa1: {  	s3 =	sshll.u32 s15, $0x7;
	_ =	swait.ge [sflag:s8], $0x1000  }
0xa2: {  	s3 =	sadd.s32 $0x500, s3;
	[sflag:s8] =	ssyncset.done $0x0  }
0xa3: {  	[sflag:s8] =	ssyncadd.s32 $0xFFFFF000  }
0xa4: {  	[tilespmem:s21], [sflag:$0x3] =	stream.indirect.gather [hbm4b:s4+s17], $0x20, s3, s17, $0xb8;
	v63 =	vld [tilespmem:$0x0]  }
0xa5: {  	_ =	swait.ge [sflag:s9], $0x1000  }
.Ltmp0:
0xa6: {  	s3 =	sadd.s32 $0x8380, s22;
	[sflag:s9] =	ssyncset.done $0x0;
	(pc) =	sbr.rel @p0 .LBB2_2-.Ltmp0, $4  }
0xa7: {  	s15 =	smin.u32 s12, $0xF4;
	[sflag:s9] =	ssyncadd.s32 $0xFFFFF000  }
0xa8: {  	[spmem:s1] =	stream.indirect.scatter.add.f32 [tilespmem:s0], [sflag:$0x10], $0x20, s3, s17, $0xb8;
	v63 =	vld [tilespmem:$0x0]  }
0xa9: {  	s3 =	sshll.u32 s15, $0x7;
	_ =	swait.ge [sflag:s10], $0x1000  }
0xaa: {  	s22 =	sadd.s32 $0x580, s3;
	[sflag:s10] =	ssyncset.done $0x0  }
0xab: {  	[sflag:s10] =	ssyncadd.s32 $0xFFFFF000  }
0xac: {  	[tilespmem:s23], [sflag:$0x4] =	stream.indirect.gather [hbm4b:s4+s17], $0x20, s22, s17, $0xb8;
	v63 =	vld [tilespmem:$0x0]  }
0xad: {  	_ =	swait.ge [sflag:s24], $0x1000  }
0xae: {  	[sflag:s24] =	ssyncset.done $0x0  }
0xaf: {  	[sflag:s24] =	ssyncadd.s32 $0xFFFFF000  }
0xb0: {  	_ =	swait.ge [sflag:s26], $0x1000  }
0xb1: {  	[sflag:s26] =	ssyncset.done $0x0  }
0xb2: {  	[sflag:s26] =	ssyncadd.s32 $0xFFFFF000  }
0xb3: {  	_ =	swait.ge [sflag:s29], $0x1000  }
0xb4: {  	[sflag:s29] =	ssyncset.done $0x0  }
0xb5: {  	[sflag:s29] =	ssyncadd.s32 $0xFFFFF000  }
0xb6: {  	_ =	swait.ge [sflag:s31], $0x1000  }
0xb7: {  	[sflag:s31] =	ssyncset.done $0x0  }
0xb8: {  	s3 =	simm.s32 $0xD;
	[sflag:s31] =	ssyncadd.s32 $0xFFFFF000  }
0xb9: {  	_ =	swait.ge [sflag:s3], $0x1000  }
0xba: {  	[sflag:s3] =	ssyncset.done $0x0  }
0xbb: {  	s22 =	simm.s32 $0xE;
	[sflag:s3] =	ssyncadd.s32 $0xFFFFF000  }
0xbc: {  	_ =	swait.ge [sflag:s22], $0x1000  }
0xbd: {  	[sflag:s22] =	ssyncset.done $0x0  }
0xbe: {  	s11 =	simm.s32 $0xF;
	[sflag:s22] =	ssyncadd.s32 $0xFFFFF000  }
0xbf: {  	_ =	swait.ge [sflag:s11], $0x1000  }
0xc0: {  	[sflag:s11] =	ssyncset.done $0x0  }
0xc1: {  	s12 =	simm.s32 $0x10;
	[sflag:s11] =	ssyncadd.s32 $0xFFFFF000  }
0xc2: {  	_ =	swait.ge [sflag:s12], $0x1000  }
0xc3: {  	[sflag:s12] =	ssyncset.done $0x0  }
0xc4: {  	[sflag:s12] =	ssyncadd.s32 $0xFFFFF000  }
0xc5: {  	[bflag:$0x0] =	sbarrier.arrive $0xFFFF  }
0xc6: {  	s15 =	rddreg [dreg:$0x6]  }
0xc7: {  	s12 =	rddreg [dreg:$0xb]  }
0xc8: {  	[hbm:s15], [sflag:s12] =	dma.local [spmem:s16], $0x1000  }
0xc9: {  	_ =	swait.ge [sflag:s14], $0x1000  }
0xca: {  	[sflag:s14] =	ssyncset.done $0x0  }
0xcb: {  	s11 =	simm.s32 $0x0;
	s22 =	rddreg [dreg:$0x7];
	[sflag:s14] =	ssyncadd.s32 $0xFFFFF000  }
0xcc: {  	[tilespmem:s11], [sflag:$0x11] =	stream.linear.gather [hbm4b:s22+s11], $0x8000, $0x38;
	v63 =	vld [tilespmem:$0x0]  }
0xcd: {  	_ =	swait.ge [sflag:s14], $0x8000  }
0xce: {  	[sflag:s14] =	ssyncset.done $0x0  }
0xcf: {  	s15 =	rddreg [dreg:$0x8];
	[sflag:s14] =	ssyncadd.s32 $0xFFFF8000  }
0xd0: {  	[spmem:s16], [sflag:s12] =	dma.local [hbm:s15], $0x1000  }
0xd1: {  	_ =	swait.ge [sflag:s14], $0x1000  }
0xd2: {  	[sflag:s14] =	ssyncset.done $0x0  }
0xd3: {  	[sflag:s14] =	ssyncadd.s32 $0xFFFFF000  }
0xd4: {  	[bflag:$0x0] =	sbarrier.arrive $0xFFFF  }
0xd5: {  	[tilespmem:s18], [sflag:$0x1] =	stream.indirect.gather [hbm4b:s4+s17], $0x20, s11, s17, $0xb8;
	v63 =	vld [tilespmem:$0x0]  }
0xd6: {  	_ = 	snop  }
0xd7: {  	[tilespmem:s19], [sflag:$0x2] =	stream.indirect.gather [hbm4b:s4+s17], $0x20, s17, s17, $0xb8;
	v63 =	vld [tilespmem:$0x0]  }
0xd8: {  	s22 =	simm.s32 $0x100  }
0xd9: {  	[tilespmem:s21], [sflag:$0x3] =	stream.indirect.gather [hbm4b:s4+s17], $0x20, s22, s17, $0xb8;
	v63 =	vld [tilespmem:$0x0]  }
0xda: {  	s12 =	simm.s32 $0x180  }
0xdb: {  	[tilespmem:s23], [sflag:$0x4] =	stream.indirect.gather [hbm4b:s4+s17], $0x20, s12, s17, $0xb8;
	v63 =	vld [tilespmem:$0x0]  }
0xdc: {  	_ =	swait.ge [sflag:s24], $0x1000  }
0xdd: {  	p0 =	por $0x1, $0x1;
	[sflag:s24] =	ssyncset.done $0x0  }
0xde: {  	s15 =	simm.s32 $0x8000;
	s12 =	simm.s32 @!p0 $0xD;
	[sflag:s24] =	ssyncadd.s32 $0xFFFFF000  }
0xdf: {  	[spmem:s1] =	stream.indirect.scatter.add.f32 [tilespmem:s18], [sflag:$0x9], $0x20, s15, s17, $0xb8;
	v63 =	vld [tilespmem:$0x0]  }
0xe0: {  	_ =	swait.ge @!p0 [sflag:s12], $0x1000  }
0xe1: {  	[sflag:s12] =	ssyncset.done @!p0 $0x0  }
0xe2: {  	s22 =	simm.s32 $0x200;
	[sflag:s12] =	ssyncadd.s32 @!p0 $0xFFFFF000  }
0xe3: {  	[tilespmem:s25], [sflag:$0x5] =	stream.indirect.gather [hbm4b:s4+s17], $0x20, s22, s17, $0xb8;
	v63 =	vld [tilespmem:$0x0]  }
0xe4: {  	_ =	swait.ge [sflag:s26], $0x1000  }
0xe5: {  	[sflag:s26] =	ssyncset.done $0x0  }
0xe6: {  	s15 =	simm.s32 $0x8080;
	s12 =	simm.s32 @!p0 $0xE;
	[sflag:s26] =	ssyncadd.s32 $0xFFFFF000  }
0xe7: {  	[spmem:s1] =	stream.indirect.scatter.add.f32 [tilespmem:s19], [sflag:$0xA], $0x20, s15, s17, $0xb8;
	v63 =	vld [tilespmem:$0x0]  }
0xe8: {  	_ =	swait.ge @!p0 [sflag:s12], $0x1000  }
0xe9: {  	[sflag:s12] =	ssyncset.done @!p0 $0x0  }
0xea: {  	s22 =	simm.s32 $0x280;
	[sflag:s12] =	ssyncadd.s32 @!p0 $0xFFFFF000  }
0xeb: {  	[tilespmem:s28], [sflag:$0x6] =	stream.indirect.gather [hbm4b:s4+s17], $0x20, s22, s17, $0xb8;
	v63 =	vld [tilespmem:$0x0]  }
0xec: {  	_ =	swait.ge [sflag:s29], $0x1000  }
0xed: {  	[sflag:s29] =	ssyncset.done $0x0  }
0xee: {  	s15 =	simm.s32 $0x8100;
	s12 =	simm.s32 @!p0 $0xF;
	[sflag:s29] =	ssyncadd.s32 $0xFFFFF000  }
0xef: {  	[spmem:s1] =	stream.indirect.scatter.add.f32 [tilespmem:s21], [sflag:$0xB], $0x20, s15, s17, $0xb8;
	v63 =	vld [tilespmem:$0x0]  }
0xf0: {  	_ =	swait.ge @!p0 [sflag:s12], $0x1000  }
0xf1: {  	[sflag:s12] =	ssyncset.done @!p0 $0x0  }
0xf2: {  	s22 =	simm.s32 $0x300;
	[sflag:s12] =	ssyncadd.s32 @!p0 $0xFFFFF000  }
0xf3: {  	[tilespmem:s30], [sflag:$0x7] =	stream.indirect.gather [hbm4b:s4+s17], $0x20, s22, s17, $0xb8;
	v63 =	vld [tilespmem:$0x0]  }
0xf4: {  	_ =	swait.ge [sflag:s31], $0x1000  }
0xf5: {  	[sflag:s31] =	ssyncset.done $0x0  }
0xf6: {  	s15 =	simm.s32 $0x8180;
	s12 =	simm.s32 @!p0 $0x10;
	[sflag:s31] =	ssyncadd.s32 $0xFFFFF000  }
0xf7: {  	[spmem:s1] =	stream.indirect.scatter.add.f32 [tilespmem:s23], [sflag:$0xC], $0x20, s15, s17, $0xb8;
	v63 =	vld [tilespmem:$0x0]  }
0xf8: {  	_ =	swait.ge @!p0 [sflag:s12], $0x1000  }
0xf9: {  	[sflag:s12] =	ssyncset.done @!p0 $0x0  }
0xfa: {  	s22 =	simm.s32 $0x380;
	[sflag:s12] =	ssyncadd.s32 @!p0 $0xFFFFF000  }
0xfb: {  	[tilespmem:s0], [sflag:$0x8] =	stream.indirect.gather [hbm4b:s4+s17], $0x20, s22, s17, $0xb8;
	v63 =	vld [tilespmem:$0x0]  }
0xfc: {  	_ =	swait.ge [sflag:s2], $0x1000  }
0xfd: {  	[sflag:s2] =	ssyncset.done $0x0  }
0xfe: {  	s12 =	simm.s32 $0x8200;
	[sflag:s2] =	ssyncadd.s32 $0xFFFFF000  }
0xff: {  	[spmem:s1] =	stream.indirect.scatter.add.f32 [tilespmem:s25], [sflag:$0xD], $0x20, s12, s17, $0xb8;
	v63 =	vld [tilespmem:$0x0]  }
0x100: {  	s15 =	smin.u32 s11, $0xF7;
	_ =	swait.ge [sflag:s13], $0x1000  }
0x101: {  	s3 =	sshll.u32 s15, $0x7;
	[sflag:s13] =	ssyncset.done $0x0  }
0x102: {  	s3 =	sadd.s32 $0x400, s3;
	[sflag:s13] =	ssyncadd.s32 $0xFFFFF000  }
0x103: {  	[tilespmem:s18], [sflag:$0x1] =	stream.indirect.gather [hbm4b:s4+s17], $0x20, s3, s17, $0xb8;
	v63 =	vld [tilespmem:$0x0]  }
0x104: {  	_ =	swait.ge [sflag:s5], $0x1000  }
0x105: {  	[sflag:s5] =	ssyncset.done $0x0  }
0x106: {  	s22 =	simm.s32 $0x8280;
	[sflag:s5] =	ssyncadd.s32 $0xFFFFF000  }
0x107: {  	[spmem:s1] =	stream.indirect.scatter.add.f32 [tilespmem:s28], [sflag:$0xE], $0x20, s22, s17, $0xb8;
	v63 =	vld [tilespmem:$0x0]  }
0x108: {  	s12 =	smin.u32 s11, $0xF6;
	_ =	swait.ge [sflag:s6], $0x1000  }
0x109: {  	s3 =	sshll.u32 s12, $0x7;
	[sflag:s6] =	ssyncset.done $0x0  }
0x10a: {  	s3 =	sadd.s32 $0x480, s3;
	[sflag:s6] =	ssyncadd.s32 $0xFFFFF000  }
0x10b: {  	[tilespmem:s19], [sflag:$0x2] =	stream.indirect.gather [hbm4b:s4+s17], $0x20, s3, s17, $0xb8;
	v63 =	vld [tilespmem:$0x0]  }
0x10c: {  	_ =	swait.ge [sflag:s7], $0x1000  }
0x10d: {  	[sflag:s7] =	ssyncset.done $0x0  }
0x10e: {  	s15 =	simm.s32 $0x8300;
	[sflag:s7] =	ssyncadd.s32 $0xFFFFF000  }
0x10f: {  	[spmem:s1] =	stream.indirect.scatter.add.f32 [tilespmem:s30], [sflag:$0xF], $0x20, s15, s17, $0xb8;
	v63 =	vld [tilespmem:$0x0]  }
0x110: {  	s22 =	smin.u32 s11, $0xF5;
	_ =	swait.ge [sflag:s8], $0x1000  }
0x111: {  	s3 =	sshll.u32 s22, $0x7;
	[sflag:s8] =	ssyncset.done $0x0  }
0x112: {  	s3 =	sadd.s32 $0x500, s3;
	[sflag:s8] =	ssyncadd.s32 $0xFFFFF000  }
0x113: {  	[tilespmem:s21], [sflag:$0x3] =	stream.indirect.gather [hbm4b:s4+s17], $0x20, s3, s17, $0xb8;
	v63 =	vld [tilespmem:$0x0]  }
0x114: {  	_ =	swait.ge [sflag:s9], $0x1000  }
0x115: {  	[sflag:s9] =	ssyncset.done $0x0  }
0x116: {  	s12 =	simm.s32 $0x8380;
	s15 =	smin.u32 s11, $0xF4;
	[sflag:s9] =	ssyncadd.s32 $0xFFFFF000  }
0x117: {  	[spmem:s1] =	stream.indirect.scatter.add.f32 [tilespmem:s0], [sflag:$0x10], $0x20, s12, s17, $0xb8;
	v63 =	vld [tilespmem:$0x0]  }
0x118: {  	s22 =	sshll.u32 s15, $0x7;
	_ =	swait.ge [sflag:s10], $0x1000  }
0x119: {  	s22 =	sadd.s32 $0x580, s22;
	s12 =	simm.s32 $0x1000;
	[sflag:s10] =	ssyncset.done $0x0  }
.LBB2_4:
0x11a: {  	[sflag:s10] =	ssyncadd.s32 $0xFFFFF000  }
0x11b: {  	s11 =	sadd.s32 $0x8, s11;
	s3 =	smov.u32 s12;
	s12 =	sadd.s32 $0x1000, s12  }
0x11c: {  	[tilespmem:s23], [sflag:$0x4] =	stream.indirect.gather [hbm4b:s4+s17], $0x20, s22, s17, $0xb8;
	v63 =	vld [tilespmem:$0x0]  }
0x11d: {  	s22 =	sshra.s32 s3, $0x2;
	p0 =	sne.s32 s12, $0x20000;
	_ =	swait.ge [sflag:s24], $0x1000  }
0x11e: {  	p1 =	seq.s32 s3, $0x0;
	s15 =	sadd.s32 $0x8000, s22;
	[sflag:s24] =	ssyncset.done $0x0  }
0x11f: {  	s3 =	simm.s32 @!p1 $0xD;
	[sflag:s24] =	ssyncadd.s32 $0xFFFFF000  }
0x120: {  	[spmem:s1] =	stream.indirect.scatter.add.f32 [tilespmem:s18], [sflag:$0x9], $0x20, s15, s17, $0xb8;
	v63 =	vld [tilespmem:$0x0]  }
0x121: {  	_ =	swait.ge @!p1 [sflag:s3], $0x1000  }
0x122: {  	s15 =	sadd.s32 $0x200, s22;
	[sflag:s3] =	ssyncset.done @!p1 $0x0  }
0x123: {  	[sflag:s3] =	ssyncadd.s32 @!p1 $0xFFFFF000  }
0x124: {  	[tilespmem:s25], [sflag:$0x5] =	stream.indirect.gather [hbm4b:s4+s17], $0x20, s15, s17, $0xb8;
	v63 =	vld [tilespmem:$0x0]  }
0x125: {  	_ =	swait.ge [sflag:s26], $0x1000  }
0x126: {  	s3 =	sadd.s32 $0x8080, s22;
	[sflag:s26] =	ssyncset.done $0x0  }
0x127: {  	s15 =	simm.s32 @!p1 $0xE;
	[sflag:s26] =	ssyncadd.s32 $0xFFFFF000  }
0x128: {  	[spmem:s1] =	stream.indirect.scatter.add.f32 [tilespmem:s19], [sflag:$0xA], $0x20, s3, s17, $0xb8;
	v63 =	vld [tilespmem:$0x0]  }
0x129: {  	_ =	swait.ge @!p1 [sflag:s15], $0x1000  }
0x12a: {  	s3 =	sadd.s32 $0x280, s22;
	[sflag:s15] =	ssyncset.done @!p1 $0x0  }
0x12b: {  	[sflag:s15] =	ssyncadd.s32 @!p1 $0xFFFFF000  }
0x12c: {  	[tilespmem:s28], [sflag:$0x6] =	stream.indirect.gather [hbm4b:s4+s17], $0x20, s3, s17, $0xb8;
	v63 =	vld [tilespmem:$0x0]  }
0x12d: {  	_ =	swait.ge [sflag:s29], $0x1000  }
0x12e: {  	s3 =	sadd.s32 $0x8100, s22;
	[sflag:s29] =	ssyncset.done $0x0  }
0x12f: {  	s15 =	simm.s32 @!p1 $0xF;
	[sflag:s29] =	ssyncadd.s32 $0xFFFFF000  }
0x130: {  	[spmem:s1] =	stream.indirect.scatter.add.f32 [tilespmem:s21], [sflag:$0xB], $0x20, s3, s17, $0xb8;
	v63 =	vld [tilespmem:$0x0]  }
0x131: {  	_ =	swait.ge @!p1 [sflag:s15], $0x1000  }
0x132: {  	s3 =	sadd.s32 $0x300, s22;
	[sflag:s15] =	ssyncset.done @!p1 $0x0  }
0x133: {  	[sflag:s15] =	ssyncadd.s32 @!p1 $0xFFFFF000  }
0x134: {  	[tilespmem:s30], [sflag:$0x7] =	stream.indirect.gather [hbm4b:s4+s17], $0x20, s3, s17, $0xb8;
	v63 =	vld [tilespmem:$0x0]  }
0x135: {  	_ =	swait.ge [sflag:s31], $0x1000  }
0x136: {  	s3 =	sadd.s32 $0x8180, s22;
	[sflag:s31] =	ssyncset.done $0x0  }
0x137: {  	s15 =	simm.s32 @!p1 $0x10;
	[sflag:s31] =	ssyncadd.s32 $0xFFFFF000  }
0x138: {  	[spmem:s1] =	stream.indirect.scatter.add.f32 [tilespmem:s23], [sflag:$0xC], $0x20, s3, s17, $0xb8;
	v63 =	vld [tilespmem:$0x0]  }
0x139: {  	_ =	swait.ge @!p1 [sflag:s15], $0x1000  }
0x13a: {  	s3 =	sadd.s32 $0x380, s22;
	[sflag:s15] =	ssyncset.done @!p1 $0x0  }
0x13b: {  	[sflag:s15] =	ssyncadd.s32 @!p1 $0xFFFFF000  }
0x13c: {  	[tilespmem:s0], [sflag:$0x8] =	stream.indirect.gather [hbm4b:s4+s17], $0x20, s3, s17, $0xb8;
	v63 =	vld [tilespmem:$0x0]  }
0x13d: {  	_ =	swait.ge [sflag:s2], $0x1000  }
0x13e: {  	s3 =	sadd.s32 $0x8200, s22;
	[sflag:s2] =	ssyncset.done $0x0  }
0x13f: {  	s15 =	smin.u32 s11, $0xF7;
	[sflag:s2] =	ssyncadd.s32 $0xFFFFF000  }
0x140: {  	[spmem:s1] =	stream.indirect.scatter.add.f32 [tilespmem:s25], [sflag:$0xD], $0x20, s3, s17, $0xb8;
	v63 =	vld [tilespmem:$0x0]  }
0x141: {  	s3 =	sshll.u32 s15, $0x7;
	_ =	swait.ge [sflag:s13], $0x1000  }
0x142: {  	s3 =	sadd.s32 $0x400, s3;
	[sflag:s13] =	ssyncset.done $0x0  }
0x143: {  	[sflag:s13] =	ssyncadd.s32 $0xFFFFF000  }
0x144: {  	[tilespmem:s18], [sflag:$0x1] =	stream.indirect.gather [hbm4b:s4+s17], $0x20, s3, s17, $0xb8;
	v63 =	vld [tilespmem:$0x0]  }
0x145: {  	_ =	swait.ge [sflag:s5], $0x1000  }
0x146: {  	s3 =	sadd.s32 $0x8280, s22;
	[sflag:s5] =	ssyncset.done $0x0  }
0x147: {  	s15 =	smin.u32 s11, $0xF6;
	[sflag:s5] =	ssyncadd.s32 $0xFFFFF000  }
0x148: {  	[spmem:s1] =	stream.indirect.scatter.add.f32 [tilespmem:s28], [sflag:$0xE], $0x20, s3, s17, $0xb8;
	v63 =	vld [tilespmem:$0x0]  }
0x149: {  	s3 =	sshll.u32 s15, $0x7;
	_ =	swait.ge [sflag:s6], $0x1000  }
0x14a: {  	s3 =	sadd.s32 $0x480, s3;
	[sflag:s6] =	ssyncset.done $0x0  }
0x14b: {  	[sflag:s6] =	ssyncadd.s32 $0xFFFFF000  }
0x14c: {  	[tilespmem:s19], [sflag:$0x2] =	stream.indirect.gather [hbm4b:s4+s17], $0x20, s3, s17, $0xb8;
	v63 =	vld [tilespmem:$0x0]  }
0x14d: {  	_ =	swait.ge [sflag:s7], $0x1000  }
0x14e: {  	s3 =	sadd.s32 $0x8300, s22;
	[sflag:s7] =	ssyncset.done $0x0  }
0x14f: {  	s15 =	smin.u32 s11, $0xF5;
	[sflag:s7] =	ssyncadd.s32 $0xFFFFF000  }
0x150: {  	[spmem:s1] =	stream.indirect.scatter.add.f32 [tilespmem:s30], [sflag:$0xF], $0x20, s3, s17, $0xb8;
	v63 =	vld [tilespmem:$0x0]  }
0x151: {  	s3 =	sshll.u32 s15, $0x7;
	_ =	swait.ge [sflag:s8], $0x1000  }
0x152: {  	s3 =	sadd.s32 $0x500, s3;
	[sflag:s8] =	ssyncset.done $0x0  }
0x153: {  	[sflag:s8] =	ssyncadd.s32 $0xFFFFF000  }
0x154: {  	[tilespmem:s21], [sflag:$0x3] =	stream.indirect.gather [hbm4b:s4+s17], $0x20, s3, s17, $0xb8;
	v63 =	vld [tilespmem:$0x0]  }
0x155: {  	_ =	swait.ge [sflag:s9], $0x1000  }
.Ltmp1:
0x156: {  	s3 =	sadd.s32 $0x8380, s22;
	[sflag:s9] =	ssyncset.done $0x0;
	(pc) =	sbr.rel @p0 .LBB2_4-.Ltmp1, $4  }
0x157: {  	s15 =	smin.u32 s11, $0xF4;
	[sflag:s9] =	ssyncadd.s32 $0xFFFFF000  }
0x158: {  	[spmem:s1] =	stream.indirect.scatter.add.f32 [tilespmem:s0], [sflag:$0x10], $0x20, s3, s17, $0xb8;
	v63 =	vld [tilespmem:$0x0]  }
0x159: {  	s3 =	sshll.u32 s15, $0x7;
	_ =	swait.ge [sflag:s10], $0x1000  }
0x15a: {  	s22 =	sadd.s32 $0x580, s3;
	[sflag:s10] =	ssyncset.done $0x0  }
0x15b: {  	[sflag:s10] =	ssyncadd.s32 $0xFFFFF000  }
0x15c: {  	[tilespmem:s23], [sflag:$0x4] =	stream.indirect.gather [hbm4b:s4+s17], $0x20, s22, s17, $0xb8;
	v63 =	vld [tilespmem:$0x0]  }
0x15d: {  	_ =	swait.ge [sflag:s24], $0x1000  }
0x15e: {  	[sflag:s24] =	ssyncset.done $0x0  }
0x15f: {  	[sflag:s24] =	ssyncadd.s32 $0xFFFFF000  }
0x160: {  	_ =	swait.ge [sflag:s26], $0x1000  }
0x161: {  	[sflag:s26] =	ssyncset.done $0x0  }
0x162: {  	[sflag:s26] =	ssyncadd.s32 $0xFFFFF000  }
0x163: {  	_ =	swait.ge [sflag:s29], $0x1000  }
0x164: {  	[sflag:s29] =	ssyncset.done $0x0  }
0x165: {  	[sflag:s29] =	ssyncadd.s32 $0xFFFFF000  }
0x166: {  	_ =	swait.ge [sflag:s31], $0x1000  }
0x167: {  	[sflag:s31] =	ssyncset.done $0x0  }
0x168: {  	s3 =	simm.s32 $0xD;
	[sflag:s31] =	ssyncadd.s32 $0xFFFFF000  }
0x169: {  	_ =	swait.ge [sflag:s3], $0x1000  }
0x16a: {  	[sflag:s3] =	ssyncset.done $0x0  }
0x16b: {  	s15 =	simm.s32 $0xE;
	[sflag:s3] =	ssyncadd.s32 $0xFFFFF000  }
0x16c: {  	_ =	swait.ge [sflag:s15], $0x1000  }
0x16d: {  	[sflag:s15] =	ssyncset.done $0x0  }
0x16e: {  	s22 =	simm.s32 $0xF;
	[sflag:s15] =	ssyncadd.s32 $0xFFFFF000  }
0x16f: {  	_ =	swait.ge [sflag:s22], $0x1000  }
0x170: {  	[sflag:s22] =	ssyncset.done $0x0  }
0x171: {  	s11 =	simm.s32 $0x10;
	[sflag:s22] =	ssyncadd.s32 $0xFFFFF000  }
0x172: {  	_ =	swait.ge [sflag:s11], $0x1000  }
0x173: {  	[sflag:s11] =	ssyncset.done $0x0  }
0x174: {  	[sflag:s11] =	ssyncadd.s32 $0xFFFFF000  }
0x175: {  	[bflag:$0x0] =	sbarrier.arrive $0xFFFF  }
0x176: {  	s12 =	rddreg [dreg:$0x9]  }
0x177: {  	s15 =	rddreg [dreg:$0xb]  }
0x178: {  	[hbm:s12], [sflag:s15] =	dma.local [spmem:s16], $0x1000  }
0x179: {  	_ =	swait.ge [sflag:s14], $0x1000  }
0x17a: {  	s20 =	sadd.s32 $0x1, s20;
	s22 =	rddreg [dreg:$0xa]  }
0x17b: {  	p0 =	sne.s32 s20, s22  }
.Ltmp2:
0x17c: {  	_ = 	snop;
	(pc) =	sbr.rel @p0 .LBB2_1-.Ltmp2, $3  }
0x17d: {  	_ =	sdelay $0x1  }
0x17e: {  	[sflag:s14] =	ssyncset.done $0x0  }
0x17f: {  	[sflag:s14] =	ssyncadd.s32 $0xFFFFF000  }
0x180: {  	_ =	sfence.sel $0x180000  }
0x181: {  	[bflag:$0x0] =	sbarrier.arrive $0xFFFF  }
0x182: {  	_ =	strace $0x9000004D  }
0x183: {  	s0 =	stileid.u32;
	[bflag:$0x2] =	sbarrier.arrive $0xFFFF  }
0x184: {  	p0 =	sne.s32 s0, $0x0;
	s0 =	rddreg [dreg:$0x2]  }
0x185: {  	s0 =	sadd.s32 @!p0 $0x100000, s0  }
0x186: {  	[sflag:s0] =	ssyncadd.tile.s32 @!p0 $0x1;
	_ =	shalt  }
.Lfunc_end2:
_tile_overlayer_lowered:
.L_overlay_start_2:
0x187: {  	(tag) =	ssettag $0x2  }
0x188: {  	s0 =	rddreg [dreg:$0x0];
	s2 =	stileid.u32  }
0x189: {  	s1 =	rddreg [dreg:$0x1];
	p0 =	sne.s32 s2, $0x0  }
0x18a: {  	s3 =	rddreg [dreg:$0x2];
	[bflag:$0x3] =	sbarrier.arrive $0xFFFF;
	s2 =	simm.s32 @!p0 $0x1C11  }
0x18b: {  	[timem:s3], [sflag:s2] =	dma.local @!p0 [hbm:s0], s1  }
0x18c: {  	s0 =	simm.s32 @!p0 $0x11  }
0x18d: {  	_ =	swait.ge @!p0 [sflag:s0], s1  }
0x18e: {  	s1 =	ssub.s32 @!p0 $0x0, s1;
	[sflag:s0] =	ssyncset.done @!p0 $0x0  }
0x18f: {  	[sflag:s0] =	ssyncadd.s32 @!p0 s1  }
0x190: {  	[bflag:$0x3] =	sbarrier.arrive $0xFFFF  }
0x191: {  	_ =	shalt  }

// kernel: kernel.9.cloned.1.call-start
scs
__scs_entry_jumppad:
0x0: {  	(pc) =	sbr.rel $0x88, $3  }
0x1: {  	(tag) =	ssettag $0x0;
	lr =	simm.s32 $0x1  }
0x2: {  	[smem:$0x3F81] =	sst lr;
	_ =	strace $0xD0000000  }
0x3: {  	_ = 	snop  }
0x4: {  	_ = 	snop  }
0x5: {  	_ = 	snop  }
0x6: {  	_ = 	snop  }
0x7: {  	_ = 	snop  }
__scs_overlays_trampoline_lowered:
0x8: {  	[smem:$0x3F90] =	sst s0  }
0x9: {  	[smem:$0x3F91] =	sst s1  }
0xa: {  	[smem:$0x3F92] =	sst s2  }
0xb: {  	[smem:$0x3F93] =	sst s3  }
0xc: {  	[smem:$0x3F94] =	sst s4  }
0xd: {  	[smem:$0x3F95] =	sst s5  }
0xe: {  	[smem:$0x3F96] =	sst s6  }
0xf: {  	[smem:$0x3F97] =	sst s7  }
0x10: {  	[smem:$0x3F98] =	sst s8  }
0x11: {  	[smem:$0x3F99] =	sst s9;
	s0 =	simm.s32 @!p0 $0x0  }
0x12: {  	s1 =	sld [smem:$0x3F7F];
	s0 =	simm.s32 @p0 $0x1  }
0x13: {  	[smem:$0x3F9A] =	sst s0;
	s0 =	simm.s32 @!p1 $0x0  }
0x14: {  	s2 =	sld [smem:$0x3F7E];
	s0 =	simm.s32 @p1 $0x1  }
0x15: {  	[smem:$0x3F9B] =	sst s0;
	s0 =	simm.s32 @!p2 $0x0  }
0x16: {  	s3 =	sld [smem:$0x3FDB];
	s0 =	simm.s32 @p2 $0x1  }
0x17: {  	s4 =	simm.s32 $0x1BF5;
	[smem:$0x3F9D] =	sst s0  }
0x18: {  	s0 =	sld [smem:$0x3F80];
	_ =	swait.ge [sflag:s4], $0x0  }
0x19: {  	s7 =	sld [smem:$0x3F81]  }
0x1a: {  	s8 =	sadd.s32 $0xFFFFE003, lr  }
0x1b: {  	s9 =	sadd.s32 $0xFFFFFEF7, lr;
	s5 =	simm.s32 $0xFFFFFFFF;
	p2 =	slt.u32 s8, $0xFFFFF086  }
0x1c: {  	p1 =	slt.u32 s9, $0xF7A;
	s5 =	simm.s32 @!p2 $0x0  }
0x1d: {  	s5 =	simm.s32 @p1 $0x1;
	p0 =	seq.s32 s7, s2  }
0x1e: {  	s7 =	smul.u32 @!p0 $0xF7A, s2;
	p2 =	seq.s32 @!p0 s5, $0x0  }
0x1f: {  	s9 =	smul.u32 $0xF7A, s1;
	s8 =	simm.s32 @!p0 $0x1BF5;
	p2 =	por !p2, p0  }
0x20: {  	[sflag:s8] =	ssyncset.s32 @!p0 $0xFFFFF086;
	s6 =	sadd.s32 @!p0 s3, s7;
	s7 =	simm.s32 @!p0 $0x108  }
0x21: {  	s3 =	sadd.s32 s3, s9;
	s6 =	sadd.s32 @!p0 $0x88, s6;
	s7 =	simm.s32 @p2 $0x1082  }
0x22: {  	[simem:s7], [sflag:s8] =	dma.local @!p0 [hbm:s6], $0xF7A  }
0x23: {  	s9 =	sor.u32 $0xD0000000, s2;
	s6 =	simm.s32 $0x108;
	_ =	swait.ge @!p0 [sflag:s8], $0x0  }
0x24: {  	s3 =	sadd.s32 $0x88, s3;
	s6 =	simm.s32 @!p1 $0x1082;
	[sflag:s4] =	ssyncset.s32 $0xFFFFF086  }
0x25: {  	[simem:s6], [sflag:s4] =	dma.local [hbm:s3], $0xF7A  }
0x26: {  	[smem:$0x3F81] =	sst s1;
	(tag) =	ssettag s2;
	_ =	strace s9  }
0x27: {  	s1 =	sld [smem:$0x3F91]  }
0x28: {  	s2 =	sld [smem:$0x3F92]  }
0x29: {  	s4 =	sld [smem:$0x3F94]  }
0x2a: {  	p0 =	seq.s32 s5, $0x0;
	s5 =	sld [smem:$0x3F95]  }
0x2b: {  	s6 =	sld [smem:$0x3F96]  }
0x2c: {  	s7 =	sld [smem:$0x3F97]  }
0x2d: {  	s3 =	simm.s32 $0x108;
	s8 =	sld [smem:$0x3F98]  }
0x2e: {  	s3 =	simm.s32 @!p0 $0x1082;
	s9 =	sld [smem:$0x3F99]  }
0x2f: {  	lr =	sadd.s32 s0, s3;
	s0 =	sld [smem:$0x3F90]  }
0x30: {  	s3 =	sld [smem:$0x3F93]  }
0x31: {  	[smem:$0x3F9C] =	sst s10  }
0x32: {  	s10 =	sld [smem:$0x3F9A];
	_ =	sdelay $0x3  }
0x33: {  	p0 =	seq.s32 s10, $0x1;
	s10 =	sld [smem:$0x3F9C];
	_ =	sdelay $0x3  }
0x34: {  	[smem:$0x3F9C] =	sst s10  }
0x35: {  	s10 =	sld [smem:$0x3F9B];
	_ =	sdelay $0x3  }
0x36: {  	p1 =	seq.s32 s10, $0x1;
	s10 =	sld [smem:$0x3F9C];
	_ =	sdelay $0x3  }
0x37: {  	[smem:$0x3F9C] =	sst s10  }
0x38: {  	s10 =	sld [smem:$0x3F9D]  }
0x39: {  	_ = 	snop;
	(pc) =	sbr.ind lr, $3  }
0x3a: {  	_ = 	snop  }
0x3b: {  	_ = 	snop  }
0x3c: {  	p2 =	seq.s32 s10, $0x1;
	s10 =	sld [smem:$0x3F9C]  }
0x3d: {  	_ =	shalt  }
0x3e: {  	_ =	shalt  }
0x3f: {  	_ =	shalt  }
0x40: {  	_ =	shalt  }
0x41: {  	_ =	shalt  }
0x42: {  	_ =	shalt  }
0x43: {  	_ =	shalt  }
0x44: {  	_ =	shalt  }
0x45: {  	_ =	shalt  }
0x46: {  	_ =	shalt  }
0x47: {  	_ =	shalt  }
0x48: {  	_ =	shalt  }
0x49: {  	_ =	shalt  }
0x4a: {  	_ =	shalt  }
0x4b: {  	_ =	shalt  }
0x4c: {  	_ =	shalt  }
0x4d: {  	_ =	shalt  }
0x4e: {  	_ =	shalt  }
0x4f: {  	_ =	shalt  }
0x50: {  	_ =	shalt  }
0x51: {  	_ =	shalt  }
0x52: {  	_ =	shalt  }
0x53: {  	_ =	shalt  }
0x54: {  	_ =	shalt  }
0x55: {  	_ =	shalt  }
0x56: {  	_ =	shalt  }
0x57: {  	_ =	shalt  }
0x58: {  	_ =	shalt  }
0x59: {  	_ =	shalt  }
0x5a: {  	_ =	shalt  }
0x5b: {  	_ =	shalt  }
0x5c: {  	_ =	shalt  }
0x5d: {  	_ =	shalt  }
0x5e: {  	_ =	shalt  }
0x5f: {  	_ =	shalt  }
0x60: {  	_ =	shalt  }
0x61: {  	_ =	shalt  }
0x62: {  	_ =	shalt  }
0x63: {  	_ =	shalt  }
0x64: {  	_ =	shalt  }
0x65: {  	_ =	shalt  }
0x66: {  	_ =	shalt  }
0x67: {  	_ =	shalt  }
0x68: {  	_ =	shalt  }
0x69: {  	_ =	shalt  }
0x6a: {  	_ =	shalt  }
0x6b: {  	_ =	shalt  }
0x6c: {  	_ =	shalt  }
0x6d: {  	_ =	shalt  }
0x6e: {  	_ =	shalt  }
0x6f: {  	_ =	shalt  }
0x70: {  	_ =	shalt  }
0x71: {  	_ =	shalt  }
0x72: {  	_ =	shalt  }
0x73: {  	_ =	shalt  }
0x74: {  	_ =	shalt  }
0x75: {  	_ =	shalt  }
0x76: {  	_ =	shalt  }
0x77: {  	_ =	shalt  }
0x78: {  	_ =	shalt  }
0x79: {  	_ =	shalt  }
0x7a: {  	_ =	shalt  }
0x7b: {  	_ =	shalt  }
0x7c: {  	_ =	shalt  }
0x7d: {  	_ =	shalt  }
0x7e: {  	_ =	shalt  }
0x7f: {  	_ =	shalt  }
0x80: {  	_ =	shalt  }
0x81: {  	_ =	shalt  }
0x82: {  	_ =	shalt  }
0x83: {  	_ =	shalt  }
0x84: {  	_ =	shalt  }
0x85: {  	_ =	shalt  }
0x86: {  	_ =	shalt  }
0x87: {  	_ =	shalt  }
.Lfunc_end0:
.L_simem_size_0:
called_computation_lowered:
.L_overlay_start_0:
0x88: {  	s2 =	sld [smem:$0x3FD9]  }
0x89: {  	s3 =	sld [smem:$0x3FFE];
	_ =	sdelay $0x1  }
0x8a: {  	s1 =	srdreg.scid  }
0x8b: {  	s0 =	sand.u32 $0x1, s1  }
0x8c: {  	s16 =	sshll.u32 s0, $0xA;
	s2 =	sadd.s32 s3, s2  }
0x8d: {  	s2 =	sadd.s32 s2, s16  }
0x8e: {  	[smem:$0x3FA8] =	sst s2  }
0x8f: {  	_ = 	snop  }
0x90: {  	(tm) =	ssettm $0x1  }
0x91: {  	s17 =	sld [smem:$0x3FFB];
	_ =	sdelay $0x3  }
0x92: {  	_ =	strace s17  }
0x93: {  	s2 =	sld [smem:$0x3FFC];
	_ =	sdelay $0x3  }
0x94: {  	_ =	strace s2  }
0x95: {  	s2 =	sld [smem:$0x3FFD];
	_ =	sdelay $0x3  }
0x96: {  	_ =	strace s2  }
0x97: {  	_ =	strace $0x8FFFFFFF  }
0x98: {  	s18 =	sld [smem:$0x3FDB];
	_ =	sdelay $0x1  }
0x99: {  	s19 =	simm.s32 $_scs_section_size  }
0x9a: {  	s4 =	simm.s32 $_size__tile_overlayer_lowered;
	s5 =	simm.s32 $_tile_overlayer_lowered  }
0x9b: {  	s22 =	simm.s32 $0x1BFF;
	s21 =	sshll.u32 s5, $0x1;
	s2 =	sadd.s32 s19, s18  }
0x9c: {  	s6 =	simm.s32 $0x0;
	s20 =	sshll.u32 s4, $0x1;
	s4 =	sadd.s32 s21, s2  }
0x9d: {  	[timem:s6], [sflag:s22] =	dma.local [hbm:s4], s20  }
0x9e: {  	_ =	swait.ge [sflag:s22], s20  }
0x9f: {  	s3 =	ssub.s32 $0x0, s20;
	[sflag:s22] =	ssyncset.done $0x0  }
0xa0: {  	[sflag:s22] =	ssyncadd.s32 s3;
	_ =	sdelay $0x1  }
0xa1: {  	s23 =	simm.s32 $0x1B8B  }
0xa2: {  	_ =	swait.ge [sflag:s23], $0x1  }
0xa3: {  	[sflag:s23] =	ssyncset.done $0x0  }
0xa4: {  	s25 =	simm.s32 $0x1B8E;
	s24 =	sld [smem:$0x3FFE];
	[sflag:s23] =	ssyncadd.s32 $0xFFFFFFFF  }
0xa5: {  	s26 =	simm.s32 $execute0_lowered;
	[smem:$0x3FD2] =	sst s25  }
0xa6: {  	s4 =	sshll.u32 s26, $0x1;
	_ =	strace $0x80000046;
	[dreg:$0x1] =	wrdreg $0xFFFFFFFF  }
0xa7: {  	s28 =	simm.s32 $_size_execute0_lowered;
	s2 =	sadd.s32 s2, s4;
	[dreg:$0x0] =	wrdreg $0x0  }
0xa8: {  	s4 =	sshll.u32 s28, $0x1;
	[dreg:$0x2] =	wrdreg s2  }
0xa9: {  	[dreg:$0x3] =	wrdreg s4  }
0xaa: {  	[dreg:$0x4] =	wrdreg $0xC0  }
0xab: {  	_ =	task [dreg:s6], $0x5FFFF  }
0xac: {  	[dreg:$0x1] =	wrdreg $0xFFFFFFFF  }
0xad: {  	[dreg:$0x0] =	wrdreg $0x60  }
0xae: {  	[dreg:$0x2] =	wrdreg s24  }
0xaf: {  	[dreg:$0x3] =	wrdreg $0x50000  }
0xb0: {  	[dreg:$0x4] =	wrdreg $0x9  }
0xb1: {  	_ =	task.clear_ibuf [dreg:s6], $0x5FFFF;
	_ =	strace $0x90000046  }
0xb2: {  	s29 =	simm.s32 $0x9;
	_ =	strace $0x80000048  }
0xb3: {  	_ =	swait.ge [sflag:s29], $0x1  }
0xb4: {  	[sflag:s29] =	ssyncadd.s32 $0xFFFFFFFF  }
0xb5: {  	_ =	strace $0x90000048  }
0xb6: {  	_ =	sfence  }
0xb7: {  	s30 =	sld [smem:$0x0];
	_ =	sdelay $0x2  }
0xb8: {  	s31 =	sshll.u32 s1, $0xD;
	s1 =	sshrl.u32 s1, $0x2  }
0xb9: {  	s3 =	sand.u32 $0x4000, s31;
	s1 =	sadd.s32 s1, s30  }
0xba: {  	s0 =	sor.u32 s3, s0;
	s1 =	sshll.u32 s1, $0x11  }
0xbb: {  	s0 =	sor.u32 s1, s0  }
0xbc: {  	s0 =	sadd.s32 $0x8F2B, s0  }
0xbd: {  	[sflag:s0] =	ssyncadd.remote.s32 $0x1  }
0xbe: {  	_ =	sfence.sel $0xFFFF  }
0xbf: {  	[dreg:$0x0] =	wrdreg $0xFFFFFFFF;
	(pc) =	sbr.abs _section_cstart, $3  }
0xc0: {  	[dreg:$0x1] =	wrdreg $0xFFFFFFFF  }
0xc1: {  	_ =	task.clear_ibuf [dreg:s6], $0x2FFFF;
	_ =	strace $0x9FFFFFFF  }
0xc2: {  	(tm) =	ssettm $0x7FFFFFFF  }
0xc3: {  	_ =	shalt  }
tec
execute0_lowered:
.L_overlay_start_1:
0x0: {  	(tag) =	ssettag $0x1  }
0x1: {  	s4 =	rddreg [dreg:$0x0]  }
0x2: {  	s1 =	rddreg [dreg:$0x1]  }
0x3: {  	s0 =	rddreg [dreg:$0x2]  }
0x4: {  	s3 =	simm.s32 $0x0;
	s5 =	srdreg.scid;
	s2 =	stileid.u32  }
0x5: {  	s15 =	simm.s32 $0x1;
	s16 =	simm.s32 $0x4000;
	s17 =	simm.s32 $0x80  }
0x6: {  	s18 =	simm.s32 $0x4800;
	s21 =	simm.s32 $0x0;
	[smem:$0x7FF] =	sst s3  }
0x7: {  	s5 =	sand.u32 $0x1, s5;
	s7 =	sshll.u32 s2, $0xB;
	s8 =	sshll.u32 s2, $0xE  }
0x8: {  	s19 =	sshll.u32 s2, $0x6;
	_ =	strace $0x80000047;
	s6 =	sshll.u32 s5, $0xF  }
0x9: {  	s5 =	ssub.s32 $0x2, s5;
	s19 =	sor.u32 $0x1C01, s19;
	s6 =	sor.u32 s7, s6  }
0xa: {  	s31 =	sshrl.u32 s5, $0x1;
	s13 =	sadd.s32 s6, s4;
	s4 =	sadd.s32 s8, s1  }
0xb: {  	s14 =	ssub.s32 s5, s31;
	s5 =	sadd.s32 $0x5400, s13;
	s6 =	sadd.s32 $0x800, s4  }
0xc: {  	s7 =	sadd.s32 $0x1000, s4;
	s8 =	sadd.s32 $0x1800, s4;
	s9 =	sadd.s32 $0x2000, s4  }
0xd: {  	s10 =	sadd.s32 $0x2800, s4;
	s11 =	sadd.s32 $0x3000, s4;
	s12 =	sadd.s32 $0x3800, s4  }
0xe: {  	v0 =	vimm.f32 $0.0e+00;
	v1 =	vimm.f32 $1.000000000e+00;
	s13 =	sadd.s32 $0x15400, s13;
	s14 =	smax.u32 s14, $0x1;
	s20 =	sshrl.u32 s4, $0x3  }
.LBB2_1:
0xf: {  	[tilespmem:s3], [sflag:$0x1] =	stream.linear.gather [hbm4b:s5+s3], $0x4000, $0x38;
	[tilespmem:$0x9000] =	vst v63  }
0x10: {  	_ =	swait.ge [sflag:s15], $0x4000  }
0x11: {  	[sflag:s15] =	ssyncset.done $0x0  }
0x12: {  	s22 =	simm.s32 $0x40;
	s23 =	simm.s32 $0x0;
	[sflag:s15] =	ssyncadd.s32 $0xFFFFC000  }
.LBB2_2:
0x13: {  	p0 =	sne.s32 s22, $0x1FC0;
	[tilespmem:s23+$0x4000] =	vst v0;
	s24 =	smov.u32 s22;
	s22 =	sadd.s32 $0x40, s22  }
.Ltmp0:
0x14: {  	[tilespmem:s23+$0x4800] =	vst v1;
	(pc) =	sbr.rel @p0 .LBB2_2-.Ltmp0, $2  }
0x15: {  	_ =	sdelay $0x2  }
0x16: {  	s23 =	sshra.s32 s24, $0x2  }
0x17: {  	[tilespmem:s23+$0x4000] =	vst v0  }
0x18: {  	[tilespmem:s23+$0x4800] =	vst v1  }
0x19: {  	[spmem:s4] =	stream.linear.scatter [tilespmem:s16], [sflag:$0x1], $0x800, $0x38;
	[tilespmem:$0x9000] =	vst v63  }
0x1a: {  	_ =	swait.ge [sflag:s15], $0x800  }
0x1b: {  	[sflag:s15] =	ssyncset.done $0x0  }
0x1c: {  	[sflag:s15] =	ssyncadd.s32 $0xFFFFF800  }
0x1d: {  	[spmem:s6] =	stream.linear.scatter [tilespmem:s16], [sflag:$0x1], $0x800, $0x38;
	[tilespmem:$0x9000] =	vst v63  }
0x1e: {  	_ =	swait.ge [sflag:s15], $0x800  }
0x1f: {  	[sflag:s15] =	ssyncset.done $0x0  }
0x20: {  	[sflag:s15] =	ssyncadd.s32 $0xFFFFF800  }
0x21: {  	[spmem:s7] =	stream.linear.scatter [tilespmem:s16], [sflag:$0x1], $0x800, $0x38;
	[tilespmem:$0x9000] =	vst v63  }
0x22: {  	_ =	swait.ge [sflag:s15], $0x800  }
0x23: {  	[sflag:s15] =	ssyncset.done $0x0  }
0x24: {  	[sflag:s15] =	ssyncadd.s32 $0xFFFFF800  }
0x25: {  	[spmem:s8] =	stream.linear.scatter [tilespmem:s16], [sflag:$0x1], $0x800, $0x38;
	[tilespmem:$0x9000] =	vst v63  }
0x26: {  	_ =	swait.ge [sflag:s15], $0x800  }
0x27: {  	[sflag:s15] =	ssyncset.done $0x0  }
0x28: {  	[sflag:s15] =	ssyncadd.s32 $0xFFFFF800  }
0x29: {  	[spmem:s9] =	stream.linear.scatter [tilespmem:s16], [sflag:$0x1], $0x800, $0x38;
	[tilespmem:$0x9000] =	vst v63  }
0x2a: {  	_ =	swait.ge [sflag:s15], $0x800  }
0x2b: {  	[sflag:s15] =	ssyncset.done $0x0  }
0x2c: {  	[sflag:s15] =	ssyncadd.s32 $0xFFFFF800  }
0x2d: {  	[spmem:s10] =	stream.linear.scatter [tilespmem:s16], [sflag:$0x1], $0x800, $0x38;
	[tilespmem:$0x9000] =	vst v63  }
0x2e: {  	_ =	swait.ge [sflag:s15], $0x800  }
0x2f: {  	[sflag:s15] =	ssyncset.done $0x0  }
0x30: {  	[sflag:s15] =	ssyncadd.s32 $0xFFFFF800  }
0x31: {  	[spmem:s11] =	stream.linear.scatter [tilespmem:s16], [sflag:$0x1], $0x800, $0x38;
	[tilespmem:$0x9000] =	vst v63  }
0x32: {  	_ =	swait.ge [sflag:s15], $0x800  }
0x33: {  	[sflag:s15] =	ssyncset.done $0x0  }
0x34: {  	[sflag:s15] =	ssyncadd.s32 $0xFFFFF800  }
0x35: {  	[spmem:s12] =	stream.linear.scatter [tilespmem:s16], [sflag:$0x1], $0x800, $0x38;
	[tilespmem:$0x9000] =	vst v63  }
0x36: {  	_ =	swait.ge [sflag:s15], $0x800  }
0x37: {  	[sflag:s15] =	ssyncset.done $0x0  }
0x38: {  	[sflag:s15] =	ssyncadd.s32 $0xFFFFF800  }
0x39: {  	s22 =	simm.s32 $0x0;
	[bflag:$0x0] =	sbarrier.arrive $0xFFFF  }
0x3a: {  	[spmem:s1] =	stream.indirect.scatter.add.f32 [tilespmem:s18], [sflag:$0x1], $0x10, s22, s17, $0xb8;
	[tilespmem:$0x9000] =	vst v63  }
0x3b: {  	_ =	swait.ge [sflag:s15], $0x800  }
0x3c: {  	s22 =	simm.s32 $0x200;
	[sflag:s15] =	ssyncset.done $0x0  }
.LBB2_4:
0x3d: {  	s23 =	sshra.s32 s22, $0x2;
	[sflag:s15] =	ssyncadd.s32 $0xFFFFF800;
	p0 =	sne.s32 s22, $0xFE00  }
0x3e: {  	[spmem:s1] =	stream.indirect.scatter.add.f32 [tilespmem:s18], [sflag:$0x1], $0x10, s23, s17, $0xb8;
	[tilespmem:$0x9000] =	vst v63  }
.Ltmp1:
0x3f: {  	_ = 	snop;
	(pc) =	sbr.rel @p0 .LBB2_4-.Ltmp1, $4  }
0x40: {  	_ = 	snop  }
0x41: {  	s22 =	sadd.s32 $0x200, s22  }
0x42: {  	_ =	swait.ge [sflag:s15], $0x800  }
0x43: {  	[sflag:s15] =	ssyncset.done $0x0  }
0x44: {  	s21 =	sadd.s32 $0x1, s21  }
0x45: {  	[sflag:s15] =	ssyncadd.s32 $0xFFFFF800;
	p0 =	sne.s32 s21, s14  }
.Ltmp2:
0x46: {  	[bflag:$0x0] =	sbarrier.arrive $0xFFFF;
	(pc) =	sbr.rel @p0 .LBB2_1-.Ltmp2, $4  }
0x47: {  	[hbm:s13], [sflag:s19] =	dma.local [spmem:s20], $0x800  }
0x48: {  	_ =	swait.ge [sflag:s15], $0x800  }
0x49: {  	[sflag:s15] =	ssyncset.done $0x0  }
0x4a: {  	[sflag:s15] =	ssyncadd.s32 $0xFFFFF800  }
0x4b: {  	_ =	sfence.sel $0x180000  }
0x4c: {  	[bflag:$0x0] =	sbarrier.arrive $0xFFFF  }
0x4d: {  	p0 =	sne.s32 s2, $0x0;
	_ =	strace $0x90000047  }
0x4e: {  	s0 =	sadd.s32 @!p0 $0x100000, s0;
	[bflag:$0x2] =	sbarrier.arrive $0xFFFF  }
0x4f: {  	[sflag:s0] =	ssyncadd.tile.s32 @!p0 $0x1;
	_ =	shalt  }
.Lfunc_end2:
_tile_overlayer_lowered:
.L_overlay_start_2:
0x50: {  	(tag) =	ssettag $0x2  }
0x51: {  	s0 =	rddreg [dreg:$0x0];
	s2 =	stileid.u32  }
0x52: {  	s1 =	rddreg [dreg:$0x1];
	p0 =	sne.s32 s2, $0x0  }
0x53: {  	s3 =	rddreg [dreg:$0x2];
	[bflag:$0x3] =	sbarrier.arrive $0xFFFF;
	s2 =	simm.s32 @!p0 $0x1C01  }
0x54: {  	[timem:s3], [sflag:s2] =	dma.local @!p0 [hbm:s0], s1  }
0x55: {  	s0 =	simm.s32 @!p0 $0x1  }
0x56: {  	_ =	swait.ge @!p0 [sflag:s0], s1  }
0x57: {  	s1 =	ssub.s32 @!p0 $0x0, s1;
	[sflag:s0] =	ssyncset.done @!p0 $0x0  }
0x58: {  	[sflag:s0] =	ssyncadd.s32 @!p0 s1  }
0x59: {  	[bflag:$0x3] =	sbarrier.arrive $0xFFFF  }
0x5a: {  	_ =	shalt  }

</sc_bundles>
